<compile_context>
chip_gen: v7x
topology: tpu7x:2x2x1
jax: 0.10.2.dev20260603
libtpu: 0.0.44.dev20260713+nightly
codegen_flags: <defaults>
</compile_context>

<pallas_src>
import functools

import jax
import jax.numpy as jnp
from jax import lax
from jax.experimental import pallas as pl
from jax.experimental.pallas import tpu as pltpu
from jax.experimental.pallas import tpu_sc as plsc

N = 10000
E = 640000
G = 64
D1 = 112
D2 = 64
NC, NS = 2, 16
NW = NC * NS
K = 80
CH = 250
SEG = 5
CPS = CH // SEG
NR = 10240
RPT = NR // NS


def _make_seg_accum(d):

    @functools.partial(
        pl.kernel,
        out_type=jax.ShapeDtypeStruct((NC, NR, d), jnp.float32),
        mesh=plsc.VectorSubcoreMesh(core_axis_name="c", subcore_axis_name="s",
                                    num_cores=NC, num_subcores=NS),
        scratch_types=[
            pltpu.VMEM((CPS, K), jnp.int32),
            pltpu.VMEM((CPS, K), jnp.int32),
            pltpu.VMEM((K, d), jnp.float32),
            pltpu.VMEM((K, d), jnp.float32),
            pltpu.VMEM((K, d), jnp.float32),
            pltpu.VMEM((K, d), jnp.float32),
            pltpu.VMEM((K, d), jnp.float32),
            pltpu.VMEM_SHARED((NR, d), jnp.float32),
            pltpu.SemaphoreType.DMA,
            pltpu.SemaphoreType.DMA,
            pltpu.SemaphoreType.DMA,
            pltpu.SemaphoreType.DMA,
            pltpu.SemaphoreType.DMA,
        ],
        compiler_params=pltpu.CompilerParams(use_tc_tiling_on_sc=False),
    )
    def seg_accum(xp_hbm, eidx_hbm, out_hbm,
                  src_v, dst_v, rows0_v, rows1_v, rows2_v, rows3_v, rows4_v,
                  acc_sh, sem0, sem1, sem2, sem3, sem4):
        c = lax.axis_index("c")
        s = lax.axis_index("s")
        w = s * NC + c

        def zrow(r, carry):
            for cc in range(d // 16):
                rows0_v[r, pl.ds(cc * 16, 16)] = jnp.zeros((16,), jnp.float32)
            return carry

        lax.fori_loop(0, K, zrow, 0)
        for q in range(RPT // K):
            pltpu.sync_copy(rows0_v, acc_sh.at[pl.ds(s * RPT + q * K, K)])
        plsc.subcore_barrier()

        NB = 5
        bufs = (rows0_v, rows1_v, rows2_v, rows3_v, rows4_v)
        sems = (sem0, sem1, sem2, sem3, sem4)
        dummy = xp_hbm.at[pl.ds(0, K)]

        def seg_loop(gseg, carry):
            pltpu.sync_copy(eidx_hbm.at[0, w, pl.ds(gseg * CPS, CPS)], src_v)
            pltpu.sync_copy(eidx_hbm.at[1, w, pl.ds(gseg * CPS, CPS)], dst_v)
            for b in range(NB):
                pltpu.async_copy(xp_hbm.at[src_v.at[b]], bufs[b], sems[b])

            def body(t, carry2):
                for b in range(NB):
                    j = NB * t + b
                    pltpu.make_async_copy(dummy, bufs[b], sems[b]).wait()
                    pltpu.sync_copy(bufs[b], acc_sh.at[dst_v.at[j]],
                                    add=True)

                    @pl.when(j + NB < CPS)
                    def _():
                        pltpu.async_copy(xp_hbm.at[src_v.at[j + NB]],
                                         bufs[b], sems[b])

                return carry2

            lax.fori_loop(0, CPS // NB, body, 0)
            return carry

        lax.fori_loop(0, SEG, seg_loop, 0)
        plsc.subcore_barrier()
        pltpu.sync_copy(acc_sh.at[pl.ds(s * RPT, RPT)],
                        out_hbm.at[c, pl.ds(s * RPT, RPT)])

    return seg_accum


RP = 2000
GP = N // RP
R2 = 2000
G2 = N // R2

_FIELD_SLOTS = [0, 40, 60, 76, 92, 93, 94, 95, 96, 97, 98, 100, 108]


def _prep_body(*refs):
    parts = [r[...] for r in refs[:12]]
    parts.append(jnp.ones((RP, 1), jnp.float32))
    parts.append(jnp.zeros((RP, 3), jnp.float32))
    refs[12][...] = jnp.concatenate(parts, axis=1)


def _xr_body(x_ref, w1r_ref, b1_ref, out_ref):
    out_ref[...] = jnp.dot(x_ref[...], w1r_ref[...],
                           preferred_element_type=jnp.float32) + b1_ref[...]


def _mlp_body(p_ref, xr_ref, w1l_ref, w2l_ref, w2r_ref, b2_ref, sel_ref,
              y_ref, z_ref, inv_ref):
    pa = p_ref[0] + p_ref[1]
    deg = jnp.sum(pa * sel_ref[...], axis=1, keepdims=True)
    inv = 1.0 / jnp.maximum(deg, 1.0)
    h = jnp.dot(pa * inv, w1l_ref[...], preferred_element_type=jnp.float32)
    h = jnp.maximum(h + xr_ref[...], 0.0)
    y_ref[...] = jnp.dot(h, w2l_ref[...], preferred_element_type=jnp.float32)
    z_ref[...] = jnp.dot(h, w2r_ref[...],
                         preferred_element_type=jnp.float32) + b2_ref[...]
    inv_ref[...] = jnp.broadcast_to(inv, (RP, 8))


def _pool_body(p2_ref, z_ref, inv_ref, batch_ref, out_ref):
    i = pl.program_id(0)

    @pl.when(i == 0)
    def _():
        out_ref[...] = jnp.full((G, D2), -jnp.inf, jnp.float32)

    h2 = (p2_ref[0] + p2_ref[1]) * inv_ref[:, 0:1] + z_ref[...]
    gid = batch_ref[...]
    gmin = batch_ref[0, 0]
    gmax = batch_ref[R2 - 1, 0]
    for g in range(G):
        @pl.when(jnp.logical_and(gmin <= g, g <= gmax))
        def _():
            mx = jnp.max(jnp.where(gid == g, h2, -jnp.inf), axis=0,
                         keepdims=True)
            out_ref[g:g + 1, :] = jnp.maximum(out_ref[g:g + 1, :], mx)


def kernel(text, value, tag, classes, rx, ry, width, height, top, left,
           focused, votes, edge_index, batch, W1_l, W1_r, b1, W2_l, W2_r, b2):
    f32 = jnp.float32
    fields = (text, value, tag, classes, rx, ry, width, height, top, left,
              focused, votes)
    x_aug = pl.pallas_call(
        _prep_body,
        grid=(GP,),
        in_specs=[pl.BlockSpec((RP, f.shape[1]), lambda i: (i, 0))
                  for f in fields],
        out_specs=pl.BlockSpec((RP, D1), lambda i: (i, 0)),
        out_shape=jax.ShapeDtypeStruct((N, D1), f32),
    )(*fields)

    eidx = edge_index.reshape(2, NW, CH, K)

    p1 = _make_seg_accum(D1)(x_aug, eidx)

    w1r = jnp.pad(W1_r, ((0, 4), (0, 0)))
    full = lambda shape: pl.BlockSpec(shape, lambda i: tuple(0 for _ in shape))
    xr = pl.pallas_call(
        _xr_body,
        grid=(GP,),
        in_specs=[pl.BlockSpec((RP, D1), lambda i: (i, 0)),
                  full((D1, 128)), full((1, 128))],
        out_specs=pl.BlockSpec((RP, 128), lambda i: (i, 0)),
        out_shape=jax.ShapeDtypeStruct((N, 128), f32),
    )(x_aug, w1r, b1.reshape(1, 128))

    w1l = jnp.pad(W1_l, ((0, 4), (0, 0)))
    sel = jnp.zeros((1, D1), f32).at[0, 108].set(1.0)
    y, z, inv = pl.pallas_call(
        _mlp_body,
        grid=(GP,),
        in_specs=[
            pl.BlockSpec((NC, RP, D1), lambda i: (0, i, 0)),
            pl.BlockSpec((RP, 128), lambda i: (i, 0)),
            full((D1, 128)),
            full((128, D2)), full((128, D2)), full((1, D2)),
            full((1, D1)),
        ],
        out_specs=[
            pl.BlockSpec((RP, D2), lambda i: (i, 0)),
            pl.BlockSpec((RP, D2), lambda i: (i, 0)),
            pl.BlockSpec((RP, 8), lambda i: (i, 0)),
        ],
        out_shape=[
            jax.ShapeDtypeStruct((N, D2), f32),
            jax.ShapeDtypeStruct((N, D2), f32),
            jax.ShapeDtypeStruct((N, 8), f32),
        ],
    )(p1, xr, w1l, W2_l, W2_r, b2.reshape(1, D2), sel)

    p2 = _make_seg_accum(D2)(y, eidx)

    out = pl.pallas_call(
        _pool_body,
        grid=(G2,),
        in_specs=[
            pl.BlockSpec((NC, R2, D2), lambda i: (0, i, 0)),
            pl.BlockSpec((R2, D2), lambda i: (i, 0)),
            pl.BlockSpec((R2, 8), lambda i: (i, 0)),
            pl.BlockSpec((R2, 1), lambda i: (i, 0)),
        ],
        out_specs=pl.BlockSpec((G, D2), lambda i: (0, 0)),
        out_shape=jax.ShapeDtypeStruct((G, D2), f32),
        compiler_params=pltpu.CompilerParams(
            dimension_semantics=("arbitrary",)),
    )(p2, z, inv, batch.reshape(N, 1))
    return out

# --- scband reference (transcript-rebuilt; emitter-appended) ---
"""Pipeline reference for scband-wo-bobservation-encoder-9096740733414 (READ-ONLY COPY).

The authoritative reference and input builder live on the scoring server;
editing this copy changes nothing except your own understanding.
"""

import jax, jax.numpy as jnp
import numpy as np

N = 10000
E = 640000
G = 64
FIELD_DIMS = [("text", 40), ("value", 20), ("tag", 16), ("classes", 16), ("rx", 1), ("ry", 1), ("width", 1), ("height", 1), ("top", 1), ("left", 1), ("focused", 2)]


def setup_inputs(seed: int = 0) -> dict:
    key = jax.random.key(seed)
    inp = {}
    i = 0
    for name, d in FIELD_DIMS:
        inp[name] = jax.random.normal(jax.random.fold_in(key, i), (N, d), dtype=jnp.float32)
        i += 1
    inp["votes"] = jax.random.normal(jax.random.fold_in(key, i), (N, 8), dtype=jnp.float32); i += 1
    inp["edge_index"] = jax.random.randint(jax.random.fold_in(key, i), (2, E), 0, N, dtype=jnp.int32); i += 1
    inp["batch"] = jnp.sort(jax.random.randint(jax.random.fold_in(key, i), (N,), 0, G, dtype=jnp.int32)); i += 1
    def p(shape):
        nonlocal_i = [i]
        w = jax.random.normal(jax.random.fold_in(key, nonlocal_i[0]), shape, dtype=jnp.float32) * 0.05
        return w
    inp["W1_l"] = jax.random.normal(jax.random.fold_in(key, i), (108, 128), dtype=jnp.float32) * 0.05; i += 1
    inp["W1_r"] = jax.random.normal(jax.random.fold_in(key, i), (108, 128), dtype=jnp.float32) * 0.05; i += 1
    inp["b1"] = jnp.zeros((128,), dtype=jnp.float32)
    inp["W2_l"] = jax.random.normal(jax.random.fold_in(key, i), (128, 64), dtype=jnp.float32) * 0.05; i += 1
    inp["W2_r"] = jax.random.normal(jax.random.fold_in(key, i), (128, 64), dtype=jnp.float32) * 0.05; i += 1
    inp["b2"] = jnp.zeros((64,), dtype=jnp.float32)
    return inp


def _sage(x, edge_index, W_l, W_r, b):
    # PyG SAGEConv (mean aggregation): out = lin_l(mean_{j->i} x_j) + lin_r(x_i)
    src = edge_index[0]
    dst = edge_index[1]
    msg = jnp.take(x, src, axis=0)
    agg = jax.ops.segment_sum(msg, dst, num_segments=x.shape[0])
    deg = jax.ops.segment_sum(jnp.ones((edge_index.shape[1],), x.dtype), dst, num_segments=x.shape[0])
    agg = agg / jnp.clip(deg, 1.0, None)[:, None]
    return agg @ W_l + b + x @ W_r


def reference(text, value, tag, classes, rx, ry, width, height, top, left, focused, votes, edge_index, batch, W1_l, W1_r, b1, W2_l, W2_r, b2):
    x = jnp.concatenate([text, value, tag, classes, rx, ry, width, height, top, left, focused, votes], axis=1)
    x = jax.nn.relu(_sage(x, edge_index, W1_l, W1_r, b1))
    x = _sage(x, edge_index, W2_l, W2_r, b2)
    out = jax.ops.segment_max(x, batch, num_segments=G)
    return out

if __name__ == "__main__":
    import jax
    _d = setup_inputs()
    print(jax.jit(kernel)(*tuple(_d.values())))

</pallas_src>

<mosaic_0001>
#map = affine_map<(d0, d1) -> (0, 0)>
#map1 = affine_map<(d0, d1) -> (0, 0, 0, 0)>
#map2 = affine_map<(d0, d1) -> (0, 0, 0)>
module attributes {stable_mosaic.version = 14 : i64} {
  func.func @seg_accum(%arg0: i32, %arg1: i32, %arg2: memref<10000x64xf32, #tpu.memory_space<hbm>>, %arg3: memref<2x32x250x80xi32, #tpu.memory_space<hbm>>, %arg4: memref<2x10240x64xf32, #tpu.memory_space<hbm>>, %arg5: memref<50x80xi32, #tpu.memory_space<vmem>>, %arg6: memref<50x80xi32, #tpu.memory_space<vmem>>, %arg7: memref<80x64xf32, #tpu.memory_space<vmem>>, %arg8: memref<80x64xf32, #tpu.memory_space<vmem>>, %arg9: memref<80x64xf32, #tpu.memory_space<vmem>>, %arg10: memref<80x64xf32, #tpu.memory_space<vmem>>, %arg11: memref<80x64xf32, #tpu.memory_space<vmem>>, %arg12: memref<10240x64xf32, #tpu.memory_space<vmem_shared>>, %arg13: memref<!tpu.dma_semaphore, #tpu.memory_space<semaphore_mem>>, %arg14: memref<!tpu.dma_semaphore, #tpu.memory_space<semaphore_mem>>, %arg15: memref<!tpu.dma_semaphore, #tpu.memory_space<semaphore_mem>>, %arg16: memref<!tpu.dma_semaphore, #tpu.memory_space<semaphore_mem>>, %arg17: memref<!tpu.dma_semaphore, #tpu.memory_space<semaphore_mem>>) attributes {dimension_semantics = [#tpu.dimension_semantics<core_parallel>, #tpu.dimension_semantics<subcore_parallel>], iteration_bounds = array<i64: 2, 16>, scalar_prefetch = 0 : i64, scratch_operands = 13 : i64, tpu.core_type = #tpu.core_type<sc_vector_subcore>, window_params = [{transform_indices = #map}, {transform_indices = #map1}, {transform_indices = #map2}]} {
    %mul3A = arith.constant 2 : i32
    %mul3A_0 = arith.muli %arg1, %mul3A : i32
    %add3A = arith.addi %mul3A_0, %arg0 : i32
    %scan3A = arith.constant 0 : i32
    %scan3A_1 = arith.constant 0 : i32
    %scan3A_2 = arith.constant 80 : i32
    %scan3A_3 = arith.addi %scan3A_1, %scan3A_2 : i32
    %scan3A_4 = arith.constant 1 : i32
    scf.for %scan3A_49 = %scan3A_1 to %scan3A_3 step %scan3A_4  : i32 {
      %broadcast_in_dim3A = arith.constant 0.000000e+00 : f32
      %broadcast_in_dim3A_50 = vector.broadcast %broadcast_in_dim3A : f32 to vector<16xf32>
      %swap3A = arith.index_cast %scan3A_49 : i32 to index
      %swap3A_51 = arith.constant 0 : index
      %swap3A_52 = tpu.vector_load %arg7[%swap3A, %swap3A_51] {strides = array<i32>} : memref<80x64xf32, #tpu.memory_space<vmem>>, vector<1x16xf32>,
      %swap3A_53 = vector.shape_cast %swap3A_52 : vector<1x16xf32> to vector<16xf32>
      %swap3A_54 = vector.shape_cast %broadcast_in_dim3A_50 : vector<16xf32> to vector<1x16xf32>
      tpu.vector_store %arg7[%swap3A, %swap3A_51], %swap3A_54 {strides = array<i32>} : memref<80x64xf32, #tpu.memory_space<vmem>>, vector<1x16xf32>,
      %broadcast_in_dim3A_55 = arith.constant 0.000000e+00 : f32
      %broadcast_in_dim3A_56 = vector.broadcast %broadcast_in_dim3A_55 : f32 to vector<16xf32>
      %swap3A_57 = arith.index_cast %scan3A_49 : i32 to index
      %swap3A_58 = arith.constant 16 : index
      %swap3A_59 = tpu.vector_load %arg7[%swap3A_57, %swap3A_58] {strides = array<i32>} : memref<80x64xf32, #tpu.memory_space<vmem>>, vector<1x16xf32>,
      %swap3A_60 = vector.shape_cast %swap3A_59 : vector<1x16xf32> to vector<16xf32>
      %swap3A_61 = vector.shape_cast %broadcast_in_dim3A_56 : vector<16xf32> to vector<1x16xf32>
      tpu.vector_store %arg7[%swap3A_57, %swap3A_58], %swap3A_61 {strides = array<i32>} : memref<80x64xf32, #tpu.memory_space<vmem>>, vector<1x16xf32>,
      %broadcast_in_dim3A_62 = arith.constant 0.000000e+00 : f32
      %broadcast_in_dim3A_63 = vector.broadcast %broadcast_in_dim3A_62 : f32 to vector<16xf32>
      %swap3A_64 = arith.index_cast %scan3A_49 : i32 to index
      %swap3A_65 = arith.constant 32 : index
      %swap3A_66 = tpu.vector_load %arg7[%swap3A_64, %swap3A_65] {strides = array<i32>} : memref<80x64xf32, #tpu.memory_space<vmem>>, vector<1x16xf32>,
      %swap3A_67 = vector.shape_cast %swap3A_66 : vector<1x16xf32> to vector<16xf32>
      %swap3A_68 = vector.shape_cast %broadcast_in_dim3A_63 : vector<16xf32> to vector<1x16xf32>
      tpu.vector_store %arg7[%swap3A_64, %swap3A_65], %swap3A_68 {strides = array<i32>} : memref<80x64xf32, #tpu.memory_space<vmem>>, vector<1x16xf32>,
      %broadcast_in_dim3A_69 = arith.constant 0.000000e+00 : f32
      %broadcast_in_dim3A_70 = vector.broadcast %broadcast_in_dim3A_69 : f32 to vector<16xf32>
      %swap3A_71 = arith.index_cast %scan3A_49 : i32 to index
      %swap3A_72 = arith.constant 48 : index
      %swap3A_73 = tpu.vector_load %arg7[%swap3A_71, %swap3A_72] {strides = array<i32>} : memref<80x64xf32, #tpu.memory_space<vmem>>, vector<1x16xf32>,
      %swap3A_74 = vector.shape_cast %swap3A_73 : vector<1x16xf32> to vector<16xf32>
      %swap3A_75 = vector.shape_cast %broadcast_in_dim3A_70 : vector<16xf32> to vector<1x16xf32>
      tpu.vector_store %arg7[%swap3A_71, %swap3A_72], %swap3A_75 {strides = array<i32>} : memref<80x64xf32, #tpu.memory_space<vmem>>, vector<1x16xf32>,
    }
    %scan3A_5 = arith.constant 80 : i32
    %mul3A_6 = arith.constant 640 : i32
    %mul3A_7 = arith.muli %arg1, %mul3A_6 : i32
    %add3A_8 = arith.constant 0 : i32
    %add3A_9 = arith.addi %mul3A_7, %add3A_8 : i32
    "tpu.region"() ({
      %run_scoped3A = tpu.sem_alloc : memref<!tpu.dma_semaphore, #tpu.memory_space<semaphore_mem>>
      %dma_start3A = arith.constant 0 : i32
      %dma_start3A_49 = tpu.memref_slice %arg12[%add3A_9, %dma_start3A] : memref<10240x64xf32, #tpu.memory_space<vmem_shared>> -> memref<80x64xf32, #tpu.memory_space<vmem_shared>>
      %dma_start3A_50 = arith.constant 0 : i32
      %dma_start3A_51 = tpu.memref_slice %arg12[%add3A_9, %dma_start3A_50] : memref<10240x64xf32, #tpu.memory_space<vmem_shared>> -> memref<80x64xf32, #tpu.memory_space<vmem_shared>>
      tpu.enqueue_dma source(%arg7 : memref<80x64xf32, #tpu.memory_space<vmem>>) target(%dma_start3A_51 : memref<80x64xf32, #tpu.memory_space<vmem_shared>>) target_semaphore(%run_scoped3A : memref<!tpu.dma_semaphore, #tpu.memory_space<semaphore_mem>>)
      %dma_wait3A = arith.constant 0 : i32
      %dma_wait3A_52 = tpu.memref_slice %arg12[%add3A_9, %dma_wait3A] : memref<10240x64xf32, #tpu.memory_space<vmem_shared>> -> memref<80x64xf32, #tpu.memory_space<vmem_shared>>
      %dma_wait3A_53 = arith.constant 0 : i32
      %dma_wait3A_54 = tpu.memref_slice %arg12[%add3A_9, %dma_wait3A_53] : memref<10240x64xf32, #tpu.memory_space<vmem_shared>> -> memref<80x64xf32, #tpu.memory_space<vmem_shared>>
      tpu.wait_dma2 semaphore(%run_scoped3A : memref<!tpu.dma_semaphore, #tpu.memory_space<semaphore_mem>>) src(%arg7 : memref<80x64xf32, #tpu.memory_space<vmem>>) dst(%dma_wait3A_54 : memref<80x64xf32, #tpu.memory_space<vmem_shared>>)
      tpu.yield
    }) : () -> ()
    %mul3A_10 = arith.constant 640 : i32
    %mul3A_11 = arith.muli %arg1, %mul3A_10 : i32
    %add3A_12 = arith.constant 80 : i32
    %add3A_13 = arith.addi %mul3A_11, %add3A_12 : i32
    "tpu.region"() ({
      %run_scoped3A = tpu.sem_alloc : memref<!tpu.dma_semaphore, #tpu.memory_space<semaphore_mem>>
      %dma_start3A = arith.constant 0 : i32
      %dma_start3A_49 = tpu.memref_slice %arg12[%add3A_13, %dma_start3A] : memref<10240x64xf32, #tpu.memory_space<vmem_shared>> -> memref<80x64xf32, #tpu.memory_space<vmem_shared>>
      %dma_start3A_50 = arith.constant 0 : i32
      %dma_start3A_51 = tpu.memref_slice %arg12[%add3A_13, %dma_start3A_50] : memref<10240x64xf32, #tpu.memory_space<vmem_shared>> -> memref<80x64xf32, #tpu.memory_space<vmem_shared>>
      tpu.enqueue_dma source(%arg7 : memref<80x64xf32, #tpu.memory_space<vmem>>) target(%dma_start3A_51 : memref<80x64xf32, #tpu.memory_space<vmem_shared>>) target_semaphore(%run_scoped3A : memref<!tpu.dma_semaphore, #tpu.memory_space<semaphore_mem>>)
      %dma_wait3A = arith.constant 0 : i32
      %dma_wait3A_52 = tpu.memref_slice %arg12[%add3A_13, %dma_wait3A] : memref<10240x64xf32, #tpu.memory_space<vmem_shared>> -> memref<80x64xf32, #tpu.memory_space<vmem_shared>>
      %dma_wait3A_53 = arith.constant 0 : i32
      %dma_wait3A_54 = tpu.memref_slice %arg12[%add3A_13, %dma_wait3A_53] : memref<10240x64xf32, #tpu.memory_space<vmem_shared>> -> memref<80x64xf32, #tpu.memory_space<vmem_shared>>
      tpu.wait_dma2 semaphore(%run_scoped3A : memref<!tpu.dma_semaphore, #tpu.memory_space<semaphore_mem>>) src(%arg7 : memref<80x64xf32, #tpu.memory_space<vmem>>) dst(%dma_wait3A_54 : memref<80x64xf32, #tpu.memory_space<vmem_shared>>)
      tpu.yield
    }) : () -> ()
    %mul3A_14 = arith.constant 640 : i32
    %mul3A_15 = arith.muli %arg1, %mul3A_14 : i32
    %add3A_16 = arith.constant 160 : i32
    %add3A_17 = arith.addi %mul3A_15, %add3A_16 : i32
    "tpu.region"() ({
      %run_scoped3A = tpu.sem_alloc : memref<!tpu.dma_semaphore, #tpu.memory_space<semaphore_mem>>
      %dma_start3A = arith.constant 0 : i32
      %dma_start3A_49 = tpu.memref_slice %arg12[%add3A_17, %dma_start3A] : memref<10240x64xf32, #tpu.memory_space<vmem_shared>> -> memref<80x64xf32, #tpu.memory_space<vmem_shared>>
      %dma_start3A_50 = arith.constant 0 : i32
      %dma_start3A_51 = tpu.memref_slice %arg12[%add3A_17, %dma_start3A_50] : memref<10240x64xf32, #tpu.memory_space<vmem_shared>> -> memref<80x64xf32, #tpu.memory_space<vmem_shared>>
      tpu.enqueue_dma source(%arg7 : memref<80x64xf32, #tpu.memory_space<vmem>>) target(%dma_start3A_51 : memref<80x64xf32, #tpu.memory_space<vmem_shared>>) target_semaphore(%run_scoped3A : memref<!tpu.dma_semaphore, #tpu.memory_space<semaphore_mem>>)
      %dma_wait3A = arith.constant 0 : i32
      %dma_wait3A_52 = tpu.memref_slice %arg12[%add3A_17, %dma_wait3A] : memref<10240x64xf32, #tpu.memory_space<vmem_shared>> -> memref<80x64xf32, #tpu.memory_space<vmem_shared>>
      %dma_wait3A_53 = arith.constant 0 : i32
      %dma_wait3A_54 = tpu.memref_slice %arg12[%add3A_17, %dma_wait3A_53] : memref<10240x64xf32, #tpu.memory_space<vmem_shared>> -> memref<80x64xf32, #tpu.memory_space<vmem_shared>>
      tpu.wait_dma2 semaphore(%run_scoped3A : memref<!tpu.dma_semaphore, #tpu.memory_space<semaphore_mem>>) src(%arg7 : memref<80x64xf32, #tpu.memory_space<vmem>>) dst(%dma_wait3A_54 : memref<80x64xf32, #tpu.memory_space<vmem_shared>>)
      tpu.yield
    }) : () -> ()
    %mul3A_18 = arith.constant 640 : i32
    %mul3A_19 = arith.muli %arg1, %mul3A_18 : i32
    %add3A_20 = arith.constant 240 : i32
    %add3A_21 = arith.addi %mul3A_19, %add3A_20 : i32
    "tpu.region"() ({
      %run_scoped3A = tpu.sem_alloc : memref<!tpu.dma_semaphore, #tpu.memory_space<semaphore_mem>>
      %dma_start3A = arith.constant 0 : i32
      %dma_start3A_49 = tpu.memref_slice %arg12[%add3A_21, %dma_start3A] : memref<10240x64xf32, #tpu.memory_space<vmem_shared>> -> memref<80x64xf32, #tpu.memory_space<vmem_shared>>
      %dma_start3A_50 = arith.constant 0 : i32
      %dma_start3A_51 = tpu.memref_slice %arg12[%add3A_21, %dma_start3A_50] : memref<10240x64xf32, #tpu.memory_space<vmem_shared>> -> memref<80x64xf32, #tpu.memory_space<vmem_shared>>
      tpu.enqueue_dma source(%arg7 : memref<80x64xf32, #tpu.memory_space<vmem>>) target(%dma_start3A_51 : memref<80x64xf32, #tpu.memory_space<vmem_shared>>) target_semaphore(%run_scoped3A : memref<!tpu.dma_semaphore, #tpu.memory_space<semaphore_mem>>)
      %dma_wait3A = arith.constant 0 : i32
      %dma_wait3A_52 = tpu.memref_slice %arg12[%add3A_21, %dma_wait3A] : memref<10240x64xf32, #tpu.memory_space<vmem_shared>> -> memref<80x64xf32, #tpu.memory_space<vmem_shared>>
      %dma_wait3A_53 = arith.constant 0 : i32
      %dma_wait3A_54 = tpu.memref_slice %arg12[%add3A_21, %dma_wait3A_53] : memref<10240x64xf32, #tpu.memory_space<vmem_shared>> -> memref<80x64xf32, #tpu.memory_space<vmem_shared>>
      tpu.wait_dma2 semaphore(%run_scoped3A : memref<!tpu.dma_semaphore, #tpu.memory_space<semaphore_mem>>) src(%arg7 : memref<80x64xf32, #tpu.memory_space<vmem>>) dst(%dma_wait3A_54 : memref<80x64xf32, #tpu.memory_space<vmem_shared>>)
      tpu.yield
    }) : () -> ()
    %mul3A_22 = arith.constant 640 : i32
    %mul3A_23 = arith.muli %arg1, %mul3A_22 : i32
    %add3A_24 = arith.constant 320 : i32
    %add3A_25 = arith.addi %mul3A_23, %add3A_24 : i32
    "tpu.region"() ({
      %run_scoped3A = tpu.sem_alloc : memref<!tpu.dma_semaphore, #tpu.memory_space<semaphore_mem>>
      %dma_start3A = arith.constant 0 : i32
      %dma_start3A_49 = tpu.memref_slice %arg12[%add3A_25, %dma_start3A] : memref<10240x64xf32, #tpu.memory_space<vmem_shared>> -> memref<80x64xf32, #tpu.memory_space<vmem_shared>>
      %dma_start3A_50 = arith.constant 0 : i32
      %dma_start3A_51 = tpu.memref_slice %arg12[%add3A_25, %dma_start3A_50] : memref<10240x64xf32, #tpu.memory_space<vmem_shared>> -> memref<80x64xf32, #tpu.memory_space<vmem_shared>>
      tpu.enqueue_dma source(%arg7 : memref<80x64xf32, #tpu.memory_space<vmem>>) target(%dma_start3A_51 : memref<80x64xf32, #tpu.memory_space<vmem_shared>>) target_semaphore(%run_scoped3A : memref<!tpu.dma_semaphore, #tpu.memory_space<semaphore_mem>>)
      %dma_wait3A = arith.constant 0 : i32
      %dma_wait3A_52 = tpu.memref_slice %arg12[%add3A_25, %dma_wait3A] : memref<10240x64xf32, #tpu.memory_space<vmem_shared>> -> memref<80x64xf32, #tpu.memory_space<vmem_shared>>
      %dma_wait3A_53 = arith.constant 0 : i32
      %dma_wait3A_54 = tpu.memref_slice %arg12[%add3A_25, %dma_wait3A_53] : memref<10240x64xf32, #tpu.memory_space<vmem_shared>> -> memref<80x64xf32, #tpu.memory_space<vmem_shared>>
      tpu.wait_dma2 semaphore(%run_scoped3A : memref<!tpu.dma_semaphore, #tpu.memory_space<semaphore_mem>>) src(%arg7 : memref<80x64xf32, #tpu.memory_space<vmem>>) dst(%dma_wait3A_54 : memref<80x64xf32, #tpu.memory_space<vmem_shared>>)
      tpu.yield
    }) : () -> ()
    %mul3A_26 = arith.constant 640 : i32
    %mul3A_27 = arith.muli %arg1, %mul3A_26 : i32
    %add3A_28 = arith.constant 400 : i32
    %add3A_29 = arith.addi %mul3A_27, %add3A_28 : i32
    "tpu.region"() ({
      %run_scoped3A = tpu.sem_alloc : memref<!tpu.dma_semaphore, #tpu.memory_space<semaphore_mem>>
      %dma_start3A = arith.constant 0 : i32
      %dma_start3A_49 = tpu.memref_slice %arg12[%add3A_29, %dma_start3A] : memref<10240x64xf32, #tpu.memory_space<vmem_shared>> -> memref<80x64xf32, #tpu.memory_space<vmem_shared>>
      %dma_start3A_50 = arith.constant 0 : i32
      %dma_start3A_51 = tpu.memref_slice %arg12[%add3A_29, %dma_start3A_50] : memref<10240x64xf32, #tpu.memory_space<vmem_shared>> -> memref<80x64xf32, #tpu.memory_space<vmem_shared>>
      tpu.enqueue_dma source(%arg7 : memref<80x64xf32, #tpu.memory_space<vmem>>) target(%dma_start3A_51 : memref<80x64xf32, #tpu.memory_space<vmem_shared>>) target_semaphore(%run_scoped3A : memref<!tpu.dma_semaphore, #tpu.memory_space<semaphore_mem>>)
      %dma_wait3A = arith.constant 0 : i32
      %dma_wait3A_52 = tpu.memref_slice %arg12[%add3A_29, %dma_wait3A] : memref<10240x64xf32, #tpu.memory_space<vmem_shared>> -> memref<80x64xf32, #tpu.memory_space<vmem_shared>>
      %dma_wait3A_53 = arith.constant 0 : i32
      %dma_wait3A_54 = tpu.memref_slice %arg12[%add3A_29, %dma_wait3A_53] : memref<10240x64xf32, #tpu.memory_space<vmem_shared>> -> memref<80x64xf32, #tpu.memory_space<vmem_shared>>
      tpu.wait_dma2 semaphore(%run_scoped3A : memref<!tpu.dma_semaphore, #tpu.memory_space<semaphore_mem>>) src(%arg7 : memref<80x64xf32, #tpu.memory_space<vmem>>) dst(%dma_wait3A_54 : memref<80x64xf32, #tpu.memory_space<vmem_shared>>)
      tpu.yield
    }) : () -> ()
    %mul3A_30 = arith.constant 640 : i32
    %mul3A_31 = arith.muli %arg1, %mul3A_30 : i32
    %add3A_32 = arith.constant 480 : i32
    %add3A_33 = arith.addi %mul3A_31, %add3A_32 : i32
    "tpu.region"() ({
      %run_scoped3A = tpu.sem_alloc : memref<!tpu.dma_semaphore, #tpu.memory_space<semaphore_mem>>
      %dma_start3A = arith.constant 0 : i32
      %dma_start3A_49 = tpu.memref_slice %arg12[%add3A_33, %dma_start3A] : memref<10240x64xf32, #tpu.memory_space<vmem_shared>> -> memref<80x64xf32, #tpu.memory_space<vmem_shared>>
      %dma_start3A_50 = arith.constant 0 : i32
      %dma_start3A_51 = tpu.memref_slice %arg12[%add3A_33, %dma_start3A_50] : memref<10240x64xf32, #tpu.memory_space<vmem_shared>> -> memref<80x64xf32, #tpu.memory_space<vmem_shared>>
      tpu.enqueue_dma source(%arg7 : memref<80x64xf32, #tpu.memory_space<vmem>>) target(%dma_start3A_51 : memref<80x64xf32, #tpu.memory_space<vmem_shared>>) target_semaphore(%run_scoped3A : memref<!tpu.dma_semaphore, #tpu.memory_space<semaphore_mem>>)
      %dma_wait3A = arith.constant 0 : i32
      %dma_wait3A_52 = tpu.memref_slice %arg12[%add3A_33, %dma_wait3A] : memref<10240x64xf32, #tpu.memory_space<vmem_shared>> -> memref<80x64xf32, #tpu.memory_space<vmem_shared>>
      %dma_wait3A_53 = arith.constant 0 : i32
      %dma_wait3A_54 = tpu.memref_slice %arg12[%add3A_33, %dma_wait3A_53] : memref<10240x64xf32, #tpu.memory_space<vmem_shared>> -> memref<80x64xf32, #tpu.memory_space<vmem_shared>>
      tpu.wait_dma2 semaphore(%run_scoped3A : memref<!tpu.dma_semaphore, #tpu.memory_space<semaphore_mem>>) src(%arg7 : memref<80x64xf32, #tpu.memory_space<vmem>>) dst(%dma_wait3A_54 : memref<80x64xf32, #tpu.memory_space<vmem_shared>>)
      tpu.yield
    }) : () -> ()
    %mul3A_34 = arith.constant 640 : i32
    %mul3A_35 = arith.muli %arg1, %mul3A_34 : i32
    %add3A_36 = arith.constant 560 : i32
    %add3A_37 = arith.addi %mul3A_35, %add3A_36 : i32
    "tpu.region"() ({
      %run_scoped3A = tpu.sem_alloc : memref<!tpu.dma_semaphore, #tpu.memory_space<semaphore_mem>>
      %dma_start3A = arith.constant 0 : i32
      %dma_start3A_49 = tpu.memref_slice %arg12[%add3A_37, %dma_start3A] : memref<10240x64xf32, #tpu.memory_space<vmem_shared>> -> memref<80x64xf32, #tpu.memory_space<vmem_shared>>
      %dma_start3A_50 = arith.constant 0 : i32
      %dma_start3A_51 = tpu.memref_slice %arg12[%add3A_37, %dma_start3A_50] : memref<10240x64xf32, #tpu.memory_space<vmem_shared>> -> memref<80x64xf32, #tpu.memory_space<vmem_shared>>
      tpu.enqueue_dma source(%arg7 : memref<80x64xf32, #tpu.memory_space<vmem>>) target(%dma_start3A_51 : memref<80x64xf32, #tpu.memory_space<vmem_shared>>) target_semaphore(%run_scoped3A : memref<!tpu.dma_semaphore, #tpu.memory_space<semaphore_mem>>)
      %dma_wait3A = arith.constant 0 : i32
      %dma_wait3A_52 = tpu.memref_slice %arg12[%add3A_37, %dma_wait3A] : memref<10240x64xf32, #tpu.memory_space<vmem_shared>> -> memref<80x64xf32, #tpu.memory_space<vmem_shared>>
      %dma_wait3A_53 = arith.constant 0 : i32
      %dma_wait3A_54 = tpu.memref_slice %arg12[%add3A_37, %dma_wait3A_53] : memref<10240x64xf32, #tpu.memory_space<vmem_shared>> -> memref<80x64xf32, #tpu.memory_space<vmem_shared>>
      tpu.wait_dma2 semaphore(%run_scoped3A : memref<!tpu.dma_semaphore, #tpu.memory_space<semaphore_mem>>) src(%arg7 : memref<80x64xf32, #tpu.memory_space<vmem>>) dst(%dma_wait3A_54 : memref<80x64xf32, #tpu.memory_space<vmem_shared>>)
      tpu.yield
    }) : () -> ()
    %barrier3A = arith.constant 0 : index
    tpu.barrier barrier_id(%barrier3A)
    %scan3A_38 = arith.constant 0 : i32
    %scan3A_39 = arith.constant 0 : i32
    %scan3A_40 = arith.constant 5 : i32
    %scan3A_41 = arith.addi %scan3A_39, %scan3A_40 : i32
    %scan3A_42 = arith.constant 1 : i32
    scf.for %scan3A_49 = %scan3A_39 to %scan3A_41 step %scan3A_42  : i32 {
      %mul3A_50 = arith.constant 50 : i32
      %mul3A_51 = arith.muli %scan3A_49, %mul3A_50 : i32
      %run_scoped3A = arith.constant 0 : i32
      "tpu.region"() ({
        %run_scoped3A_95 = tpu.sem_alloc : memref<!tpu.dma_semaphore, #tpu.memory_space<semaphore_mem>>
        %dma_start3A_96 = arith.constant 0 : i32
        %dma_start3A_97 = tpu.memref_slice %arg3[%run_scoped3A, %add3A, %mul3A_51, %dma_start3A_96] : memref<2x32x250x80xi32, #tpu.memory_space<hbm>> -> memref<1x1x50x80xi32, #tpu.memory_space<hbm>>
        %dma_start3A_98 = tpu.memref_squeeze %dma_start3A_97 : memref<1x1x50x80xi32, #tpu.memory_space<hbm>> -> memref<50x80xi32, #tpu.memory_space<hbm>>
        %dma_start3A_99 = arith.constant 0 : i32
        %dma_start3A_100 = tpu.memref_slice %arg3[%run_scoped3A, %add3A, %mul3A_51, %dma_start3A_99] : memref<2x32x250x80xi32, #tpu.memory_space<hbm>> -> memref<1x1x50x80xi32, #tpu.memory_space<hbm>>
        %dma_start3A_101 = tpu.memref_squeeze %dma_start3A_100 : memref<1x1x50x80xi32, #tpu.memory_space<hbm>> -> memref<50x80xi32, #tpu.memory_space<hbm>>
        tpu.enqueue_dma source(%dma_start3A_101 : memref<50x80xi32, #tpu.memory_space<hbm>>) target(%arg5 : memref<50x80xi32, #tpu.memory_space<vmem>>) target_semaphore(%run_scoped3A_95 : memref<!tpu.dma_semaphore, #tpu.memory_space<semaphore_mem>>)
        %dma_wait3A = arith.constant 0 : i32
        %dma_wait3A_102 = tpu.memref_slice %arg3[%run_scoped3A, %add3A, %mul3A_51, %dma_wait3A] : memref<2x32x250x80xi32, #tpu.memory_space<hbm>> -> memref<1x1x50x80xi32, #tpu.memory_space<hbm>>
        %dma_wait3A_103 = tpu.memref_squeeze %dma_wait3A_102 : memref<1x1x50x80xi32, #tpu.memory_space<hbm>> -> memref<50x80xi32, #tpu.memory_space<hbm>>
        %dma_wait3A_104 = arith.constant 0 : i32
        %dma_wait3A_105 = tpu.memref_slice %arg3[%run_scoped3A, %add3A, %mul3A_51, %dma_wait3A_104] : memref<2x32x250x80xi32, #tpu.memory_space<hbm>> -> memref<1x1x50x80xi32, #tpu.memory_space<hbm>>
        %dma_wait3A_106 = tpu.memref_squeeze %dma_wait3A_105 : memref<1x1x50x80xi32, #tpu.memory_space<hbm>> -> memref<50x80xi32, #tpu.memory_space<hbm>>
        tpu.wait_dma2 semaphore(%run_scoped3A_95 : memref<!tpu.dma_semaphore, #tpu.memory_space<semaphore_mem>>) src(%dma_wait3A_106 : memref<50x80xi32, #tpu.memory_space<hbm>>) dst(%arg5 : memref<50x80xi32, #tpu.memory_space<vmem>>)
        tpu.yield
      }) : () -> ()
      %mul3A_52 = arith.constant 50 : i32
      %mul3A_53 = arith.muli %scan3A_49, %mul3A_52 : i32
      %run_scoped3A_54 = arith.constant 1 : i32
      "tpu.region"() ({
        %run_scoped3A_95 = tpu.sem_alloc : memref<!tpu.dma_semaphore, #tpu.memory_space<semaphore_mem>>
        %dma_start3A_96 = arith.constant 0 : i32
        %dma_start3A_97 = tpu.memref_slice %arg3[%run_scoped3A_54, %add3A, %mul3A_53, %dma_start3A_96] : memref<2x32x250x80xi32, #tpu.memory_space<hbm>> -> memref<1x1x50x80xi32, #tpu.memory_space<hbm>>
        %dma_start3A_98 = tpu.memref_squeeze %dma_start3A_97 : memref<1x1x50x80xi32, #tpu.memory_space<hbm>> -> memref<50x80xi32, #tpu.memory_space<hbm>>
        %dma_start3A_99 = arith.constant 0 : i32
        %dma_start3A_100 = tpu.memref_slice %arg3[%run_scoped3A_54, %add3A, %mul3A_53, %dma_start3A_99] : memref<2x32x250x80xi32, #tpu.memory_space<hbm>> -> memref<1x1x50x80xi32, #tpu.memory_space<hbm>>
        %dma_start3A_101 = tpu.memref_squeeze %dma_start3A_100 : memref<1x1x50x80xi32, #tpu.memory_space<hbm>> -> memref<50x80xi32, #tpu.memory_space<hbm>>
        tpu.enqueue_dma source(%dma_start3A_101 : memref<50x80xi32, #tpu.memory_space<hbm>>) target(%arg6 : memref<50x80xi32, #tpu.memory_space<vmem>>) target_semaphore(%run_scoped3A_95 : memref<!tpu.dma_semaphore, #tpu.memory_space<semaphore_mem>>)
        %dma_wait3A = arith.constant 0 : i32
        %dma_wait3A_102 = tpu.memref_slice %arg3[%run_scoped3A_54, %add3A, %mul3A_53, %dma_wait3A] : memref<2x32x250x80xi32, #tpu.memory_space<hbm>> -> memref<1x1x50x80xi32, #tpu.memory_space<hbm>>
        %dma_wait3A_103 = tpu.memref_squeeze %dma_wait3A_102 : memref<1x1x50x80xi32, #tpu.memory_space<hbm>> -> memref<50x80xi32, #tpu.memory_space<hbm>>
        %dma_wait3A_104 = arith.constant 0 : i32
        %dma_wait3A_105 = tpu.memref_slice %arg3[%run_scoped3A_54, %add3A, %mul3A_53, %dma_wait3A_104] : memref<2x32x250x80xi32, #tpu.memory_space<hbm>> -> memref<1x1x50x80xi32, #tpu.memory_space<hbm>>
        %dma_wait3A_106 = tpu.memref_squeeze %dma_wait3A_105 : memref<1x1x50x80xi32, #tpu.memory_space<hbm>> -> memref<50x80xi32, #tpu.memory_space<hbm>>
        tpu.wait_dma2 semaphore(%run_scoped3A_95 : memref<!tpu.dma_semaphore, #tpu.memory_space<semaphore_mem>>) src(%dma_wait3A_106 : memref<50x80xi32, #tpu.memory_space<hbm>>) dst(%arg6 : memref<50x80xi32, #tpu.memory_space<vmem>>)
        tpu.yield
      }) : () -> ()
      %dma_start3A = arith.constant 0 : i32
      %dma_start3A_55 = arith.constant 0 : i32
      %dma_start3A_56 = tpu.memref_slice %arg5[%dma_start3A, %dma_start3A_55] : memref<50x80xi32, #tpu.memory_space<vmem>> -> memref<1x80xi32, #tpu.memory_space<vmem>>
      %dma_start3A_57 = tpu.memref_squeeze %dma_start3A_56 : memref<1x80xi32, #tpu.memory_space<vmem>> -> memref<80xi32, #tpu.memory_space<vmem>>
      %dma_start3A_58 = arith.constant 0 : i32
      %dma_start3A_59 = arith.constant 0 : i32
      %dma_start3A_60 = tpu.memref_slice %arg2[%dma_start3A_58, %dma_start3A_59] : memref<10000x64xf32, #tpu.memory_space<hbm>> -> memref<10000x64xf32, #tpu.memory_space<hbm>>
      tpu.enqueue_indirect_dma source(%dma_start3A_60 : memref<10000x64xf32, #tpu.memory_space<hbm>>) target(%arg7 : memref<80x64xf32, #tpu.memory_space<vmem>>) offsets(%dma_start3A_57 : memref<80xi32, #tpu.memory_space<vmem>>) semaphore(%arg13 : memref<!tpu.dma_semaphore, #tpu.memory_space<semaphore_mem>>)
      %dma_start3A_61 = arith.constant 1 : i32
      %dma_start3A_62 = arith.constant 0 : i32
      %dma_start3A_63 = tpu.memref_slice %arg5[%dma_start3A_61, %dma_start3A_62] : memref<50x80xi32, #tpu.memory_space<vmem>> -> memref<1x80xi32, #tpu.memory_space<vmem>>
      %dma_start3A_64 = tpu.memref_squeeze %dma_start3A_63 : memref<1x80xi32, #tpu.memory_space<vmem>> -> memref<80xi32, #tpu.memory_space<vmem>>
      %dma_start3A_65 = arith.constant 0 : i32
      %dma_start3A_66 = arith.constant 0 : i32
      %dma_start3A_67 = tpu.memref_slice %arg2[%dma_start3A_65, %dma_start3A_66] : memref<10000x64xf32, #tpu.memory_space<hbm>> -> memref<10000x64xf32, #tpu.memory_space<hbm>>
      tpu.enqueue_indirect_dma source(%dma_start3A_67 : memref<10000x64xf32, #tpu.memory_space<hbm>>) target(%arg8 : memref<80x64xf32, #tpu.memory_space<vmem>>) offsets(%dma_start3A_64 : memref<80xi32, #tpu.memory_space<vmem>>) semaphore(%arg14 : memref<!tpu.dma_semaphore, #tpu.memory_space<semaphore_mem>>)
      %dma_start3A_68 = arith.constant 2 : i32
      %dma_start3A_69 = arith.constant 0 : i32
      %dma_start3A_70 = tpu.memref_slice %arg5[%dma_start3A_68, %dma_start3A_69] : memref<50x80xi32, #tpu.memory_space<vmem>> -> memref<1x80xi32, #tpu.memory_space<vmem>>
      %dma_start3A_71 = tpu.memref_squeeze %dma_start3A_70 : memref<1x80xi32, #tpu.memory_space<vmem>> -> memref<80xi32, #tpu.memory_space<vmem>>
      %dma_start3A_72 = arith.constant 0 : i32
      %dma_start3A_73 = arith.constant 0 : i32
      %dma_start3A_74 = tpu.memref_slice %arg2[%dma_start3A_72, %dma_start3A_73] : memref<10000x64xf32, #tpu.memory_space<hbm>> -> memref<10000x64xf32, #tpu.memory_space<hbm>>
      tpu.enqueue_indirect_dma source(%dma_start3A_74 : memref<10000x64xf32, #tpu.memory_space<hbm>>) target(%arg9 : memref<80x64xf32, #tpu.memory_space<vmem>>) offsets(%dma_start3A_71 : memref<80xi32, #tpu.memory_space<vmem>>) semaphore(%arg15 : memref<!tpu.dma_semaphore, #tpu.memory_space<semaphore_mem>>)
      %dma_start3A_75 = arith.constant 3 : i32
      %dma_start3A_76 = arith.constant 0 : i32
      %dma_start3A_77 = tpu.memref_slice %arg5[%dma_start3A_75, %dma_start3A_76] : memref<50x80xi32, #tpu.memory_space<vmem>> -> memref<1x80xi32, #tpu.memory_space<vmem>>
      %dma_start3A_78 = tpu.memref_squeeze %dma_start3A_77 : memref<1x80xi32, #tpu.memory_space<vmem>> -> memref<80xi32, #tpu.memory_space<vmem>>
      %dma_start3A_79 = arith.constant 0 : i32
      %dma_start3A_80 = arith.constant 0 : i32
      %dma_start3A_81 = tpu.memref_slice %arg2[%dma_start3A_79, %dma_start3A_80] : memref<10000x64xf32, #tpu.memory_space<hbm>> -> memref<10000x64xf32, #tpu.memory_space<hbm>>
      tpu.enqueue_indirect_dma source(%dma_start3A_81 : memref<10000x64xf32, #tpu.memory_space<hbm>>) target(%arg10 : memref<80x64xf32, #tpu.memory_space<vmem>>) offsets(%dma_start3A_78 : memref<80xi32, #tpu.memory_space<vmem>>) semaphore(%arg16 : memref<!tpu.dma_semaphore, #tpu.memory_space<semaphore_mem>>)
      %dma_start3A_82 = arith.constant 4 : i32
      %dma_start3A_83 = arith.constant 0 : i32
      %dma_start3A_84 = tpu.memref_slice %arg5[%dma_start3A_82, %dma_start3A_83] : memref<50x80xi32, #tpu.memory_space<vmem>> -> memref<1x80xi32, #tpu.memory_space<vmem>>
      %dma_start3A_85 = tpu.memref_squeeze %dma_start3A_84 : memref<1x80xi32, #tpu.memory_space<vmem>> -> memref<80xi32, #tpu.memory_space<vmem>>
      %dma_start3A_86 = arith.constant 0 : i32
      %dma_start3A_87 = arith.constant 0 : i32
      %dma_start3A_88 = tpu.memref_slice %arg2[%dma_start3A_86, %dma_start3A_87] : memref<10000x64xf32, #tpu.memory_space<hbm>> -> memref<10000x64xf32, #tpu.memory_space<hbm>>
      tpu.enqueue_indirect_dma source(%dma_start3A_88 : memref<10000x64xf32, #tpu.memory_space<hbm>>) target(%arg11 : memref<80x64xf32, #tpu.memory_space<vmem>>) offsets(%dma_start3A_85 : memref<80xi32, #tpu.memory_space<vmem>>) semaphore(%arg17 : memref<!tpu.dma_semaphore, #tpu.memory_space<semaphore_mem>>)
      %scan3A_89 = arith.constant 0 : i32
      %scan3A_90 = arith.constant 0 : i32
      %scan3A_91 = arith.constant 10 : i32
      %scan3A_92 = arith.addi %scan3A_90, %scan3A_91 : i32
      %scan3A_93 = arith.constant 1 : i32
      scf.for %scan3A_95 = %scan3A_90 to %scan3A_92 step %scan3A_93  : i32 {
        %mul3A_96 = arith.constant 5 : i32
        %mul3A_97 = arith.muli %mul3A_96, %scan3A_95 : i32
        %add3A_98 = arith.constant 0 : i32
        %add3A_99 = arith.addi %mul3A_97, %add3A_98 : i32
        %dma_wait3A = arith.constant 0 : i32
        %dma_wait3A_100 = arith.constant 0 : i32
        %dma_wait3A_101 = tpu.memref_slice %arg2[%dma_wait3A, %dma_wait3A_100] : memref<10000x64xf32, #tpu.memory_space<hbm>> -> memref<80x64xf32, #tpu.memory_space<hbm>>
        %dma_wait3A_102 = arith.constant 0 : i32
        %dma_wait3A_103 = arith.constant 0 : i32
        %dma_wait3A_104 = tpu.memref_slice %arg2[%dma_wait3A_102, %dma_wait3A_103] : memref<10000x64xf32, #tpu.memory_space<hbm>> -> memref<80x64xf32, #tpu.memory_space<hbm>>
        tpu.wait_dma2 semaphore(%arg13 : memref<!tpu.dma_semaphore, #tpu.memory_space<semaphore_mem>>) src(%dma_wait3A_104 : memref<80x64xf32, #tpu.memory_space<hbm>>) dst(%arg7 : memref<80x64xf32, #tpu.memory_space<vmem>>)
        "tpu.region"() ({
          %run_scoped3A_177 = tpu.sem_alloc : memref<!tpu.dma_semaphore, #tpu.memory_space<semaphore_mem>>
          %dma_start3A_178 = arith.constant 0 : i32
          %dma_start3A_179 = tpu.memref_slice %arg6[%add3A_99, %dma_start3A_178] : memref<50x80xi32, #tpu.memory_space<vmem>> -> memref<1x80xi32, #tpu.memory_space<vmem>>
          %dma_start3A_180 = tpu.memref_squeeze %dma_start3A_179 : memref<1x80xi32, #tpu.memory_space<vmem>> -> memref<80xi32, #tpu.memory_space<vmem>>
          %dma_start3A_181 = arith.constant 0 : i32
          %dma_start3A_182 = arith.constant 0 : i32
          %dma_start3A_183 = tpu.memref_slice %arg12[%dma_start3A_181, %dma_start3A_182] : memref<10240x64xf32, #tpu.memory_space<vmem_shared>> -> memref<10240x64xf32, #tpu.memory_space<vmem_shared>>
          tpu.enqueue_indirect_dma source(%arg7 : memref<80x64xf32, #tpu.memory_space<vmem>>) target(%dma_start3A_183 : memref<10240x64xf32, #tpu.memory_space<vmem_shared>>) offsets(%dma_start3A_180 : memref<80xi32, #tpu.memory_space<vmem>>) semaphore(%run_scoped3A_177 : memref<!tpu.dma_semaphore, #tpu.memory_space<semaphore_mem>>) {add = true}
          %dma_wait3A_184 = arith.constant 0 : i32
          %dma_wait3A_185 = tpu.memref_slice %arg6[%add3A_99, %dma_wait3A_184] : memref<50x80xi32, #tpu.memory_space<vmem>> -> memref<1x80xi32, #tpu.memory_space<vmem>>
          %dma_wait3A_186 = tpu.memref_squeeze %dma_wait3A_185 : memref<1x80xi32, #tpu.memory_space<vmem>> -> memref<80xi32, #tpu.memory_space<vmem>>
          %dma_wait3A_187 = arith.constant 0 : i32
          %dma_wait3A_188 = arith.constant 0 : i32
          %dma_wait3A_189 = tpu.memref_slice %arg12[%dma_wait3A_187, %dma_wait3A_188] : memref<10240x64xf32, #tpu.memory_space<vmem_shared>> -> memref<10240x64xf32, #tpu.memory_space<vmem_shared>>
          tpu.wait_indirect_dma semaphore(%run_scoped3A_177 : memref<!tpu.dma_semaphore, #tpu.memory_space<semaphore_mem>>) src(%arg7 : memref<80x64xf32, #tpu.memory_space<vmem>>) dst(%dma_wait3A_189 : memref<10240x64xf32, #tpu.memory_space<vmem_shared>>)
          tpu.yield
        }) : () -> ()
        %add3A_105 = arith.constant 5 : i32
        %add3A_106 = arith.addi %add3A_99, %add3A_105 : i32
        %lt3A = arith.constant 50 : i32
        %lt3A_107 = arith.cmpi slt, %add3A_106, %lt3A : i32
        %convert_element_type3A = arith.extui %lt3A_107 : i1 to i32
        %cond3A = arith.constant 0 : i32
        %cond3A_108 = arith.cmpi ne, %convert_element_type3A, %cond3A : i32
        scf.if %cond3A_108 {
          %add3A_177 = arith.constant 5 : i32
          %add3A_178 = arith.addi %add3A_99, %add3A_177 : i32
          %dma_start3A_179 = arith.constant 0 : i32
          %dma_start3A_180 = tpu.memref_slice %arg5[%add3A_178, %dma_start3A_179] : memref<50x80xi32, #tpu.memory_space<vmem>> -> memref<1x80xi32, #tpu.memory_space<vmem>>
          %dma_start3A_181 = tpu.memref_squeeze %dma_start3A_180 : memref<1x80xi32, #tpu.memory_space<vmem>> -> memref<80xi32, #tpu.memory_space<vmem>>
          %dma_start3A_182 = arith.constant 0 : i32
          %dma_start3A_183 = arith.constant 0 : i32
          %dma_start3A_184 = tpu.memref_slice %arg2[%dma_start3A_182, %dma_start3A_183] : memref<10000x64xf32, #tpu.memory_space<hbm>> -> memref<10000x64xf32, #tpu.memory_space<hbm>>
          tpu.enqueue_indirect_dma source(%dma_start3A_184 : memref<10000x64xf32, #tpu.memory_space<hbm>>) target(%arg7 : memref<80x64xf32, #tpu.memory_space<vmem>>) offsets(%dma_start3A_181 : memref<80xi32, #tpu.memory_space<vmem>>) semaphore(%arg13 : memref<!tpu.dma_semaphore, #tpu.memory_space<semaphore_mem>>)
        } else {
        }
        %mul3A_109 = arith.constant 5 : i32
        %mul3A_110 = arith.muli %mul3A_109, %scan3A_95 : i32
        %add3A_111 = arith.constant 1 : i32
        %add3A_112 = arith.addi %mul3A_110, %add3A_111 : i32
        %dma_wait3A_113 = arith.constant 0 : i32
        %dma_wait3A_114 = arith.constant 0 : i32
        %dma_wait3A_115 = tpu.memref_slice %arg2[%dma_wait3A_113, %dma_wait3A_114] : memref<10000x64xf32, #tpu.memory_space<hbm>> -> memref<80x64xf32, #tpu.memory_space<hbm>>
        %dma_wait3A_116 = arith.constant 0 : i32
        %dma_wait3A_117 = arith.constant 0 : i32
        %dma_wait3A_118 = tpu.memref_slice %arg2[%dma_wait3A_116, %dma_wait3A_117] : memref<10000x64xf32, #tpu.memory_space<hbm>> -> memref<80x64xf32, #tpu.memory_space<hbm>>
        tpu.wait_dma2 semaphore(%arg14 : memref<!tpu.dma_semaphore, #tpu.memory_space<semaphore_mem>>) src(%dma_wait3A_118 : memref<80x64xf32, #tpu.memory_space<hbm>>) dst(%arg8 : memref<80x64xf32, #tpu.memory_space<vmem>>)
        "tpu.region"() ({
          %run_scoped3A_177 = tpu.sem_alloc : memref<!tpu.dma_semaphore, #tpu.memory_space<semaphore_mem>>
          %dma_start3A_178 = arith.constant 0 : i32
          %dma_start3A_179 = tpu.memref_slice %arg6[%add3A_112, %dma_start3A_178] : memref<50x80xi32, #tpu.memory_space<vmem>> -> memref<1x80xi32, #tpu.memory_space<vmem>>
          %dma_start3A_180 = tpu.memref_squeeze %dma_start3A_179 : memref<1x80xi32, #tpu.memory_space<vmem>> -> memref<80xi32, #tpu.memory_space<vmem>>
          %dma_start3A_181 = arith.constant 0 : i32
          %dma_start3A_182 = arith.constant 0 : i32
          %dma_start3A_183 = tpu.memref_slice %arg12[%dma_start3A_181, %dma_start3A_182] : memref<10240x64xf32, #tpu.memory_space<vmem_shared>> -> memref<10240x64xf32, #tpu.memory_space<vmem_shared>>
          tpu.enqueue_indirect_dma source(%arg8 : memref<80x64xf32, #tpu.memory_space<vmem>>) target(%dma_start3A_183 : memref<10240x64xf32, #tpu.memory_space<vmem_shared>>) offsets(%dma_start3A_180 : memref<80xi32, #tpu.memory_space<vmem>>) semaphore(%run_scoped3A_177 : memref<!tpu.dma_semaphore, #tpu.memory_space<semaphore_mem>>) {add = true}
          %dma_wait3A_184 = arith.constant 0 : i32
          %dma_wait3A_185 = tpu.memref_slice %arg6[%add3A_112, %dma_wait3A_184] : memref<50x80xi32, #tpu.memory_space<vmem>> -> memref<1x80xi32, #tpu.memory_space<vmem>>
          %dma_wait3A_186 = tpu.memref_squeeze %dma_wait3A_185 : memref<1x80xi32, #tpu.memory_space<vmem>> -> memref<80xi32, #tpu.memory_space<vmem>>
          %dma_wait3A_187 = arith.constant 0 : i32
          %dma_wait3A_188 = arith.constant 0 : i32
          %dma_wait3A_189 = tpu.memref_slice %arg12[%dma_wait3A_187, %dma_wait3A_188] : memref<10240x64xf32, #tpu.memory_space<vmem_shared>> -> memref<10240x64xf32, #tpu.memory_space<vmem_shared>>
          tpu.wait_indirect_dma semaphore(%run_scoped3A_177 : memref<!tpu.dma_semaphore, #tpu.memory_space<semaphore_mem>>) src(%arg8 : memref<80x64xf32, #tpu.memory_space<vmem>>) dst(%dma_wait3A_189 : memref<10240x64xf32, #tpu.memory_space<vmem_shared>>)
          tpu.yield
        }) : () -> ()
        %add3A_119 = arith.constant 5 : i32
        %add3A_120 = arith.addi %add3A_112, %add3A_119 : i32
        %lt3A_121 = arith.constant 50 : i32
        %lt3A_122 = arith.cmpi slt, %add3A_120, %lt3A_121 : i32
        %convert_element_type3A_123 = arith.extui %lt3A_122 : i1 to i32
        %cond3A_124 = arith.constant 0 : i32
        %cond3A_125 = arith.cmpi ne, %convert_element_type3A_123, %cond3A_124 : i32
        scf.if %cond3A_125 {
          %add3A_177 = arith.constant 5 : i32
          %add3A_178 = arith.addi %add3A_112, %add3A_177 : i32
          %dma_start3A_179 = arith.constant 0 : i32
          %dma_start3A_180 = tpu.memref_slice %arg5[%add3A_178, %dma_start3A_179] : memref<50x80xi32, #tpu.memory_space<vmem>> -> memref<1x80xi32, #tpu.memory_space<vmem>>
          %dma_start3A_181 = tpu.memref_squeeze %dma_start3A_180 : memref<1x80xi32, #tpu.memory_space<vmem>> -> memref<80xi32, #tpu.memory_space<vmem>>
          %dma_start3A_182 = arith.constant 0 : i32
          %dma_start3A_183 = arith.constant 0 : i32
          %dma_start3A_184 = tpu.memref_slice %arg2[%dma_start3A_182, %dma_start3A_183] : memref<10000x64xf32, #tpu.memory_space<hbm>> -> memref<10000x64xf32, #tpu.memory_space<hbm>>
          tpu.enqueue_indirect_dma source(%dma_start3A_184 : memref<10000x64xf32, #tpu.memory_space<hbm>>) target(%arg8 : memref<80x64xf32, #tpu.memory_space<vmem>>) offsets(%dma_start3A_181 : memref<80xi32, #tpu.memory_space<vmem>>) semaphore(%arg14 : memref<!tpu.dma_semaphore, #tpu.memory_space<semaphore_mem>>)
        } else {
        }
        %mul3A_126 = arith.constant 5 : i32
        %mul3A_127 = arith.muli %mul3A_126, %scan3A_95 : i32
        %add3A_128 = arith.constant 2 : i32
        %add3A_129 = arith.addi %mul3A_127, %add3A_128 : i32
        %dma_wait3A_130 = arith.constant 0 : i32
        %dma_wait3A_131 = arith.constant 0 : i32
        %dma_wait3A_132 = tpu.memref_slice %arg2[%dma_wait3A_130, %dma_wait3A_131] : memref<10000x64xf32, #tpu.memory_space<hbm>> -> memref<80x64xf32, #tpu.memory_space<hbm>>
        %dma_wait3A_133 = arith.constant 0 : i32
        %dma_wait3A_134 = arith.constant 0 : i32
        %dma_wait3A_135 = tpu.memref_slice %arg2[%dma_wait3A_133, %dma_wait3A_134] : memref<10000x64xf32, #tpu.memory_space<hbm>> -> memref<80x64xf32, #tpu.memory_space<hbm>>
        tpu.wait_dma2 semaphore(%arg15 : memref<!tpu.dma_semaphore, #tpu.memory_space<semaphore_mem>>) src(%dma_wait3A_135 : memref<80x64xf32, #tpu.memory_space<hbm>>) dst(%arg9 : memref<80x64xf32, #tpu.memory_space<vmem>>)
        "tpu.region"() ({
          %run_scoped3A_177 = tpu.sem_alloc : memref<!tpu.dma_semaphore, #tpu.memory_space<semaphore_mem>>
          %dma_start3A_178 = arith.constant 0 : i32
          %dma_start3A_179 = tpu.memref_slice %arg6[%add3A_129, %dma_start3A_178] : memref<50x80xi32, #tpu.memory_space<vmem>> -> memref<1x80xi32, #tpu.memory_space<vmem>>
          %dma_start3A_180 = tpu.memref_squeeze %dma_start3A_179 : memref<1x80xi32, #tpu.memory_space<vmem>> -> memref<80xi32, #tpu.memory_space<vmem>>
          %dma_start3A_181 = arith.constant 0 : i32
          %dma_start3A_182 = arith.constant 0 : i32
          %dma_start3A_183 = tpu.memref_slice %arg12[%dma_start3A_181, %dma_start3A_182] : memref<10240x64xf32, #tpu.memory_space<vmem_shared>> -> memref<10240x64xf32, #tpu.memory_space<vmem_shared>>
          tpu.enqueue_indirect_dma source(%arg9 : memref<80x64xf32, #tpu.memory_space<vmem>>) target(%dma_start3A_183 : memref<10240x64xf32, #tpu.memory_space<vmem_shared>>) offsets(%dma_start3A_180 : memref<80xi32, #tpu.memory_space<vmem>>) semaphore(%run_scoped3A_177 : memref<!tpu.dma_semaphore, #tpu.memory_space<semaphore_mem>>) {add = true}
          %dma_wait3A_184 = arith.constant 0 : i32
          %dma_wait3A_185 = tpu.memref_slice %arg6[%add3A_129, %dma_wait3A_184] : memref<50x80xi32, #tpu.memory_space<vmem>> -> memref<1x80xi32, #tpu.memory_space<vmem>>
          %dma_wait3A_186 = tpu.memref_squeeze %dma_wait3A_185 : memref<1x80xi32, #tpu.memory_space<vmem>> -> memref<80xi32, #tpu.memory_space<vmem>>
          %dma_wait3A_187 = arith.constant 0 : i32
          %dma_wait3A_188 = arith.constant 0 : i32
          %dma_wait3A_189 = tpu.memref_slice %arg12[%dma_wait3A_187, %dma_wait3A_188] : memref<10240x64xf32, #tpu.memory_space<vmem_shared>> -> memref<10240x64xf32, #tpu.memory_space<vmem_shared>>
          tpu.wait_indirect_dma semaphore(%run_scoped3A_177 : memref<!tpu.dma_semaphore, #tpu.memory_space<semaphore_mem>>) src(%arg9 : memref<80x64xf32, #tpu.memory_space<vmem>>) dst(%dma_wait3A_189 : memref<10240x64xf32, #tpu.memory_space<vmem_shared>>)
          tpu.yield
        }) : () -> ()
        %add3A_136 = arith.constant 5 : i32
        %add3A_137 = arith.addi %add3A_129, %add3A_136 : i32
        %lt3A_138 = arith.constant 50 : i32
        %lt3A_139 = arith.cmpi slt, %add3A_137, %lt3A_138 : i32
        %convert_element_type3A_140 = arith.extui %lt3A_139 : i1 to i32
        %cond3A_141 = arith.constant 0 : i32
        %cond3A_142 = arith.cmpi ne, %convert_element_type3A_140, %cond3A_141 : i32
        scf.if %cond3A_142 {
          %add3A_177 = arith.constant 5 : i32
          %add3A_178 = arith.addi %add3A_129, %add3A_177 : i32
          %dma_start3A_179 = arith.constant 0 : i32
          %dma_start3A_180 = tpu.memref_slice %arg5[%add3A_178, %dma_start3A_179] : memref<50x80xi32, #tpu.memory_space<vmem>> -> memref<1x80xi32, #tpu.memory_space<vmem>>
          %dma_start3A_181 = tpu.memref_squeeze %dma_start3A_180 : memref<1x80xi32, #tpu.memory_space<vmem>> -> memref<80xi32, #tpu.memory_space<vmem>>
          %dma_start3A_182 = arith.constant 0 : i32
          %dma_start3A_183 = arith.constant 0 : i32
          %dma_start3A_184 = tpu.memref_slice %arg2[%dma_start3A_182, %dma_start3A_183] : memref<10000x64xf32, #tpu.memory_space<hbm>> -> memref<10000x64xf32, #tpu.memory_space<hbm>>
          tpu.enqueue_indirect_dma source(%dma_start3A_184 : memref<10000x64xf32, #tpu.memory_space<hbm>>) target(%arg9 : memref<80x64xf32, #tpu.memory_space<vmem>>) offsets(%dma_start3A_181 : memref<80xi32, #tpu.memory_space<vmem>>) semaphore(%arg15 : memref<!tpu.dma_semaphore, #tpu.memory_space<semaphore_mem>>)
        } else {
        }
        %mul3A_143 = arith.constant 5 : i32
        %mul3A_144 = arith.muli %mul3A_143, %scan3A_95 : i32
        %add3A_145 = arith.constant 3 : i32
        %add3A_146 = arith.addi %mul3A_144, %add3A_145 : i32
        %dma_wait3A_147 = arith.constant 0 : i32
        %dma_wait3A_148 = arith.constant 0 : i32
        %dma_wait3A_149 = tpu.memref_slice %arg2[%dma_wait3A_147, %dma_wait3A_148] : memref<10000x64xf32, #tpu.memory_space<hbm>> -> memref<80x64xf32, #tpu.memory_space<hbm>>
        %dma_wait3A_150 = arith.constant 0 : i32
        %dma_wait3A_151 = arith.constant 0 : i32
        %dma_wait3A_152 = tpu.memref_slice %arg2[%dma_wait3A_150, %dma_wait3A_151] : memref<10000x64xf32, #tpu.memory_space<hbm>> -> memref<80x64xf32, #tpu.memory_space<hbm>>
        tpu.wait_dma2 semaphore(%arg16 : memref<!tpu.dma_semaphore, #tpu.memory_space<semaphore_mem>>) src(%dma_wait3A_152 : memref<80x64xf32, #tpu.memory_space<hbm>>) dst(%arg10 : memref<80x64xf32, #tpu.memory_space<vmem>>)
        "tpu.region"() ({
          %run_scoped3A_177 = tpu.sem_alloc : memref<!tpu.dma_semaphore, #tpu.memory_space<semaphore_mem>>
          %dma_start3A_178 = arith.constant 0 : i32
          %dma_start3A_179 = tpu.memref_slice %arg6[%add3A_146, %dma_start3A_178] : memref<50x80xi32, #tpu.memory_space<vmem>> -> memref<1x80xi32, #tpu.memory_space<vmem>>
          %dma_start3A_180 = tpu.memref_squeeze %dma_start3A_179 : memref<1x80xi32, #tpu.memory_space<vmem>> -> memref<80xi32, #tpu.memory_space<vmem>>
          %dma_start3A_181 = arith.constant 0 : i32
          %dma_start3A_182 = arith.constant 0 : i32
          %dma_start3A_183 = tpu.memref_slice %arg12[%dma_start3A_181, %dma_start3A_182] : memref<10240x64xf32, #tpu.memory_space<vmem_shared>> -> memref<10240x64xf32, #tpu.memory_space<vmem_shared>>
          tpu.enqueue_indirect_dma source(%arg10 : memref<80x64xf32, #tpu.memory_space<vmem>>) target(%dma_start3A_183 : memref<10240x64xf32, #tpu.memory_space<vmem_shared>>) offsets(%dma_start3A_180 : memref<80xi32, #tpu.memory_space<vmem>>) semaphore(%run_scoped3A_177 : memref<!tpu.dma_semaphore, #tpu.memory_space<semaphore_mem>>) {add = true}
          %dma_wait3A_184 = arith.constant 0 : i32
          %dma_wait3A_185 = tpu.memref_slice %arg6[%add3A_146, %dma_wait3A_184] : memref<50x80xi32, #tpu.memory_space<vmem>> -> memref<1x80xi32, #tpu.memory_space<vmem>>
          %dma_wait3A_186 = tpu.memref_squeeze %dma_wait3A_185 : memref<1x80xi32, #tpu.memory_space<vmem>> -> memref<80xi32, #tpu.memory_space<vmem>>
          %dma_wait3A_187 = arith.constant 0 : i32
          %dma_wait3A_188 = arith.constant 0 : i32
          %dma_wait3A_189 = tpu.memref_slice %arg12[%dma_wait3A_187, %dma_wait3A_188] : memref<10240x64xf32, #tpu.memory_space<vmem_shared>> -> memref<10240x64xf32, #tpu.memory_space<vmem_shared>>
          tpu.wait_indirect_dma semaphore(%run_scoped3A_177 : memref<!tpu.dma_semaphore, #tpu.memory_space<semaphore_mem>>) src(%arg10 : memref<80x64xf32, #tpu.memory_space<vmem>>) dst(%dma_wait3A_189 : memref<10240x64xf32, #tpu.memory_space<vmem_shared>>)
          tpu.yield
        }) : () -> ()
        %add3A_153 = arith.constant 5 : i32
        %add3A_154 = arith.addi %add3A_146, %add3A_153 : i32
        %lt3A_155 = arith.constant 50 : i32
        %lt3A_156 = arith.cmpi slt, %add3A_154, %lt3A_155 : i32
        %convert_element_type3A_157 = arith.extui %lt3A_156 : i1 to i32
        %cond3A_158 = arith.constant 0 : i32
        %cond3A_159 = arith.cmpi ne, %convert_element_type3A_157, %cond3A_158 : i32
        scf.if %cond3A_159 {
          %add3A_177 = arith.constant 5 : i32
          %add3A_178 = arith.addi %add3A_146, %add3A_177 : i32
          %dma_start3A_179 = arith.constant 0 : i32
          %dma_start3A_180 = tpu.memref_slice %arg5[%add3A_178, %dma_start3A_179] : memref<50x80xi32, #tpu.memory_space<vmem>> -> memref<1x80xi32, #tpu.memory_space<vmem>>
          %dma_start3A_181 = tpu.memref_squeeze %dma_start3A_180 : memref<1x80xi32, #tpu.memory_space<vmem>> -> memref<80xi32, #tpu.memory_space<vmem>>
          %dma_start3A_182 = arith.constant 0 : i32
          %dma_start3A_183 = arith.constant 0 : i32
          %dma_start3A_184 = tpu.memref_slice %arg2[%dma_start3A_182, %dma_start3A_183] : memref<10000x64xf32, #tpu.memory_space<hbm>> -> memref<10000x64xf32, #tpu.memory_space<hbm>>
          tpu.enqueue_indirect_dma source(%dma_start3A_184 : memref<10000x64xf32, #tpu.memory_space<hbm>>) target(%arg10 : memref<80x64xf32, #tpu.memory_space<vmem>>) offsets(%dma_start3A_181 : memref<80xi32, #tpu.memory_space<vmem>>) semaphore(%arg16 : memref<!tpu.dma_semaphore, #tpu.memory_space<semaphore_mem>>)
        } else {
        }
        %mul3A_160 = arith.constant 5 : i32
        %mul3A_161 = arith.muli %mul3A_160, %scan3A_95 : i32
        %add3A_162 = arith.constant 4 : i32
        %add3A_163 = arith.addi %mul3A_161, %add3A_162 : i32
        %dma_wait3A_164 = arith.constant 0 : i32
        %dma_wait3A_165 = arith.constant 0 : i32
        %dma_wait3A_166 = tpu.memref_slice %arg2[%dma_wait3A_164, %dma_wait3A_165] : memref<10000x64xf32, #tpu.memory_space<hbm>> -> memref<80x64xf32, #tpu.memory_space<hbm>>
        %dma_wait3A_167 = arith.constant 0 : i32
        %dma_wait3A_168 = arith.constant 0 : i32
        %dma_wait3A_169 = tpu.memref_slice %arg2[%dma_wait3A_167, %dma_wait3A_168] : memref<10000x64xf32, #tpu.memory_space<hbm>> -> memref<80x64xf32, #tpu.memory_space<hbm>>
        tpu.wait_dma2 semaphore(%arg17 : memref<!tpu.dma_semaphore, #tpu.memory_space<semaphore_mem>>) src(%dma_wait3A_169 : memref<80x64xf32, #tpu.memory_space<hbm>>) dst(%arg11 : memref<80x64xf32, #tpu.memory_space<vmem>>)
        "tpu.region"() ({
          %run_scoped3A_177 = tpu.sem_alloc : memref<!tpu.dma_semaphore, #tpu.memory_space<semaphore_mem>>
          %dma_start3A_178 = arith.constant 0 : i32
          %dma_start3A_179 = tpu.memref_slice %arg6[%add3A_163, %dma_start3A_178] : memref<50x80xi32, #tpu.memory_space<vmem>> -> memref<1x80xi32, #tpu.memory_space<vmem>>
          %dma_start3A_180 = tpu.memref_squeeze %dma_start3A_179 : memref<1x80xi32, #tpu.memory_space<vmem>> -> memref<80xi32, #tpu.memory_space<vmem>>
          %dma_start3A_181 = arith.constant 0 : i32
          %dma_start3A_182 = arith.constant 0 : i32
          %dma_start3A_183 = tpu.memref_slice %arg12[%dma_start3A_181, %dma_start3A_182] : memref<10240x64xf32, #tpu.memory_space<vmem_shared>> -> memref<10240x64xf32, #tpu.memory_space<vmem_shared>>
          tpu.enqueue_indirect_dma source(%arg11 : memref<80x64xf32, #tpu.memory_space<vmem>>) target(%dma_start3A_183 : memref<10240x64xf32, #tpu.memory_space<vmem_shared>>) offsets(%dma_start3A_180 : memref<80xi32, #tpu.memory_space<vmem>>) semaphore(%run_scoped3A_177 : memref<!tpu.dma_semaphore, #tpu.memory_space<semaphore_mem>>) {add = true}
          %dma_wait3A_184 = arith.constant 0 : i32
          %dma_wait3A_185 = tpu.memref_slice %arg6[%add3A_163, %dma_wait3A_184] : memref<50x80xi32, #tpu.memory_space<vmem>> -> memref<1x80xi32, #tpu.memory_space<vmem>>
          %dma_wait3A_186 = tpu.memref_squeeze %dma_wait3A_185 : memref<1x80xi32, #tpu.memory_space<vmem>> -> memref<80xi32, #tpu.memory_space<vmem>>
          %dma_wait3A_187 = arith.constant 0 : i32
          %dma_wait3A_188 = arith.constant 0 : i32
          %dma_wait3A_189 = tpu.memref_slice %arg12[%dma_wait3A_187, %dma_wait3A_188] : memref<10240x64xf32, #tpu.memory_space<vmem_shared>> -> memref<10240x64xf32, #tpu.memory_space<vmem_shared>>
          tpu.wait_indirect_dma semaphore(%run_scoped3A_177 : memref<!tpu.dma_semaphore, #tpu.memory_space<semaphore_mem>>) src(%arg11 : memref<80x64xf32, #tpu.memory_space<vmem>>) dst(%dma_wait3A_189 : memref<10240x64xf32, #tpu.memory_space<vmem_shared>>)
          tpu.yield
        }) : () -> ()
        %add3A_170 = arith.constant 5 : i32
        %add3A_171 = arith.addi %add3A_163, %add3A_170 : i32
        %lt3A_172 = arith.constant 50 : i32
        %lt3A_173 = arith.cmpi slt, %add3A_171, %lt3A_172 : i32
        %convert_element_type3A_174 = arith.extui %lt3A_173 : i1 to i32
        %cond3A_175 = arith.constant 0 : i32
        %cond3A_176 = arith.cmpi ne, %convert_element_type3A_174, %cond3A_175 : i32
        scf.if %cond3A_176 {
          %add3A_177 = arith.constant 5 : i32
          %add3A_178 = arith.addi %add3A_163, %add3A_177 : i32
          %dma_start3A_179 = arith.constant 0 : i32
          %dma_start3A_180 = tpu.memref_slice %arg5[%add3A_178, %dma_start3A_179] : memref<50x80xi32, #tpu.memory_space<vmem>> -> memref<1x80xi32, #tpu.memory_space<vmem>>
          %dma_start3A_181 = tpu.memref_squeeze %dma_start3A_180 : memref<1x80xi32, #tpu.memory_space<vmem>> -> memref<80xi32, #tpu.memory_space<vmem>>
          %dma_start3A_182 = arith.constant 0 : i32
          %dma_start3A_183 = arith.constant 0 : i32
          %dma_start3A_184 = tpu.memref_slice %arg2[%dma_start3A_182, %dma_start3A_183] : memref<10000x64xf32, #tpu.memory_space<hbm>> -> memref<10000x64xf32, #tpu.memory_space<hbm>>
          tpu.enqueue_indirect_dma source(%dma_start3A_184 : memref<10000x64xf32, #tpu.memory_space<hbm>>) target(%arg11 : memref<80x64xf32, #tpu.memory_space<vmem>>) offsets(%dma_start3A_181 : memref<80xi32, #tpu.memory_space<vmem>>) semaphore(%arg17 : memref<!tpu.dma_semaphore, #tpu.memory_space<semaphore_mem>>)
        } else {
        }
      }
      %scan3A_94 = arith.constant 10 : i32
    }
    %scan3A_43 = arith.constant 5 : i32
    %barrier3A_44 = arith.constant 0 : index
    tpu.barrier barrier_id(%barrier3A_44)
    %mul3A_45 = arith.constant 640 : i32
    %mul3A_46 = arith.muli %arg1, %mul3A_45 : i32
    %mul3A_47 = arith.constant 640 : i32
    %mul3A_48 = arith.muli %arg1, %mul3A_47 : i32
    "tpu.region"() ({
      %run_scoped3A = tpu.sem_alloc : memref<!tpu.dma_semaphore, #tpu.memory_space<semaphore_mem>>
      %dma_start3A = arith.constant 0 : i32
      %dma_start3A_49 = tpu.memref_slice %arg4[%arg0, %mul3A_48, %dma_start3A] : memref<2x10240x64xf32, #tpu.memory_space<hbm>> -> memref<1x640x64xf32, #tpu.memory_space<hbm>>
      %dma_start3A_50 = tpu.memref_squeeze %dma_start3A_49 : memref<1x640x64xf32, #tpu.memory_space<hbm>> -> memref<640x64xf32, #tpu.memory_space<hbm>>
      %dma_start3A_51 = arith.constant 0 : i32
      %dma_start3A_52 = tpu.memref_slice %arg12[%mul3A_46, %dma_start3A_51] : memref<10240x64xf32, #tpu.memory_space<vmem_shared>> -> memref<640x64xf32, #tpu.memory_space<vmem_shared>>
      tpu.enqueue_dma source(%dma_start3A_52 : memref<640x64xf32, #tpu.memory_space<vmem_shared>>) target(%dma_start3A_50 : memref<640x64xf32, #tpu.memory_space<hbm>>) target_semaphore(%run_scoped3A : memref<!tpu.dma_semaphore, #tpu.memory_space<semaphore_mem>>)
      %dma_wait3A = arith.constant 0 : i32
      %dma_wait3A_53 = tpu.memref_slice %arg4[%arg0, %mul3A_48, %dma_wait3A] : memref<2x10240x64xf32, #tpu.memory_space<hbm>> -> memref<1x640x64xf32, #tpu.memory_space<hbm>>
      %dma_wait3A_54 = tpu.memref_squeeze %dma_wait3A_53 : memref<1x640x64xf32, #tpu.memory_space<hbm>> -> memref<640x64xf32, #tpu.memory_space<hbm>>
      %dma_wait3A_55 = arith.constant 0 : i32
      %dma_wait3A_56 = tpu.memref_slice %arg12[%mul3A_46, %dma_wait3A_55] : memref<10240x64xf32, #tpu.memory_space<vmem_shared>> -> memref<640x64xf32, #tpu.memory_space<vmem_shared>>
      tpu.wait_dma2 semaphore(%run_scoped3A : memref<!tpu.dma_semaphore, #tpu.memory_space<semaphore_mem>>) src(%dma_wait3A_56 : memref<640x64xf32, #tpu.memory_space<vmem_shared>>) dst(%dma_wait3A_54 : memref<640x64xf32, #tpu.memory_space<hbm>>)
      tpu.yield
    }) : () -> ()
    return
  }
}

#map = affine_map<(d0, d1) -> (0, 0)>
#map1 = affine_map<(d0, d1) -> (0, 0, 0, 0)>
#map2 = affine_map<(d0, d1) -> (0, 0, 0)>
module attributes {stable_mosaic.version = 14 : i64} {
  func.func @seg_accum(%arg0: i32, %arg1: i32, %arg2: memref<10000x112xf32, #tpu.memory_space<hbm>>, %arg3: memref<2x32x250x80xi32, #tpu.memory_space<hbm>>, %arg4: memref<2x10240x112xf32, #tpu.memory_space<hbm>>, %arg5: memref<50x80xi32, #tpu.memory_space<vmem>>, %arg6: memref<50x80xi32, #tpu.memory_space<vmem>>, %arg7: memref<80x112xf32, #tpu.memory_space<vmem>>, %arg8: memref<80x112xf32, #tpu.memory_space<vmem>>, %arg9: memref<80x112xf32, #tpu.memory_space<vmem>>, %arg10: memref<80x112xf32, #tpu.memory_space<vmem>>, %arg11: memref<80x112xf32, #tpu.memory_space<vmem>>, %arg12: memref<10240x112xf32, #tpu.memory_space<vmem_shared>>, %arg13: memref<!tpu.dma_semaphore, #tpu.memory_space<semaphore_mem>>, %arg14: memref<!tpu.dma_semaphore, #tpu.memory_space<semaphore_mem>>, %arg15: memref<!tpu.dma_semaphore, #tpu.memory_space<semaphore_mem>>, %arg16: memref<!tpu.dma_semaphore, #tpu.memory_space<semaphore_mem>>, %arg17: memref<!tpu.dma_semaphore, #tpu.memory_space<semaphore_mem>>) attributes {dimension_semantics = [#tpu.dimension_semantics<core_parallel>, #tpu.dimension_semantics<subcore_parallel>], iteration_bounds = array<i64: 2, 16>, scalar_prefetch = 0 : i64, scratch_operands = 13 : i64, tpu.core_type = #tpu.core_type<sc_vector_subcore>, window_params = [{transform_indices = #map}, {transform_indices = #map1}, {transform_indices = #map2}]} {
    %mul3A = arith.constant 2 : i32
    %mul3A_0 = arith.muli %arg1, %mul3A : i32
    %add3A = arith.addi %mul3A_0, %arg0 : i32
    %scan3A = arith.constant 0 : i32
    %scan3A_1 = arith.constant 0 : i32
    %scan3A_2 = arith.constant 80 : i32
    %scan3A_3 = arith.addi %scan3A_1, %scan3A_2 : i32
    %scan3A_4 = arith.constant 1 : i32
    scf.for %scan3A_49 = %scan3A_1 to %scan3A_3 step %scan3A_4  : i32 {
      %broadcast_in_dim3A = arith.constant 0.000000e+00 : f32
      %broadcast_in_dim3A_50 = vector.broadcast %broadcast_in_dim3A : f32 to vector<16xf32>
      %swap3A = arith.index_cast %scan3A_49 : i32 to index
      %swap3A_51 = arith.constant 0 : index
      %swap3A_52 = tpu.vector_load %arg7[%swap3A, %swap3A_51] {strides = array<i32>} : memref<80x112xf32, #tpu.memory_space<vmem>>, vector<1x16xf32>,
      %swap3A_53 = vector.shape_cast %swap3A_52 : vector<1x16xf32> to vector<16xf32>
      %swap3A_54 = vector.shape_cast %broadcast_in_dim3A_50 : vector<16xf32> to vector<1x16xf32>
      tpu.vector_store %arg7[%swap3A, %swap3A_51], %swap3A_54 {strides = array<i32>} : memref<80x112xf32, #tpu.memory_space<vmem>>, vector<1x16xf32>,
      %broadcast_in_dim3A_55 = arith.constant 0.000000e+00 : f32
      %broadcast_in_dim3A_56 = vector.broadcast %broadcast_in_dim3A_55 : f32 to vector<16xf32>
      %swap3A_57 = arith.index_cast %scan3A_49 : i32 to index
      %swap3A_58 = arith.constant 16 : index
      %swap3A_59 = tpu.vector_load %arg7[%swap3A_57, %swap3A_58] {strides = array<i32>} : memref<80x112xf32, #tpu.memory_space<vmem>>, vector<1x16xf32>,
      %swap3A_60 = vector.shape_cast %swap3A_59 : vector<1x16xf32> to vector<16xf32>
      %swap3A_61 = vector.shape_cast %broadcast_in_dim3A_56 : vector<16xf32> to vector<1x16xf32>
      tpu.vector_store %arg7[%swap3A_57, %swap3A_58], %swap3A_61 {strides = array<i32>} : memref<80x112xf32, #tpu.memory_space<vmem>>, vector<1x16xf32>,
      %broadcast_in_dim3A_62 = arith.constant 0.000000e+00 : f32
      %broadcast_in_dim3A_63 = vector.broadcast %broadcast_in_dim3A_62 : f32 to vector<16xf32>
      %swap3A_64 = arith.index_cast %scan3A_49 : i32 to index
      %swap3A_65 = arith.constant 32 : index
      %swap3A_66 = tpu.vector_load %arg7[%swap3A_64, %swap3A_65] {strides = array<i32>} : memref<80x112xf32, #tpu.memory_space<vmem>>, vector<1x16xf32>,
      %swap3A_67 = vector.shape_cast %swap3A_66 : vector<1x16xf32> to vector<16xf32>
      %swap3A_68 = vector.shape_cast %broadcast_in_dim3A_63 : vector<16xf32> to vector<1x16xf32>
      tpu.vector_store %arg7[%swap3A_64, %swap3A_65], %swap3A_68 {strides = array<i32>} : memref<80x112xf32, #tpu.memory_space<vmem>>, vector<1x16xf32>,
      %broadcast_in_dim3A_69 = arith.constant 0.000000e+00 : f32
      %broadcast_in_dim3A_70 = vector.broadcast %broadcast_in_dim3A_69 : f32 to vector<16xf32>
      %swap3A_71 = arith.index_cast %scan3A_49 : i32 to index
      %swap3A_72 = arith.constant 48 : index
      %swap3A_73 = tpu.vector_load %arg7[%swap3A_71, %swap3A_72] {strides = array<i32>} : memref<80x112xf32, #tpu.memory_space<vmem>>, vector<1x16xf32>,
      %swap3A_74 = vector.shape_cast %swap3A_73 : vector<1x16xf32> to vector<16xf32>
      %swap3A_75 = vector.shape_cast %broadcast_in_dim3A_70 : vector<16xf32> to vector<1x16xf32>
      tpu.vector_store %arg7[%swap3A_71, %swap3A_72], %swap3A_75 {strides = array<i32>} : memref<80x112xf32, #tpu.memory_space<vmem>>, vector<1x16xf32>,
      %broadcast_in_dim3A_76 = arith.constant 0.000000e+00 : f32
      %broadcast_in_dim3A_77 = vector.broadcast %broadcast_in_dim3A_76 : f32 to vector<16xf32>
      %swap3A_78 = arith.index_cast %scan3A_49 : i32 to index
      %swap3A_79 = arith.constant 64 : index
      %swap3A_80 = tpu.vector_load %arg7[%swap3A_78, %swap3A_79] {strides = array<i32>} : memref<80x112xf32, #tpu.memory_space<vmem>>, vector<1x16xf32>,
      %swap3A_81 = vector.shape_cast %swap3A_80 : vector<1x16xf32> to vector<16xf32>
      %swap3A_82 = vector.shape_cast %broadcast_in_dim3A_77 : vector<16xf32> to vector<1x16xf32>
      tpu.vector_store %arg7[%swap3A_78, %swap3A_79], %swap3A_82 {strides = array<i32>} : memref<80x112xf32, #tpu.memory_space<vmem>>, vector<1x16xf32>,
      %broadcast_in_dim3A_83 = arith.constant 0.000000e+00 : f32
      %broadcast_in_dim3A_84 = vector.broadcast %broadcast_in_dim3A_83 : f32 to vector<16xf32>
      %swap3A_85 = arith.index_cast %scan3A_49 : i32 to index
      %swap3A_86 = arith.constant 80 : index
      %swap3A_87 = tpu.vector_load %arg7[%swap3A_85, %swap3A_86] {strides = array<i32>} : memref<80x112xf32, #tpu.memory_space<vmem>>, vector<1x16xf32>,
      %swap3A_88 = vector.shape_cast %swap3A_87 : vector<1x16xf32> to vector<16xf32>
      %swap3A_89 = vector.shape_cast %broadcast_in_dim3A_84 : vector<16xf32> to vector<1x16xf32>
      tpu.vector_store %arg7[%swap3A_85, %swap3A_86], %swap3A_89 {strides = array<i32>} : memref<80x112xf32, #tpu.memory_space<vmem>>, vector<1x16xf32>,
      %broadcast_in_dim3A_90 = arith.constant 0.000000e+00 : f32
      %broadcast_in_dim3A_91 = vector.broadcast %broadcast_in_dim3A_90 : f32 to vector<16xf32>
      %swap3A_92 = arith.index_cast %scan3A_49 : i32 to index
      %swap3A_93 = arith.constant 96 : index
      %swap3A_94 = tpu.vector_load %arg7[%swap3A_92, %swap3A_93] {strides = array<i32>} : memref<80x112xf32, #tpu.memory_space<vmem>>, vector<1x16xf32>,
      %swap3A_95 = vector.shape_cast %swap3A_94 : vector<1x16xf32> to vector<16xf32>
      %swap3A_96 = vector.shape_cast %broadcast_in_dim3A_91 : vector<16xf32> to vector<1x16xf32>
      tpu.vector_store %arg7[%swap3A_92, %swap3A_93], %swap3A_96 {strides = array<i32>} : memref<80x112xf32, #tpu.memory_space<vmem>>, vector<1x16xf32>,
    }
    %scan3A_5 = arith.constant 80 : i32
    %mul3A_6 = arith.constant 640 : i32
    %mul3A_7 = arith.muli %arg1, %mul3A_6 : i32
    %add3A_8 = arith.constant 0 : i32
    %add3A_9 = arith.addi %mul3A_7, %add3A_8 : i32
    "tpu.region"() ({
      %run_scoped3A = tpu.sem_alloc : memref<!tpu.dma_semaphore, #tpu.memory_space<semaphore_mem>>
      %dma_start3A = arith.constant 0 : i32
      %dma_start3A_49 = tpu.memref_slice %arg12[%add3A_9, %dma_start3A] : memref<10240x112xf32, #tpu.memory_space<vmem_shared>> -> memref<80x112xf32, #tpu.memory_space<vmem_shared>>
      %dma_start3A_50 = arith.constant 0 : i32
      %dma_start3A_51 = tpu.memref_slice %arg12[%add3A_9, %dma_start3A_50] : memref<10240x112xf32, #tpu.memory_space<vmem_shared>> -> memref<80x112xf32, #tpu.memory_space<vmem_shared>>
      tpu.enqueue_dma source(%arg7 : memref<80x112xf32, #tpu.memory_space<vmem>>) target(%dma_start3A_51 : memref<80x112xf32, #tpu.memory_space<vmem_shared>>) target_semaphore(%run_scoped3A : memref<!tpu.dma_semaphore, #tpu.memory_space<semaphore_mem>>)
      %dma_wait3A = arith.constant 0 : i32
      %dma_wait3A_52 = tpu.memref_slice %arg12[%add3A_9, %dma_wait3A] : memref<10240x112xf32, #tpu.memory_space<vmem_shared>> -> memref<80x112xf32, #tpu.memory_space<vmem_shared>>
      %dma_wait3A_53 = arith.constant 0 : i32
      %dma_wait3A_54 = tpu.memref_slice %arg12[%add3A_9, %dma_wait3A_53] : memref<10240x112xf32, #tpu.memory_space<vmem_shared>> -> memref<80x112xf32, #tpu.memory_space<vmem_shared>>
      tpu.wait_dma2 semaphore(%run_scoped3A : memref<!tpu.dma_semaphore, #tpu.memory_space<semaphore_mem>>) src(%arg7 : memref<80x112xf32, #tpu.memory_space<vmem>>) dst(%dma_wait3A_54 : memref<80x112xf32, #tpu.memory_space<vmem_shared>>)
      tpu.yield
    }) : () -> ()
    %mul3A_10 = arith.constant 640 : i32
    %mul3A_11 = arith.muli %arg1, %mul3A_10 : i32
    %add3A_12 = arith.constant 80 : i32
    %add3A_13 = arith.addi %mul3A_11, %add3A_12 : i32
    "tpu.region"() ({
      %run_scoped3A = tpu.sem_alloc : memref<!tpu.dma_semaphore, #tpu.memory_space<semaphore_mem>>
      %dma_start3A = arith.constant 0 : i32
      %dma_start3A_49 = tpu.memref_slice %arg12[%add3A_13, %dma_start3A] : memref<10240x112xf32, #tpu.memory_space<vmem_shared>> -> memref<80x112xf32, #tpu.memory_space<vmem_shared>>
      %dma_start3A_50 = arith.constant 0 : i32
      %dma_start3A_51 = tpu.memref_slice %arg12[%add3A_13, %dma_start3A_50] : memref<10240x112xf32, #tpu.memory_space<vmem_shared>> -> memref<80x112xf32, #tpu.memory_space<vmem_shared>>
      tpu.enqueue_dma source(%arg7 : memref<80x112xf32, #tpu.memory_space<vmem>>) target(%dma_start3A_51 : memref<80x112xf32, #tpu.memory_space<vmem_shared>>) target_semaphore(%run_scoped3A : memref<!tpu.dma_semaphore, #tpu.memory_space<semaphore_mem>>)
      %dma_wait3A = arith.constant 0 : i32
      %dma_wait3A_52 = tpu.memref_slice %arg12[%add3A_13, %dma_wait3A] : memref<10240x112xf32, #tpu.memory_space<vmem_shared>> -> memref<80x112xf32, #tpu.memory_space<vmem_shared>>
      %dma_wait3A_53 = arith.constant 0 : i32
      %dma_wait3A_54 = tpu.memref_slice %arg12[%add3A_13, %dma_wait3A_53] : memref<10240x112xf32, #tpu.memory_space<vmem_shared>> -> memref<80x112xf32, #tpu.memory_space<vmem_shared>>
      tpu.wait_dma2 semaphore(%run_scoped3A : memref<!tpu.dma_semaphore, #tpu.memory_space<semaphore_mem>>) src(%arg7 : memref<80x112xf32, #tpu.memory_space<vmem>>) dst(%dma_wait3A_54 : memref<80x112xf32, #tpu.memory_space<vmem_shared>>)
      tpu.yield
    }) : () -> ()
    %mul3A_14 = arith.constant 640 : i32
    %mul3A_15 = arith.muli %arg1, %mul3A_14 : i32
    %add3A_16 = arith.constant 160 : i32
    %add3A_17 = arith.addi %mul3A_15, %add3A_16 : i32
    "tpu.region"() ({
      %run_scoped3A = tpu.sem_alloc : memref<!tpu.dma_semaphore, #tpu.memory_space<semaphore_mem>>
      %dma_start3A = arith.constant 0 : i32
      %dma_start3A_49 = tpu.memref_slice %arg12[%add3A_17, %dma_start3A] : memref<10240x112xf32, #tpu.memory_space<vmem_shared>> -> memref<80x112xf32, #tpu.memory_space<vmem_shared>>
      %dma_start3A_50 = arith.constant 0 : i32
      %dma_start3A_51 = tpu.memref_slice %arg12[%add3A_17, %dma_start3A_50] : memref<10240x112xf32, #tpu.memory_space<vmem_shared>> -> memref<80x112xf32, #tpu.memory_space<vmem_shared>>
      tpu.enqueue_dma source(%arg7 : memref<80x112xf32, #tpu.memory_space<vmem>>) target(%dma_start3A_51 : memref<80x112xf32, #tpu.memory_space<vmem_shared>>) target_semaphore(%run_scoped3A : memref<!tpu.dma_semaphore, #tpu.memory_space<semaphore_mem>>)
      %dma_wait3A = arith.constant 0 : i32
      %dma_wait3A_52 = tpu.memref_slice %arg12[%add3A_17, %dma_wait3A] : memref<10240x112xf32, #tpu.memory_space<vmem_shared>> -> memref<80x112xf32, #tpu.memory_space<vmem_shared>>
      %dma_wait3A_53 = arith.constant 0 : i32
      %dma_wait3A_54 = tpu.memref_slice %arg12[%add3A_17, %dma_wait3A_53] : memref<10240x112xf32, #tpu.memory_space<vmem_shared>> -> memref<80x112xf32, #tpu.memory_space<vmem_shared>>
      tpu.wait_dma2 semaphore(%run_scoped3A : memref<!tpu.dma_semaphore, #tpu.memory_space<semaphore_mem>>) src(%arg7 : memref<80x112xf32, #tpu.memory_space<vmem>>) dst(%dma_wait3A_54 : memref<80x112xf32, #tpu.memory_space<vmem_shared>>)
      tpu.yield
    }) : () -> ()
    %mul3A_18 = arith.constant 640 : i32
    %mul3A_19 = arith.muli %arg1, %mul3A_18 : i32
    %add3A_20 = arith.constant 240 : i32
    %add3A_21 = arith.addi %mul3A_19, %add3A_20 : i32
    "tpu.region"() ({
      %run_scoped3A = tpu.sem_alloc : memref<!tpu.dma_semaphore, #tpu.memory_space<semaphore_mem>>
      %dma_start3A = arith.constant 0 : i32
      %dma_start3A_49 = tpu.memref_slice %arg12[%add3A_21, %dma_start3A] : memref<10240x112xf32, #tpu.memory_space<vmem_shared>> -> memref<80x112xf32, #tpu.memory_space<vmem_shared>>
      %dma_start3A_50 = arith.constant 0 : i32
      %dma_start3A_51 = tpu.memref_slice %arg12[%add3A_21, %dma_start3A_50] : memref<10240x112xf32, #tpu.memory_space<vmem_shared>> -> memref<80x112xf32, #tpu.memory_space<vmem_shared>>
      tpu.enqueue_dma source(%arg7 : memref<80x112xf32, #tpu.memory_space<vmem>>) target(%dma_start3A_51 : memref<80x112xf32, #tpu.memory_space<vmem_shared>>) target_semaphore(%run_scoped3A : memref<!tpu.dma_semaphore, #tpu.memory_space<semaphore_mem>>)
      %dma_wait3A = arith.constant 0 : i32
      %dma_wait3A_52 = tpu.memref_slice %arg12[%add3A_21, %dma_wait3A] : memref<10240x112xf32, #tpu.memory_space<vmem_shared>> -> memref<80x112xf32, #tpu.memory_space<vmem_shared>>
      %dma_wait3A_53 = arith.constant 0 : i32
      %dma_wait3A_54 = tpu.memref_slice %arg12[%add3A_21, %dma_wait3A_53] : memref<10240x112xf32, #tpu.memory_space<vmem_shared>> -> memref<80x112xf32, #tpu.memory_space<vmem_shared>>
      tpu.wait_dma2 semaphore(%run_scoped3A : memref<!tpu.dma_semaphore, #tpu.memory_space<semaphore_mem>>) src(%arg7 : memref<80x112xf32, #tpu.memory_space<vmem>>) dst(%dma_wait3A_54 : memref<80x112xf32, #tpu.memory_space<vmem_shared>>)
      tpu.yield
    }) : () -> ()
    %mul3A_22 = arith.constant 640 : i32
    %mul3A_23 = arith.muli %arg1, %mul3A_22 : i32
    %add3A_24 = arith.constant 320 : i32
    %add3A_25 = arith.addi %mul3A_23, %add3A_24 : i32
    "tpu.region"() ({
      %run_scoped3A = tpu.sem_alloc : memref<!tpu.dma_semaphore, #tpu.memory_space<semaphore_mem>>
      %dma_start3A = arith.constant 0 : i32
      %dma_start3A_49 = tpu.memref_slice %arg12[%add3A_25, %dma_start3A] : memref<10240x112xf32, #tpu.memory_space<vmem_shared>> -> memref<80x112xf32, #tpu.memory_space<vmem_shared>>
      %dma_start3A_50 = arith.constant 0 : i32
      %dma_start3A_51 = tpu.memref_slice %arg12[%add3A_25, %dma_start3A_50] : memref<10240x112xf32, #tpu.memory_space<vmem_shared>> -> memref<80x112xf32, #tpu.memory_space<vmem_shared>>
      tpu.enqueue_dma source(%arg7 : memref<80x112xf32, #tpu.memory_space<vmem>>) target(%dma_start3A_51 : memref<80x112xf32, #tpu.memory_space<vmem_shared>>) target_semaphore(%run_scoped3A : memref<!tpu.dma_semaphore, #tpu.memory_space<semaphore_mem>>)
      %dma_wait3A = arith.constant 0 : i32
      %dma_wait3A_52 = tpu.memref_slice %arg12[%add3A_25, %dma_wait3A] : memref<10240x112xf32, #tpu.memory_space<vmem_shared>> -> memref<80x112xf32, #tpu.memory_space<vmem_shared>>
      %dma_wait3A_53 = arith.constant 0 : i32
      %dma_wait3A_54 = tpu.memref_slice %arg12[%add3A_25, %dma_wait3A_53] : memref<10240x112xf32, #tpu.memory_space<vmem_shared>> -> memref<80x112xf32, #tpu.memory_space<vmem_shared>>
      tpu.wait_dma2 semaphore(%run_scoped3A : memref<!tpu.dma_semaphore, #tpu.memory_space<semaphore_mem>>) src(%arg7 : memref<80x112xf32, #tpu.memory_space<vmem>>) dst(%dma_wait3A_54 : memref<80x112xf32, #tpu.memory_space<vmem_shared>>)
      tpu.yield
    }) : () -> ()
    %mul3A_26 = arith.constant 640 : i32
    %mul3A_27 = arith.muli %arg1, %mul3A_26 : i32
    %add3A_28 = arith.constant 400 : i32
    %add3A_29 = arith.addi %mul3A_27, %add3A_28 : i32
    "tpu.region"() ({
      %run_scoped3A = tpu.sem_alloc : memref<!tpu.dma_semaphore, #tpu.memory_space<semaphore_mem>>
      %dma_start3A = arith.constant 0 : i32
      %dma_start3A_49 = tpu.memref_slice %arg12[%add3A_29, %dma_start3A] : memref<10240x112xf32, #tpu.memory_space<vmem_shared>> -> memref<80x112xf32, #tpu.memory_space<vmem_shared>>
      %dma_start3A_50 = arith.constant 0 : i32
      %dma_start3A_51 = tpu.memref_slice %arg12[%add3A_29, %dma_start3A_50] : memref<10240x112xf32, #tpu.memory_space<vmem_shared>> -> memref<80x112xf32, #tpu.memory_space<vmem_shared>>
      tpu.enqueue_dma source(%arg7 : memref<80x112xf32, #tpu.memory_space<vmem>>) target(%dma_start3A_51 : memref<80x112xf32, #tpu.memory_space<vmem_shared>>) target_semaphore(%run_scoped3A : memref<!tpu.dma_semaphore, #tpu.memory_space<semaphore_mem>>)
      %dma_wait3A = arith.constant 0 : i32
      %dma_wait3A_52 = tpu.memref_slice %arg12[%add3A_29, %dma_wait3A] : memref<10240x112xf32, #tpu.memory_space<vmem_shared>> -> memref<80x112xf32, #tpu.memory_space<vmem_shared>>
      %dma_wait3A_53 = arith.constant 0 : i32
      %dma_wait3A_54 = tpu.memref_slice %arg12[%add3A_29, %dma_wait3A_53] : memref<10240x112xf32, #tpu.memory_space<vmem_shared>> -> memref<80x112xf32, #tpu.memory_space<vmem_shared>>
      tpu.wait_dma2 semaphore(%run_scoped3A : memref<!tpu.dma_semaphore, #tpu.memory_space<semaphore_mem>>) src(%arg7 : memref<80x112xf32, #tpu.memory_space<vmem>>) dst(%dma_wait3A_54 : memref<80x112xf32, #tpu.memory_space<vmem_shared>>)
      tpu.yield
    }) : () -> ()
    %mul3A_30 = arith.constant 640 : i32
    %mul3A_31 = arith.muli %arg1, %mul3A_30 : i32
    %add3A_32 = arith.constant 480 : i32
    %add3A_33 = arith.addi %mul3A_31, %add3A_32 : i32
    "tpu.region"() ({
      %run_scoped3A = tpu.sem_alloc : memref<!tpu.dma_semaphore, #tpu.memory_space<semaphore_mem>>
      %dma_start3A = arith.constant 0 : i32
      %dma_start3A_49 = tpu.memref_slice %arg12[%add3A_33, %dma_start3A] : memref<10240x112xf32, #tpu.memory_space<vmem_shared>> -> memref<80x112xf32, #tpu.memory_space<vmem_shared>>
      %dma_start3A_50 = arith.constant 0 : i32
      %dma_start3A_51 = tpu.memref_slice %arg12[%add3A_33, %dma_start3A_50] : memref<10240x112xf32, #tpu.memory_space<vmem_shared>> -> memref<80x112xf32, #tpu.memory_space<vmem_shared>>
      tpu.enqueue_dma source(%arg7 : memref<80x112xf32, #tpu.memory_space<vmem>>) target(%dma_start3A_51 : memref<80x112xf32, #tpu.memory_space<vmem_shared>>) target_semaphore(%run_scoped3A : memref<!tpu.dma_semaphore, #tpu.memory_space<semaphore_mem>>)
      %dma_wait3A = arith.constant 0 : i32
      %dma_wait3A_52 = tpu.memref_slice %arg12[%add3A_33, %dma_wait3A] : memref<10240x112xf32, #tpu.memory_space<vmem_shared>> -> memref<80x112xf32, #tpu.memory_space<vmem_shared>>
      %dma_wait3A_53 = arith.constant 0 : i32
      %dma_wait3A_54 = tpu.memref_slice %arg12[%add3A_33, %dma_wait3A_53] : memref<10240x112xf32, #tpu.memory_space<vmem_shared>> -> memref<80x112xf32, #tpu.memory_space<vmem_shared>>
      tpu.wait_dma2 semaphore(%run_scoped3A : memref<!tpu.dma_semaphore, #tpu.memory_space<semaphore_mem>>) src(%arg7 : memref<80x112xf32, #tpu.memory_space<vmem>>) dst(%dma_wait3A_54 : memref<80x112xf32, #tpu.memory_space<vmem_shared>>)
      tpu.yield
    }) : () -> ()
    %mul3A_34 = arith.constant 640 : i32
    %mul3A_35 = arith.muli %arg1, %mul3A_34 : i32
    %add3A_36 = arith.constant 560 : i32
    %add3A_37 = arith.addi %mul3A_35, %add3A_36 : i32
    "tpu.region"() ({
      %run_scoped3A = tpu.sem_alloc : memref<!tpu.dma_semaphore, #tpu.memory_space<semaphore_mem>>
      %dma_start3A = arith.constant 0 : i32
      %dma_start3A_49 = tpu.memref_slice %arg12[%add3A_37, %dma_start3A] : memref<10240x112xf32, #tpu.memory_space<vmem_shared>> -> memref<80x112xf32, #tpu.memory_space<vmem_shared>>
      %dma_start3A_50 = arith.constant 0 : i32
      %dma_start3A_51 = tpu.memref_slice %arg12[%add3A_37, %dma_start3A_50] : memref<10240x112xf32, #tpu.memory_space<vmem_shared>> -> memref<80x112xf32, #tpu.memory_space<vmem_shared>>
      tpu.enqueue_dma source(%arg7 : memref<80x112xf32, #tpu.memory_space<vmem>>) target(%dma_start3A_51 : memref<80x112xf32, #tpu.memory_space<vmem_shared>>) target_semaphore(%run_scoped3A : memref<!tpu.dma_semaphore, #tpu.memory_space<semaphore_mem>>)
      %dma_wait3A = arith.constant 0 : i32
      %dma_wait3A_52 = tpu.memref_slice %arg12[%add3A_37, %dma_wait3A] : memref<10240x112xf32, #tpu.memory_space<vmem_shared>> -> memref<80x112xf32, #tpu.memory_space<vmem_shared>>
      %dma_wait3A_53 = arith.constant 0 : i32
      %dma_wait3A_54 = tpu.memref_slice %arg12[%add3A_37, %dma_wait3A_53] : memref<10240x112xf32, #tpu.memory_space<vmem_shared>> -> memref<80x112xf32, #tpu.memory_space<vmem_shared>>
      tpu.wait_dma2 semaphore(%run_scoped3A : memref<!tpu.dma_semaphore, #tpu.memory_space<semaphore_mem>>) src(%arg7 : memref<80x112xf32, #tpu.memory_space<vmem>>) dst(%dma_wait3A_54 : memref<80x112xf32, #tpu.memory_space<vmem_shared>>)
      tpu.yield
    }) : () -> ()
    %barrier3A = arith.constant 0 : index
    tpu.barrier barrier_id(%barrier3A)
    %scan3A_38 = arith.constant 0 : i32
    %scan3A_39 = arith.constant 0 : i32
    %scan3A_40 = arith.constant 5 : i32
    %scan3A_41 = arith.addi %scan3A_39, %scan3A_40 : i32
    %scan3A_42 = arith.constant 1 : i32
    scf.for %scan3A_49 = %scan3A_39 to %scan3A_41 step %scan3A_42  : i32 {
      %mul3A_50 = arith.constant 50 : i32
      %mul3A_51 = arith.muli %scan3A_49, %mul3A_50 : i32
      %run_scoped3A = arith.constant 0 : i32
      "tpu.region"() ({
        %run_scoped3A_95 = tpu.sem_alloc : memref<!tpu.dma_semaphore, #tpu.memory_space<semaphore_mem>>
        %dma_start3A_96 = arith.constant 0 : i32
        %dma_start3A_97 = tpu.memref_slice %arg3[%run_scoped3A, %add3A, %mul3A_51, %dma_start3A_96] : memref<2x32x250x80xi32, #tpu.memory_space<hbm>> -> memref<1x1x50x80xi32, #tpu.memory_space<hbm>>
        %dma_start3A_98 = tpu.memref_squeeze %dma_start3A_97 : memref<1x1x50x80xi32, #tpu.memory_space<hbm>> -> memref<50x80xi32, #tpu.memory_space<hbm>>
        %dma_start3A_99 = arith.constant 0 : i32
        %dma_start3A_100 = tpu.memref_slice %arg3[%run_scoped3A, %add3A, %mul3A_51, %dma_start3A_99] : memref<2x32x250x80xi32, #tpu.memory_space<hbm>> -> memref<1x1x50x80xi32, #tpu.memory_space<hbm>>
        %dma_start3A_101 = tpu.memref_squeeze %dma_start3A_100 : memref<1x1x50x80xi32, #tpu.memory_space<hbm>> -> memref<50x80xi32, #tpu.memory_space<hbm>>
        tpu.enqueue_dma source(%dma_start3A_101 : memref<50x80xi32, #tpu.memory_space<hbm>>) target(%arg5 : memref<50x80xi32, #tpu.memory_space<vmem>>) target_semaphore(%run_scoped3A_95 : memref<!tpu.dma_semaphore, #tpu.memory_space<semaphore_mem>>)
        %dma_wait3A = arith.constant 0 : i32
        %dma_wait3A_102 = tpu.memref_slice %arg3[%run_scoped3A, %add3A, %mul3A_51, %dma_wait3A] : memref<2x32x250x80xi32, #tpu.memory_space<hbm>> -> memref<1x1x50x80xi32, #tpu.memory_space<hbm>>
        %dma_wait3A_103 = tpu.memref_squeeze %dma_wait3A_102 : memref<1x1x50x80xi32, #tpu.memory_space<hbm>> -> memref<50x80xi32, #tpu.memory_space<hbm>>
        %dma_wait3A_104 = arith.constant 0 : i32
        %dma_wait3A_105 = tpu.memref_slice %arg3[%run_scoped3A, %add3A, %mul3A_51, %dma_wait3A_104] : memref<2x32x250x80xi32, #tpu.memory_space<hbm>> -> memref<1x1x50x80xi32, #tpu.memory_space<hbm>>
        %dma_wait3A_106 = tpu.memref_squeeze %dma_wait3A_105 : memref<1x1x50x80xi32, #tpu.memory_space<hbm>> -> memref<50x80xi32, #tpu.memory_space<hbm>>
        tpu.wait_dma2 semaphore(%run_scoped3A_95 : memref<!tpu.dma_semaphore, #tpu.memory_space<semaphore_mem>>) src(%dma_wait3A_106 : memref<50x80xi32, #tpu.memory_space<hbm>>) dst(%arg5 : memref<50x80xi32, #tpu.memory_space<vmem>>)
        tpu.yield
      }) : () -> ()
      %mul3A_52 = arith.constant 50 : i32
      %mul3A_53 = arith.muli %scan3A_49, %mul3A_52 : i32
      %run_scoped3A_54 = arith.constant 1 : i32
      "tpu.region"() ({
        %run_scoped3A_95 = tpu.sem_alloc : memref<!tpu.dma_semaphore, #tpu.memory_space<semaphore_mem>>
        %dma_start3A_96 = arith.constant 0 : i32
        %dma_start3A_97 = tpu.memref_slice %arg3[%run_scoped3A_54, %add3A, %mul3A_53, %dma_start3A_96] : memref<2x32x250x80xi32, #tpu.memory_space<hbm>> -> memref<1x1x50x80xi32, #tpu.memory_space<hbm>>
        %dma_start3A_98 = tpu.memref_squeeze %dma_start3A_97 : memref<1x1x50x80xi32, #tpu.memory_space<hbm>> -> memref<50x80xi32, #tpu.memory_space<hbm>>
        %dma_start3A_99 = arith.constant 0 : i32
        %dma_start3A_100 = tpu.memref_slice %arg3[%run_scoped3A_54, %add3A, %mul3A_53, %dma_start3A_99] : memref<2x32x250x80xi32, #tpu.memory_space<hbm>> -> memref<1x1x50x80xi32, #tpu.memory_space<hbm>>
        %dma_start3A_101 = tpu.memref_squeeze %dma_start3A_100 : memref<1x1x50x80xi32, #tpu.memory_space<hbm>> -> memref<50x80xi32, #tpu.memory_space<hbm>>
        tpu.enqueue_dma source(%dma_start3A_101 : memref<50x80xi32, #tpu.memory_space<hbm>>) target(%arg6 : memref<50x80xi32, #tpu.memory_space<vmem>>) target_semaphore(%run_scoped3A_95 : memref<!tpu.dma_semaphore, #tpu.memory_space<semaphore_mem>>)
        %dma_wait3A = arith.constant 0 : i32
        %dma_wait3A_102 = tpu.memref_slice %arg3[%run_scoped3A_54, %add3A, %mul3A_53, %dma_wait3A] : memref<2x32x250x80xi32, #tpu.memory_space<hbm>> -> memref<1x1x50x80xi32, #tpu.memory_space<hbm>>
        %dma_wait3A_103 = tpu.memref_squeeze %dma_wait3A_102 : memref<1x1x50x80xi32, #tpu.memory_space<hbm>> -> memref<50x80xi32, #tpu.memory_space<hbm>>
        %dma_wait3A_104 = arith.constant 0 : i32
        %dma_wait3A_105 = tpu.memref_slice %arg3[%run_scoped3A_54, %add3A, %mul3A_53, %dma_wait3A_104] : memref<2x32x250x80xi32, #tpu.memory_space<hbm>> -> memref<1x1x50x80xi32, #tpu.memory_space<hbm>>
        %dma_wait3A_106 = tpu.memref_squeeze %dma_wait3A_105 : memref<1x1x50x80xi32, #tpu.memory_space<hbm>> -> memref<50x80xi32, #tpu.memory_space<hbm>>
        tpu.wait_dma2 semaphore(%run_scoped3A_95 : memref<!tpu.dma_semaphore, #tpu.memory_space<semaphore_mem>>) src(%dma_wait3A_106 : memref<50x80xi32, #tpu.memory_space<hbm>>) dst(%arg6 : memref<50x80xi32, #tpu.memory_space<vmem>>)
        tpu.yield
      }) : () -> ()
      %dma_start3A = arith.constant 0 : i32
      %dma_start3A_55 = arith.constant 0 : i32
      %dma_start3A_56 = tpu.memref_slice %arg5[%dma_start3A, %dma_start3A_55] : memref<50x80xi32, #tpu.memory_space<vmem>> -> memref<1x80xi32, #tpu.memory_space<vmem>>
      %dma_start3A_57 = tpu.memref_squeeze %dma_start3A_56 : memref<1x80xi32, #tpu.memory_space<vmem>> -> memref<80xi32, #tpu.memory_space<vmem>>
      %dma_start3A_58 = arith.constant 0 : i32
      %dma_start3A_59 = arith.constant 0 : i32
      %dma_start3A_60 = tpu.memref_slice %arg2[%dma_start3A_58, %dma_start3A_59] : memref<10000x112xf32, #tpu.memory_space<hbm>> -> memref<10000x112xf32, #tpu.memory_space<hbm>>
      tpu.enqueue_indirect_dma source(%dma_start3A_60 : memref<10000x112xf32, #tpu.memory_space<hbm>>) target(%arg7 : memref<80x112xf32, #tpu.memory_space<vmem>>) offsets(%dma_start3A_57 : memref<80xi32, #tpu.memory_space<vmem>>) semaphore(%arg13 : memref<!tpu.dma_semaphore, #tpu.memory_space<semaphore_mem>>)
      %dma_start3A_61 = arith.constant 1 : i32
      %dma_start3A_62 = arith.constant 0 : i32
      %dma_start3A_63 = tpu.memref_slice %arg5[%dma_start3A_61, %dma_start3A_62] : memref<50x80xi32, #tpu.memory_space<vmem>> -> memref<1x80xi32, #tpu.memory_space<vmem>>
      %dma_start3A_64 = tpu.memref_squeeze %dma_start3A_63 : memref<1x80xi32, #tpu.memory_space<vmem>> -> memref<80xi32, #tpu.memory_space<vmem>>
      %dma_start3A_65 = arith.constant 0 : i32
      %dma_start3A_66 = arith.constant 0 : i32
      %dma_start3A_67 = tpu.memref_slice %arg2[%dma_start3A_65, %dma_start3A_66] : memref<10000x112xf32, #tpu.memory_space<hbm>> -> memref<10000x112xf32, #tpu.memory_space<hbm>>
      tpu.enqueue_indirect_dma source(%dma_start3A_67 : memref<10000x112xf32, #tpu.memory_space<hbm>>) target(%arg8 : memref<80x112xf32, #tpu.memory_space<vmem>>) offsets(%dma_start3A_64 : memref<80xi32, #tpu.memory_space<vmem>>) semaphore(%arg14 : memref<!tpu.dma_semaphore, #tpu.memory_space<semaphore_mem>>)
      %dma_start3A_68 = arith.constant 2 : i32
      %dma_start3A_69 = arith.constant 0 : i32
      %dma_start3A_70 = tpu.memref_slice %arg5[%dma_start3A_68, %dma_start3A_69] : memref<50x80xi32, #tpu.memory_space<vmem>> -> memref<1x80xi32, #tpu.memory_space<vmem>>
      %dma_start3A_71 = tpu.memref_squeeze %dma_start3A_70 : memref<1x80xi32, #tpu.memory_space<vmem>> -> memref<80xi32, #tpu.memory_space<vmem>>
      %dma_start3A_72 = arith.constant 0 : i32
      %dma_start3A_73 = arith.constant 0 : i32
      %dma_start3A_74 = tpu.memref_slice %arg2[%dma_start3A_72, %dma_start3A_73] : memref<10000x112xf32, #tpu.memory_space<hbm>> -> memref<10000x112xf32, #tpu.memory_space<hbm>>
      tpu.enqueue_indirect_dma source(%dma_start3A_74 : memref<10000x112xf32, #tpu.memory_space<hbm>>) target(%arg9 : memref<80x112xf32, #tpu.memory_space<vmem>>) offsets(%dma_start3A_71 : memref<80xi32, #tpu.memory_space<vmem>>) semaphore(%arg15 : memref<!tpu.dma_semaphore, #tpu.memory_space<semaphore_mem>>)
      %dma_start3A_75 = arith.constant 3 : i32
      %dma_start3A_76 = arith.constant 0 : i32
      %dma_start3A_77 = tpu.memref_slice %arg5[%dma_start3A_75, %dma_start3A_76] : memref<50x80xi32, #tpu.memory_space<vmem>> -> memref<1x80xi32, #tpu.memory_space<vmem>>
      %dma_start3A_78 = tpu.memref_squeeze %dma_start3A_77 : memref<1x80xi32, #tpu.memory_space<vmem>> -> memref<80xi32, #tpu.memory_space<vmem>>
      %dma_start3A_79 = arith.constant 0 : i32
      %dma_start3A_80 = arith.constant 0 : i32
      %dma_start3A_81 = tpu.memref_slice %arg2[%dma_start3A_79, %dma_start3A_80] : memref<10000x112xf32, #tpu.memory_space<hbm>> -> memref<10000x112xf32, #tpu.memory_space<hbm>>
      tpu.enqueue_indirect_dma source(%dma_start3A_81 : memref<10000x112xf32, #tpu.memory_space<hbm>>) target(%arg10 : memref<80x112xf32, #tpu.memory_space<vmem>>) offsets(%dma_start3A_78 : memref<80xi32, #tpu.memory_space<vmem>>) semaphore(%arg16 : memref<!tpu.dma_semaphore, #tpu.memory_space<semaphore_mem>>)
      %dma_start3A_82 = arith.constant 4 : i32
      %dma_start3A_83 = arith.constant 0 : i32
      %dma_start3A_84 = tpu.memref_slice %arg5[%dma_start3A_82, %dma_start3A_83] : memref<50x80xi32, #tpu.memory_space<vmem>> -> memref<1x80xi32, #tpu.memory_space<vmem>>
      %dma_start3A_85 = tpu.memref_squeeze %dma_start3A_84 : memref<1x80xi32, #tpu.memory_space<vmem>> -> memref<80xi32, #tpu.memory_space<vmem>>
      %dma_start3A_86 = arith.constant 0 : i32
      %dma_start3A_87 = arith.constant 0 : i32
      %dma_start3A_88 = tpu.memref_slice %arg2[%dma_start3A_86, %dma_start3A_87] : memref<10000x112xf32, #tpu.memory_space<hbm>> -> memref<10000x112xf32, #tpu.memory_space<hbm>>
      tpu.enqueue_indirect_dma source(%dma_start3A_88 : memref<10000x112xf32, #tpu.memory_space<hbm>>) target(%arg11 : memref<80x112xf32, #tpu.memory_space<vmem>>) offsets(%dma_start3A_85 : memref<80xi32, #tpu.memory_space<vmem>>) semaphore(%arg17 : memref<!tpu.dma_semaphore, #tpu.memory_space<semaphore_mem>>)
      %scan3A_89 = arith.constant 0 : i32
      %scan3A_90 = arith.constant 0 : i32
      %scan3A_91 = arith.constant 10 : i32
      %scan3A_92 = arith.addi %scan3A_90, %scan3A_91 : i32
      %scan3A_93 = arith.constant 1 : i32
      scf.for %scan3A_95 = %scan3A_90 to %scan3A_92 step %scan3A_93  : i32 {
        %mul3A_96 = arith.constant 5 : i32
        %mul3A_97 = arith.muli %mul3A_96, %scan3A_95 : i32
        %add3A_98 = arith.constant 0 : i32
        %add3A_99 = arith.addi %mul3A_97, %add3A_98 : i32
        %dma_wait3A = arith.constant 0 : i32
        %dma_wait3A_100 = arith.constant 0 : i32
        %dma_wait3A_101 = tpu.memref_slice %arg2[%dma_wait3A, %dma_wait3A_100] : memref<10000x112xf32, #tpu.memory_space<hbm>> -> memref<80x112xf32, #tpu.memory_space<hbm>>
        %dma_wait3A_102 = arith.constant 0 : i32
        %dma_wait3A_103 = arith.constant 0 : i32
        %dma_wait3A_104 = tpu.memref_slice %arg2[%dma_wait3A_102, %dma_wait3A_103] : memref<10000x112xf32, #tpu.memory_space<hbm>> -> memref<80x112xf32, #tpu.memory_space<hbm>>
        tpu.wait_dma2 semaphore(%arg13 : memref<!tpu.dma_semaphore, #tpu.memory_space<semaphore_mem>>) src(%dma_wait3A_104 : memref<80x112xf32, #tpu.memory_space<hbm>>) dst(%arg7 : memref<80x112xf32, #tpu.memory_space<vmem>>)
        "tpu.region"() ({
          %run_scoped3A_177 = tpu.sem_alloc : memref<!tpu.dma_semaphore, #tpu.memory_space<semaphore_mem>>
          %dma_start3A_178 = arith.constant 0 : i32
          %dma_start3A_179 = tpu.memref_slice %arg6[%add3A_99, %dma_start3A_178] : memref<50x80xi32, #tpu.memory_space<vmem>> -> memref<1x80xi32, #tpu.memory_space<vmem>>
          %dma_start3A_180 = tpu.memref_squeeze %dma_start3A_179 : memref<1x80xi32, #tpu.memory_space<vmem>> -> memref<80xi32, #tpu.memory_space<vmem>>
          %dma_start3A_181 = arith.constant 0 : i32
          %dma_start3A_182 = arith.constant 0 : i32
          %dma_start3A_183 = tpu.memref_slice %arg12[%dma_start3A_181, %dma_start3A_182] : memref<10240x112xf32, #tpu.memory_space<vmem_shared>> -> memref<10240x112xf32, #tpu.memory_space<vmem_shared>>
          tpu.enqueue_indirect_dma source(%arg7 : memref<80x112xf32, #tpu.memory_space<vmem>>) target(%dma_start3A_183 : memref<10240x112xf32, #tpu.memory_space<vmem_shared>>) offsets(%dma_start3A_180 : memref<80xi32, #tpu.memory_space<vmem>>) semaphore(%run_scoped3A_177 : memref<!tpu.dma_semaphore, #tpu.memory_space<semaphore_mem>>) {add = true}
          %dma_wait3A_184 = arith.constant 0 : i32
          %dma_wait3A_185 = tpu.memref_slice %arg6[%add3A_99, %dma_wait3A_184] : memref<50x80xi32, #tpu.memory_space<vmem>> -> memref<1x80xi32, #tpu.memory_space<vmem>>
          %dma_wait3A_186 = tpu.memref_squeeze %dma_wait3A_185 : memref<1x80xi32, #tpu.memory_space<vmem>> -> memref<80xi32, #tpu.memory_space<vmem>>
          %dma_wait3A_187 = arith.constant 0 : i32
          %dma_wait3A_188 = arith.constant 0 : i32
          %dma_wait3A_189 = tpu.memref_slice %arg12[%dma_wait3A_187, %dma_wait3A_188] : memref<10240x112xf32, #tpu.memory_space<vmem_shared>> -> memref<10240x112xf32, #tpu.memory_space<vmem_shared>>
          tpu.wait_indirect_dma semaphore(%run_scoped3A_177 : memref<!tpu.dma_semaphore, #tpu.memory_space<semaphore_mem>>) src(%arg7 : memref<80x112xf32, #tpu.memory_space<vmem>>) dst(%dma_wait3A_189 : memref<10240x112xf32, #tpu.memory_space<vmem_shared>>)
          tpu.yield
        }) : () -> ()
        %add3A_105 = arith.constant 5 : i32
        %add3A_106 = arith.addi %add3A_99, %add3A_105 : i32
        %lt3A = arith.constant 50 : i32
        %lt3A_107 = arith.cmpi slt, %add3A_106, %lt3A : i32
        %convert_element_type3A = arith.extui %lt3A_107 : i1 to i32
        %cond3A = arith.constant 0 : i32
        %cond3A_108 = arith.cmpi ne, %convert_element_type3A, %cond3A : i32
        scf.if %cond3A_108 {
          %add3A_177 = arith.constant 5 : i32
          %add3A_178 = arith.addi %add3A_99, %add3A_177 : i32
          %dma_start3A_179 = arith.constant 0 : i32
          %dma_start3A_180 = tpu.memref_slice %arg5[%add3A_178, %dma_start3A_179] : memref<50x80xi32, #tpu.memory_space<vmem>> -> memref<1x80xi32, #tpu.memory_space<vmem>>
          %dma_start3A_181 = tpu.memref_squeeze %dma_start3A_180 : memref<1x80xi32, #tpu.memory_space<vmem>> -> memref<80xi32, #tpu.memory_space<vmem>>
          %dma_start3A_182 = arith.constant 0 : i32
          %dma_start3A_183 = arith.constant 0 : i32
          %dma_start3A_184 = tpu.memref_slice %arg2[%dma_start3A_182, %dma_start3A_183] : memref<10000x112xf32, #tpu.memory_space<hbm>> -> memref<10000x112xf32, #tpu.memory_space<hbm>>
          tpu.enqueue_indirect_dma source(%dma_start3A_184 : memref<10000x112xf32, #tpu.memory_space<hbm>>) target(%arg7 : memref<80x112xf32, #tpu.memory_space<vmem>>) offsets(%dma_start3A_181 : memref<80xi32, #tpu.memory_space<vmem>>) semaphore(%arg13 : memref<!tpu.dma_semaphore, #tpu.memory_space<semaphore_mem>>)
        } else {
        }
        %mul3A_109 = arith.constant 5 : i32
        %mul3A_110 = arith.muli %mul3A_109, %scan3A_95 : i32
        %add3A_111 = arith.constant 1 : i32
        %add3A_112 = arith.addi %mul3A_110, %add3A_111 : i32
        %dma_wait3A_113 = arith.constant 0 : i32
        %dma_wait3A_114 = arith.constant 0 : i32
        %dma_wait3A_115 = tpu.memref_slice %arg2[%dma_wait3A_113, %dma_wait3A_114] : memref<10000x112xf32, #tpu.memory_space<hbm>> -> memref<80x112xf32, #tpu.memory_space<hbm>>
        %dma_wait3A_116 = arith.constant 0 : i32
        %dma_wait3A_117 = arith.constant 0 : i32
        %dma_wait3A_118 = tpu.memref_slice %arg2[%dma_wait3A_116, %dma_wait3A_117] : memref<10000x112xf32, #tpu.memory_space<hbm>> -> memref<80x112xf32, #tpu.memory_space<hbm>>
        tpu.wait_dma2 semaphore(%arg14 : memref<!tpu.dma_semaphore, #tpu.memory_space<semaphore_mem>>) src(%dma_wait3A_118 : memref<80x112xf32, #tpu.memory_space<hbm>>) dst(%arg8 : memref<80x112xf32, #tpu.memory_space<vmem>>)
        "tpu.region"() ({
          %run_scoped3A_177 = tpu.sem_alloc : memref<!tpu.dma_semaphore, #tpu.memory_space<semaphore_mem>>
          %dma_start3A_178 = arith.constant 0 : i32
          %dma_start3A_179 = tpu.memref_slice %arg6[%add3A_112, %dma_start3A_178] : memref<50x80xi32, #tpu.memory_space<vmem>> -> memref<1x80xi32, #tpu.memory_space<vmem>>
          %dma_start3A_180 = tpu.memref_squeeze %dma_start3A_179 : memref<1x80xi32, #tpu.memory_space<vmem>> -> memref<80xi32, #tpu.memory_space<vmem>>
          %dma_start3A_181 = arith.constant 0 : i32
          %dma_start3A_182 = arith.constant 0 : i32
          %dma_start3A_183 = tpu.memref_slice %arg12[%dma_start3A_181, %dma_start3A_182] : memref<10240x112xf32, #tpu.memory_space<vmem_shared>> -> memref<10240x112xf32, #tpu.memory_space<vmem_shared>>
          tpu.enqueue_indirect_dma source(%arg8 : memref<80x112xf32, #tpu.memory_space<vmem>>) target(%dma_start3A_183 : memref<10240x112xf32, #tpu.memory_space<vmem_shared>>) offsets(%dma_start3A_180 : memref<80xi32, #tpu.memory_space<vmem>>) semaphore(%run_scoped3A_177 : memref<!tpu.dma_semaphore, #tpu.memory_space<semaphore_mem>>) {add = true}
          %dma_wait3A_184 = arith.constant 0 : i32
          %dma_wait3A_185 = tpu.memref_slice %arg6[%add3A_112, %dma_wait3A_184] : memref<50x80xi32, #tpu.memory_space<vmem>> -> memref<1x80xi32, #tpu.memory_space<vmem>>
          %dma_wait3A_186 = tpu.memref_squeeze %dma_wait3A_185 : memref<1x80xi32, #tpu.memory_space<vmem>> -> memref<80xi32, #tpu.memory_space<vmem>>
          %dma_wait3A_187 = arith.constant 0 : i32
          %dma_wait3A_188 = arith.constant 0 : i32
          %dma_wait3A_189 = tpu.memref_slice %arg12[%dma_wait3A_187, %dma_wait3A_188] : memref<10240x112xf32, #tpu.memory_space<vmem_shared>> -> memref<10240x112xf32, #tpu.memory_space<vmem_shared>>
          tpu.wait_indirect_dma semaphore(%run_scoped3A_177 : memref<!tpu.dma_semaphore, #tpu.memory_space<semaphore_mem>>) src(%arg8 : memref<80x112xf32, #tpu.memory_space<vmem>>) dst(%dma_wait3A_189 : memref<10240x112xf32, #tpu.memory_space<vmem_shared>>)
          tpu.yield
        }) : () -> ()
        %add3A_119 = arith.constant 5 : i32
        %add3A_120 = arith.addi %add3A_112, %add3A_119 : i32
        %lt3A_121 = arith.constant 50 : i32
        %lt3A_122 = arith.cmpi slt, %add3A_120, %lt3A_121 : i32
        %convert_element_type3A_123 = arith.extui %lt3A_122 : i1 to i32
        %cond3A_124 = arith.constant 0 : i32
        %cond3A_125 = arith.cmpi ne, %convert_element_type3A_123, %cond3A_124 : i32
        scf.if %cond3A_125 {
          %add3A_177 = arith.constant 5 : i32
          %add3A_178 = arith.addi %add3A_112, %add3A_177 : i32
          %dma_start3A_179 = arith.constant 0 : i32
          %dma_start3A_180 = tpu.memref_slice %arg5[%add3A_178, %dma_start3A_179] : memref<50x80xi32, #tpu.memory_space<vmem>> -> memref<1x80xi32, #tpu.memory_space<vmem>>
          %dma_start3A_181 = tpu.memref_squeeze %dma_start3A_180 : memref<1x80xi32, #tpu.memory_space<vmem>> -> memref<80xi32, #tpu.memory_space<vmem>>
          %dma_start3A_182 = arith.constant 0 : i32
          %dma_start3A_183 = arith.constant 0 : i32
          %dma_start3A_184 = tpu.memref_slice %arg2[%dma_start3A_182, %dma_start3A_183] : memref<10000x112xf32, #tpu.memory_space<hbm>> -> memref<10000x112xf32, #tpu.memory_space<hbm>>
          tpu.enqueue_indirect_dma source(%dma_start3A_184 : memref<10000x112xf32, #tpu.memory_space<hbm>>) target(%arg8 : memref<80x112xf32, #tpu.memory_space<vmem>>) offsets(%dma_start3A_181 : memref<80xi32, #tpu.memory_space<vmem>>) semaphore(%arg14 : memref<!tpu.dma_semaphore, #tpu.memory_space<semaphore_mem>>)
        } else {
        }
        %mul3A_126 = arith.constant 5 : i32
        %mul3A_127 = arith.muli %mul3A_126, %scan3A_95 : i32
        %add3A_128 = arith.constant 2 : i32
        %add3A_129 = arith.addi %mul3A_127, %add3A_128 : i32
        %dma_wait3A_130 = arith.constant 0 : i32
        %dma_wait3A_131 = arith.constant 0 : i32
        %dma_wait3A_132 = tpu.memref_slice %arg2[%dma_wait3A_130, %dma_wait3A_131] : memref<10000x112xf32, #tpu.memory_space<hbm>> -> memref<80x112xf32, #tpu.memory_space<hbm>>
        %dma_wait3A_133 = arith.constant 0 : i32
        %dma_wait3A_134 = arith.constant 0 : i32
        %dma_wait3A_135 = tpu.memref_slice %arg2[%dma_wait3A_133, %dma_wait3A_134] : memref<10000x112xf32, #tpu.memory_space<hbm>> -> memref<80x112xf32, #tpu.memory_space<hbm>>
        tpu.wait_dma2 semaphore(%arg15 : memref<!tpu.dma_semaphore, #tpu.memory_space<semaphore_mem>>) src(%dma_wait3A_135 : memref<80x112xf32, #tpu.memory_space<hbm>>) dst(%arg9 : memref<80x112xf32, #tpu.memory_space<vmem>>)
        "tpu.region"() ({
          %run_scoped3A_177 = tpu.sem_alloc : memref<!tpu.dma_semaphore, #tpu.memory_space<semaphore_mem>>
          %dma_start3A_178 = arith.constant 0 : i32
          %dma_start3A_179 = tpu.memref_slice %arg6[%add3A_129, %dma_start3A_178] : memref<50x80xi32, #tpu.memory_space<vmem>> -> memref<1x80xi32, #tpu.memory_space<vmem>>
          %dma_start3A_180 = tpu.memref_squeeze %dma_start3A_179 : memref<1x80xi32, #tpu.memory_space<vmem>> -> memref<80xi32, #tpu.memory_space<vmem>>
          %dma_start3A_181 = arith.constant 0 : i32
          %dma_start3A_182 = arith.constant 0 : i32
          %dma_start3A_183 = tpu.memref_slice %arg12[%dma_start3A_181, %dma_start3A_182] : memref<10240x112xf32, #tpu.memory_space<vmem_shared>> -> memref<10240x112xf32, #tpu.memory_space<vmem_shared>>
          tpu.enqueue_indirect_dma source(%arg9 : memref<80x112xf32, #tpu.memory_space<vmem>>) target(%dma_start3A_183 : memref<10240x112xf32, #tpu.memory_space<vmem_shared>>) offsets(%dma_start3A_180 : memref<80xi32, #tpu.memory_space<vmem>>) semaphore(%run_scoped3A_177 : memref<!tpu.dma_semaphore, #tpu.memory_space<semaphore_mem>>) {add = true}
          %dma_wait3A_184 = arith.constant 0 : i32
          %dma_wait3A_185 = tpu.memref_slice %arg6[%add3A_129, %dma_wait3A_184] : memref<50x80xi32, #tpu.memory_space<vmem>> -> memref<1x80xi32, #tpu.memory_space<vmem>>
          %dma_wait3A_186 = tpu.memref_squeeze %dma_wait3A_185 : memref<1x80xi32, #tpu.memory_space<vmem>> -> memref<80xi32, #tpu.memory_space<vmem>>
          %dma_wait3A_187 = arith.constant 0 : i32
          %dma_wait3A_188 = arith.constant 0 : i32
          %dma_wait3A_189 = tpu.memref_slice %arg12[%dma_wait3A_187, %dma_wait3A_188] : memref<10240x112xf32, #tpu.memory_space<vmem_shared>> -> memref<10240x112xf32, #tpu.memory_space<vmem_shared>>
          tpu.wait_indirect_dma semaphore(%run_scoped3A_177 : memref<!tpu.dma_semaphore, #tpu.memory_space<semaphore_mem>>) src(%arg9 : memref<80x112xf32, #tpu.memory_space<vmem>>) dst(%dma_wait3A_189 : memref<10240x112xf32, #tpu.memory_space<vmem_shared>>)
          tpu.yield
        }) : () -> ()
        %add3A_136 = arith.constant 5 : i32
        %add3A_137 = arith.addi %add3A_129, %add3A_136 : i32
        %lt3A_138 = arith.constant 50 : i32
        %lt3A_139 = arith.cmpi slt, %add3A_137, %lt3A_138 : i32
        %convert_element_type3A_140 = arith.extui %lt3A_139 : i1 to i32
        %cond3A_141 = arith.constant 0 : i32
        %cond3A_142 = arith.cmpi ne, %convert_element_type3A_140, %cond3A_141 : i32
        scf.if %cond3A_142 {
          %add3A_177 = arith.constant 5 : i32
          %add3A_178 = arith.addi %add3A_129, %add3A_177 : i32
          %dma_start3A_179 = arith.constant 0 : i32
          %dma_start3A_180 = tpu.memref_slice %arg5[%add3A_178, %dma_start3A_179] : memref<50x80xi32, #tpu.memory_space<vmem>> -> memref<1x80xi32, #tpu.memory_space<vmem>>
          %dma_start3A_181 = tpu.memref_squeeze %dma_start3A_180 : memref<1x80xi32, #tpu.memory_space<vmem>> -> memref<80xi32, #tpu.memory_space<vmem>>
          %dma_start3A_182 = arith.constant 0 : i32
          %dma_start3A_183 = arith.constant 0 : i32
          %dma_start3A_184 = tpu.memref_slice %arg2[%dma_start3A_182, %dma_start3A_183] : memref<10000x112xf32, #tpu.memory_space<hbm>> -> memref<10000x112xf32, #tpu.memory_space<hbm>>
          tpu.enqueue_indirect_dma source(%dma_start3A_184 : memref<10000x112xf32, #tpu.memory_space<hbm>>) target(%arg9 : memref<80x112xf32, #tpu.memory_space<vmem>>) offsets(%dma_start3A_181 : memref<80xi32, #tpu.memory_space<vmem>>) semaphore(%arg15 : memref<!tpu.dma_semaphore, #tpu.memory_space<semaphore_mem>>)
        } else {
        }
        %mul3A_143 = arith.constant 5 : i32
        %mul3A_144 = arith.muli %mul3A_143, %scan3A_95 : i32
        %add3A_145 = arith.constant 3 : i32
        %add3A_146 = arith.addi %mul3A_144, %add3A_145 : i32
        %dma_wait3A_147 = arith.constant 0 : i32
        %dma_wait3A_148 = arith.constant 0 : i32
        %dma_wait3A_149 = tpu.memref_slice %arg2[%dma_wait3A_147, %dma_wait3A_148] : memref<10000x112xf32, #tpu.memory_space<hbm>> -> memref<80x112xf32, #tpu.memory_space<hbm>>
        %dma_wait3A_150 = arith.constant 0 : i32
        %dma_wait3A_151 = arith.constant 0 : i32
        %dma_wait3A_152 = tpu.memref_slice %arg2[%dma_wait3A_150, %dma_wait3A_151] : memref<10000x112xf32, #tpu.memory_space<hbm>> -> memref<80x112xf32, #tpu.memory_space<hbm>>
        tpu.wait_dma2 semaphore(%arg16 : memref<!tpu.dma_semaphore, #tpu.memory_space<semaphore_mem>>) src(%dma_wait3A_152 : memref<80x112xf32, #tpu.memory_space<hbm>>) dst(%arg10 : memref<80x112xf32, #tpu.memory_space<vmem>>)
        "tpu.region"() ({
          %run_scoped3A_177 = tpu.sem_alloc : memref<!tpu.dma_semaphore, #tpu.memory_space<semaphore_mem>>
          %dma_start3A_178 = arith.constant 0 : i32
          %dma_start3A_179 = tpu.memref_slice %arg6[%add3A_146, %dma_start3A_178] : memref<50x80xi32, #tpu.memory_space<vmem>> -> memref<1x80xi32, #tpu.memory_space<vmem>>
          %dma_start3A_180 = tpu.memref_squeeze %dma_start3A_179 : memref<1x80xi32, #tpu.memory_space<vmem>> -> memref<80xi32, #tpu.memory_space<vmem>>
          %dma_start3A_181 = arith.constant 0 : i32
          %dma_start3A_182 = arith.constant 0 : i32
          %dma_start3A_183 = tpu.memref_slice %arg12[%dma_start3A_181, %dma_start3A_182] : memref<10240x112xf32, #tpu.memory_space<vmem_shared>> -> memref<10240x112xf32, #tpu.memory_space<vmem_shared>>
          tpu.enqueue_indirect_dma source(%arg10 : memref<80x112xf32, #tpu.memory_space<vmem>>) target(%dma_start3A_183 : memref<10240x112xf32, #tpu.memory_space<vmem_shared>>) offsets(%dma_start3A_180 : memref<80xi32, #tpu.memory_space<vmem>>) semaphore(%run_scoped3A_177 : memref<!tpu.dma_semaphore, #tpu.memory_space<semaphore_mem>>) {add = true}
          %dma_wait3A_184 = arith.constant 0 : i32
          %dma_wait3A_185 = tpu.memref_slice %arg6[%add3A_146, %dma_wait3A_184] : memref<50x80xi32, #tpu.memory_space<vmem>> -> memref<1x80xi32, #tpu.memory_space<vmem>>
          %dma_wait3A_186 = tpu.memref_squeeze %dma_wait3A_185 : memref<1x80xi32, #tpu.memory_space<vmem>> -> memref<80xi32, #tpu.memory_space<vmem>>
          %dma_wait3A_187 = arith.constant 0 : i32
          %dma_wait3A_188 = arith.constant 0 : i32
          %dma_wait3A_189 = tpu.memref_slice %arg12[%dma_wait3A_187, %dma_wait3A_188] : memref<10240x112xf32, #tpu.memory_space<vmem_shared>> -> memref<10240x112xf32, #tpu.memory_space<vmem_shared>>
          tpu.wait_indirect_dma semaphore(%run_scoped3A_177 : memref<!tpu.dma_semaphore, #tpu.memory_space<semaphore_mem>>) src(%arg10 : memref<80x112xf32, #tpu.memory_space<vmem>>) dst(%dma_wait3A_189 : memref<10240x112xf32, #tpu.memory_space<vmem_shared>>)
          tpu.yield
        }) : () -> ()
        %add3A_153 = arith.constant 5 : i32
        %add3A_154 = arith.addi %add3A_146, %add3A_153 : i32
        %lt3A_155 = arith.constant 50 : i32
        %lt3A_156 = arith.cmpi slt, %add3A_154, %lt3A_155 : i32
        %convert_element_type3A_157 = arith.extui %lt3A_156 : i1 to i32
        %cond3A_158 = arith.constant 0 : i32
        %cond3A_159 = arith.cmpi ne, %convert_element_type3A_157, %cond3A_158 : i32
        scf.if %cond3A_159 {
          %add3A_177 = arith.constant 5 : i32
          %add3A_178 = arith.addi %add3A_146, %add3A_177 : i32
          %dma_start3A_179 = arith.constant 0 : i32
          %dma_start3A_180 = tpu.memref_slice %arg5[%add3A_178, %dma_start3A_179] : memref<50x80xi32, #tpu.memory_space<vmem>> -> memref<1x80xi32, #tpu.memory_space<vmem>>
          %dma_start3A_181 = tpu.memref_squeeze %dma_start3A_180 : memref<1x80xi32, #tpu.memory_space<vmem>> -> memref<80xi32, #tpu.memory_space<vmem>>
          %dma_start3A_182 = arith.constant 0 : i32
          %dma_start3A_183 = arith.constant 0 : i32
          %dma_start3A_184 = tpu.memref_slice %arg2[%dma_start3A_182, %dma_start3A_183] : memref<10000x112xf32, #tpu.memory_space<hbm>> -> memref<10000x112xf32, #tpu.memory_space<hbm>>
          tpu.enqueue_indirect_dma source(%dma_start3A_184 : memref<10000x112xf32, #tpu.memory_space<hbm>>) target(%arg10 : memref<80x112xf32, #tpu.memory_space<vmem>>) offsets(%dma_start3A_181 : memref<80xi32, #tpu.memory_space<vmem>>) semaphore(%arg16 : memref<!tpu.dma_semaphore, #tpu.memory_space<semaphore_mem>>)
        } else {
        }
        %mul3A_160 = arith.constant 5 : i32
        %mul3A_161 = arith.muli %mul3A_160, %scan3A_95 : i32
        %add3A_162 = arith.constant 4 : i32
        %add3A_163 = arith.addi %mul3A_161, %add3A_162 : i32
        %dma_wait3A_164 = arith.constant 0 : i32
        %dma_wait3A_165 = arith.constant 0 : i32
        %dma_wait3A_166 = tpu.memref_slice %arg2[%dma_wait3A_164, %dma_wait3A_165] : memref<10000x112xf32, #tpu.memory_space<hbm>> -> memref<80x112xf32, #tpu.memory_space<hbm>>
        %dma_wait3A_167 = arith.constant 0 : i32
        %dma_wait3A_168 = arith.constant 0 : i32
        %dma_wait3A_169 = tpu.memref_slice %arg2[%dma_wait3A_167, %dma_wait3A_168] : memref<10000x112xf32, #tpu.memory_space<hbm>> -> memref<80x112xf32, #tpu.memory_space<hbm>>
        tpu.wait_dma2 semaphore(%arg17 : memref<!tpu.dma_semaphore, #tpu.memory_space<semaphore_mem>>) src(%dma_wait3A_169 : memref<80x112xf32, #tpu.memory_space<hbm>>) dst(%arg11 : memref<80x112xf32, #tpu.memory_space<vmem>>)
        "tpu.region"() ({
          %run_scoped3A_177 = tpu.sem_alloc : memref<!tpu.dma_semaphore, #tpu.memory_space<semaphore_mem>>
          %dma_start3A_178 = arith.constant 0 : i32
          %dma_start3A_179 = tpu.memref_slice %arg6[%add3A_163, %dma_start3A_178] : memref<50x80xi32, #tpu.memory_space<vmem>> -> memref<1x80xi32, #tpu.memory_space<vmem>>
          %dma_start3A_180 = tpu.memref_squeeze %dma_start3A_179 : memref<1x80xi32, #tpu.memory_space<vmem>> -> memref<80xi32, #tpu.memory_space<vmem>>
          %dma_start3A_181 = arith.constant 0 : i32
          %dma_start3A_182 = arith.constant 0 : i32
          %dma_start3A_183 = tpu.memref_slice %arg12[%dma_start3A_181, %dma_start3A_182] : memref<10240x112xf32, #tpu.memory_space<vmem_shared>> -> memref<10240x112xf32, #tpu.memory_space<vmem_shared>>
          tpu.enqueue_indirect_dma source(%arg11 : memref<80x112xf32, #tpu.memory_space<vmem>>) target(%dma_start3A_183 : memref<10240x112xf32, #tpu.memory_space<vmem_shared>>) offsets(%dma_start3A_180 : memref<80xi32, #tpu.memory_space<vmem>>) semaphore(%run_scoped3A_177 : memref<!tpu.dma_semaphore, #tpu.memory_space<semaphore_mem>>) {add = true}
          %dma_wait3A_184 = arith.constant 0 : i32
          %dma_wait3A_185 = tpu.memref_slice %arg6[%add3A_163, %dma_wait3A_184] : memref<50x80xi32, #tpu.memory_space<vmem>> -> memref<1x80xi32, #tpu.memory_space<vmem>>
          %dma_wait3A_186 = tpu.memref_squeeze %dma_wait3A_185 : memref<1x80xi32, #tpu.memory_space<vmem>> -> memref<80xi32, #tpu.memory_space<vmem>>
          %dma_wait3A_187 = arith.constant 0 : i32
          %dma_wait3A_188 = arith.constant 0 : i32
          %dma_wait3A_189 = tpu.memref_slice %arg12[%dma_wait3A_187, %dma_wait3A_188] : memref<10240x112xf32, #tpu.memory_space<vmem_shared>> -> memref<10240x112xf32, #tpu.memory_space<vmem_shared>>
          tpu.wait_indirect_dma semaphore(%run_scoped3A_177 : memref<!tpu.dma_semaphore, #tpu.memory_space<semaphore_mem>>) src(%arg11 : memref<80x112xf32, #tpu.memory_space<vmem>>) dst(%dma_wait3A_189 : memref<10240x112xf32, #tpu.memory_space<vmem_shared>>)
          tpu.yield
        }) : () -> ()
        %add3A_170 = arith.constant 5 : i32
        %add3A_171 = arith.addi %add3A_163, %add3A_170 : i32
        %lt3A_172 = arith.constant 50 : i32
        %lt3A_173 = arith.cmpi slt, %add3A_171, %lt3A_172 : i32
        %convert_element_type3A_174 = arith.extui %lt3A_173 : i1 to i32
        %cond3A_175 = arith.constant 0 : i32
        %cond3A_176 = arith.cmpi ne, %convert_element_type3A_174, %cond3A_175 : i32
        scf.if %cond3A_176 {
          %add3A_177 = arith.constant 5 : i32
          %add3A_178 = arith.addi %add3A_163, %add3A_177 : i32
          %dma_start3A_179 = arith.constant 0 : i32
          %dma_start3A_180 = tpu.memref_slice %arg5[%add3A_178, %dma_start3A_179] : memref<50x80xi32, #tpu.memory_space<vmem>> -> memref<1x80xi32, #tpu.memory_space<vmem>>
          %dma_start3A_181 = tpu.memref_squeeze %dma_start3A_180 : memref<1x80xi32, #tpu.memory_space<vmem>> -> memref<80xi32, #tpu.memory_space<vmem>>
          %dma_start3A_182 = arith.constant 0 : i32
          %dma_start3A_183 = arith.constant 0 : i32
          %dma_start3A_184 = tpu.memref_slice %arg2[%dma_start3A_182, %dma_start3A_183] : memref<10000x112xf32, #tpu.memory_space<hbm>> -> memref<10000x112xf32, #tpu.memory_space<hbm>>
          tpu.enqueue_indirect_dma source(%dma_start3A_184 : memref<10000x112xf32, #tpu.memory_space<hbm>>) target(%arg11 : memref<80x112xf32, #tpu.memory_space<vmem>>) offsets(%dma_start3A_181 : memref<80xi32, #tpu.memory_space<vmem>>) semaphore(%arg17 : memref<!tpu.dma_semaphore, #tpu.memory_space<semaphore_mem>>)
        } else {
        }
      }
      %scan3A_94 = arith.constant 10 : i32
    }
    %scan3A_43 = arith.constant 5 : i32
    %barrier3A_44 = arith.constant 0 : index
    tpu.barrier barrier_id(%barrier3A_44)
    %mul3A_45 = arith.constant 640 : i32
    %mul3A_46 = arith.muli %arg1, %mul3A_45 : i32
    %mul3A_47 = arith.constant 640 : i32
    %mul3A_48 = arith.muli %arg1, %mul3A_47 : i32
    "tpu.region"() ({
      %run_scoped3A = tpu.sem_alloc : memref<!tpu.dma_semaphore, #tpu.memory_space<semaphore_mem>>
      %dma_start3A = arith.constant 0 : i32
      %dma_start3A_49 = tpu.memref_slice %arg4[%arg0, %mul3A_48, %dma_start3A] : memref<2x10240x112xf32, #tpu.memory_space<hbm>> -> memref<1x640x112xf32, #tpu.memory_space<hbm>>
      %dma_start3A_50 = tpu.memref_squeeze %dma_start3A_49 : memref<1x640x112xf32, #tpu.memory_space<hbm>> -> memref<640x112xf32, #tpu.memory_space<hbm>>
      %dma_start3A_51 = arith.constant 0 : i32
      %dma_start3A_52 = tpu.memref_slice %arg12[%mul3A_46, %dma_start3A_51] : memref<10240x112xf32, #tpu.memory_space<vmem_shared>> -> memref<640x112xf32, #tpu.memory_space<vmem_shared>>
      tpu.enqueue_dma source(%dma_start3A_52 : memref<640x112xf32, #tpu.memory_space<vmem_shared>>) target(%dma_start3A_50 : memref<640x112xf32, #tpu.memory_space<hbm>>) target_semaphore(%run_scoped3A : memref<!tpu.dma_semaphore, #tpu.memory_space<semaphore_mem>>)
      %dma_wait3A = arith.constant 0 : i32
      %dma_wait3A_53 = tpu.memref_slice %arg4[%arg0, %mul3A_48, %dma_wait3A] : memref<2x10240x112xf32, #tpu.memory_space<hbm>> -> memref<1x640x112xf32, #tpu.memory_space<hbm>>
      %dma_wait3A_54 = tpu.memref_squeeze %dma_wait3A_53 : memref<1x640x112xf32, #tpu.memory_space<hbm>> -> memref<640x112xf32, #tpu.memory_space<hbm>>
      %dma_wait3A_55 = arith.constant 0 : i32
      %dma_wait3A_56 = tpu.memref_slice %arg12[%mul3A_46, %dma_wait3A_55] : memref<10240x112xf32, #tpu.memory_space<vmem_shared>> -> memref<640x112xf32, #tpu.memory_space<vmem_shared>>
      tpu.wait_dma2 semaphore(%run_scoped3A : memref<!tpu.dma_semaphore, #tpu.memory_space<semaphore_mem>>) src(%dma_wait3A_56 : memref<640x112xf32, #tpu.memory_space<vmem_shared>>) dst(%dma_wait3A_54 : memref<640x112xf32, #tpu.memory_space<hbm>>)
      tpu.yield
    }) : () -> ()
    return
  }
}

module attributes {stable_mosaic.version = 14 : i64} {
  func.func @_prep_body(%arg0: i32, %arg1: memref<2000x40xf32, #tpu.memory_space<vmem>>, %arg2: memref<2000x20xf32, #tpu.memory_space<vmem>>, %arg3: memref<2000x16xf32, #tpu.memory_space<vmem>>, %arg4: memref<2000x16xf32, #tpu.memory_space<vmem>>, %arg5: memref<2000x1xf32, #tpu.memory_space<vmem>>, %arg6: memref<2000x1xf32, #tpu.memory_space<vmem>>, %arg7: memref<2000x1xf32, #tpu.memory_space<vmem>>, %arg8: memref<2000x1xf32, #tpu.memory_space<vmem>>, %arg9: memref<2000x1xf32, #tpu.memory_space<vmem>>, %arg10: memref<2000x1xf32, #tpu.memory_space<vmem>>, %arg11: memref<2000x2xf32, #tpu.memory_space<vmem>>, %arg12: memref<2000x8xf32, #tpu.memory_space<vmem>>, %arg13: memref<2000x112xf32, #tpu.memory_space<vmem>>) attributes {dimension_semantics = [#tpu.dimension_semantics<arbitrary>], iteration_bounds = array<i64: 5>, scalar_prefetch = 0 : i64, scratch_operands = 0 : i64, tpu.core_type = #tpu.core_type<tc>, window_params = [{transform_indices = @transform_0, window_bounds = array<i64: 2000, 40>}, {transform_indices = @transform_1, window_bounds = array<i64: 2000, 20>}, {transform_indices = @transform_2, window_bounds = array<i64: 2000, 16>}, {transform_indices = @transform_3, window_bounds = array<i64: 2000, 16>}, {transform_indices = @transform_4, window_bounds = array<i64: 2000, 1>}, {transform_indices = @transform_5, window_bounds = array<i64: 2000, 1>}, {transform_indices = @transform_6, window_bounds = array<i64: 2000, 1>}, {transform_indices = @transform_7, window_bounds = array<i64: 2000, 1>}, {transform_indices = @transform_8, window_bounds = array<i64: 2000, 1>}, {transform_indices = @transform_9, window_bounds = array<i64: 2000, 1>}, {transform_indices = @transform_10, window_bounds = array<i64: 2000, 2>}, {transform_indices = @transform_11, window_bounds = array<i64: 2000, 8>}, {transform_indices = @transform_12, window_bounds = array<i64: 2000, 112>}]} {
    %get3A = arith.constant 0 : index
    %get3A_0 = arith.constant 0 : index
    %get3A_1 = vector.load %arg1[%get3A, %get3A_0] : memref<2000x40xf32, #tpu.memory_space<vmem>>, vector<2000x40xf32>
    %get3A_2 = arith.constant 0 : index
    %get3A_3 = arith.constant 0 : index
    %get3A_4 = vector.load %arg2[%get3A_2, %get3A_3] : memref<2000x20xf32, #tpu.memory_space<vmem>>, vector<2000x20xf32>
    %get3A_5 = arith.constant 0 : index
    %get3A_6 = arith.constant 0 : index
    %get3A_7 = vector.load %arg3[%get3A_5, %get3A_6] : memref<2000x16xf32, #tpu.memory_space<vmem>>, vector<2000x16xf32>
    %get3A_8 = arith.constant 0 : index
    %get3A_9 = arith.constant 0 : index
    %get3A_10 = vector.load %arg4[%get3A_8, %get3A_9] : memref<2000x16xf32, #tpu.memory_space<vmem>>, vector<2000x16xf32>
    %get3A_11 = arith.constant 0 : index
    %get3A_12 = arith.constant 0 : index
    %get3A_13 = vector.load %arg5[%get3A_11, %get3A_12] : memref<2000x1xf32, #tpu.memory_space<vmem>>, vector<2000x1xf32>
    %get3A_14 = arith.constant 0 : index
    %get3A_15 = arith.constant 0 : index
    %get3A_16 = vector.load %arg6[%get3A_14, %get3A_15] : memref<2000x1xf32, #tpu.memory_space<vmem>>, vector<2000x1xf32>
    %get3A_17 = arith.constant 0 : index
    %get3A_18 = arith.constant 0 : index
    %get3A_19 = vector.load %arg7[%get3A_17, %get3A_18] : memref<2000x1xf32, #tpu.memory_space<vmem>>, vector<2000x1xf32>
    %get3A_20 = arith.constant 0 : index
    %get3A_21 = arith.constant 0 : index
    %get3A_22 = vector.load %arg8[%get3A_20, %get3A_21] : memref<2000x1xf32, #tpu.memory_space<vmem>>, vector<2000x1xf32>
    %get3A_23 = arith.constant 0 : index
    %get3A_24 = arith.constant 0 : index
    %get3A_25 = vector.load %arg9[%get3A_23, %get3A_24] : memref<2000x1xf32, #tpu.memory_space<vmem>>, vector<2000x1xf32>
    %get3A_26 = arith.constant 0 : index
    %get3A_27 = arith.constant 0 : index
    %get3A_28 = vector.load %arg10[%get3A_26, %get3A_27] : memref<2000x1xf32, #tpu.memory_space<vmem>>, vector<2000x1xf32>
    %get3A_29 = arith.constant 0 : index
    %get3A_30 = arith.constant 0 : index
    %get3A_31 = vector.load %arg11[%get3A_29, %get3A_30] : memref<2000x2xf32, #tpu.memory_space<vmem>>, vector<2000x2xf32>
    %get3A_32 = arith.constant 0 : index
    %get3A_33 = arith.constant 0 : index
    %get3A_34 = vector.load %arg12[%get3A_32, %get3A_33] : memref<2000x8xf32, #tpu.memory_space<vmem>>, vector<2000x8xf32>
    %broadcast_in_dim3A = arith.constant 1.000000e+00 : f32
    %broadcast_in_dim3A_35 = vector.broadcast %broadcast_in_dim3A : f32 to vector<2000x1xf32>
    %broadcast_in_dim3A_36 = arith.constant 0.000000e+00 : f32
    %broadcast_in_dim3A_37 = vector.broadcast %broadcast_in_dim3A_36 : f32 to vector<2000x3xf32>
    %concatenate3A = tpu.concatenate %get3A_1, %get3A_4, %get3A_7, %get3A_10, %get3A_13, %get3A_16, %get3A_19, %get3A_22, %get3A_25, %get3A_28, %get3A_31, %get3A_34, %broadcast_in_dim3A_35, %broadcast_in_dim3A_37 in 1 : vector<2000x40xf32>, vector<2000x20xf32>, vector<2000x16xf32>, vector<2000x16xf32>, vector<2000x1xf32>, vector<2000x1xf32>, vector<2000x1xf32>, vector<2000x1xf32>, vector<2000x1xf32>, vector<2000x1xf32>, vector<2000x2xf32>, vector<2000x8xf32>, vector<2000x1xf32>, vector<2000x3xf32> -> vector<2000x112xf32>
    %swap3A = arith.constant 0 : index
    %swap3A_38 = arith.constant 0 : index
    %swap3A_39 = vector.load %arg13[%swap3A, %swap3A_38] : memref<2000x112xf32, #tpu.memory_space<vmem>>, vector<2000x112xf32>
    tpu.vector_store %arg13[%swap3A, %swap3A_38], %concatenate3A {strides = array<i32>} : memref<2000x112xf32, #tpu.memory_space<vmem>>, vector<2000x112xf32>,
    return
  }
  func.func @transform_0(%arg0: i32) -> (i32, i32) {
    %c0_i32 = arith.constant 0 : i32
    %c0_i32_0 = arith.constant 0 : i32
    return %arg0, %c0_i32 : i32, i32
  }
  func.func @transform_1(%arg0: i32) -> (i32, i32) {
    %c0_i32 = arith.constant 0 : i32
    %c0_i32_0 = arith.constant 0 : i32
    return %arg0, %c0_i32 : i32, i32
  }
  func.func @transform_2(%arg0: i32) -> (i32, i32) {
    %c0_i32 = arith.constant 0 : i32
    %c0_i32_0 = arith.constant 0 : i32
    return %arg0, %c0_i32 : i32, i32
  }
  func.func @transform_3(%arg0: i32) -> (i32, i32) {
    %c0_i32 = arith.constant 0 : i32
    %c0_i32_0 = arith.constant 0 : i32
    return %arg0, %c0_i32 : i32, i32
  }
  func.func @transform_4(%arg0: i32) -> (i32, i32) {
    %c0_i32 = arith.constant 0 : i32
    %c0_i32_0 = arith.constant 0 : i32
    return %arg0, %c0_i32 : i32, i32
  }
  func.func @transform_5(%arg0: i32) -> (i32, i32) {
    %c0_i32 = arith.constant 0 : i32
    %c0_i32_0 = arith.constant 0 : i32
    return %arg0, %c0_i32 : i32, i32
  }
  func.func @transform_6(%arg0: i32) -> (i32, i32) {
    %c0_i32 = arith.constant 0 : i32
    %c0_i32_0 = arith.constant 0 : i32
    return %arg0, %c0_i32 : i32, i32
  }
  func.func @transform_7(%arg0: i32) -> (i32, i32) {
    %c0_i32 = arith.constant 0 : i32
    %c0_i32_0 = arith.constant 0 : i32
    return %arg0, %c0_i32 : i32, i32
  }
  func.func @transform_8(%arg0: i32) -> (i32, i32) {
    %c0_i32 = arith.constant 0 : i32
    %c0_i32_0 = arith.constant 0 : i32
    return %arg0, %c0_i32 : i32, i32
  }
  func.func @transform_9(%arg0: i32) -> (i32, i32) {
    %c0_i32 = arith.constant 0 : i32
    %c0_i32_0 = arith.constant 0 : i32
    return %arg0, %c0_i32 : i32, i32
  }
  func.func @transform_10(%arg0: i32) -> (i32, i32) {
    %c0_i32 = arith.constant 0 : i32
    %c0_i32_0 = arith.constant 0 : i32
    return %arg0, %c0_i32 : i32, i32
  }
  func.func @transform_11(%arg0: i32) -> (i32, i32) {
    %c0_i32 = arith.constant 0 : i32
    %c0_i32_0 = arith.constant 0 : i32
    return %arg0, %c0_i32 : i32, i32
  }
  func.func @transform_12(%arg0: i32) -> (i32, i32) {
    %c0_i32 = arith.constant 0 : i32
    %c0_i32_0 = arith.constant 0 : i32
    return %arg0, %c0_i32 : i32, i32
  }
}

module attributes {stable_mosaic.version = 14 : i64} {
  func.func @_xr_body(%arg0: i32, %arg1: memref<2000x112xf32, #tpu.memory_space<vmem>>, %arg2: memref<112x128xf32, #tpu.memory_space<vmem>>, %arg3: memref<1x128xf32, #tpu.memory_space<vmem>>, %arg4: memref<2000x128xf32, #tpu.memory_space<vmem>>) attributes {dimension_semantics = [#tpu.dimension_semantics<arbitrary>], iteration_bounds = array<i64: 5>, scalar_prefetch = 0 : i64, scratch_operands = 0 : i64, tpu.core_type = #tpu.core_type<tc>, window_params = [{transform_indices = @transform_0, window_bounds = array<i64: 2000, 112>}, {pipeline_mode = #tpu.pipeline_mode<synchronous>, transform_indices = @transform_1, window_bounds = array<i64: 112, 128>}, {pipeline_mode = #tpu.pipeline_mode<synchronous>, transform_indices = @transform_2, window_bounds = array<i64: 1, 128>}, {transform_indices = @transform_3, window_bounds = array<i64: 2000, 128>}]} {
    %get3A = arith.constant 0 : index
    %get3A_0 = arith.constant 0 : index
    %get3A_1 = vector.load %arg1[%get3A, %get3A_0] : memref<2000x112xf32, #tpu.memory_space<vmem>>, vector<2000x112xf32>
    %get3A_2 = arith.constant 0 : index
    %get3A_3 = arith.constant 0 : index
    %get3A_4 = vector.load %arg2[%get3A_2, %get3A_3] : memref<112x128xf32, #tpu.memory_space<vmem>>, vector<112x128xf32>
    %dot_general3A = arith.constant dense<0.000000e+00> : vector<2000x128xf32>
    %dot_general3A_5 = tpu.matmul %get3A_1, %get3A_4, %dot_general3A {dimension_numbers = #tpu.dot_dimension_numbers<[1], [0], [0], [1], [0, 0, 1, 1], [], []>, transpose_lhs_hint = false} : vector<2000x112xf32>, vector<112x128xf32>, vector<2000x128xf32> -> vector<2000x128xf32>
    %get3A_6 = arith.constant 0 : index
    %get3A_7 = arith.constant 0 : index
    %get3A_8 = vector.load %arg3[%get3A_6, %get3A_7] : memref<1x128xf32, #tpu.memory_space<vmem>>, vector<1x128xf32>
    %add3A = vector.broadcast %get3A_8 : vector<1x128xf32> to vector<2000x128xf32>
    %add3A_9 = arith.addf %dot_general3A_5, %add3A : vector<2000x128xf32>
    %swap3A = arith.constant 0 : index
    %swap3A_10 = arith.constant 0 : index
    %swap3A_11 = vector.load %arg4[%swap3A, %swap3A_10] : memref<2000x128xf32, #tpu.memory_space<vmem>>, vector<2000x128xf32>
    tpu.vector_store %arg4[%swap3A, %swap3A_10], %add3A_9 {strides = array<i32>} : memref<2000x128xf32, #tpu.memory_space<vmem>>, vector<2000x128xf32>,
    return
  }
  func.func @transform_0(%arg0: i32) -> (i32, i32) {
    %c0_i32 = arith.constant 0 : i32
    %c0_i32_0 = arith.constant 0 : i32
    return %arg0, %c0_i32 : i32, i32
  }
  func.func @transform_1(%arg0: i32) -> (i32, i32) {
    %c0_i32 = arith.constant 0 : i32
    %c0_i32_0 = arith.constant 0 : i32
    %c0_i32_1 = arith.constant 0 : i32
    return %c0_i32, %c0_i32_0 : i32, i32
  }
  func.func @transform_2(%arg0: i32) -> (i32, i32) {
    %c0_i32 = arith.constant 0 : i32
    %c0_i32_0 = arith.constant 0 : i32
    %c0_i32_1 = arith.constant 0 : i32
    return %c0_i32, %c0_i32_0 : i32, i32
  }
  func.func @transform_3(%arg0: i32) -> (i32, i32) {
    %c0_i32 = arith.constant 0 : i32
    %c0_i32_0 = arith.constant 0 : i32
    return %arg0, %c0_i32 : i32, i32
  }
}

module attributes {stable_mosaic.version = 14 : i64} {
  func.func @_mlp_body(%arg0: i32, %arg1: memref<2x2000x112xf32, #tpu.memory_space<vmem>>, %arg2: memref<2000x128xf32, #tpu.memory_space<vmem>>, %arg3: memref<112x128xf32, #tpu.memory_space<vmem>>, %arg4: memref<128x64xf32, #tpu.memory_space<vmem>>, %arg5: memref<128x64xf32, #tpu.memory_space<vmem>>, %arg6: memref<1x64xf32, #tpu.memory_space<vmem>>, %arg7: memref<1x112xf32, #tpu.memory_space<vmem>>, %arg8: memref<2000x64xf32, #tpu.memory_space<vmem>>, %arg9: memref<2000x64xf32, #tpu.memory_space<vmem>>, %arg10: memref<2000x8xf32, #tpu.memory_space<vmem>>) attributes {dimension_semantics = [#tpu.dimension_semantics<arbitrary>], iteration_bounds = array<i64: 5>, scalar_prefetch = 0 : i64, scratch_operands = 0 : i64, tpu.core_type = #tpu.core_type<tc>, window_params = [{transform_indices = @transform_0, window_bounds = array<i64: 2, 2000, 112>}, {transform_indices = @transform_1, window_bounds = array<i64: 2000, 128>}, {pipeline_mode = #tpu.pipeline_mode<synchronous>, transform_indices = @transform_2, window_bounds = array<i64: 112, 128>}, {pipeline_mode = #tpu.pipeline_mode<synchronous>, transform_indices = @transform_3, window_bounds = array<i64: 128, 64>}, {pipeline_mode = #tpu.pipeline_mode<synchronous>, transform_indices = @transform_4, window_bounds = array<i64: 128, 64>}, {pipeline_mode = #tpu.pipeline_mode<synchronous>, transform_indices = @transform_5, window_bounds = array<i64: 1, 64>}, {pipeline_mode = #tpu.pipeline_mode<synchronous>, transform_indices = @transform_6, window_bounds = array<i64: 1, 112>}, {transform_indices = @transform_7, window_bounds = array<i64: 2000, 64>}, {transform_indices = @transform_8, window_bounds = array<i64: 2000, 64>}, {transform_indices = @transform_9, window_bounds = array<i64: 2000, 8>}]} {
    %get3A = arith.constant 0 : index
    %get3A_0 = arith.constant 0 : index
    %get3A_1 = arith.constant 0 : index
    %get3A_2 = vector.load %arg1[%get3A, %get3A_0, %get3A_1] : memref<2x2000x112xf32, #tpu.memory_space<vmem>>, vector<1x2000x112xf32>
    %get3A_3 = vector.shape_cast %get3A_2 : vector<1x2000x112xf32> to vector<2000x112xf32>
    %get3A_4 = arith.constant 1 : index
    %get3A_5 = arith.constant 0 : index
    %get3A_6 = arith.constant 0 : index
    %get3A_7 = vector.load %arg1[%get3A_4, %get3A_5, %get3A_6] : memref<2x2000x112xf32, #tpu.memory_space<vmem>>, vector<1x2000x112xf32>
    %get3A_8 = vector.shape_cast %get3A_7 : vector<1x2000x112xf32> to vector<2000x112xf32>
    %add3A = arith.addf %get3A_3, %get3A_8 : vector<2000x112xf32>
    %get3A_9 = arith.constant 0 : index
    %get3A_10 = arith.constant 0 : index
    %get3A_11 = vector.load %arg7[%get3A_9, %get3A_10] : memref<1x112xf32, #tpu.memory_space<vmem>>, vector<1x112xf32>
    %mul3A = vector.broadcast %get3A_11 : vector<1x112xf32> to vector<2000x112xf32>
    %mul3A_12 = arith.mulf %add3A, %mul3A : vector<2000x112xf32>
    %reduce_sum3A = arith.constant dense<0.000000e+00> : vector<2000xf32>
    %reduce_sum3A_13 = vector.multi_reduction <add>, %mul3A_12, %reduce_sum3A [1] : vector<2000x112xf32> to vector<2000xf32>
    %broadcast_in_dim3A = vector.shape_cast %reduce_sum3A_13 : vector<2000xf32> to vector<2000x1xf32>
    %max3A = arith.constant 1.000000e+00 : f32
    %max3A_14 = vector.broadcast %max3A : f32 to vector<2000x1xf32>
    %max3A_15 = arith.maximumf %broadcast_in_dim3A, %max3A_14 : vector<2000x1xf32>
    %div3A = arith.constant 1.000000e+00 : f32
    %div3A_16 = vector.broadcast %div3A : f32 to vector<2000x1xf32>
    %div3A_17 = arith.divf %div3A_16, %max3A_15 : vector<2000x1xf32>
    %mul3A_18 = vector.broadcast %div3A_17 : vector<2000x1xf32> to vector<2000x112xf32>
    %mul3A_19 = arith.mulf %add3A, %mul3A_18 : vector<2000x112xf32>
    %get3A_20 = arith.constant 0 : index
    %get3A_21 = arith.constant 0 : index
    %get3A_22 = vector.load %arg3[%get3A_20, %get3A_21] : memref<112x128xf32, #tpu.memory_space<vmem>>, vector<112x128xf32>
    %dot_general3A = arith.constant dense<0.000000e+00> : vector<2000x128xf32>
    %dot_general3A_23 = tpu.matmul %mul3A_19, %get3A_22, %dot_general3A {dimension_numbers = #tpu.dot_dimension_numbers<[1], [0], [0], [1], [0, 0, 1, 1], [], []>, transpose_lhs_hint = false} : vector<2000x112xf32>, vector<112x128xf32>, vector<2000x128xf32> -> vector<2000x128xf32>
    %get3A_24 = arith.constant 0 : index
    %get3A_25 = arith.constant 0 : index
    %get3A_26 = vector.load %arg2[%get3A_24, %get3A_25] : memref<2000x128xf32, #tpu.memory_space<vmem>>, vector<2000x128xf32>
    %add3A_27 = arith.addf %dot_general3A_23, %get3A_26 : vector<2000x128xf32>
    %max3A_28 = arith.constant 0.000000e+00 : f32
    %max3A_29 = vector.broadcast %max3A_28 : f32 to vector<2000x128xf32>
    %max3A_30 = arith.maximumf %add3A_27, %max3A_29 : vector<2000x128xf32>
    %get3A_31 = arith.constant 0 : index
    %get3A_32 = arith.constant 0 : index
    %get3A_33 = vector.load %arg4[%get3A_31, %get3A_32] : memref<128x64xf32, #tpu.memory_space<vmem>>, vector<128x64xf32>
    %dot_general3A_34 = arith.constant dense<0.000000e+00> : vector<2000x64xf32>
    %dot_general3A_35 = tpu.matmul %max3A_30, %get3A_33, %dot_general3A_34 {dimension_numbers = #tpu.dot_dimension_numbers<[1], [0], [0], [1], [0, 0, 1, 1], [], []>, transpose_lhs_hint = false} : vector<2000x128xf32>, vector<128x64xf32>, vector<2000x64xf32> -> vector<2000x64xf32>
    %swap3A = arith.constant 0 : index
    %swap3A_36 = arith.constant 0 : index
    %swap3A_37 = vector.load %arg8[%swap3A, %swap3A_36] : memref<2000x64xf32, #tpu.memory_space<vmem>>, vector<2000x64xf32>
    tpu.vector_store %arg8[%swap3A, %swap3A_36], %dot_general3A_35 {strides = array<i32>} : memref<2000x64xf32, #tpu.memory_space<vmem>>, vector<2000x64xf32>,
    %get3A_38 = arith.constant 0 : index
    %get3A_39 = arith.constant 0 : index
    %get3A_40 = vector.load %arg5[%get3A_38, %get3A_39] : memref<128x64xf32, #tpu.memory_space<vmem>>, vector<128x64xf32>
    %dot_general3A_41 = arith.constant dense<0.000000e+00> : vector<2000x64xf32>
    %dot_general3A_42 = tpu.matmul %max3A_30, %get3A_40, %dot_general3A_41 {dimension_numbers = #tpu.dot_dimension_numbers<[1], [0], [0], [1], [0, 0, 1, 1], [], []>, transpose_lhs_hint = false} : vector<2000x128xf32>, vector<128x64xf32>, vector<2000x64xf32> -> vector<2000x64xf32>
    %get3A_43 = arith.constant 0 : index
    %get3A_44 = arith.constant 0 : index
    %get3A_45 = vector.load %arg6[%get3A_43, %get3A_44] : memref<1x64xf32, #tpu.memory_space<vmem>>, vector<1x64xf32>
    %add3A_46 = vector.broadcast %get3A_45 : vector<1x64xf32> to vector<2000x64xf32>
    %add3A_47 = arith.addf %dot_general3A_42, %add3A_46 : vector<2000x64xf32>
    %swap3A_48 = arith.constant 0 : index
    %swap3A_49 = arith.constant 0 : index
    %swap3A_50 = vector.load %arg9[%swap3A_48, %swap3A_49] : memref<2000x64xf32, #tpu.memory_space<vmem>>, vector<2000x64xf32>
    tpu.vector_store %arg9[%swap3A_48, %swap3A_49], %add3A_47 {strides = array<i32>} : memref<2000x64xf32, #tpu.memory_space<vmem>>, vector<2000x64xf32>,
    %broadcast_in_dim3A_51 = vector.shape_cast %div3A_17 : vector<2000x1xf32> to vector<2000x1xf32>
    %broadcast_in_dim3A_52 = vector.broadcast %broadcast_in_dim3A_51 : vector<2000x1xf32> to vector<2000x8xf32>
    %swap3A_53 = arith.constant 0 : index
    %swap3A_54 = arith.constant 0 : index
    %swap3A_55 = vector.load %arg10[%swap3A_53, %swap3A_54] : memref<2000x8xf32, #tpu.memory_space<vmem>>, vector<2000x8xf32>
    tpu.vector_store %arg10[%swap3A_53, %swap3A_54], %broadcast_in_dim3A_52 {strides = array<i32>} : memref<2000x8xf32, #tpu.memory_space<vmem>>, vector<2000x8xf32>,
    return
  }
  func.func @transform_0(%arg0: i32) -> (i32, i32, i32) {
    %c0_i32 = arith.constant 0 : i32
    %c0_i32_0 = arith.constant 0 : i32
    %c0_i32_1 = arith.constant 0 : i32
    return %c0_i32, %arg0, %c0_i32_0 : i32, i32, i32
  }
  func.func @transform_1(%arg0: i32) -> (i32, i32) {
    %c0_i32 = arith.constant 0 : i32
    %c0_i32_0 = arith.constant 0 : i32
    return %arg0, %c0_i32 : i32, i32
  }
  func.func @transform_2(%arg0: i32) -> (i32, i32) {
    %c0_i32 = arith.constant 0 : i32
    %c0_i32_0 = arith.constant 0 : i32
    %c0_i32_1 = arith.constant 0 : i32
    return %c0_i32, %c0_i32_0 : i32, i32
  }
  func.func @transform_3(%arg0: i32) -> (i32, i32) {
    %c0_i32 = arith.constant 0 : i32
    %c0_i32_0 = arith.constant 0 : i32
    %c0_i32_1 = arith.constant 0 : i32
    return %c0_i32, %c0_i32_0 : i32, i32
  }
  func.func @transform_4(%arg0: i32) -> (i32, i32) {
    %c0_i32 = arith.constant 0 : i32
    %c0_i32_0 = arith.constant 0 : i32
    %c0_i32_1 = arith.constant 0 : i32
    return %c0_i32, %c0_i32_0 : i32, i32
  }
  func.func @transform_5(%arg0: i32) -> (i32, i32) {
    %c0_i32 = arith.constant 0 : i32
    %c0_i32_0 = arith.constant 0 : i32
    %c0_i32_1 = arith.constant 0 : i32
    return %c0_i32, %c0_i32_0 : i32, i32
  }
  func.func @transform_6(%arg0: i32) -> (i32, i32) {
    %c0_i32 = arith.constant 0 : i32
    %c0_i32_0 = arith.constant 0 : i32
    %c0_i32_1 = arith.constant 0 : i32
    return %c0_i32, %c0_i32_0 : i32, i32
  }
  func.func @transform_7(%arg0: i32) -> (i32, i32) {
    %c0_i32 = arith.constant 0 : i32
    %c0_i32_0 = arith.constant 0 : i32
    return %arg0, %c0_i32 : i32, i32
  }
  func.func @transform_8(%arg0: i32) -> (i32, i32) {
    %c0_i32 = arith.constant 0 : i32
    %c0_i32_0 = arith.constant 0 : i32
    return %arg0, %c0_i32 : i32, i32
  }
  func.func @transform_9(%arg0: i32) -> (i32, i32) {
    %c0_i32 = arith.constant 0 : i32
    %c0_i32_0 = arith.constant 0 : i32
    return %arg0, %c0_i32 : i32, i32
  }
}

module attributes {stable_mosaic.version = 14 : i64} {
  func.func @_pool_body(%arg0: i32, %arg1: memref<2x2000x64xf32, #tpu.memory_space<vmem>>, %arg2: memref<2000x64xf32, #tpu.memory_space<vmem>>, %arg3: memref<2000x8xf32, #tpu.memory_space<vmem>>, %arg4: memref<2000x1xi32, #tpu.memory_space<vmem>>, %arg5: memref<64x64xf32, #tpu.memory_space<vmem>>) attributes {dimension_semantics = [#tpu.dimension_semantics<arbitrary>], iteration_bounds = array<i64: 5>, scalar_prefetch = 0 : i64, scratch_operands = 0 : i64, tpu.core_type = #tpu.core_type<tc>, window_params = [{transform_indices = @transform_0, window_bounds = array<i64: 2, 2000, 64>}, {transform_indices = @transform_1, window_bounds = array<i64: 2000, 64>}, {transform_indices = @transform_2, window_bounds = array<i64: 2000, 8>}, {transform_indices = @transform_3, window_bounds = array<i64: 2000, 1>}, {pipeline_mode = #tpu.pipeline_mode<synchronous>, transform_indices = @transform_4, window_bounds = array<i64: 64, 64>}]} {
    %eq3A = arith.constant 0 : i32
    %eq3A_0 = arith.cmpi eq, %arg0, %eq3A : i32
    %convert_element_type3A = arith.extui %eq3A_0 : i1 to i32
    %cond3A = arith.constant 0 : i32
    %cond3A_1 = arith.cmpi ne, %convert_element_type3A, %cond3A : i32
    scf.if %cond3A_1 {
      %broadcast_in_dim3A = arith.constant 0xFF800000 : f32
      %broadcast_in_dim3A_539 = vector.broadcast %broadcast_in_dim3A : f32 to vector<64x64xf32>
      %swap3A = arith.constant 0 : index
      %swap3A_540 = arith.constant 0 : index
      %swap3A_541 = vector.load %arg5[%swap3A, %swap3A_540] : memref<64x64xf32, #tpu.memory_space<vmem>>, vector<64x64xf32>
      tpu.vector_store %arg5[%swap3A, %swap3A_540], %broadcast_in_dim3A_539 {strides = array<i32>} : memref<64x64xf32, #tpu.memory_space<vmem>>, vector<64x64xf32>,
    } else {
    }
    %get3A = arith.constant 0 : index
    %get3A_2 = arith.constant 0 : index
    %get3A_3 = arith.constant 0 : index
    %get3A_4 = vector.load %arg1[%get3A, %get3A_2, %get3A_3] : memref<2x2000x64xf32, #tpu.memory_space<vmem>>, vector<1x2000x64xf32>
    %get3A_5 = vector.shape_cast %get3A_4 : vector<1x2000x64xf32> to vector<2000x64xf32>
    %get3A_6 = arith.constant 1 : index
    %get3A_7 = arith.constant 0 : index
    %get3A_8 = arith.constant 0 : index
    %get3A_9 = vector.load %arg1[%get3A_6, %get3A_7, %get3A_8] : memref<2x2000x64xf32, #tpu.memory_space<vmem>>, vector<1x2000x64xf32>
    %get3A_10 = vector.shape_cast %get3A_9 : vector<1x2000x64xf32> to vector<2000x64xf32>
    %add3A = arith.addf %get3A_5, %get3A_10 : vector<2000x64xf32>
    %get3A_11 = arith.constant 0 : index
    %get3A_12 = arith.constant 0 : index
    %get3A_13 = vector.load %arg3[%get3A_11, %get3A_12] : memref<2000x8xf32, #tpu.memory_space<vmem>>, vector<2000x1xf32>
    %mul3A = vector.broadcast %get3A_13 : vector<2000x1xf32> to vector<2000x64xf32>
    %mul3A_14 = arith.mulf %add3A, %mul3A : vector<2000x64xf32>
    %get3A_15 = arith.constant 0 : index
    %get3A_16 = arith.constant 0 : index
    %get3A_17 = vector.load %arg2[%get3A_15, %get3A_16] : memref<2000x64xf32, #tpu.memory_space<vmem>>, vector<2000x64xf32>
    %add3A_18 = arith.addf %mul3A_14, %get3A_17 : vector<2000x64xf32>
    %get3A_19 = arith.constant 0 : index
    %get3A_20 = arith.constant 0 : index
    %get3A_21 = vector.load %arg4[%get3A_19, %get3A_20] : memref<2000x1xi32, #tpu.memory_space<vmem>>, vector<2000x1xi32>
    %get3A_22 = arith.constant 0 : index
    %get3A_23 = arith.constant 0 : index
    %get3A_24 = vector.load %arg4[%get3A_22, %get3A_23] : memref<2000x1xi32, #tpu.memory_space<vmem>>, vector<1x1xi32>
    %get3A_25 = vector.extract %get3A_24[0, 0] : i32 from vector<1x1xi32>
    %get3A_26 = arith.constant 1999 : index
    %get3A_27 = arith.constant 0 : index
    %get3A_28 = vector.load %arg4[%get3A_26, %get3A_27] : memref<2000x1xi32, #tpu.memory_space<vmem>>, vector<1x1xi32>
    %get3A_29 = vector.extract %get3A_28[0, 0] : i32 from vector<1x1xi32>
    %le3A = arith.constant 0 : i32
    %le3A_30 = arith.cmpi sle, %get3A_25, %le3A : i32
    %ge3A = arith.constant 0 : i32
    %ge3A_31 = arith.cmpi sge, %get3A_29, %ge3A : i32
    %and3A = arith.andi %le3A_30, %ge3A_31 : i1
    %convert_element_type3A_32 = arith.extui %and3A : i1 to i32
    %cond3A_33 = arith.constant 0 : i32
    %cond3A_34 = arith.cmpi ne, %convert_element_type3A_32, %cond3A_33 : i32
    scf.if %cond3A_34 {
      %eq3A_539 = arith.constant 0 : i32
      %eq3A_540 = vector.broadcast %eq3A_539 : i32 to vector<2000x1xi32>
      %eq3A_541 = arith.cmpi eq, %get3A_21, %eq3A_540 : vector<2000x1xi32>
      %jit3A = arith.constant 0xFF800000 : f32
      %broadcast_in_dim3A = vector.shape_cast %eq3A_541 : vector<2000x1xi1> to vector<2000x1xi1>
      %broadcast_in_dim3A_542 = vector.broadcast %broadcast_in_dim3A : vector<2000x1xi1> to vector<2000x64xi1>
      %broadcast_in_dim3A_543 = vector.broadcast %jit3A : f32 to vector<2000x64xf32>
      %select_n3A = arith.select %broadcast_in_dim3A_542, %add3A_18, %broadcast_in_dim3A_543 : vector<2000x64xi1>, vector<2000x64xf32>
      %reduce_max3A = arith.constant dense<0xFF800000> : vector<64xf32>
      %reduce_max3A_544 = vector.multi_reduction <maximumf>, %select_n3A, %reduce_max3A [0] : vector<2000x64xf32> to vector<64xf32>
      %broadcast_in_dim3A_545 = vector.shape_cast %reduce_max3A_544 : vector<64xf32> to vector<1x64xf32>
      %get3A_546 = arith.constant 0 : index
      %get3A_547 = arith.constant 0 : index
      %get3A_548 = vector.load %arg5[%get3A_546, %get3A_547] : memref<64x64xf32, #tpu.memory_space<vmem>>, vector<1x64xf32>
      %max3A = arith.maximumf %get3A_548, %broadcast_in_dim3A_545 : vector<1x64xf32>
      %swap3A = arith.constant 0 : index
      %swap3A_549 = arith.constant 0 : index
      %swap3A_550 = vector.load %arg5[%swap3A, %swap3A_549] : memref<64x64xf32, #tpu.memory_space<vmem>>, vector<1x64xf32>
      tpu.vector_store %arg5[%swap3A, %swap3A_549], %max3A {strides = array<i32>} : memref<64x64xf32, #tpu.memory_space<vmem>>, vector<1x64xf32>,
    } else {
    }
    %le3A_35 = arith.constant 1 : i32
    %le3A_36 = arith.cmpi sle, %get3A_25, %le3A_35 : i32
    %ge3A_37 = arith.constant 1 : i32
    %ge3A_38 = arith.cmpi sge, %get3A_29, %ge3A_37 : i32
    %and3A_39 = arith.andi %le3A_36, %ge3A_38 : i1
    %convert_element_type3A_40 = arith.extui %and3A_39 : i1 to i32
    %cond3A_41 = arith.constant 0 : i32
    %cond3A_42 = arith.cmpi ne, %convert_element_type3A_40, %cond3A_41 : i32
    scf.if %cond3A_42 {
      %eq3A_539 = arith.constant 1 : i32
      %eq3A_540 = vector.broadcast %eq3A_539 : i32 to vector<2000x1xi32>
      %eq3A_541 = arith.cmpi eq, %get3A_21, %eq3A_540 : vector<2000x1xi32>
      %jit3A = arith.constant 0xFF800000 : f32
      %broadcast_in_dim3A = vector.shape_cast %eq3A_541 : vector<2000x1xi1> to vector<2000x1xi1>
      %broadcast_in_dim3A_542 = vector.broadcast %broadcast_in_dim3A : vector<2000x1xi1> to vector<2000x64xi1>
      %broadcast_in_dim3A_543 = vector.broadcast %jit3A : f32 to vector<2000x64xf32>
      %select_n3A = arith.select %broadcast_in_dim3A_542, %add3A_18, %broadcast_in_dim3A_543 : vector<2000x64xi1>, vector<2000x64xf32>
      %reduce_max3A = arith.constant dense<0xFF800000> : vector<64xf32>
      %reduce_max3A_544 = vector.multi_reduction <maximumf>, %select_n3A, %reduce_max3A [0] : vector<2000x64xf32> to vector<64xf32>
      %broadcast_in_dim3A_545 = vector.shape_cast %reduce_max3A_544 : vector<64xf32> to vector<1x64xf32>
      %get3A_546 = arith.constant 1 : index
      %get3A_547 = arith.constant 0 : index
      %get3A_548 = vector.load %arg5[%get3A_546, %get3A_547] : memref<64x64xf32, #tpu.memory_space<vmem>>, vector<1x64xf32>
      %max3A = arith.maximumf %get3A_548, %broadcast_in_dim3A_545 : vector<1x64xf32>
      %swap3A = arith.constant 1 : index
      %swap3A_549 = arith.constant 0 : index
      %swap3A_550 = vector.load %arg5[%swap3A, %swap3A_549] : memref<64x64xf32, #tpu.memory_space<vmem>>, vector<1x64xf32>
      tpu.vector_store %arg5[%swap3A, %swap3A_549], %max3A {strides = array<i32>} : memref<64x64xf32, #tpu.memory_space<vmem>>, vector<1x64xf32>,
    } else {
    }
    %le3A_43 = arith.constant 2 : i32
    %le3A_44 = arith.cmpi sle, %get3A_25, %le3A_43 : i32
    %ge3A_45 = arith.constant 2 : i32
    %ge3A_46 = arith.cmpi sge, %get3A_29, %ge3A_45 : i32
    %and3A_47 = arith.andi %le3A_44, %ge3A_46 : i1
    %convert_element_type3A_48 = arith.extui %and3A_47 : i1 to i32
    %cond3A_49 = arith.constant 0 : i32
    %cond3A_50 = arith.cmpi ne, %convert_element_type3A_48, %cond3A_49 : i32
    scf.if %cond3A_50 {
      %eq3A_539 = arith.constant 2 : i32
      %eq3A_540 = vector.broadcast %eq3A_539 : i32 to vector<2000x1xi32>
      %eq3A_541 = arith.cmpi eq, %get3A_21, %eq3A_540 : vector<2000x1xi32>
      %jit3A = arith.constant 0xFF800000 : f32
      %broadcast_in_dim3A = vector.shape_cast %eq3A_541 : vector<2000x1xi1> to vector<2000x1xi1>
      %broadcast_in_dim3A_542 = vector.broadcast %broadcast_in_dim3A : vector<2000x1xi1> to vector<2000x64xi1>
      %broadcast_in_dim3A_543 = vector.broadcast %jit3A : f32 to vector<2000x64xf32>
      %select_n3A = arith.select %broadcast_in_dim3A_542, %add3A_18, %broadcast_in_dim3A_543 : vector<2000x64xi1>, vector<2000x64xf32>
      %reduce_max3A = arith.constant dense<0xFF800000> : vector<64xf32>
      %reduce_max3A_544 = vector.multi_reduction <maximumf>, %select_n3A, %reduce_max3A [0] : vector<2000x64xf32> to vector<64xf32>
      %broadcast_in_dim3A_545 = vector.shape_cast %reduce_max3A_544 : vector<64xf32> to vector<1x64xf32>
      %get3A_546 = arith.constant 2 : index
      %get3A_547 = arith.constant 0 : index
      %get3A_548 = vector.load %arg5[%get3A_546, %get3A_547] : memref<64x64xf32, #tpu.memory_space<vmem>>, vector<1x64xf32>
      %max3A = arith.maximumf %get3A_548, %broadcast_in_dim3A_545 : vector<1x64xf32>
      %swap3A = arith.constant 2 : index
      %swap3A_549 = arith.constant 0 : index
      %swap3A_550 = vector.load %arg5[%swap3A, %swap3A_549] : memref<64x64xf32, #tpu.memory_space<vmem>>, vector<1x64xf32>
      tpu.vector_store %arg5[%swap3A, %swap3A_549], %max3A {strides = array<i32>} : memref<64x64xf32, #tpu.memory_space<vmem>>, vector<1x64xf32>,
    } else {
    }
    %le3A_51 = arith.constant 3 : i32
    %le3A_52 = arith.cmpi sle, %get3A_25, %le3A_51 : i32
    %ge3A_53 = arith.constant 3 : i32
    %ge3A_54 = arith.cmpi sge, %get3A_29, %ge3A_53 : i32
    %and3A_55 = arith.andi %le3A_52, %ge3A_54 : i1
    %convert_element_type3A_56 = arith.extui %and3A_55 : i1 to i32
    %cond3A_57 = arith.constant 0 : i32
    %cond3A_58 = arith.cmpi ne, %convert_element_type3A_56, %cond3A_57 : i32
    scf.if %cond3A_58 {
      %eq3A_539 = arith.constant 3 : i32
      %eq3A_540 = vector.broadcast %eq3A_539 : i32 to vector<2000x1xi32>
      %eq3A_541 = arith.cmpi eq, %get3A_21, %eq3A_540 : vector<2000x1xi32>
      %jit3A = arith.constant 0xFF800000 : f32
      %broadcast_in_dim3A = vector.shape_cast %eq3A_541 : vector<2000x1xi1> to vector<2000x1xi1>
      %broadcast_in_dim3A_542 = vector.broadcast %broadcast_in_dim3A : vector<2000x1xi1> to vector<2000x64xi1>
      %broadcast_in_dim3A_543 = vector.broadcast %jit3A : f32 to vector<2000x64xf32>
      %select_n3A = arith.select %broadcast_in_dim3A_542, %add3A_18, %broadcast_in_dim3A_543 : vector<2000x64xi1>, vector<2000x64xf32>
      %reduce_max3A = arith.constant dense<0xFF800000> : vector<64xf32>
      %reduce_max3A_544 = vector.multi_reduction <maximumf>, %select_n3A, %reduce_max3A [0] : vector<2000x64xf32> to vector<64xf32>
      %broadcast_in_dim3A_545 = vector.shape_cast %reduce_max3A_544 : vector<64xf32> to vector<1x64xf32>
      %get3A_546 = arith.constant 3 : index
      %get3A_547 = arith.constant 0 : index
      %get3A_548 = vector.load %arg5[%get3A_546, %get3A_547] : memref<64x64xf32, #tpu.memory_space<vmem>>, vector<1x64xf32>
      %max3A = arith.maximumf %get3A_548, %broadcast_in_dim3A_545 : vector<1x64xf32>
      %swap3A = arith.constant 3 : index
      %swap3A_549 = arith.constant 0 : index
      %swap3A_550 = vector.load %arg5[%swap3A, %swap3A_549] : memref<64x64xf32, #tpu.memory_space<vmem>>, vector<1x64xf32>
      tpu.vector_store %arg5[%swap3A, %swap3A_549], %max3A {strides = array<i32>} : memref<64x64xf32, #tpu.memory_space<vmem>>, vector<1x64xf32>,
    } else {
    }
    %le3A_59 = arith.constant 4 : i32
    %le3A_60 = arith.cmpi sle, %get3A_25, %le3A_59 : i32
    %ge3A_61 = arith.constant 4 : i32
    %ge3A_62 = arith.cmpi sge, %get3A_29, %ge3A_61 : i32
    %and3A_63 = arith.andi %le3A_60, %ge3A_62 : i1
    %convert_element_type3A_64 = arith.extui %and3A_63 : i1 to i32
    %cond3A_65 = arith.constant 0 : i32
    %cond3A_66 = arith.cmpi ne, %convert_element_type3A_64, %cond3A_65 : i32
    scf.if %cond3A_66 {
      %eq3A_539 = arith.constant 4 : i32
      %eq3A_540 = vector.broadcast %eq3A_539 : i32 to vector<2000x1xi32>
      %eq3A_541 = arith.cmpi eq, %get3A_21, %eq3A_540 : vector<2000x1xi32>
      %jit3A = arith.constant 0xFF800000 : f32
      %broadcast_in_dim3A = vector.shape_cast %eq3A_541 : vector<2000x1xi1> to vector<2000x1xi1>
      %broadcast_in_dim3A_542 = vector.broadcast %broadcast_in_dim3A : vector<2000x1xi1> to vector<2000x64xi1>
      %broadcast_in_dim3A_543 = vector.broadcast %jit3A : f32 to vector<2000x64xf32>
      %select_n3A = arith.select %broadcast_in_dim3A_542, %add3A_18, %broadcast_in_dim3A_543 : vector<2000x64xi1>, vector<2000x64xf32>
      %reduce_max3A = arith.constant dense<0xFF800000> : vector<64xf32>
      %reduce_max3A_544 = vector.multi_reduction <maximumf>, %select_n3A, %reduce_max3A [0] : vector<2000x64xf32> to vector<64xf32>
      %broadcast_in_dim3A_545 = vector.shape_cast %reduce_max3A_544 : vector<64xf32> to vector<1x64xf32>
      %get3A_546 = arith.constant 4 : index
      %get3A_547 = arith.constant 0 : index
      %get3A_548 = vector.load %arg5[%get3A_546, %get3A_547] : memref<64x64xf32, #tpu.memory_space<vmem>>, vector<1x64xf32>
      %max3A = arith.maximumf %get3A_548, %broadcast_in_dim3A_545 : vector<1x64xf32>
      %swap3A = arith.constant 4 : index
      %swap3A_549 = arith.constant 0 : index
      %swap3A_550 = vector.load %arg5[%swap3A, %swap3A_549] : memref<64x64xf32, #tpu.memory_space<vmem>>, vector<1x64xf32>
      tpu.vector_store %arg5[%swap3A, %swap3A_549], %max3A {strides = array<i32>} : memref<64x64xf32, #tpu.memory_space<vmem>>, vector<1x64xf32>,
    } else {
    }
    %le3A_67 = arith.constant 5 : i32
    %le3A_68 = arith.cmpi sle, %get3A_25, %le3A_67 : i32
    %ge3A_69 = arith.constant 5 : i32
    %ge3A_70 = arith.cmpi sge, %get3A_29, %ge3A_69 : i32
    %and3A_71 = arith.andi %le3A_68, %ge3A_70 : i1
    %convert_element_type3A_72 = arith.extui %and3A_71 : i1 to i32
    %cond3A_73 = arith.constant 0 : i32
    %cond3A_74 = arith.cmpi ne, %convert_element_type3A_72, %cond3A_73 : i32
    scf.if %cond3A_74 {
      %eq3A_539 = arith.constant 5 : i32
      %eq3A_540 = vector.broadcast %eq3A_539 : i32 to vector<2000x1xi32>
      %eq3A_541 = arith.cmpi eq, %get3A_21, %eq3A_540 : vector<2000x1xi32>
      %jit3A = arith.constant 0xFF800000 : f32
      %broadcast_in_dim3A = vector.shape_cast %eq3A_541 : vector<2000x1xi1> to vector<2000x1xi1>
      %broadcast_in_dim3A_542 = vector.broadcast %broadcast_in_dim3A : vector<2000x1xi1> to vector<2000x64xi1>
      %broadcast_in_dim3A_543 = vector.broadcast %jit3A : f32 to vector<2000x64xf32>
      %select_n3A = arith.select %broadcast_in_dim3A_542, %add3A_18, %broadcast_in_dim3A_543 : vector<2000x64xi1>, vector<2000x64xf32>
      %reduce_max3A = arith.constant dense<0xFF800000> : vector<64xf32>
      %reduce_max3A_544 = vector.multi_reduction <maximumf>, %select_n3A, %reduce_max3A [0] : vector<2000x64xf32> to vector<64xf32>
      %broadcast_in_dim3A_545 = vector.shape_cast %reduce_max3A_544 : vector<64xf32> to vector<1x64xf32>
      %get3A_546 = arith.constant 5 : index
      %get3A_547 = arith.constant 0 : index
      %get3A_548 = vector.load %arg5[%get3A_546, %get3A_547] : memref<64x64xf32, #tpu.memory_space<vmem>>, vector<1x64xf32>
      %max3A = arith.maximumf %get3A_548, %broadcast_in_dim3A_545 : vector<1x64xf32>
      %swap3A = arith.constant 5 : index
      %swap3A_549 = arith.constant 0 : index
      %swap3A_550 = vector.load %arg5[%swap3A, %swap3A_549] : memref<64x64xf32, #tpu.memory_space<vmem>>, vector<1x64xf32>
      tpu.vector_store %arg5[%swap3A, %swap3A_549], %max3A {strides = array<i32>} : memref<64x64xf32, #tpu.memory_space<vmem>>, vector<1x64xf32>,
    } else {
    }
    %le3A_75 = arith.constant 6 : i32
    %le3A_76 = arith.cmpi sle, %get3A_25, %le3A_75 : i32
    %ge3A_77 = arith.constant 6 : i32
    %ge3A_78 = arith.cmpi sge, %get3A_29, %ge3A_77 : i32
    %and3A_79 = arith.andi %le3A_76, %ge3A_78 : i1
    %convert_element_type3A_80 = arith.extui %and3A_79 : i1 to i32
    %cond3A_81 = arith.constant 0 : i32
    %cond3A_82 = arith.cmpi ne, %convert_element_type3A_80, %cond3A_81 : i32
    scf.if %cond3A_82 {
      %eq3A_539 = arith.constant 6 : i32
      %eq3A_540 = vector.broadcast %eq3A_539 : i32 to vector<2000x1xi32>
      %eq3A_541 = arith.cmpi eq, %get3A_21, %eq3A_540 : vector<2000x1xi32>
      %jit3A = arith.constant 0xFF800000 : f32
      %broadcast_in_dim3A = vector.shape_cast %eq3A_541 : vector<2000x1xi1> to vector<2000x1xi1>
      %broadcast_in_dim3A_542 = vector.broadcast %broadcast_in_dim3A : vector<2000x1xi1> to vector<2000x64xi1>
      %broadcast_in_dim3A_543 = vector.broadcast %jit3A : f32 to vector<2000x64xf32>
      %select_n3A = arith.select %broadcast_in_dim3A_542, %add3A_18, %broadcast_in_dim3A_543 : vector<2000x64xi1>, vector<2000x64xf32>
      %reduce_max3A = arith.constant dense<0xFF800000> : vector<64xf32>
      %reduce_max3A_544 = vector.multi_reduction <maximumf>, %select_n3A, %reduce_max3A [0] : vector<2000x64xf32> to vector<64xf32>
      %broadcast_in_dim3A_545 = vector.shape_cast %reduce_max3A_544 : vector<64xf32> to vector<1x64xf32>
      %get3A_546 = arith.constant 6 : index
      %get3A_547 = arith.constant 0 : index
      %get3A_548 = vector.load %arg5[%get3A_546, %get3A_547] : memref<64x64xf32, #tpu.memory_space<vmem>>, vector<1x64xf32>
      %max3A = arith.maximumf %get3A_548, %broadcast_in_dim3A_545 : vector<1x64xf32>
      %swap3A = arith.constant 6 : index
      %swap3A_549 = arith.constant 0 : index
      %swap3A_550 = vector.load %arg5[%swap3A, %swap3A_549] : memref<64x64xf32, #tpu.memory_space<vmem>>, vector<1x64xf32>
      tpu.vector_store %arg5[%swap3A, %swap3A_549], %max3A {strides = array<i32>} : memref<64x64xf32, #tpu.memory_space<vmem>>, vector<1x64xf32>,
    } else {
    }
    %le3A_83 = arith.constant 7 : i32
    %le3A_84 = arith.cmpi sle, %get3A_25, %le3A_83 : i32
    %ge3A_85 = arith.constant 7 : i32
    %ge3A_86 = arith.cmpi sge, %get3A_29, %ge3A_85 : i32
    %and3A_87 = arith.andi %le3A_84, %ge3A_86 : i1
    %convert_element_type3A_88 = arith.extui %and3A_87 : i1 to i32
    %cond3A_89 = arith.constant 0 : i32
    %cond3A_90 = arith.cmpi ne, %convert_element_type3A_88, %cond3A_89 : i32
    scf.if %cond3A_90 {
      %eq3A_539 = arith.constant 7 : i32
      %eq3A_540 = vector.broadcast %eq3A_539 : i32 to vector<2000x1xi32>
      %eq3A_541 = arith.cmpi eq, %get3A_21, %eq3A_540 : vector<2000x1xi32>
      %jit3A = arith.constant 0xFF800000 : f32
      %broadcast_in_dim3A = vector.shape_cast %eq3A_541 : vector<2000x1xi1> to vector<2000x1xi1>
      %broadcast_in_dim3A_542 = vector.broadcast %broadcast_in_dim3A : vector<2000x1xi1> to vector<2000x64xi1>
      %broadcast_in_dim3A_543 = vector.broadcast %jit3A : f32 to vector<2000x64xf32>
      %select_n3A = arith.select %broadcast_in_dim3A_542, %add3A_18, %broadcast_in_dim3A_543 : vector<2000x64xi1>, vector<2000x64xf32>
      %reduce_max3A = arith.constant dense<0xFF800000> : vector<64xf32>
      %reduce_max3A_544 = vector.multi_reduction <maximumf>, %select_n3A, %reduce_max3A [0] : vector<2000x64xf32> to vector<64xf32>
      %broadcast_in_dim3A_545 = vector.shape_cast %reduce_max3A_544 : vector<64xf32> to vector<1x64xf32>
      %get3A_546 = arith.constant 7 : index
      %get3A_547 = arith.constant 0 : index
      %get3A_548 = vector.load %arg5[%get3A_546, %get3A_547] : memref<64x64xf32, #tpu.memory_space<vmem>>, vector<1x64xf32>
      %max3A = arith.maximumf %get3A_548, %broadcast_in_dim3A_545 : vector<1x64xf32>
      %swap3A = arith.constant 7 : index
      %swap3A_549 = arith.constant 0 : index
      %swap3A_550 = vector.load %arg5[%swap3A, %swap3A_549] : memref<64x64xf32, #tpu.memory_space<vmem>>, vector<1x64xf32>
      tpu.vector_store %arg5[%swap3A, %swap3A_549], %max3A {strides = array<i32>} : memref<64x64xf32, #tpu.memory_space<vmem>>, vector<1x64xf32>,
    } else {
    }
    %le3A_91 = arith.constant 8 : i32
    %le3A_92 = arith.cmpi sle, %get3A_25, %le3A_91 : i32
    %ge3A_93 = arith.constant 8 : i32
    %ge3A_94 = arith.cmpi sge, %get3A_29, %ge3A_93 : i32
    %and3A_95 = arith.andi %le3A_92, %ge3A_94 : i1
    %convert_element_type3A_96 = arith.extui %and3A_95 : i1 to i32
    %cond3A_97 = arith.constant 0 : i32
    %cond3A_98 = arith.cmpi ne, %convert_element_type3A_96, %cond3A_97 : i32
    scf.if %cond3A_98 {
      %eq3A_539 = arith.constant 8 : i32
      %eq3A_540 = vector.broadcast %eq3A_539 : i32 to vector<2000x1xi32>
      %eq3A_541 = arith.cmpi eq, %get3A_21, %eq3A_540 : vector<2000x1xi32>
      %jit3A = arith.constant 0xFF800000 : f32
      %broadcast_in_dim3A = vector.shape_cast %eq3A_541 : vector<2000x1xi1> to vector<2000x1xi1>
      %broadcast_in_dim3A_542 = vector.broadcast %broadcast_in_dim3A : vector<2000x1xi1> to vector<2000x64xi1>
      %broadcast_in_dim3A_543 = vector.broadcast %jit3A : f32 to vector<2000x64xf32>
      %select_n3A = arith.select %broadcast_in_dim3A_542, %add3A_18, %broadcast_in_dim3A_543 : vector<2000x64xi1>, vector<2000x64xf32>
      %reduce_max3A = arith.constant dense<0xFF800000> : vector<64xf32>
      %reduce_max3A_544 = vector.multi_reduction <maximumf>, %select_n3A, %reduce_max3A [0] : vector<2000x64xf32> to vector<64xf32>
      %broadcast_in_dim3A_545 = vector.shape_cast %reduce_max3A_544 : vector<64xf32> to vector<1x64xf32>
      %get3A_546 = arith.constant 8 : index
      %get3A_547 = arith.constant 0 : index
      %get3A_548 = vector.load %arg5[%get3A_546, %get3A_547] : memref<64x64xf32, #tpu.memory_space<vmem>>, vector<1x64xf32>
      %max3A = arith.maximumf %get3A_548, %broadcast_in_dim3A_545 : vector<1x64xf32>
      %swap3A = arith.constant 8 : index
      %swap3A_549 = arith.constant 0 : index
      %swap3A_550 = vector.load %arg5[%swap3A, %swap3A_549] : memref<64x64xf32, #tpu.memory_space<vmem>>, vector<1x64xf32>
      tpu.vector_store %arg5[%swap3A, %swap3A_549], %max3A {strides = array<i32>} : memref<64x64xf32, #tpu.memory_space<vmem>>, vector<1x64xf32>,
    } else {
    }
    %le3A_99 = arith.constant 9 : i32
    %le3A_100 = arith.cmpi sle, %get3A_25, %le3A_99 : i32
    %ge3A_101 = arith.constant 9 : i32
    %ge3A_102 = arith.cmpi sge, %get3A_29, %ge3A_101 : i32
    %and3A_103 = arith.andi %le3A_100, %ge3A_102 : i1
    %convert_element_type3A_104 = arith.extui %and3A_103 : i1 to i32
    %cond3A_105 = arith.constant 0 : i32
    %cond3A_106 = arith.cmpi ne, %convert_element_type3A_104, %cond3A_105 : i32
    scf.if %cond3A_106 {
      %eq3A_539 = arith.constant 9 : i32
      %eq3A_540 = vector.broadcast %eq3A_539 : i32 to vector<2000x1xi32>
      %eq3A_541 = arith.cmpi eq, %get3A_21, %eq3A_540 : vector<2000x1xi32>
      %jit3A = arith.constant 0xFF800000 : f32
      %broadcast_in_dim3A = vector.shape_cast %eq3A_541 : vector<2000x1xi1> to vector<2000x1xi1>
      %broadcast_in_dim3A_542 = vector.broadcast %broadcast_in_dim3A : vector<2000x1xi1> to vector<2000x64xi1>
      %broadcast_in_dim3A_543 = vector.broadcast %jit3A : f32 to vector<2000x64xf32>
      %select_n3A = arith.select %broadcast_in_dim3A_542, %add3A_18, %broadcast_in_dim3A_543 : vector<2000x64xi1>, vector<2000x64xf32>
      %reduce_max3A = arith.constant dense<0xFF800000> : vector<64xf32>
      %reduce_max3A_544 = vector.multi_reduction <maximumf>, %select_n3A, %reduce_max3A [0] : vector<2000x64xf32> to vector<64xf32>
      %broadcast_in_dim3A_545 = vector.shape_cast %reduce_max3A_544 : vector<64xf32> to vector<1x64xf32>
      %get3A_546 = arith.constant 9 : index
      %get3A_547 = arith.constant 0 : index
      %get3A_548 = vector.load %arg5[%get3A_546, %get3A_547] : memref<64x64xf32, #tpu.memory_space<vmem>>, vector<1x64xf32>
      %max3A = arith.maximumf %get3A_548, %broadcast_in_dim3A_545 : vector<1x64xf32>
      %swap3A = arith.constant 9 : index
      %swap3A_549 = arith.constant 0 : index
      %swap3A_550 = vector.load %arg5[%swap3A, %swap3A_549] : memref<64x64xf32, #tpu.memory_space<vmem>>, vector<1x64xf32>
      tpu.vector_store %arg5[%swap3A, %swap3A_549], %max3A {strides = array<i32>} : memref<64x64xf32, #tpu.memory_space<vmem>>, vector<1x64xf32>,
    } else {
    }
    %le3A_107 = arith.constant 10 : i32
    %le3A_108 = arith.cmpi sle, %get3A_25, %le3A_107 : i32
    %ge3A_109 = arith.constant 10 : i32
    %ge3A_110 = arith.cmpi sge, %get3A_29, %ge3A_109 : i32
    %and3A_111 = arith.andi %le3A_108, %ge3A_110 : i1
    %convert_element_type3A_112 = arith.extui %and3A_111 : i1 to i32
    %cond3A_113 = arith.constant 0 : i32
    %cond3A_114 = arith.cmpi ne, %convert_element_type3A_112, %cond3A_113 : i32
    scf.if %cond3A_114 {
      %eq3A_539 = arith.constant 10 : i32
      %eq3A_540 = vector.broadcast %eq3A_539 : i32 to vector<2000x1xi32>
      %eq3A_541 = arith.cmpi eq, %get3A_21, %eq3A_540 : vector<2000x1xi32>
      %jit3A = arith.constant 0xFF800000 : f32
      %broadcast_in_dim3A = vector.shape_cast %eq3A_541 : vector<2000x1xi1> to vector<2000x1xi1>
      %broadcast_in_dim3A_542 = vector.broadcast %broadcast_in_dim3A : vector<2000x1xi1> to vector<2000x64xi1>
      %broadcast_in_dim3A_543 = vector.broadcast %jit3A : f32 to vector<2000x64xf32>
      %select_n3A = arith.select %broadcast_in_dim3A_542, %add3A_18, %broadcast_in_dim3A_543 : vector<2000x64xi1>, vector<2000x64xf32>
      %reduce_max3A = arith.constant dense<0xFF800000> : vector<64xf32>
      %reduce_max3A_544 = vector.multi_reduction <maximumf>, %select_n3A, %reduce_max3A [0] : vector<2000x64xf32> to vector<64xf32>
      %broadcast_in_dim3A_545 = vector.shape_cast %reduce_max3A_544 : vector<64xf32> to vector<1x64xf32>
      %get3A_546 = arith.constant 10 : index
      %get3A_547 = arith.constant 0 : index
      %get3A_548 = vector.load %arg5[%get3A_546, %get3A_547] : memref<64x64xf32, #tpu.memory_space<vmem>>, vector<1x64xf32>
      %max3A = arith.maximumf %get3A_548, %broadcast_in_dim3A_545 : vector<1x64xf32>
      %swap3A = arith.constant 10 : index
      %swap3A_549 = arith.constant 0 : index
      %swap3A_550 = vector.load %arg5[%swap3A, %swap3A_549] : memref<64x64xf32, #tpu.memory_space<vmem>>, vector<1x64xf32>
      tpu.vector_store %arg5[%swap3A, %swap3A_549], %max3A {strides = array<i32>} : memref<64x64xf32, #tpu.memory_space<vmem>>, vector<1x64xf32>,
    } else {
    }
    %le3A_115 = arith.constant 11 : i32
    %le3A_116 = arith.cmpi sle, %get3A_25, %le3A_115 : i32
    %ge3A_117 = arith.constant 11 : i32
    %ge3A_118 = arith.cmpi sge, %get3A_29, %ge3A_117 : i32
    %and3A_119 = arith.andi %le3A_116, %ge3A_118 : i1
    %convert_element_type3A_120 = arith.extui %and3A_119 : i1 to i32
    %cond3A_121 = arith.constant 0 : i32
    %cond3A_122 = arith.cmpi ne, %convert_element_type3A_120, %cond3A_121 : i32
    scf.if %cond3A_122 {
      %eq3A_539 = arith.constant 11 : i32
      %eq3A_540 = vector.broadcast %eq3A_539 : i32 to vector<2000x1xi32>
      %eq3A_541 = arith.cmpi eq, %get3A_21, %eq3A_540 : vector<2000x1xi32>
      %jit3A = arith.constant 0xFF800000 : f32
      %broadcast_in_dim3A = vector.shape_cast %eq3A_541 : vector<2000x1xi1> to vector<2000x1xi1>
      %broadcast_in_dim3A_542 = vector.broadcast %broadcast_in_dim3A : vector<2000x1xi1> to vector<2000x64xi1>
      %broadcast_in_dim3A_543 = vector.broadcast %jit3A : f32 to vector<2000x64xf32>
      %select_n3A = arith.select %broadcast_in_dim3A_542, %add3A_18, %broadcast_in_dim3A_543 : vector<2000x64xi1>, vector<2000x64xf32>
      %reduce_max3A = arith.constant dense<0xFF800000> : vector<64xf32>
      %reduce_max3A_544 = vector.multi_reduction <maximumf>, %select_n3A, %reduce_max3A [0] : vector<2000x64xf32> to vector<64xf32>
      %broadcast_in_dim3A_545 = vector.shape_cast %reduce_max3A_544 : vector<64xf32> to vector<1x64xf32>
      %get3A_546 = arith.constant 11 : index
      %get3A_547 = arith.constant 0 : index
      %get3A_548 = vector.load %arg5[%get3A_546, %get3A_547] : memref<64x64xf32, #tpu.memory_space<vmem>>, vector<1x64xf32>
      %max3A = arith.maximumf %get3A_548, %broadcast_in_dim3A_545 : vector<1x64xf32>
      %swap3A = arith.constant 11 : index
      %swap3A_549 = arith.constant 0 : index
      %swap3A_550 = vector.load %arg5[%swap3A, %swap3A_549] : memref<64x64xf32, #tpu.memory_space<vmem>>, vector<1x64xf32>
      tpu.vector_store %arg5[%swap3A, %swap3A_549], %max3A {strides = array<i32>} : memref<64x64xf32, #tpu.memory_space<vmem>>, vector<1x64xf32>,
    } else {
    }
    %le3A_123 = arith.constant 12 : i32
    %le3A_124 = arith.cmpi sle, %get3A_25, %le3A_123 : i32
    %ge3A_125 = arith.constant 12 : i32
    %ge3A_126 = arith.cmpi sge, %get3A_29, %ge3A_125 : i32
    %and3A_127 = arith.andi %le3A_124, %ge3A_126 : i1
    %convert_element_type3A_128 = arith.extui %and3A_127 : i1 to i32
    %cond3A_129 = arith.constant 0 : i32
    %cond3A_130 = arith.cmpi ne, %convert_element_type3A_128, %cond3A_129 : i32
    scf.if %cond3A_130 {
      %eq3A_539 = arith.constant 12 : i32
      %eq3A_540 = vector.broadcast %eq3A_539 : i32 to vector<2000x1xi32>
      %eq3A_541 = arith.cmpi eq, %get3A_21, %eq3A_540 : vector<2000x1xi32>
      %jit3A = arith.constant 0xFF800000 : f32
      %broadcast_in_dim3A = vector.shape_cast %eq3A_541 : vector<2000x1xi1> to vector<2000x1xi1>
      %broadcast_in_dim3A_542 = vector.broadcast %broadcast_in_dim3A : vector<2000x1xi1> to vector<2000x64xi1>
      %broadcast_in_dim3A_543 = vector.broadcast %jit3A : f32 to vector<2000x64xf32>
      %select_n3A = arith.select %broadcast_in_dim3A_542, %add3A_18, %broadcast_in_dim3A_543 : vector<2000x64xi1>, vector<2000x64xf32>
      %reduce_max3A = arith.constant dense<0xFF800000> : vector<64xf32>
      %reduce_max3A_544 = vector.multi_reduction <maximumf>, %select_n3A, %reduce_max3A [0] : vector<2000x64xf32> to vector<64xf32>
      %broadcast_in_dim3A_545 = vector.shape_cast %reduce_max3A_544 : vector<64xf32> to vector<1x64xf32>
      %get3A_546 = arith.constant 12 : index
      %get3A_547 = arith.constant 0 : index
      %get3A_548 = vector.load %arg5[%get3A_546, %get3A_547] : memref<64x64xf32, #tpu.memory_space<vmem>>, vector<1x64xf32>
      %max3A = arith.maximumf %get3A_548, %broadcast_in_dim3A_545 : vector<1x64xf32>
      %swap3A = arith.constant 12 : index
      %swap3A_549 = arith.constant 0 : index
      %swap3A_550 = vector.load %arg5[%swap3A, %swap3A_549] : memref<64x64xf32, #tpu.memory_space<vmem>>, vector<1x64xf32>
      tpu.vector_store %arg5[%swap3A, %swap3A_549], %max3A {strides = array<i32>} : memref<64x64xf32, #tpu.memory_space<vmem>>, vector<1x64xf32>,
    } else {
    }
    %le3A_131 = arith.constant 13 : i32
    %le3A_132 = arith.cmpi sle, %get3A_25, %le3A_131 : i32
    %ge3A_133 = arith.constant 13 : i32
    %ge3A_134 = arith.cmpi sge, %get3A_29, %ge3A_133 : i32
    %and3A_135 = arith.andi %le3A_132, %ge3A_134 : i1
    %convert_element_type3A_136 = arith.extui %and3A_135 : i1 to i32
    %cond3A_137 = arith.constant 0 : i32
    %cond3A_138 = arith.cmpi ne, %convert_element_type3A_136, %cond3A_137 : i32
    scf.if %cond3A_138 {
      %eq3A_539 = arith.constant 13 : i32
      %eq3A_540 = vector.broadcast %eq3A_539 : i32 to vector<2000x1xi32>
      %eq3A_541 = arith.cmpi eq, %get3A_21, %eq3A_540 : vector<2000x1xi32>
      %jit3A = arith.constant 0xFF800000 : f32
      %broadcast_in_dim3A = vector.shape_cast %eq3A_541 : vector<2000x1xi1> to vector<2000x1xi1>
      %broadcast_in_dim3A_542 = vector.broadcast %broadcast_in_dim3A : vector<2000x1xi1> to vector<2000x64xi1>
      %broadcast_in_dim3A_543 = vector.broadcast %jit3A : f32 to vector<2000x64xf32>
      %select_n3A = arith.select %broadcast_in_dim3A_542, %add3A_18, %broadcast_in_dim3A_543 : vector<2000x64xi1>, vector<2000x64xf32>
      %reduce_max3A = arith.constant dense<0xFF800000> : vector<64xf32>
      %reduce_max3A_544 = vector.multi_reduction <maximumf>, %select_n3A, %reduce_max3A [0] : vector<2000x64xf32> to vector<64xf32>
      %broadcast_in_dim3A_545 = vector.shape_cast %reduce_max3A_544 : vector<64xf32> to vector<1x64xf32>
      %get3A_546 = arith.constant 13 : index
      %get3A_547 = arith.constant 0 : index
      %get3A_548 = vector.load %arg5[%get3A_546, %get3A_547] : memref<64x64xf32, #tpu.memory_space<vmem>>, vector<1x64xf32>
      %max3A = arith.maximumf %get3A_548, %broadcast_in_dim3A_545 : vector<1x64xf32>
      %swap3A = arith.constant 13 : index
      %swap3A_549 = arith.constant 0 : index
      %swap3A_550 = vector.load %arg5[%swap3A, %swap3A_549] : memref<64x64xf32, #tpu.memory_space<vmem>>, vector<1x64xf32>
      tpu.vector_store %arg5[%swap3A, %swap3A_549], %max3A {strides = array<i32>} : memref<64x64xf32, #tpu.memory_space<vmem>>, vector<1x64xf32>,
    } else {
    }
    %le3A_139 = arith.constant 14 : i32
    %le3A_140 = arith.cmpi sle, %get3A_25, %le3A_139 : i32
    %ge3A_141 = arith.constant 14 : i32
    %ge3A_142 = arith.cmpi sge, %get3A_29, %ge3A_141 : i32
    %and3A_143 = arith.andi %le3A_140, %ge3A_142 : i1
    %convert_element_type3A_144 = arith.extui %and3A_143 : i1 to i32
    %cond3A_145 = arith.constant 0 : i32
    %cond3A_146 = arith.cmpi ne, %convert_element_type3A_144, %cond3A_145 : i32
    scf.if %cond3A_146 {
      %eq3A_539 = arith.constant 14 : i32
      %eq3A_540 = vector.broadcast %eq3A_539 : i32 to vector<2000x1xi32>
      %eq3A_541 = arith.cmpi eq, %get3A_21, %eq3A_540 : vector<2000x1xi32>
      %jit3A = arith.constant 0xFF800000 : f32
      %broadcast_in_dim3A = vector.shape_cast %eq3A_541 : vector<2000x1xi1> to vector<2000x1xi1>
      %broadcast_in_dim3A_542 = vector.broadcast %broadcast_in_dim3A : vector<2000x1xi1> to vector<2000x64xi1>
      %broadcast_in_dim3A_543 = vector.broadcast %jit3A : f32 to vector<2000x64xf32>
      %select_n3A = arith.select %broadcast_in_dim3A_542, %add3A_18, %broadcast_in_dim3A_543 : vector<2000x64xi1>, vector<2000x64xf32>
      %reduce_max3A = arith.constant dense<0xFF800000> : vector<64xf32>
      %reduce_max3A_544 = vector.multi_reduction <maximumf>, %select_n3A, %reduce_max3A [0] : vector<2000x64xf32> to vector<64xf32>
      %broadcast_in_dim3A_545 = vector.shape_cast %reduce_max3A_544 : vector<64xf32> to vector<1x64xf32>
      %get3A_546 = arith.constant 14 : index
      %get3A_547 = arith.constant 0 : index
      %get3A_548 = vector.load %arg5[%get3A_546, %get3A_547] : memref<64x64xf32, #tpu.memory_space<vmem>>, vector<1x64xf32>
      %max3A = arith.maximumf %get3A_548, %broadcast_in_dim3A_545 : vector<1x64xf32>
      %swap3A = arith.constant 14 : index
      %swap3A_549 = arith.constant 0 : index
      %swap3A_550 = vector.load %arg5[%swap3A, %swap3A_549] : memref<64x64xf32, #tpu.memory_space<vmem>>, vector<1x64xf32>
      tpu.vector_store %arg5[%swap3A, %swap3A_549], %max3A {strides = array<i32>} : memref<64x64xf32, #tpu.memory_space<vmem>>, vector<1x64xf32>,
    } else {
    }
    %le3A_147 = arith.constant 15 : i32
    %le3A_148 = arith.cmpi sle, %get3A_25, %le3A_147 : i32
    %ge3A_149 = arith.constant 15 : i32
    %ge3A_150 = arith.cmpi sge, %get3A_29, %ge3A_149 : i32
    %and3A_151 = arith.andi %le3A_148, %ge3A_150 : i1
    %convert_element_type3A_152 = arith.extui %and3A_151 : i1 to i32
    %cond3A_153 = arith.constant 0 : i32
    %cond3A_154 = arith.cmpi ne, %convert_element_type3A_152, %cond3A_153 : i32
    scf.if %cond3A_154 {
      %eq3A_539 = arith.constant 15 : i32
      %eq3A_540 = vector.broadcast %eq3A_539 : i32 to vector<2000x1xi32>
      %eq3A_541 = arith.cmpi eq, %get3A_21, %eq3A_540 : vector<2000x1xi32>
      %jit3A = arith.constant 0xFF800000 : f32
      %broadcast_in_dim3A = vector.shape_cast %eq3A_541 : vector<2000x1xi1> to vector<2000x1xi1>
      %broadcast_in_dim3A_542 = vector.broadcast %broadcast_in_dim3A : vector<2000x1xi1> to vector<2000x64xi1>
      %broadcast_in_dim3A_543 = vector.broadcast %jit3A : f32 to vector<2000x64xf32>
      %select_n3A = arith.select %broadcast_in_dim3A_542, %add3A_18, %broadcast_in_dim3A_543 : vector<2000x64xi1>, vector<2000x64xf32>
      %reduce_max3A = arith.constant dense<0xFF800000> : vector<64xf32>
      %reduce_max3A_544 = vector.multi_reduction <maximumf>, %select_n3A, %reduce_max3A [0] : vector<2000x64xf32> to vector<64xf32>
      %broadcast_in_dim3A_545 = vector.shape_cast %reduce_max3A_544 : vector<64xf32> to vector<1x64xf32>
      %get3A_546 = arith.constant 15 : index
      %get3A_547 = arith.constant 0 : index
      %get3A_548 = vector.load %arg5[%get3A_546, %get3A_547] : memref<64x64xf32, #tpu.memory_space<vmem>>, vector<1x64xf32>
      %max3A = arith.maximumf %get3A_548, %broadcast_in_dim3A_545 : vector<1x64xf32>
      %swap3A = arith.constant 15 : index
      %swap3A_549 = arith.constant 0 : index
      %swap3A_550 = vector.load %arg5[%swap3A, %swap3A_549] : memref<64x64xf32, #tpu.memory_space<vmem>>, vector<1x64xf32>
      tpu.vector_store %arg5[%swap3A, %swap3A_549], %max3A {strides = array<i32>} : memref<64x64xf32, #tpu.memory_space<vmem>>, vector<1x64xf32>,
    } else {
    }
    %le3A_155 = arith.constant 16 : i32
    %le3A_156 = arith.cmpi sle, %get3A_25, %le3A_155 : i32
    %ge3A_157 = arith.constant 16 : i32
    %ge3A_158 = arith.cmpi sge, %get3A_29, %ge3A_157 : i32
    %and3A_159 = arith.andi %le3A_156, %ge3A_158 : i1
    %convert_element_type3A_160 = arith.extui %and3A_159 : i1 to i32
    %cond3A_161 = arith.constant 0 : i32
    %cond3A_162 = arith.cmpi ne, %convert_element_type3A_160, %cond3A_161 : i32
    scf.if %cond3A_162 {
      %eq3A_539 = arith.constant 16 : i32
      %eq3A_540 = vector.broadcast %eq3A_539 : i32 to vector<2000x1xi32>
      %eq3A_541 = arith.cmpi eq, %get3A_21, %eq3A_540 : vector<2000x1xi32>
      %jit3A = arith.constant 0xFF800000 : f32
      %broadcast_in_dim3A = vector.shape_cast %eq3A_541 : vector<2000x1xi1> to vector<2000x1xi1>
      %broadcast_in_dim3A_542 = vector.broadcast %broadcast_in_dim3A : vector<2000x1xi1> to vector<2000x64xi1>
      %broadcast_in_dim3A_543 = vector.broadcast %jit3A : f32 to vector<2000x64xf32>
      %select_n3A = arith.select %broadcast_in_dim3A_542, %add3A_18, %broadcast_in_dim3A_543 : vector<2000x64xi1>, vector<2000x64xf32>
      %reduce_max3A = arith.constant dense<0xFF800000> : vector<64xf32>
      %reduce_max3A_544 = vector.multi_reduction <maximumf>, %select_n3A, %reduce_max3A [0] : vector<2000x64xf32> to vector<64xf32>
      %broadcast_in_dim3A_545 = vector.shape_cast %reduce_max3A_544 : vector<64xf32> to vector<1x64xf32>
      %get3A_546 = arith.constant 16 : index
      %get3A_547 = arith.constant 0 : index
      %get3A_548 = vector.load %arg5[%get3A_546, %get3A_547] : memref<64x64xf32, #tpu.memory_space<vmem>>, vector<1x64xf32>
      %max3A = arith.maximumf %get3A_548, %broadcast_in_dim3A_545 : vector<1x64xf32>
      %swap3A = arith.constant 16 : index
      %swap3A_549 = arith.constant 0 : index
      %swap3A_550 = vector.load %arg5[%swap3A, %swap3A_549] : memref<64x64xf32, #tpu.memory_space<vmem>>, vector<1x64xf32>
      tpu.vector_store %arg5[%swap3A, %swap3A_549], %max3A {strides = array<i32>} : memref<64x64xf32, #tpu.memory_space<vmem>>, vector<1x64xf32>,
    } else {
    }
    %le3A_163 = arith.constant 17 : i32
    %le3A_164 = arith.cmpi sle, %get3A_25, %le3A_163 : i32
    %ge3A_165 = arith.constant 17 : i32
    %ge3A_166 = arith.cmpi sge, %get3A_29, %ge3A_165 : i32
    %and3A_167 = arith.andi %le3A_164, %ge3A_166 : i1
    %convert_element_type3A_168 = arith.extui %and3A_167 : i1 to i32
    %cond3A_169 = arith.constant 0 : i32
    %cond3A_170 = arith.cmpi ne, %convert_element_type3A_168, %cond3A_169 : i32
    scf.if %cond3A_170 {
      %eq3A_539 = arith.constant 17 : i32
      %eq3A_540 = vector.broadcast %eq3A_539 : i32 to vector<2000x1xi32>
      %eq3A_541 = arith.cmpi eq, %get3A_21, %eq3A_540 : vector<2000x1xi32>
      %jit3A = arith.constant 0xFF800000 : f32
      %broadcast_in_dim3A = vector.shape_cast %eq3A_541 : vector<2000x1xi1> to vector<2000x1xi1>
      %broadcast_in_dim3A_542 = vector.broadcast %broadcast_in_dim3A : vector<2000x1xi1> to vector<2000x64xi1>
      %broadcast_in_dim3A_543 = vector.broadcast %jit3A : f32 to vector<2000x64xf32>
      %select_n3A = arith.select %broadcast_in_dim3A_542, %add3A_18, %broadcast_in_dim3A_543 : vector<2000x64xi1>, vector<2000x64xf32>
      %reduce_max3A = arith.constant dense<0xFF800000> : vector<64xf32>
      %reduce_max3A_544 = vector.multi_reduction <maximumf>, %select_n3A, %reduce_max3A [0] : vector<2000x64xf32> to vector<64xf32>
      %broadcast_in_dim3A_545 = vector.shape_cast %reduce_max3A_544 : vector<64xf32> to vector<1x64xf32>
      %get3A_546 = arith.constant 17 : index
      %get3A_547 = arith.constant 0 : index
      %get3A_548 = vector.load %arg5[%get3A_546, %get3A_547] : memref<64x64xf32, #tpu.memory_space<vmem>>, vector<1x64xf32>
      %max3A = arith.maximumf %get3A_548, %broadcast_in_dim3A_545 : vector<1x64xf32>
      %swap3A = arith.constant 17 : index
      %swap3A_549 = arith.constant 0 : index
      %swap3A_550 = vector.load %arg5[%swap3A, %swap3A_549] : memref<64x64xf32, #tpu.memory_space<vmem>>, vector<1x64xf32>
      tpu.vector_store %arg5[%swap3A, %swap3A_549], %max3A {strides = array<i32>} : memref<64x64xf32, #tpu.memory_space<vmem>>, vector<1x64xf32>,
    } else {
    }
    %le3A_171 = arith.constant 18 : i32
    %le3A_172 = arith.cmpi sle, %get3A_25, %le3A_171 : i32
    %ge3A_173 = arith.constant 18 : i32
    %ge3A_174 = arith.cmpi sge, %get3A_29, %ge3A_173 : i32
    %and3A_175 = arith.andi %le3A_172, %ge3A_174 : i1
    %convert_element_type3A_176 = arith.extui %and3A_175 : i1 to i32
    %cond3A_177 = arith.constant 0 : i32
    %cond3A_178 = arith.cmpi ne, %convert_element_type3A_176, %cond3A_177 : i32
    scf.if %cond3A_178 {
      %eq3A_539 = arith.constant 18 : i32
      %eq3A_540 = vector.broadcast %eq3A_539 : i32 to vector<2000x1xi32>
      %eq3A_541 = arith.cmpi eq, %get3A_21, %eq3A_540 : vector<2000x1xi32>
      %jit3A = arith.constant 0xFF800000 : f32
      %broadcast_in_dim3A = vector.shape_cast %eq3A_541 : vector<2000x1xi1> to vector<2000x1xi1>
      %broadcast_in_dim3A_542 = vector.broadcast %broadcast_in_dim3A : vector<2000x1xi1> to vector<2000x64xi1>
      %broadcast_in_dim3A_543 = vector.broadcast %jit3A : f32 to vector<2000x64xf32>
      %select_n3A = arith.select %broadcast_in_dim3A_542, %add3A_18, %broadcast_in_dim3A_543 : vector<2000x64xi1>, vector<2000x64xf32>
      %reduce_max3A = arith.constant dense<0xFF800000> : vector<64xf32>
      %reduce_max3A_544 = vector.multi_reduction <maximumf>, %select_n3A, %reduce_max3A [0] : vector<2000x64xf32> to vector<64xf32>
      %broadcast_in_dim3A_545 = vector.shape_cast %reduce_max3A_544 : vector<64xf32> to vector<1x64xf32>
      %get3A_546 = arith.constant 18 : index
      %get3A_547 = arith.constant 0 : index
      %get3A_548 = vector.load %arg5[%get3A_546, %get3A_547] : memref<64x64xf32, #tpu.memory_space<vmem>>, vector<1x64xf32>
      %max3A = arith.maximumf %get3A_548, %broadcast_in_dim3A_545 : vector<1x64xf32>
      %swap3A = arith.constant 18 : index
      %swap3A_549 = arith.constant 0 : index
      %swap3A_550 = vector.load %arg5[%swap3A, %swap3A_549] : memref<64x64xf32, #tpu.memory_space<vmem>>, vector<1x64xf32>
      tpu.vector_store %arg5[%swap3A, %swap3A_549], %max3A {strides = array<i32>} : memref<64x64xf32, #tpu.memory_space<vmem>>, vector<1x64xf32>,
    } else {
    }
    %le3A_179 = arith.constant 19 : i32
    %le3A_180 = arith.cmpi sle, %get3A_25, %le3A_179 : i32
    %ge3A_181 = arith.constant 19 : i32
    %ge3A_182 = arith.cmpi sge, %get3A_29, %ge3A_181 : i32
    %and3A_183 = arith.andi %le3A_180, %ge3A_182 : i1
    %convert_element_type3A_184 = arith.extui %and3A_183 : i1 to i32
    %cond3A_185 = arith.constant 0 : i32
    %cond3A_186 = arith.cmpi ne, %convert_element_type3A_184, %cond3A_185 : i32
    scf.if %cond3A_186 {
      %eq3A_539 = arith.constant 19 : i32
      %eq3A_540 = vector.broadcast %eq3A_539 : i32 to vector<2000x1xi32>
      %eq3A_541 = arith.cmpi eq, %get3A_21, %eq3A_540 : vector<2000x1xi32>
      %jit3A = arith.constant 0xFF800000 : f32
      %broadcast_in_dim3A = vector.shape_cast %eq3A_541 : vector<2000x1xi1> to vector<2000x1xi1>
      %broadcast_in_dim3A_542 = vector.broadcast %broadcast_in_dim3A : vector<2000x1xi1> to vector<2000x64xi1>
      %broadcast_in_dim3A_543 = vector.broadcast %jit3A : f32 to vector<2000x64xf32>
      %select_n3A = arith.select %broadcast_in_dim3A_542, %add3A_18, %broadcast_in_dim3A_543 : vector<2000x64xi1>, vector<2000x64xf32>
      %reduce_max3A = arith.constant dense<0xFF800000> : vector<64xf32>
      %reduce_max3A_544 = vector.multi_reduction <maximumf>, %select_n3A, %reduce_max3A [0] : vector<2000x64xf32> to vector<64xf32>
      %broadcast_in_dim3A_545 = vector.shape_cast %reduce_max3A_544 : vector<64xf32> to vector<1x64xf32>
      %get3A_546 = arith.constant 19 : index
      %get3A_547 = arith.constant 0 : index
      %get3A_548 = vector.load %arg5[%get3A_546, %get3A_547] : memref<64x64xf32, #tpu.memory_space<vmem>>, vector<1x64xf32>
      %max3A = arith.maximumf %get3A_548, %broadcast_in_dim3A_545 : vector<1x64xf32>
      %swap3A = arith.constant 19 : index
      %swap3A_549 = arith.constant 0 : index
      %swap3A_550 = vector.load %arg5[%swap3A, %swap3A_549] : memref<64x64xf32, #tpu.memory_space<vmem>>, vector<1x64xf32>
      tpu.vector_store %arg5[%swap3A, %swap3A_549], %max3A {strides = array<i32>} : memref<64x64xf32, #tpu.memory_space<vmem>>, vector<1x64xf32>,
    } else {
    }
    %le3A_187 = arith.constant 20 : i32
    %le3A_188 = arith.cmpi sle, %get3A_25, %le3A_187 : i32
    %ge3A_189 = arith.constant 20 : i32
    %ge3A_190 = arith.cmpi sge, %get3A_29, %ge3A_189 : i32
    %and3A_191 = arith.andi %le3A_188, %ge3A_190 : i1
    %convert_element_type3A_192 = arith.extui %and3A_191 : i1 to i32
    %cond3A_193 = arith.constant 0 : i32
    %cond3A_194 = arith.cmpi ne, %convert_element_type3A_192, %cond3A_193 : i32
    scf.if %cond3A_194 {
      %eq3A_539 = arith.constant 20 : i32
      %eq3A_540 = vector.broadcast %eq3A_539 : i32 to vector<2000x1xi32>
      %eq3A_541 = arith.cmpi eq, %get3A_21, %eq3A_540 : vector<2000x1xi32>
      %jit3A = arith.constant 0xFF800000 : f32
      %broadcast_in_dim3A = vector.shape_cast %eq3A_541 : vector<2000x1xi1> to vector<2000x1xi1>
      %broadcast_in_dim3A_542 = vector.broadcast %broadcast_in_dim3A : vector<2000x1xi1> to vector<2000x64xi1>
      %broadcast_in_dim3A_543 = vector.broadcast %jit3A : f32 to vector<2000x64xf32>
      %select_n3A = arith.select %broadcast_in_dim3A_542, %add3A_18, %broadcast_in_dim3A_543 : vector<2000x64xi1>, vector<2000x64xf32>
      %reduce_max3A = arith.constant dense<0xFF800000> : vector<64xf32>
      %reduce_max3A_544 = vector.multi_reduction <maximumf>, %select_n3A, %reduce_max3A [0] : vector<2000x64xf32> to vector<64xf32>
      %broadcast_in_dim3A_545 = vector.shape_cast %reduce_max3A_544 : vector<64xf32> to vector<1x64xf32>
      %get3A_546 = arith.constant 20 : index
      %get3A_547 = arith.constant 0 : index
      %get3A_548 = vector.load %arg5[%get3A_546, %get3A_547] : memref<64x64xf32, #tpu.memory_space<vmem>>, vector<1x64xf32>
      %max3A = arith.maximumf %get3A_548, %broadcast_in_dim3A_545 : vector<1x64xf32>
      %swap3A = arith.constant 20 : index
      %swap3A_549 = arith.constant 0 : index
      %swap3A_550 = vector.load %arg5[%swap3A, %swap3A_549] : memref<64x64xf32, #tpu.memory_space<vmem>>, vector<1x64xf32>
      tpu.vector_store %arg5[%swap3A, %swap3A_549], %max3A {strides = array<i32>} : memref<64x64xf32, #tpu.memory_space<vmem>>, vector<1x64xf32>,
    } else {
    }
    %le3A_195 = arith.constant 21 : i32
    %le3A_196 = arith.cmpi sle, %get3A_25, %le3A_195 : i32
    %ge3A_197 = arith.constant 21 : i32
    %ge3A_198 = arith.cmpi sge, %get3A_29, %ge3A_197 : i32
    %and3A_199 = arith.andi %le3A_196, %ge3A_198 : i1
    %convert_element_type3A_200 = arith.extui %and3A_199 : i1 to i32
    %cond3A_201 = arith.constant 0 : i32
    %cond3A_202 = arith.cmpi ne, %convert_element_type3A_200, %cond3A_201 : i32
    scf.if %cond3A_202 {
      %eq3A_539 = arith.constant 21 : i32
      %eq3A_540 = vector.broadcast %eq3A_539 : i32 to vector<2000x1xi32>
      %eq3A_541 = arith.cmpi eq, %get3A_21, %eq3A_540 : vector<2000x1xi32>
      %jit3A = arith.constant 0xFF800000 : f32
      %broadcast_in_dim3A = vector.shape_cast %eq3A_541 : vector<2000x1xi1> to vector<2000x1xi1>
      %broadcast_in_dim3A_542 = vector.broadcast %broadcast_in_dim3A : vector<2000x1xi1> to vector<2000x64xi1>
      %broadcast_in_dim3A_543 = vector.broadcast %jit3A : f32 to vector<2000x64xf32>
      %select_n3A = arith.select %broadcast_in_dim3A_542, %add3A_18, %broadcast_in_dim3A_543 : vector<2000x64xi1>, vector<2000x64xf32>
      %reduce_max3A = arith.constant dense<0xFF800000> : vector<64xf32>
      %reduce_max3A_544 = vector.multi_reduction <maximumf>, %select_n3A, %reduce_max3A [0] : vector<2000x64xf32> to vector<64xf32>
      %broadcast_in_dim3A_545 = vector.shape_cast %reduce_max3A_544 : vector<64xf32> to vector<1x64xf32>
      %get3A_546 = arith.constant 21 : index
      %get3A_547 = arith.constant 0 : index
      %get3A_548 = vector.load %arg5[%get3A_546, %get3A_547] : memref<64x64xf32, #tpu.memory_space<vmem>>, vector<1x64xf32>
      %max3A = arith.maximumf %get3A_548, %broadcast_in_dim3A_545 : vector<1x64xf32>
      %swap3A = arith.constant 21 : index
      %swap3A_549 = arith.constant 0 : index
      %swap3A_550 = vector.load %arg5[%swap3A, %swap3A_549] : memref<64x64xf32, #tpu.memory_space<vmem>>, vector<1x64xf32>
      tpu.vector_store %arg5[%swap3A, %swap3A_549], %max3A {strides = array<i32>} : memref<64x64xf32, #tpu.memory_space<vmem>>, vector<1x64xf32>,
    } else {
    }
    %le3A_203 = arith.constant 22 : i32
    %le3A_204 = arith.cmpi sle, %get3A_25, %le3A_203 : i32
    %ge3A_205 = arith.constant 22 : i32
    %ge3A_206 = arith.cmpi sge, %get3A_29, %ge3A_205 : i32
    %and3A_207 = arith.andi %le3A_204, %ge3A_206 : i1
    %convert_element_type3A_208 = arith.extui %and3A_207 : i1 to i32
    %cond3A_209 = arith.constant 0 : i32
    %cond3A_210 = arith.cmpi ne, %convert_element_type3A_208, %cond3A_209 : i32
    scf.if %cond3A_210 {
      %eq3A_539 = arith.constant 22 : i32
      %eq3A_540 = vector.broadcast %eq3A_539 : i32 to vector<2000x1xi32>
      %eq3A_541 = arith.cmpi eq, %get3A_21, %eq3A_540 : vector<2000x1xi32>
      %jit3A = arith.constant 0xFF800000 : f32
      %broadcast_in_dim3A = vector.shape_cast %eq3A_541 : vector<2000x1xi1> to vector<2000x1xi1>
      %broadcast_in_dim3A_542 = vector.broadcast %broadcast_in_dim3A : vector<2000x1xi1> to vector<2000x64xi1>
      %broadcast_in_dim3A_543 = vector.broadcast %jit3A : f32 to vector<2000x64xf32>
      %select_n3A = arith.select %broadcast_in_dim3A_542, %add3A_18, %broadcast_in_dim3A_543 : vector<2000x64xi1>, vector<2000x64xf32>
      %reduce_max3A = arith.constant dense<0xFF800000> : vector<64xf32>
      %reduce_max3A_544 = vector.multi_reduction <maximumf>, %select_n3A, %reduce_max3A [0] : vector<2000x64xf32> to vector<64xf32>
      %broadcast_in_dim3A_545 = vector.shape_cast %reduce_max3A_544 : vector<64xf32> to vector<1x64xf32>
      %get3A_546 = arith.constant 22 : index
      %get3A_547 = arith.constant 0 : index
      %get3A_548 = vector.load %arg5[%get3A_546, %get3A_547] : memref<64x64xf32, #tpu.memory_space<vmem>>, vector<1x64xf32>
      %max3A = arith.maximumf %get3A_548, %broadcast_in_dim3A_545 : vector<1x64xf32>
      %swap3A = arith.constant 22 : index
      %swap3A_549 = arith.constant 0 : index
      %swap3A_550 = vector.load %arg5[%swap3A, %swap3A_549] : memref<64x64xf32, #tpu.memory_space<vmem>>, vector<1x64xf32>
      tpu.vector_store %arg5[%swap3A, %swap3A_549], %max3A {strides = array<i32>} : memref<64x64xf32, #tpu.memory_space<vmem>>, vector<1x64xf32>,
    } else {
    }
    %le3A_211 = arith.constant 23 : i32
    %le3A_212 = arith.cmpi sle, %get3A_25, %le3A_211 : i32
    %ge3A_213 = arith.constant 23 : i32
    %ge3A_214 = arith.cmpi sge, %get3A_29, %ge3A_213 : i32
    %and3A_215 = arith.andi %le3A_212, %ge3A_214 : i1
    %convert_element_type3A_216 = arith.extui %and3A_215 : i1 to i32
    %cond3A_217 = arith.constant 0 : i32
    %cond3A_218 = arith.cmpi ne, %convert_element_type3A_216, %cond3A_217 : i32
    scf.if %cond3A_218 {
      %eq3A_539 = arith.constant 23 : i32
      %eq3A_540 = vector.broadcast %eq3A_539 : i32 to vector<2000x1xi32>
      %eq3A_541 = arith.cmpi eq, %get3A_21, %eq3A_540 : vector<2000x1xi32>
      %jit3A = arith.constant 0xFF800000 : f32
      %broadcast_in_dim3A = vector.shape_cast %eq3A_541 : vector<2000x1xi1> to vector<2000x1xi1>
      %broadcast_in_dim3A_542 = vector.broadcast %broadcast_in_dim3A : vector<2000x1xi1> to vector<2000x64xi1>
      %broadcast_in_dim3A_543 = vector.broadcast %jit3A : f32 to vector<2000x64xf32>
      %select_n3A = arith.select %broadcast_in_dim3A_542, %add3A_18, %broadcast_in_dim3A_543 : vector<2000x64xi1>, vector<2000x64xf32>
      %reduce_max3A = arith.constant dense<0xFF800000> : vector<64xf32>
      %reduce_max3A_544 = vector.multi_reduction <maximumf>, %select_n3A, %reduce_max3A [0] : vector<2000x64xf32> to vector<64xf32>
      %broadcast_in_dim3A_545 = vector.shape_cast %reduce_max3A_544 : vector<64xf32> to vector<1x64xf32>
      %get3A_546 = arith.constant 23 : index
      %get3A_547 = arith.constant 0 : index
      %get3A_548 = vector.load %arg5[%get3A_546, %get3A_547] : memref<64x64xf32, #tpu.memory_space<vmem>>, vector<1x64xf32>
      %max3A = arith.maximumf %get3A_548, %broadcast_in_dim3A_545 : vector<1x64xf32>
      %swap3A = arith.constant 23 : index
      %swap3A_549 = arith.constant 0 : index
      %swap3A_550 = vector.load %arg5[%swap3A, %swap3A_549] : memref<64x64xf32, #tpu.memory_space<vmem>>, vector<1x64xf32>
      tpu.vector_store %arg5[%swap3A, %swap3A_549], %max3A {strides = array<i32>} : memref<64x64xf32, #tpu.memory_space<vmem>>, vector<1x64xf32>,
    } else {
    }
    %le3A_219 = arith.constant 24 : i32
    %le3A_220 = arith.cmpi sle, %get3A_25, %le3A_219 : i32
    %ge3A_221 = arith.constant 24 : i32
    %ge3A_222 = arith.cmpi sge, %get3A_29, %ge3A_221 : i32
    %and3A_223 = arith.andi %le3A_220, %ge3A_222 : i1
    %convert_element_type3A_224 = arith.extui %and3A_223 : i1 to i32
    %cond3A_225 = arith.constant 0 : i32
    %cond3A_226 = arith.cmpi ne, %convert_element_type3A_224, %cond3A_225 : i32
    scf.if %cond3A_226 {
      %eq3A_539 = arith.constant 24 : i32
      %eq3A_540 = vector.broadcast %eq3A_539 : i32 to vector<2000x1xi32>
      %eq3A_541 = arith.cmpi eq, %get3A_21, %eq3A_540 : vector<2000x1xi32>
      %jit3A = arith.constant 0xFF800000 : f32
      %broadcast_in_dim3A = vector.shape_cast %eq3A_541 : vector<2000x1xi1> to vector<2000x1xi1>
      %broadcast_in_dim3A_542 = vector.broadcast %broadcast_in_dim3A : vector<2000x1xi1> to vector<2000x64xi1>
      %broadcast_in_dim3A_543 = vector.broadcast %jit3A : f32 to vector<2000x64xf32>
      %select_n3A = arith.select %broadcast_in_dim3A_542, %add3A_18, %broadcast_in_dim3A_543 : vector<2000x64xi1>, vector<2000x64xf32>
      %reduce_max3A = arith.constant dense<0xFF800000> : vector<64xf32>
      %reduce_max3A_544 = vector.multi_reduction <maximumf>, %select_n3A, %reduce_max3A [0] : vector<2000x64xf32> to vector<64xf32>
      %broadcast_in_dim3A_545 = vector.shape_cast %reduce_max3A_544 : vector<64xf32> to vector<1x64xf32>
      %get3A_546 = arith.constant 24 : index
      %get3A_547 = arith.constant 0 : index
      %get3A_548 = vector.load %arg5[%get3A_546, %get3A_547] : memref<64x64xf32, #tpu.memory_space<vmem>>, vector<1x64xf32>
      %max3A = arith.maximumf %get3A_548, %broadcast_in_dim3A_545 : vector<1x64xf32>
      %swap3A = arith.constant 24 : index
      %swap3A_549 = arith.constant 0 : index
      %swap3A_550 = vector.load %arg5[%swap3A, %swap3A_549] : memref<64x64xf32, #tpu.memory_space<vmem>>, vector<1x64xf32>
      tpu.vector_store %arg5[%swap3A, %swap3A_549], %max3A {strides = array<i32>} : memref<64x64xf32, #tpu.memory_space<vmem>>, vector<1x64xf32>,
    } else {
    }
    %le3A_227 = arith.constant 25 : i32
    %le3A_228 = arith.cmpi sle, %get3A_25, %le3A_227 : i32
    %ge3A_229 = arith.constant 25 : i32
    %ge3A_230 = arith.cmpi sge, %get3A_29, %ge3A_229 : i32
    %and3A_231 = arith.andi %le3A_228, %ge3A_230 : i1
    %convert_element_type3A_232 = arith.extui %and3A_231 : i1 to i32
    %cond3A_233 = arith.constant 0 : i32
    %cond3A_234 = arith.cmpi ne, %convert_element_type3A_232, %cond3A_233 : i32
    scf.if %cond3A_234 {
      %eq3A_539 = arith.constant 25 : i32
      %eq3A_540 = vector.broadcast %eq3A_539 : i32 to vector<2000x1xi32>
      %eq3A_541 = arith.cmpi eq, %get3A_21, %eq3A_540 : vector<2000x1xi32>
      %jit3A = arith.constant 0xFF800000 : f32
      %broadcast_in_dim3A = vector.shape_cast %eq3A_541 : vector<2000x1xi1> to vector<2000x1xi1>
      %broadcast_in_dim3A_542 = vector.broadcast %broadcast_in_dim3A : vector<2000x1xi1> to vector<2000x64xi1>
      %broadcast_in_dim3A_543 = vector.broadcast %jit3A : f32 to vector<2000x64xf32>
      %select_n3A = arith.select %broadcast_in_dim3A_542, %add3A_18, %broadcast_in_dim3A_543 : vector<2000x64xi1>, vector<2000x64xf32>
      %reduce_max3A = arith.constant dense<0xFF800000> : vector<64xf32>
      %reduce_max3A_544 = vector.multi_reduction <maximumf>, %select_n3A, %reduce_max3A [0] : vector<2000x64xf32> to vector<64xf32>
      %broadcast_in_dim3A_545 = vector.shape_cast %reduce_max3A_544 : vector<64xf32> to vector<1x64xf32>
      %get3A_546 = arith.constant 25 : index
      %get3A_547 = arith.constant 0 : index
      %get3A_548 = vector.load %arg5[%get3A_546, %get3A_547] : memref<64x64xf32, #tpu.memory_space<vmem>>, vector<1x64xf32>
      %max3A = arith.maximumf %get3A_548, %broadcast_in_dim3A_545 : vector<1x64xf32>
      %swap3A = arith.constant 25 : index
      %swap3A_549 = arith.constant 0 : index
      %swap3A_550 = vector.load %arg5[%swap3A, %swap3A_549] : memref<64x64xf32, #tpu.memory_space<vmem>>, vector<1x64xf32>
      tpu.vector_store %arg5[%swap3A, %swap3A_549], %max3A {strides = array<i32>} : memref<64x64xf32, #tpu.memory_space<vmem>>, vector<1x64xf32>,
    } else {
    }
    %le3A_235 = arith.constant 26 : i32
    %le3A_236 = arith.cmpi sle, %get3A_25, %le3A_235 : i32
    %ge3A_237 = arith.constant 26 : i32
    %ge3A_238 = arith.cmpi sge, %get3A_29, %ge3A_237 : i32
    %and3A_239 = arith.andi %le3A_236, %ge3A_238 : i1
    %convert_element_type3A_240 = arith.extui %and3A_239 : i1 to i32
    %cond3A_241 = arith.constant 0 : i32
    %cond3A_242 = arith.cmpi ne, %convert_element_type3A_240, %cond3A_241 : i32
    scf.if %cond3A_242 {
      %eq3A_539 = arith.constant 26 : i32
      %eq3A_540 = vector.broadcast %eq3A_539 : i32 to vector<2000x1xi32>
      %eq3A_541 = arith.cmpi eq, %get3A_21, %eq3A_540 : vector<2000x1xi32>
      %jit3A = arith.constant 0xFF800000 : f32
      %broadcast_in_dim3A = vector.shape_cast %eq3A_541 : vector<2000x1xi1> to vector<2000x1xi1>
      %broadcast_in_dim3A_542 = vector.broadcast %broadcast_in_dim3A : vector<2000x1xi1> to vector<2000x64xi1>
      %broadcast_in_dim3A_543 = vector.broadcast %jit3A : f32 to vector<2000x64xf32>
      %select_n3A = arith.select %broadcast_in_dim3A_542, %add3A_18, %broadcast_in_dim3A_543 : vector<2000x64xi1>, vector<2000x64xf32>
      %reduce_max3A = arith.constant dense<0xFF800000> : vector<64xf32>
      %reduce_max3A_544 = vector.multi_reduction <maximumf>, %select_n3A, %reduce_max3A [0] : vector<2000x64xf32> to vector<64xf32>
      %broadcast_in_dim3A_545 = vector.shape_cast %reduce_max3A_544 : vector<64xf32> to vector<1x64xf32>
      %get3A_546 = arith.constant 26 : index
      %get3A_547 = arith.constant 0 : index
      %get3A_548 = vector.load %arg5[%get3A_546, %get3A_547] : memref<64x64xf32, #tpu.memory_space<vmem>>, vector<1x64xf32>
      %max3A = arith.maximumf %get3A_548, %broadcast_in_dim3A_545 : vector<1x64xf32>
      %swap3A = arith.constant 26 : index
      %swap3A_549 = arith.constant 0 : index
      %swap3A_550 = vector.load %arg5[%swap3A, %swap3A_549] : memref<64x64xf32, #tpu.memory_space<vmem>>, vector<1x64xf32>
      tpu.vector_store %arg5[%swap3A, %swap3A_549], %max3A {strides = array<i32>} : memref<64x64xf32, #tpu.memory_space<vmem>>, vector<1x64xf32>,
    } else {
    }
    %le3A_243 = arith.constant 27 : i32
    %le3A_244 = arith.cmpi sle, %get3A_25, %le3A_243 : i32
    %ge3A_245 = arith.constant 27 : i32
    %ge3A_246 = arith.cmpi sge, %get3A_29, %ge3A_245 : i32
    %and3A_247 = arith.andi %le3A_244, %ge3A_246 : i1
    %convert_element_type3A_248 = arith.extui %and3A_247 : i1 to i32
    %cond3A_249 = arith.constant 0 : i32
    %cond3A_250 = arith.cmpi ne, %convert_element_type3A_248, %cond3A_249 : i32
    scf.if %cond3A_250 {
      %eq3A_539 = arith.constant 27 : i32
      %eq3A_540 = vector.broadcast %eq3A_539 : i32 to vector<2000x1xi32>
      %eq3A_541 = arith.cmpi eq, %get3A_21, %eq3A_540 : vector<2000x1xi32>
      %jit3A = arith.constant 0xFF800000 : f32
      %broadcast_in_dim3A = vector.shape_cast %eq3A_541 : vector<2000x1xi1> to vector<2000x1xi1>
      %broadcast_in_dim3A_542 = vector.broadcast %broadcast_in_dim3A : vector<2000x1xi1> to vector<2000x64xi1>
      %broadcast_in_dim3A_543 = vector.broadcast %jit3A : f32 to vector<2000x64xf32>
      %select_n3A = arith.select %broadcast_in_dim3A_542, %add3A_18, %broadcast_in_dim3A_543 : vector<2000x64xi1>, vector<2000x64xf32>
      %reduce_max3A = arith.constant dense<0xFF800000> : vector<64xf32>
      %reduce_max3A_544 = vector.multi_reduction <maximumf>, %select_n3A, %reduce_max3A [0] : vector<2000x64xf32> to vector<64xf32>
      %broadcast_in_dim3A_545 = vector.shape_cast %reduce_max3A_544 : vector<64xf32> to vector<1x64xf32>
      %get3A_546 = arith.constant 27 : index
      %get3A_547 = arith.constant 0 : index
      %get3A_548 = vector.load %arg5[%get3A_546, %get3A_547] : memref<64x64xf32, #tpu.memory_space<vmem>>, vector<1x64xf32>
      %max3A = arith.maximumf %get3A_548, %broadcast_in_dim3A_545 : vector<1x64xf32>
      %swap3A = arith.constant 27 : index
      %swap3A_549 = arith.constant 0 : index
      %swap3A_550 = vector.load %arg5[%swap3A, %swap3A_549] : memref<64x64xf32, #tpu.memory_space<vmem>>, vector<1x64xf32>
      tpu.vector_store %arg5[%swap3A, %swap3A_549], %max3A {strides = array<i32>} : memref<64x64xf32, #tpu.memory_space<vmem>>, vector<1x64xf32>,
    } else {
    }
    %le3A_251 = arith.constant 28 : i32
    %le3A_252 = arith.cmpi sle, %get3A_25, %le3A_251 : i32
    %ge3A_253 = arith.constant 28 : i32
    %ge3A_254 = arith.cmpi sge, %get3A_29, %ge3A_253 : i32
    %and3A_255 = arith.andi %le3A_252, %ge3A_254 : i1
    %convert_element_type3A_256 = arith.extui %and3A_255 : i1 to i32
    %cond3A_257 = arith.constant 0 : i32
    %cond3A_258 = arith.cmpi ne, %convert_element_type3A_256, %cond3A_257 : i32
    scf.if %cond3A_258 {
      %eq3A_539 = arith.constant 28 : i32
      %eq3A_540 = vector.broadcast %eq3A_539 : i32 to vector<2000x1xi32>
      %eq3A_541 = arith.cmpi eq, %get3A_21, %eq3A_540 : vector<2000x1xi32>
      %jit3A = arith.constant 0xFF800000 : f32
      %broadcast_in_dim3A = vector.shape_cast %eq3A_541 : vector<2000x1xi1> to vector<2000x1xi1>
      %broadcast_in_dim3A_542 = vector.broadcast %broadcast_in_dim3A : vector<2000x1xi1> to vector<2000x64xi1>
      %broadcast_in_dim3A_543 = vector.broadcast %jit3A : f32 to vector<2000x64xf32>
      %select_n3A = arith.select %broadcast_in_dim3A_542, %add3A_18, %broadcast_in_dim3A_543 : vector<2000x64xi1>, vector<2000x64xf32>
      %reduce_max3A = arith.constant dense<0xFF800000> : vector<64xf32>
      %reduce_max3A_544 = vector.multi_reduction <maximumf>, %select_n3A, %reduce_max3A [0] : vector<2000x64xf32> to vector<64xf32>
      %broadcast_in_dim3A_545 = vector.shape_cast %reduce_max3A_544 : vector<64xf32> to vector<1x64xf32>
      %get3A_546 = arith.constant 28 : index
      %get3A_547 = arith.constant 0 : index
      %get3A_548 = vector.load %arg5[%get3A_546, %get3A_547] : memref<64x64xf32, #tpu.memory_space<vmem>>, vector<1x64xf32>
      %max3A = arith.maximumf %get3A_548, %broadcast_in_dim3A_545 : vector<1x64xf32>
      %swap3A = arith.constant 28 : index
      %swap3A_549 = arith.constant 0 : index
      %swap3A_550 = vector.load %arg5[%swap3A, %swap3A_549] : memref<64x64xf32, #tpu.memory_space<vmem>>, vector<1x64xf32>
      tpu.vector_store %arg5[%swap3A, %swap3A_549], %max3A {strides = array<i32>} : memref<64x64xf32, #tpu.memory_space<vmem>>, vector<1x64xf32>,
    } else {
    }
    %le3A_259 = arith.constant 29 : i32
    %le3A_260 = arith.cmpi sle, %get3A_25, %le3A_259 : i32
    %ge3A_261 = arith.constant 29 : i32
    %ge3A_262 = arith.cmpi sge, %get3A_29, %ge3A_261 : i32
    %and3A_263 = arith.andi %le3A_260, %ge3A_262 : i1
    %convert_element_type3A_264 = arith.extui %and3A_263 : i1 to i32
    %cond3A_265 = arith.constant 0 : i32
    %cond3A_266 = arith.cmpi ne, %convert_element_type3A_264, %cond3A_265 : i32
    scf.if %cond3A_266 {
      %eq3A_539 = arith.constant 29 : i32
      %eq3A_540 = vector.broadcast %eq3A_539 : i32 to vector<2000x1xi32>
      %eq3A_541 = arith.cmpi eq, %get3A_21, %eq3A_540 : vector<2000x1xi32>
      %jit3A = arith.constant 0xFF800000 : f32
      %broadcast_in_dim3A = vector.shape_cast %eq3A_541 : vector<2000x1xi1> to vector<2000x1xi1>
      %broadcast_in_dim3A_542 = vector.broadcast %broadcast_in_dim3A : vector<2000x1xi1> to vector<2000x64xi1>
      %broadcast_in_dim3A_543 = vector.broadcast %jit3A : f32 to vector<2000x64xf32>
      %select_n3A = arith.select %broadcast_in_dim3A_542, %add3A_18, %broadcast_in_dim3A_543 : vector<2000x64xi1>, vector<2000x64xf32>
      %reduce_max3A = arith.constant dense<0xFF800000> : vector<64xf32>
      %reduce_max3A_544 = vector.multi_reduction <maximumf>, %select_n3A, %reduce_max3A [0] : vector<2000x64xf32> to vector<64xf32>
      %broadcast_in_dim3A_545 = vector.shape_cast %reduce_max3A_544 : vector<64xf32> to vector<1x64xf32>
      %get3A_546 = arith.constant 29 : index
      %get3A_547 = arith.constant 0 : index
      %get3A_548 = vector.load %arg5[%get3A_546, %get3A_547] : memref<64x64xf32, #tpu.memory_space<vmem>>, vector<1x64xf32>
      %max3A = arith.maximumf %get3A_548, %broadcast_in_dim3A_545 : vector<1x64xf32>
      %swap3A = arith.constant 29 : index
      %swap3A_549 = arith.constant 0 : index
      %swap3A_550 = vector.load %arg5[%swap3A, %swap3A_549] : memref<64x64xf32, #tpu.memory_space<vmem>>, vector<1x64xf32>
      tpu.vector_store %arg5[%swap3A, %swap3A_549], %max3A {strides = array<i32>} : memref<64x64xf32, #tpu.memory_space<vmem>>, vector<1x64xf32>,
    } else {
    }
    %le3A_267 = arith.constant 30 : i32
    %le3A_268 = arith.cmpi sle, %get3A_25, %le3A_267 : i32
    %ge3A_269 = arith.constant 30 : i32
    %ge3A_270 = arith.cmpi sge, %get3A_29, %ge3A_269 : i32
    %and3A_271 = arith.andi %le3A_268, %ge3A_270 : i1
    %convert_element_type3A_272 = arith.extui %and3A_271 : i1 to i32
    %cond3A_273 = arith.constant 0 : i32
    %cond3A_274 = arith.cmpi ne, %convert_element_type3A_272, %cond3A_273 : i32
    scf.if %cond3A_274 {
      %eq3A_539 = arith.constant 30 : i32
      %eq3A_540 = vector.broadcast %eq3A_539 : i32 to vector<2000x1xi32>
      %eq3A_541 = arith.cmpi eq, %get3A_21, %eq3A_540 : vector<2000x1xi32>
      %jit3A = arith.constant 0xFF800000 : f32
      %broadcast_in_dim3A = vector.shape_cast %eq3A_541 : vector<2000x1xi1> to vector<2000x1xi1>
      %broadcast_in_dim3A_542 = vector.broadcast %broadcast_in_dim3A : vector<2000x1xi1> to vector<2000x64xi1>
      %broadcast_in_dim3A_543 = vector.broadcast %jit3A : f32 to vector<2000x64xf32>
      %select_n3A = arith.select %broadcast_in_dim3A_542, %add3A_18, %broadcast_in_dim3A_543 : vector<2000x64xi1>, vector<2000x64xf32>
      %reduce_max3A = arith.constant dense<0xFF800000> : vector<64xf32>
      %reduce_max3A_544 = vector.multi_reduction <maximumf>, %select_n3A, %reduce_max3A [0] : vector<2000x64xf32> to vector<64xf32>
      %broadcast_in_dim3A_545 = vector.shape_cast %reduce_max3A_544 : vector<64xf32> to vector<1x64xf32>
      %get3A_546 = arith.constant 30 : index
      %get3A_547 = arith.constant 0 : index
      %get3A_548 = vector.load %arg5[%get3A_546, %get3A_547] : memref<64x64xf32, #tpu.memory_space<vmem>>, vector<1x64xf32>
      %max3A = arith.maximumf %get3A_548, %broadcast_in_dim3A_545 : vector<1x64xf32>
      %swap3A = arith.constant 30 : index
      %swap3A_549 = arith.constant 0 : index
      %swap3A_550 = vector.load %arg5[%swap3A, %swap3A_549] : memref<64x64xf32, #tpu.memory_space<vmem>>, vector<1x64xf32>
      tpu.vector_store %arg5[%swap3A, %swap3A_549], %max3A {strides = array<i32>} : memref<64x64xf32, #tpu.memory_space<vmem>>, vector<1x64xf32>,
    } else {
    }
    %le3A_275 = arith.constant 31 : i32
    %le3A_276 = arith.cmpi sle, %get3A_25, %le3A_275 : i32
    %ge3A_277 = arith.constant 31 : i32
    %ge3A_278 = arith.cmpi sge, %get3A_29, %ge3A_277 : i32
    %and3A_279 = arith.andi %le3A_276, %ge3A_278 : i1
    %convert_element_type3A_280 = arith.extui %and3A_279 : i1 to i32
    %cond3A_281 = arith.constant 0 : i32
    %cond3A_282 = arith.cmpi ne, %convert_element_type3A_280, %cond3A_281 : i32
    scf.if %cond3A_282 {
      %eq3A_539 = arith.constant 31 : i32
      %eq3A_540 = vector.broadcast %eq3A_539 : i32 to vector<2000x1xi32>
      %eq3A_541 = arith.cmpi eq, %get3A_21, %eq3A_540 : vector<2000x1xi32>
      %jit3A = arith.constant 0xFF800000 : f32
      %broadcast_in_dim3A = vector.shape_cast %eq3A_541 : vector<2000x1xi1> to vector<2000x1xi1>
      %broadcast_in_dim3A_542 = vector.broadcast %broadcast_in_dim3A : vector<2000x1xi1> to vector<2000x64xi1>
      %broadcast_in_dim3A_543 = vector.broadcast %jit3A : f32 to vector<2000x64xf32>
      %select_n3A = arith.select %broadcast_in_dim3A_542, %add3A_18, %broadcast_in_dim3A_543 : vector<2000x64xi1>, vector<2000x64xf32>
      %reduce_max3A = arith.constant dense<0xFF800000> : vector<64xf32>
      %reduce_max3A_544 = vector.multi_reduction <maximumf>, %select_n3A, %reduce_max3A [0] : vector<2000x64xf32> to vector<64xf32>
      %broadcast_in_dim3A_545 = vector.shape_cast %reduce_max3A_544 : vector<64xf32> to vector<1x64xf32>
      %get3A_546 = arith.constant 31 : index
      %get3A_547 = arith.constant 0 : index
      %get3A_548 = vector.load %arg5[%get3A_546, %get3A_547] : memref<64x64xf32, #tpu.memory_space<vmem>>, vector<1x64xf32>
      %max3A = arith.maximumf %get3A_548, %broadcast_in_dim3A_545 : vector<1x64xf32>
      %swap3A = arith.constant 31 : index
      %swap3A_549 = arith.constant 0 : index
      %swap3A_550 = vector.load %arg5[%swap3A, %swap3A_549] : memref<64x64xf32, #tpu.memory_space<vmem>>, vector<1x64xf32>
      tpu.vector_store %arg5[%swap3A, %swap3A_549], %max3A {strides = array<i32>} : memref<64x64xf32, #tpu.memory_space<vmem>>, vector<1x64xf32>,
    } else {
    }
    %le3A_283 = arith.constant 32 : i32
    %le3A_284 = arith.cmpi sle, %get3A_25, %le3A_283 : i32
    %ge3A_285 = arith.constant 32 : i32
    %ge3A_286 = arith.cmpi sge, %get3A_29, %ge3A_285 : i32
    %and3A_287 = arith.andi %le3A_284, %ge3A_286 : i1
    %convert_element_type3A_288 = arith.extui %and3A_287 : i1 to i32
    %cond3A_289 = arith.constant 0 : i32
    %cond3A_290 = arith.cmpi ne, %convert_element_type3A_288, %cond3A_289 : i32
    scf.if %cond3A_290 {
      %eq3A_539 = arith.constant 32 : i32
      %eq3A_540 = vector.broadcast %eq3A_539 : i32 to vector<2000x1xi32>
      %eq3A_541 = arith.cmpi eq, %get3A_21, %eq3A_540 : vector<2000x1xi32>
      %jit3A = arith.constant 0xFF800000 : f32
      %broadcast_in_dim3A = vector.shape_cast %eq3A_541 : vector<2000x1xi1> to vector<2000x1xi1>
      %broadcast_in_dim3A_542 = vector.broadcast %broadcast_in_dim3A : vector<2000x1xi1> to vector<2000x64xi1>
      %broadcast_in_dim3A_543 = vector.broadcast %jit3A : f32 to vector<2000x64xf32>
      %select_n3A = arith.select %broadcast_in_dim3A_542, %add3A_18, %broadcast_in_dim3A_543 : vector<2000x64xi1>, vector<2000x64xf32>
      %reduce_max3A = arith.constant dense<0xFF800000> : vector<64xf32>
      %reduce_max3A_544 = vector.multi_reduction <maximumf>, %select_n3A, %reduce_max3A [0] : vector<2000x64xf32> to vector<64xf32>
      %broadcast_in_dim3A_545 = vector.shape_cast %reduce_max3A_544 : vector<64xf32> to vector<1x64xf32>
      %get3A_546 = arith.constant 32 : index
      %get3A_547 = arith.constant 0 : index
      %get3A_548 = vector.load %arg5[%get3A_546, %get3A_547] : memref<64x64xf32, #tpu.memory_space<vmem>>, vector<1x64xf32>
      %max3A = arith.maximumf %get3A_548, %broadcast_in_dim3A_545 : vector<1x64xf32>
      %swap3A = arith.constant 32 : index
      %swap3A_549 = arith.constant 0 : index
      %swap3A_550 = vector.load %arg5[%swap3A, %swap3A_549] : memref<64x64xf32, #tpu.memory_space<vmem>>, vector<1x64xf32>
      tpu.vector_store %arg5[%swap3A, %swap3A_549], %max3A {strides = array<i32>} : memref<64x64xf32, #tpu.memory_space<vmem>>, vector<1x64xf32>,
    } else {
    }
    %le3A_291 = arith.constant 33 : i32
    %le3A_292 = arith.cmpi sle, %get3A_25, %le3A_291 : i32
    %ge3A_293 = arith.constant 33 : i32
    %ge3A_294 = arith.cmpi sge, %get3A_29, %ge3A_293 : i32
    %and3A_295 = arith.andi %le3A_292, %ge3A_294 : i1
    %convert_element_type3A_296 = arith.extui %and3A_295 : i1 to i32
    %cond3A_297 = arith.constant 0 : i32
    %cond3A_298 = arith.cmpi ne, %convert_element_type3A_296, %cond3A_297 : i32
    scf.if %cond3A_298 {
      %eq3A_539 = arith.constant 33 : i32
      %eq3A_540 = vector.broadcast %eq3A_539 : i32 to vector<2000x1xi32>
      %eq3A_541 = arith.cmpi eq, %get3A_21, %eq3A_540 : vector<2000x1xi32>
      %jit3A = arith.constant 0xFF800000 : f32
      %broadcast_in_dim3A = vector.shape_cast %eq3A_541 : vector<2000x1xi1> to vector<2000x1xi1>
      %broadcast_in_dim3A_542 = vector.broadcast %broadcast_in_dim3A : vector<2000x1xi1> to vector<2000x64xi1>
      %broadcast_in_dim3A_543 = vector.broadcast %jit3A : f32 to vector<2000x64xf32>
      %select_n3A = arith.select %broadcast_in_dim3A_542, %add3A_18, %broadcast_in_dim3A_543 : vector<2000x64xi1>, vector<2000x64xf32>
      %reduce_max3A = arith.constant dense<0xFF800000> : vector<64xf32>
      %reduce_max3A_544 = vector.multi_reduction <maximumf>, %select_n3A, %reduce_max3A [0] : vector<2000x64xf32> to vector<64xf32>
      %broadcast_in_dim3A_545 = vector.shape_cast %reduce_max3A_544 : vector<64xf32> to vector<1x64xf32>
      %get3A_546 = arith.constant 33 : index
      %get3A_547 = arith.constant 0 : index
      %get3A_548 = vector.load %arg5[%get3A_546, %get3A_547] : memref<64x64xf32, #tpu.memory_space<vmem>>, vector<1x64xf32>
      %max3A = arith.maximumf %get3A_548, %broadcast_in_dim3A_545 : vector<1x64xf32>
      %swap3A = arith.constant 33 : index
      %swap3A_549 = arith.constant 0 : index
      %swap3A_550 = vector.load %arg5[%swap3A, %swap3A_549] : memref<64x64xf32, #tpu.memory_space<vmem>>, vector<1x64xf32>
      tpu.vector_store %arg5[%swap3A, %swap3A_549], %max3A {strides = array<i32>} : memref<64x64xf32, #tpu.memory_space<vmem>>, vector<1x64xf32>,
    } else {
    }
    %le3A_299 = arith.constant 34 : i32
    %le3A_300 = arith.cmpi sle, %get3A_25, %le3A_299 : i32
    %ge3A_301 = arith.constant 34 : i32
    %ge3A_302 = arith.cmpi sge, %get3A_29, %ge3A_301 : i32
    %and3A_303 = arith.andi %le3A_300, %ge3A_302 : i1
    %convert_element_type3A_304 = arith.extui %and3A_303 : i1 to i32
    %cond3A_305 = arith.constant 0 : i32
    %cond3A_306 = arith.cmpi ne, %convert_element_type3A_304, %cond3A_305 : i32
    scf.if %cond3A_306 {
      %eq3A_539 = arith.constant 34 : i32
      %eq3A_540 = vector.broadcast %eq3A_539 : i32 to vector<2000x1xi32>
      %eq3A_541 = arith.cmpi eq, %get3A_21, %eq3A_540 : vector<2000x1xi32>
      %jit3A = arith.constant 0xFF800000 : f32
      %broadcast_in_dim3A = vector.shape_cast %eq3A_541 : vector<2000x1xi1> to vector<2000x1xi1>
      %broadcast_in_dim3A_542 = vector.broadcast %broadcast_in_dim3A : vector<2000x1xi1> to vector<2000x64xi1>
      %broadcast_in_dim3A_543 = vector.broadcast %jit3A : f32 to vector<2000x64xf32>
      %select_n3A = arith.select %broadcast_in_dim3A_542, %add3A_18, %broadcast_in_dim3A_543 : vector<2000x64xi1>, vector<2000x64xf32>
      %reduce_max3A = arith.constant dense<0xFF800000> : vector<64xf32>
      %reduce_max3A_544 = vector.multi_reduction <maximumf>, %select_n3A, %reduce_max3A [0] : vector<2000x64xf32> to vector<64xf32>
      %broadcast_in_dim3A_545 = vector.shape_cast %reduce_max3A_544 : vector<64xf32> to vector<1x64xf32>
      %get3A_546 = arith.constant 34 : index
      %get3A_547 = arith.constant 0 : index
      %get3A_548 = vector.load %arg5[%get3A_546, %get3A_547] : memref<64x64xf32, #tpu.memory_space<vmem>>, vector<1x64xf32>
      %max3A = arith.maximumf %get3A_548, %broadcast_in_dim3A_545 : vector<1x64xf32>
      %swap3A = arith.constant 34 : index
      %swap3A_549 = arith.constant 0 : index
      %swap3A_550 = vector.load %arg5[%swap3A, %swap3A_549] : memref<64x64xf32, #tpu.memory_space<vmem>>, vector<1x64xf32>
      tpu.vector_store %arg5[%swap3A, %swap3A_549], %max3A {strides = array<i32>} : memref<64x64xf32, #tpu.memory_space<vmem>>, vector<1x64xf32>,
    } else {
    }
    %le3A_307 = arith.constant 35 : i32
    %le3A_308 = arith.cmpi sle, %get3A_25, %le3A_307 : i32
    %ge3A_309 = arith.constant 35 : i32
    %ge3A_310 = arith.cmpi sge, %get3A_29, %ge3A_309 : i32
    %and3A_311 = arith.andi %le3A_308, %ge3A_310 : i1
    %convert_element_type3A_312 = arith.extui %and3A_311 : i1 to i32
    %cond3A_313 = arith.constant 0 : i32
    %cond3A_314 = arith.cmpi ne, %convert_element_type3A_312, %cond3A_313 : i32
    scf.if %cond3A_314 {
      %eq3A_539 = arith.constant 35 : i32
      %eq3A_540 = vector.broadcast %eq3A_539 : i32 to vector<2000x1xi32>
      %eq3A_541 = arith.cmpi eq, %get3A_21, %eq3A_540 : vector<2000x1xi32>
      %jit3A = arith.constant 0xFF800000 : f32
      %broadcast_in_dim3A = vector.shape_cast %eq3A_541 : vector<2000x1xi1> to vector<2000x1xi1>
      %broadcast_in_dim3A_542 = vector.broadcast %broadcast_in_dim3A : vector<2000x1xi1> to vector<2000x64xi1>
      %broadcast_in_dim3A_543 = vector.broadcast %jit3A : f32 to vector<2000x64xf32>
      %select_n3A = arith.select %broadcast_in_dim3A_542, %add3A_18, %broadcast_in_dim3A_543 : vector<2000x64xi1>, vector<2000x64xf32>
      %reduce_max3A = arith.constant dense<0xFF800000> : vector<64xf32>
      %reduce_max3A_544 = vector.multi_reduction <maximumf>, %select_n3A, %reduce_max3A [0] : vector<2000x64xf32> to vector<64xf32>
      %broadcast_in_dim3A_545 = vector.shape_cast %reduce_max3A_544 : vector<64xf32> to vector<1x64xf32>
      %get3A_546 = arith.constant 35 : index
      %get3A_547 = arith.constant 0 : index
      %get3A_548 = vector.load %arg5[%get3A_546, %get3A_547] : memref<64x64xf32, #tpu.memory_space<vmem>>, vector<1x64xf32>
      %max3A = arith.maximumf %get3A_548, %broadcast_in_dim3A_545 : vector<1x64xf32>
      %swap3A = arith.constant 35 : index
      %swap3A_549 = arith.constant 0 : index
      %swap3A_550 = vector.load %arg5[%swap3A, %swap3A_549] : memref<64x64xf32, #tpu.memory_space<vmem>>, vector<1x64xf32>
      tpu.vector_store %arg5[%swap3A, %swap3A_549], %max3A {strides = array<i32>} : memref<64x64xf32, #tpu.memory_space<vmem>>, vector<1x64xf32>,
    } else {
    }
    %le3A_315 = arith.constant 36 : i32
    %le3A_316 = arith.cmpi sle, %get3A_25, %le3A_315 : i32
    %ge3A_317 = arith.constant 36 : i32
    %ge3A_318 = arith.cmpi sge, %get3A_29, %ge3A_317 : i32
    %and3A_319 = arith.andi %le3A_316, %ge3A_318 : i1
    %convert_element_type3A_320 = arith.extui %and3A_319 : i1 to i32
    %cond3A_321 = arith.constant 0 : i32
    %cond3A_322 = arith.cmpi ne, %convert_element_type3A_320, %cond3A_321 : i32
    scf.if %cond3A_322 {
      %eq3A_539 = arith.constant 36 : i32
      %eq3A_540 = vector.broadcast %eq3A_539 : i32 to vector<2000x1xi32>
      %eq3A_541 = arith.cmpi eq, %get3A_21, %eq3A_540 : vector<2000x1xi32>
      %jit3A = arith.constant 0xFF800000 : f32
      %broadcast_in_dim3A = vector.shape_cast %eq3A_541 : vector<2000x1xi1> to vector<2000x1xi1>
      %broadcast_in_dim3A_542 = vector.broadcast %broadcast_in_dim3A : vector<2000x1xi1> to vector<2000x64xi1>
      %broadcast_in_dim3A_543 = vector.broadcast %jit3A : f32 to vector<2000x64xf32>
      %select_n3A = arith.select %broadcast_in_dim3A_542, %add3A_18, %broadcast_in_dim3A_543 : vector<2000x64xi1>, vector<2000x64xf32>
      %reduce_max3A = arith.constant dense<0xFF800000> : vector<64xf32>
      %reduce_max3A_544 = vector.multi_reduction <maximumf>, %select_n3A, %reduce_max3A [0] : vector<2000x64xf32> to vector<64xf32>
      %broadcast_in_dim3A_545 = vector.shape_cast %reduce_max3A_544 : vector<64xf32> to vector<1x64xf32>
      %get3A_546 = arith.constant 36 : index
      %get3A_547 = arith.constant 0 : index
      %get3A_548 = vector.load %arg5[%get3A_546, %get3A_547] : memref<64x64xf32, #tpu.memory_space<vmem>>, vector<1x64xf32>
      %max3A = arith.maximumf %get3A_548, %broadcast_in_dim3A_545 : vector<1x64xf32>
      %swap3A = arith.constant 36 : index
      %swap3A_549 = arith.constant 0 : index
      %swap3A_550 = vector.load %arg5[%swap3A, %swap3A_549] : memref<64x64xf32, #tpu.memory_space<vmem>>, vector<1x64xf32>
      tpu.vector_store %arg5[%swap3A, %swap3A_549], %max3A {strides = array<i32>} : memref<64x64xf32, #tpu.memory_space<vmem>>, vector<1x64xf32>,
    } else {
    }
    %le3A_323 = arith.constant 37 : i32
    %le3A_324 = arith.cmpi sle, %get3A_25, %le3A_323 : i32
    %ge3A_325 = arith.constant 37 : i32
    %ge3A_326 = arith.cmpi sge, %get3A_29, %ge3A_325 : i32
    %and3A_327 = arith.andi %le3A_324, %ge3A_326 : i1
    %convert_element_type3A_328 = arith.extui %and3A_327 : i1 to i32
    %cond3A_329 = arith.constant 0 : i32
    %cond3A_330 = arith.cmpi ne, %convert_element_type3A_328, %cond3A_329 : i32
    scf.if %cond3A_330 {
      %eq3A_539 = arith.constant 37 : i32
      %eq3A_540 = vector.broadcast %eq3A_539 : i32 to vector<2000x1xi32>
      %eq3A_541 = arith.cmpi eq, %get3A_21, %eq3A_540 : vector<2000x1xi32>
      %jit3A = arith.constant 0xFF800000 : f32
      %broadcast_in_dim3A = vector.shape_cast %eq3A_541 : vector<2000x1xi1> to vector<2000x1xi1>
      %broadcast_in_dim3A_542 = vector.broadcast %broadcast_in_dim3A : vector<2000x1xi1> to vector<2000x64xi1>
      %broadcast_in_dim3A_543 = vector.broadcast %jit3A : f32 to vector<2000x64xf32>
      %select_n3A = arith.select %broadcast_in_dim3A_542, %add3A_18, %broadcast_in_dim3A_543 : vector<2000x64xi1>, vector<2000x64xf32>
      %reduce_max3A = arith.constant dense<0xFF800000> : vector<64xf32>
      %reduce_max3A_544 = vector.multi_reduction <maximumf>, %select_n3A, %reduce_max3A [0] : vector<2000x64xf32> to vector<64xf32>
      %broadcast_in_dim3A_545 = vector.shape_cast %reduce_max3A_544 : vector<64xf32> to vector<1x64xf32>
      %get3A_546 = arith.constant 37 : index
      %get3A_547 = arith.constant 0 : index
      %get3A_548 = vector.load %arg5[%get3A_546, %get3A_547] : memref<64x64xf32, #tpu.memory_space<vmem>>, vector<1x64xf32>
      %max3A = arith.maximumf %get3A_548, %broadcast_in_dim3A_545 : vector<1x64xf32>
      %swap3A = arith.constant 37 : index
      %swap3A_549 = arith.constant 0 : index
      %swap3A_550 = vector.load %arg5[%swap3A, %swap3A_549] : memref<64x64xf32, #tpu.memory_space<vmem>>, vector<1x64xf32>
      tpu.vector_store %arg5[%swap3A, %swap3A_549], %max3A {strides = array<i32>} : memref<64x64xf32, #tpu.memory_space<vmem>>, vector<1x64xf32>,
    } else {
    }
    %le3A_331 = arith.constant 38 : i32
    %le3A_332 = arith.cmpi sle, %get3A_25, %le3A_331 : i32
    %ge3A_333 = arith.constant 38 : i32
    %ge3A_334 = arith.cmpi sge, %get3A_29, %ge3A_333 : i32
    %and3A_335 = arith.andi %le3A_332, %ge3A_334 : i1
    %convert_element_type3A_336 = arith.extui %and3A_335 : i1 to i32
    %cond3A_337 = arith.constant 0 : i32
    %cond3A_338 = arith.cmpi ne, %convert_element_type3A_336, %cond3A_337 : i32
    scf.if %cond3A_338 {
      %eq3A_539 = arith.constant 38 : i32
      %eq3A_540 = vector.broadcast %eq3A_539 : i32 to vector<2000x1xi32>
      %eq3A_541 = arith.cmpi eq, %get3A_21, %eq3A_540 : vector<2000x1xi32>
      %jit3A = arith.constant 0xFF800000 : f32
      %broadcast_in_dim3A = vector.shape_cast %eq3A_541 : vector<2000x1xi1> to vector<2000x1xi1>
      %broadcast_in_dim3A_542 = vector.broadcast %broadcast_in_dim3A : vector<2000x1xi1> to vector<2000x64xi1>
      %broadcast_in_dim3A_543 = vector.broadcast %jit3A : f32 to vector<2000x64xf32>
      %select_n3A = arith.select %broadcast_in_dim3A_542, %add3A_18, %broadcast_in_dim3A_543 : vector<2000x64xi1>, vector<2000x64xf32>
      %reduce_max3A = arith.constant dense<0xFF800000> : vector<64xf32>
      %reduce_max3A_544 = vector.multi_reduction <maximumf>, %select_n3A, %reduce_max3A [0] : vector<2000x64xf32> to vector<64xf32>
      %broadcast_in_dim3A_545 = vector.shape_cast %reduce_max3A_544 : vector<64xf32> to vector<1x64xf32>
      %get3A_546 = arith.constant 38 : index
      %get3A_547 = arith.constant 0 : index
      %get3A_548 = vector.load %arg5[%get3A_546, %get3A_547] : memref<64x64xf32, #tpu.memory_space<vmem>>, vector<1x64xf32>
      %max3A = arith.maximumf %get3A_548, %broadcast_in_dim3A_545 : vector<1x64xf32>
      %swap3A = arith.constant 38 : index
      %swap3A_549 = arith.constant 0 : index
      %swap3A_550 = vector.load %arg5[%swap3A, %swap3A_549] : memref<64x64xf32, #tpu.memory_space<vmem>>, vector<1x64xf32>
      tpu.vector_store %arg5[%swap3A, %swap3A_549], %max3A {strides = array<i32>} : memref<64x64xf32, #tpu.memory_space<vmem>>, vector<1x64xf32>,
    } else {
    }
    %le3A_339 = arith.constant 39 : i32
    %le3A_340 = arith.cmpi sle, %get3A_25, %le3A_339 : i32
    %ge3A_341 = arith.constant 39 : i32
    %ge3A_342 = arith.cmpi sge, %get3A_29, %ge3A_341 : i32
    %and3A_343 = arith.andi %le3A_340, %ge3A_342 : i1
    %convert_element_type3A_344 = arith.extui %and3A_343 : i1 to i32
    %cond3A_345 = arith.constant 0 : i32
    %cond3A_346 = arith.cmpi ne, %convert_element_type3A_344, %cond3A_345 : i32
    scf.if %cond3A_346 {
      %eq3A_539 = arith.constant 39 : i32
      %eq3A_540 = vector.broadcast %eq3A_539 : i32 to vector<2000x1xi32>
      %eq3A_541 = arith.cmpi eq, %get3A_21, %eq3A_540 : vector<2000x1xi32>
      %jit3A = arith.constant 0xFF800000 : f32
      %broadcast_in_dim3A = vector.shape_cast %eq3A_541 : vector<2000x1xi1> to vector<2000x1xi1>
      %broadcast_in_dim3A_542 = vector.broadcast %broadcast_in_dim3A : vector<2000x1xi1> to vector<2000x64xi1>
      %broadcast_in_dim3A_543 = vector.broadcast %jit3A : f32 to vector<2000x64xf32>
      %select_n3A = arith.select %broadcast_in_dim3A_542, %add3A_18, %broadcast_in_dim3A_543 : vector<2000x64xi1>, vector<2000x64xf32>
      %reduce_max3A = arith.constant dense<0xFF800000> : vector<64xf32>
      %reduce_max3A_544 = vector.multi_reduction <maximumf>, %select_n3A, %reduce_max3A [0] : vector<2000x64xf32> to vector<64xf32>
      %broadcast_in_dim3A_545 = vector.shape_cast %reduce_max3A_544 : vector<64xf32> to vector<1x64xf32>
      %get3A_546 = arith.constant 39 : index
      %get3A_547 = arith.constant 0 : index
      %get3A_548 = vector.load %arg5[%get3A_546, %get3A_547] : memref<64x64xf32, #tpu.memory_space<vmem>>, vector<1x64xf32>
      %max3A = arith.maximumf %get3A_548, %broadcast_in_dim3A_545 : vector<1x64xf32>
      %swap3A = arith.constant 39 : index
      %swap3A_549 = arith.constant 0 : index
      %swap3A_550 = vector.load %arg5[%swap3A, %swap3A_549] : memref<64x64xf32, #tpu.memory_space<vmem>>, vector<1x64xf32>
      tpu.vector_store %arg5[%swap3A, %swap3A_549], %max3A {strides = array<i32>} : memref<64x64xf32, #tpu.memory_space<vmem>>, vector<1x64xf32>,
    } else {
    }
    %le3A_347 = arith.constant 40 : i32
    %le3A_348 = arith.cmpi sle, %get3A_25, %le3A_347 : i32
    %ge3A_349 = arith.constant 40 : i32
    %ge3A_350 = arith.cmpi sge, %get3A_29, %ge3A_349 : i32
    %and3A_351 = arith.andi %le3A_348, %ge3A_350 : i1
    %convert_element_type3A_352 = arith.extui %and3A_351 : i1 to i32
    %cond3A_353 = arith.constant 0 : i32
    %cond3A_354 = arith.cmpi ne, %convert_element_type3A_352, %cond3A_353 : i32
    scf.if %cond3A_354 {
      %eq3A_539 = arith.constant 40 : i32
      %eq3A_540 = vector.broadcast %eq3A_539 : i32 to vector<2000x1xi32>
      %eq3A_541 = arith.cmpi eq, %get3A_21, %eq3A_540 : vector<2000x1xi32>
      %jit3A = arith.constant 0xFF800000 : f32
      %broadcast_in_dim3A = vector.shape_cast %eq3A_541 : vector<2000x1xi1> to vector<2000x1xi1>
      %broadcast_in_dim3A_542 = vector.broadcast %broadcast_in_dim3A : vector<2000x1xi1> to vector<2000x64xi1>
      %broadcast_in_dim3A_543 = vector.broadcast %jit3A : f32 to vector<2000x64xf32>
      %select_n3A = arith.select %broadcast_in_dim3A_542, %add3A_18, %broadcast_in_dim3A_543 : vector<2000x64xi1>, vector<2000x64xf32>
      %reduce_max3A = arith.constant dense<0xFF800000> : vector<64xf32>
      %reduce_max3A_544 = vector.multi_reduction <maximumf>, %select_n3A, %reduce_max3A [0] : vector<2000x64xf32> to vector<64xf32>
      %broadcast_in_dim3A_545 = vector.shape_cast %reduce_max3A_544 : vector<64xf32> to vector<1x64xf32>
      %get3A_546 = arith.constant 40 : index
      %get3A_547 = arith.constant 0 : index
      %get3A_548 = vector.load %arg5[%get3A_546, %get3A_547] : memref<64x64xf32, #tpu.memory_space<vmem>>, vector<1x64xf32>
      %max3A = arith.maximumf %get3A_548, %broadcast_in_dim3A_545 : vector<1x64xf32>
      %swap3A = arith.constant 40 : index
      %swap3A_549 = arith.constant 0 : index
      %swap3A_550 = vector.load %arg5[%swap3A, %swap3A_549] : memref<64x64xf32, #tpu.memory_space<vmem>>, vector<1x64xf32>
      tpu.vector_store %arg5[%swap3A, %swap3A_549], %max3A {strides = array<i32>} : memref<64x64xf32, #tpu.memory_space<vmem>>, vector<1x64xf32>,
    } else {
    }
    %le3A_355 = arith.constant 41 : i32
    %le3A_356 = arith.cmpi sle, %get3A_25, %le3A_355 : i32
    %ge3A_357 = arith.constant 41 : i32
    %ge3A_358 = arith.cmpi sge, %get3A_29, %ge3A_357 : i32
    %and3A_359 = arith.andi %le3A_356, %ge3A_358 : i1
    %convert_element_type3A_360 = arith.extui %and3A_359 : i1 to i32
    %cond3A_361 = arith.constant 0 : i32
    %cond3A_362 = arith.cmpi ne, %convert_element_type3A_360, %cond3A_361 : i32
    scf.if %cond3A_362 {
      %eq3A_539 = arith.constant 41 : i32
      %eq3A_540 = vector.broadcast %eq3A_539 : i32 to vector<2000x1xi32>
      %eq3A_541 = arith.cmpi eq, %get3A_21, %eq3A_540 : vector<2000x1xi32>
      %jit3A = arith.constant 0xFF800000 : f32
      %broadcast_in_dim3A = vector.shape_cast %eq3A_541 : vector<2000x1xi1> to vector<2000x1xi1>
      %broadcast_in_dim3A_542 = vector.broadcast %broadcast_in_dim3A : vector<2000x1xi1> to vector<2000x64xi1>
      %broadcast_in_dim3A_543 = vector.broadcast %jit3A : f32 to vector<2000x64xf32>
      %select_n3A = arith.select %broadcast_in_dim3A_542, %add3A_18, %broadcast_in_dim3A_543 : vector<2000x64xi1>, vector<2000x64xf32>
      %reduce_max3A = arith.constant dense<0xFF800000> : vector<64xf32>
      %reduce_max3A_544 = vector.multi_reduction <maximumf>, %select_n3A, %reduce_max3A [0] : vector<2000x64xf32> to vector<64xf32>
      %broadcast_in_dim3A_545 = vector.shape_cast %reduce_max3A_544 : vector<64xf32> to vector<1x64xf32>
      %get3A_546 = arith.constant 41 : index
      %get3A_547 = arith.constant 0 : index
      %get3A_548 = vector.load %arg5[%get3A_546, %get3A_547] : memref<64x64xf32, #tpu.memory_space<vmem>>, vector<1x64xf32>
      %max3A = arith.maximumf %get3A_548, %broadcast_in_dim3A_545 : vector<1x64xf32>
      %swap3A = arith.constant 41 : index
      %swap3A_549 = arith.constant 0 : index
      %swap3A_550 = vector.load %arg5[%swap3A, %swap3A_549] : memref<64x64xf32, #tpu.memory_space<vmem>>, vector<1x64xf32>
      tpu.vector_store %arg5[%swap3A, %swap3A_549], %max3A {strides = array<i32>} : memref<64x64xf32, #tpu.memory_space<vmem>>, vector<1x64xf32>,
    } else {
    }
    %le3A_363 = arith.constant 42 : i32
    %le3A_364 = arith.cmpi sle, %get3A_25, %le3A_363 : i32
    %ge3A_365 = arith.constant 42 : i32
    %ge3A_366 = arith.cmpi sge, %get3A_29, %ge3A_365 : i32
    %and3A_367 = arith.andi %le3A_364, %ge3A_366 : i1
    %convert_element_type3A_368 = arith.extui %and3A_367 : i1 to i32
    %cond3A_369 = arith.constant 0 : i32
    %cond3A_370 = arith.cmpi ne, %convert_element_type3A_368, %cond3A_369 : i32
    scf.if %cond3A_370 {
      %eq3A_539 = arith.constant 42 : i32
      %eq3A_540 = vector.broadcast %eq3A_539 : i32 to vector<2000x1xi32>
      %eq3A_541 = arith.cmpi eq, %get3A_21, %eq3A_540 : vector<2000x1xi32>
      %jit3A = arith.constant 0xFF800000 : f32
      %broadcast_in_dim3A = vector.shape_cast %eq3A_541 : vector<2000x1xi1> to vector<2000x1xi1>
      %broadcast_in_dim3A_542 = vector.broadcast %broadcast_in_dim3A : vector<2000x1xi1> to vector<2000x64xi1>
      %broadcast_in_dim3A_543 = vector.broadcast %jit3A : f32 to vector<2000x64xf32>
      %select_n3A = arith.select %broadcast_in_dim3A_542, %add3A_18, %broadcast_in_dim3A_543 : vector<2000x64xi1>, vector<2000x64xf32>
      %reduce_max3A = arith.constant dense<0xFF800000> : vector<64xf32>
      %reduce_max3A_544 = vector.multi_reduction <maximumf>, %select_n3A, %reduce_max3A [0] : vector<2000x64xf32> to vector<64xf32>
      %broadcast_in_dim3A_545 = vector.shape_cast %reduce_max3A_544 : vector<64xf32> to vector<1x64xf32>
      %get3A_546 = arith.constant 42 : index
      %get3A_547 = arith.constant 0 : index
      %get3A_548 = vector.load %arg5[%get3A_546, %get3A_547] : memref<64x64xf32, #tpu.memory_space<vmem>>, vector<1x64xf32>
      %max3A = arith.maximumf %get3A_548, %broadcast_in_dim3A_545 : vector<1x64xf32>
      %swap3A = arith.constant 42 : index
      %swap3A_549 = arith.constant 0 : index
      %swap3A_550 = vector.load %arg5[%swap3A, %swap3A_549] : memref<64x64xf32, #tpu.memory_space<vmem>>, vector<1x64xf32>
      tpu.vector_store %arg5[%swap3A, %swap3A_549], %max3A {strides = array<i32>} : memref<64x64xf32, #tpu.memory_space<vmem>>, vector<1x64xf32>,
    } else {
    }
    %le3A_371 = arith.constant 43 : i32
    %le3A_372 = arith.cmpi sle, %get3A_25, %le3A_371 : i32
    %ge3A_373 = arith.constant 43 : i32
    %ge3A_374 = arith.cmpi sge, %get3A_29, %ge3A_373 : i32
    %and3A_375 = arith.andi %le3A_372, %ge3A_374 : i1
    %convert_element_type3A_376 = arith.extui %and3A_375 : i1 to i32
    %cond3A_377 = arith.constant 0 : i32
    %cond3A_378 = arith.cmpi ne, %convert_element_type3A_376, %cond3A_377 : i32
    scf.if %cond3A_378 {
      %eq3A_539 = arith.constant 43 : i32
      %eq3A_540 = vector.broadcast %eq3A_539 : i32 to vector<2000x1xi32>
      %eq3A_541 = arith.cmpi eq, %get3A_21, %eq3A_540 : vector<2000x1xi32>
      %jit3A = arith.constant 0xFF800000 : f32
      %broadcast_in_dim3A = vector.shape_cast %eq3A_541 : vector<2000x1xi1> to vector<2000x1xi1>
      %broadcast_in_dim3A_542 = vector.broadcast %broadcast_in_dim3A : vector<2000x1xi1> to vector<2000x64xi1>
      %broadcast_in_dim3A_543 = vector.broadcast %jit3A : f32 to vector<2000x64xf32>
      %select_n3A = arith.select %broadcast_in_dim3A_542, %add3A_18, %broadcast_in_dim3A_543 : vector<2000x64xi1>, vector<2000x64xf32>
      %reduce_max3A = arith.constant dense<0xFF800000> : vector<64xf32>
      %reduce_max3A_544 = vector.multi_reduction <maximumf>, %select_n3A, %reduce_max3A [0] : vector<2000x64xf32> to vector<64xf32>
      %broadcast_in_dim3A_545 = vector.shape_cast %reduce_max3A_544 : vector<64xf32> to vector<1x64xf32>
      %get3A_546 = arith.constant 43 : index
      %get3A_547 = arith.constant 0 : index
      %get3A_548 = vector.load %arg5[%get3A_546, %get3A_547] : memref<64x64xf32, #tpu.memory_space<vmem>>, vector<1x64xf32>
      %max3A = arith.maximumf %get3A_548, %broadcast_in_dim3A_545 : vector<1x64xf32>
      %swap3A = arith.constant 43 : index
      %swap3A_549 = arith.constant 0 : index
      %swap3A_550 = vector.load %arg5[%swap3A, %swap3A_549] : memref<64x64xf32, #tpu.memory_space<vmem>>, vector<1x64xf32>
      tpu.vector_store %arg5[%swap3A, %swap3A_549], %max3A {strides = array<i32>} : memref<64x64xf32, #tpu.memory_space<vmem>>, vector<1x64xf32>,
    } else {
    }
    %le3A_379 = arith.constant 44 : i32
    %le3A_380 = arith.cmpi sle, %get3A_25, %le3A_379 : i32
    %ge3A_381 = arith.constant 44 : i32
    %ge3A_382 = arith.cmpi sge, %get3A_29, %ge3A_381 : i32
    %and3A_383 = arith.andi %le3A_380, %ge3A_382 : i1
    %convert_element_type3A_384 = arith.extui %and3A_383 : i1 to i32
    %cond3A_385 = arith.constant 0 : i32
    %cond3A_386 = arith.cmpi ne, %convert_element_type3A_384, %cond3A_385 : i32
    scf.if %cond3A_386 {
      %eq3A_539 = arith.constant 44 : i32
      %eq3A_540 = vector.broadcast %eq3A_539 : i32 to vector<2000x1xi32>
      %eq3A_541 = arith.cmpi eq, %get3A_21, %eq3A_540 : vector<2000x1xi32>
      %jit3A = arith.constant 0xFF800000 : f32
      %broadcast_in_dim3A = vector.shape_cast %eq3A_541 : vector<2000x1xi1> to vector<2000x1xi1>
      %broadcast_in_dim3A_542 = vector.broadcast %broadcast_in_dim3A : vector<2000x1xi1> to vector<2000x64xi1>
      %broadcast_in_dim3A_543 = vector.broadcast %jit3A : f32 to vector<2000x64xf32>
      %select_n3A = arith.select %broadcast_in_dim3A_542, %add3A_18, %broadcast_in_dim3A_543 : vector<2000x64xi1>, vector<2000x64xf32>
      %reduce_max3A = arith.constant dense<0xFF800000> : vector<64xf32>
      %reduce_max3A_544 = vector.multi_reduction <maximumf>, %select_n3A, %reduce_max3A [0] : vector<2000x64xf32> to vector<64xf32>
      %broadcast_in_dim3A_545 = vector.shape_cast %reduce_max3A_544 : vector<64xf32> to vector<1x64xf32>
      %get3A_546 = arith.constant 44 : index
      %get3A_547 = arith.constant 0 : index
      %get3A_548 = vector.load %arg5[%get3A_546, %get3A_547] : memref<64x64xf32, #tpu.memory_space<vmem>>, vector<1x64xf32>
      %max3A = arith.maximumf %get3A_548, %broadcast_in_dim3A_545 : vector<1x64xf32>
      %swap3A = arith.constant 44 : index
      %swap3A_549 = arith.constant 0 : index
      %swap3A_550 = vector.load %arg5[%swap3A, %swap3A_549] : memref<64x64xf32, #tpu.memory_space<vmem>>, vector<1x64xf32>
      tpu.vector_store %arg5[%swap3A, %swap3A_549], %max3A {strides = array<i32>} : memref<64x64xf32, #tpu.memory_space<vmem>>, vector<1x64xf32>,
    } else {
    }
    %le3A_387 = arith.constant 45 : i32
    %le3A_388 = arith.cmpi sle, %get3A_25, %le3A_387 : i32
    %ge3A_389 = arith.constant 45 : i32
    %ge3A_390 = arith.cmpi sge, %get3A_29, %ge3A_389 : i32
    %and3A_391 = arith.andi %le3A_388, %ge3A_390 : i1
    %convert_element_type3A_392 = arith.extui %and3A_391 : i1 to i32
    %cond3A_393 = arith.constant 0 : i32
    %cond3A_394 = arith.cmpi ne, %convert_element_type3A_392, %cond3A_393 : i32
    scf.if %cond3A_394 {
      %eq3A_539 = arith.constant 45 : i32
      %eq3A_540 = vector.broadcast %eq3A_539 : i32 to vector<2000x1xi32>
      %eq3A_541 = arith.cmpi eq, %get3A_21, %eq3A_540 : vector<2000x1xi32>
      %jit3A = arith.constant 0xFF800000 : f32
      %broadcast_in_dim3A = vector.shape_cast %eq3A_541 : vector<2000x1xi1> to vector<2000x1xi1>
      %broadcast_in_dim3A_542 = vector.broadcast %broadcast_in_dim3A : vector<2000x1xi1> to vector<2000x64xi1>
      %broadcast_in_dim3A_543 = vector.broadcast %jit3A : f32 to vector<2000x64xf32>
      %select_n3A = arith.select %broadcast_in_dim3A_542, %add3A_18, %broadcast_in_dim3A_543 : vector<2000x64xi1>, vector<2000x64xf32>
      %reduce_max3A = arith.constant dense<0xFF800000> : vector<64xf32>
      %reduce_max3A_544 = vector.multi_reduction <maximumf>, %select_n3A, %reduce_max3A [0] : vector<2000x64xf32> to vector<64xf32>
      %broadcast_in_dim3A_545 = vector.shape_cast %reduce_max3A_544 : vector<64xf32> to vector<1x64xf32>
      %get3A_546 = arith.constant 45 : index
      %get3A_547 = arith.constant 0 : index
      %get3A_548 = vector.load %arg5[%get3A_546, %get3A_547] : memref<64x64xf32, #tpu.memory_space<vmem>>, vector<1x64xf32>
      %max3A = arith.maximumf %get3A_548, %broadcast_in_dim3A_545 : vector<1x64xf32>
      %swap3A = arith.constant 45 : index
      %swap3A_549 = arith.constant 0 : index
      %swap3A_550 = vector.load %arg5[%swap3A, %swap3A_549] : memref<64x64xf32, #tpu.memory_space<vmem>>, vector<1x64xf32>
      tpu.vector_store %arg5[%swap3A, %swap3A_549], %max3A {strides = array<i32>} : memref<64x64xf32, #tpu.memory_space<vmem>>, vector<1x64xf32>,
    } else {
    }
    %le3A_395 = arith.constant 46 : i32
    %le3A_396 = arith.cmpi sle, %get3A_25, %le3A_395 : i32
    %ge3A_397 = arith.constant 46 : i32
    %ge3A_398 = arith.cmpi sge, %get3A_29, %ge3A_397 : i32
    %and3A_399 = arith.andi %le3A_396, %ge3A_398 : i1
    %convert_element_type3A_400 = arith.extui %and3A_399 : i1 to i32
    %cond3A_401 = arith.constant 0 : i32
    %cond3A_402 = arith.cmpi ne, %convert_element_type3A_400, %cond3A_401 : i32
    scf.if %cond3A_402 {
      %eq3A_539 = arith.constant 46 : i32
      %eq3A_540 = vector.broadcast %eq3A_539 : i32 to vector<2000x1xi32>
      %eq3A_541 = arith.cmpi eq, %get3A_21, %eq3A_540 : vector<2000x1xi32>
      %jit3A = arith.constant 0xFF800000 : f32
      %broadcast_in_dim3A = vector.shape_cast %eq3A_541 : vector<2000x1xi1> to vector<2000x1xi1>
      %broadcast_in_dim3A_542 = vector.broadcast %broadcast_in_dim3A : vector<2000x1xi1> to vector<2000x64xi1>
      %broadcast_in_dim3A_543 = vector.broadcast %jit3A : f32 to vector<2000x64xf32>
      %select_n3A = arith.select %broadcast_in_dim3A_542, %add3A_18, %broadcast_in_dim3A_543 : vector<2000x64xi1>, vector<2000x64xf32>
      %reduce_max3A = arith.constant dense<0xFF800000> : vector<64xf32>
      %reduce_max3A_544 = vector.multi_reduction <maximumf>, %select_n3A, %reduce_max3A [0] : vector<2000x64xf32> to vector<64xf32>
      %broadcast_in_dim3A_545 = vector.shape_cast %reduce_max3A_544 : vector<64xf32> to vector<1x64xf32>
      %get3A_546 = arith.constant 46 : index
      %get3A_547 = arith.constant 0 : index
      %get3A_548 = vector.load %arg5[%get3A_546, %get3A_547] : memref<64x64xf32, #tpu.memory_space<vmem>>, vector<1x64xf32>
      %max3A = arith.maximumf %get3A_548, %broadcast_in_dim3A_545 : vector<1x64xf32>
      %swap3A = arith.constant 46 : index
      %swap3A_549 = arith.constant 0 : index
      %swap3A_550 = vector.load %arg5[%swap3A, %swap3A_549] : memref<64x64xf32, #tpu.memory_space<vmem>>, vector<1x64xf32>
      tpu.vector_store %arg5[%swap3A, %swap3A_549], %max3A {strides = array<i32>} : memref<64x64xf32, #tpu.memory_space<vmem>>, vector<1x64xf32>,
    } else {
    }
    %le3A_403 = arith.constant 47 : i32
    %le3A_404 = arith.cmpi sle, %get3A_25, %le3A_403 : i32
    %ge3A_405 = arith.constant 47 : i32
    %ge3A_406 = arith.cmpi sge, %get3A_29, %ge3A_405 : i32
    %and3A_407 = arith.andi %le3A_404, %ge3A_406 : i1
    %convert_element_type3A_408 = arith.extui %and3A_407 : i1 to i32
    %cond3A_409 = arith.constant 0 : i32
    %cond3A_410 = arith.cmpi ne, %convert_element_type3A_408, %cond3A_409 : i32
    scf.if %cond3A_410 {
      %eq3A_539 = arith.constant 47 : i32
      %eq3A_540 = vector.broadcast %eq3A_539 : i32 to vector<2000x1xi32>
      %eq3A_541 = arith.cmpi eq, %get3A_21, %eq3A_540 : vector<2000x1xi32>
      %jit3A = arith.constant 0xFF800000 : f32
      %broadcast_in_dim3A = vector.shape_cast %eq3A_541 : vector<2000x1xi1> to vector<2000x1xi1>
      %broadcast_in_dim3A_542 = vector.broadcast %broadcast_in_dim3A : vector<2000x1xi1> to vector<2000x64xi1>
      %broadcast_in_dim3A_543 = vector.broadcast %jit3A : f32 to vector<2000x64xf32>
      %select_n3A = arith.select %broadcast_in_dim3A_542, %add3A_18, %broadcast_in_dim3A_543 : vector<2000x64xi1>, vector<2000x64xf32>
      %reduce_max3A = arith.constant dense<0xFF800000> : vector<64xf32>
      %reduce_max3A_544 = vector.multi_reduction <maximumf>, %select_n3A, %reduce_max3A [0] : vector<2000x64xf32> to vector<64xf32>
      %broadcast_in_dim3A_545 = vector.shape_cast %reduce_max3A_544 : vector<64xf32> to vector<1x64xf32>
      %get3A_546 = arith.constant 47 : index
      %get3A_547 = arith.constant 0 : index
      %get3A_548 = vector.load %arg5[%get3A_546, %get3A_547] : memref<64x64xf32, #tpu.memory_space<vmem>>, vector<1x64xf32>
      %max3A = arith.maximumf %get3A_548, %broadcast_in_dim3A_545 : vector<1x64xf32>
      %swap3A = arith.constant 47 : index
      %swap3A_549 = arith.constant 0 : index
      %swap3A_550 = vector.load %arg5[%swap3A, %swap3A_549] : memref<64x64xf32, #tpu.memory_space<vmem>>, vector<1x64xf32>
      tpu.vector_store %arg5[%swap3A, %swap3A_549], %max3A {strides = array<i32>} : memref<64x64xf32, #tpu.memory_space<vmem>>, vector<1x64xf32>,
    } else {
    }
    %le3A_411 = arith.constant 48 : i32
    %le3A_412 = arith.cmpi sle, %get3A_25, %le3A_411 : i32
    %ge3A_413 = arith.constant 48 : i32
    %ge3A_414 = arith.cmpi sge, %get3A_29, %ge3A_413 : i32
    %and3A_415 = arith.andi %le3A_412, %ge3A_414 : i1
    %convert_element_type3A_416 = arith.extui %and3A_415 : i1 to i32
    %cond3A_417 = arith.constant 0 : i32
    %cond3A_418 = arith.cmpi ne, %convert_element_type3A_416, %cond3A_417 : i32
    scf.if %cond3A_418 {
      %eq3A_539 = arith.constant 48 : i32
      %eq3A_540 = vector.broadcast %eq3A_539 : i32 to vector<2000x1xi32>
      %eq3A_541 = arith.cmpi eq, %get3A_21, %eq3A_540 : vector<2000x1xi32>
      %jit3A = arith.constant 0xFF800000 : f32
      %broadcast_in_dim3A = vector.shape_cast %eq3A_541 : vector<2000x1xi1> to vector<2000x1xi1>
      %broadcast_in_dim3A_542 = vector.broadcast %broadcast_in_dim3A : vector<2000x1xi1> to vector<2000x64xi1>
      %broadcast_in_dim3A_543 = vector.broadcast %jit3A : f32 to vector<2000x64xf32>
      %select_n3A = arith.select %broadcast_in_dim3A_542, %add3A_18, %broadcast_in_dim3A_543 : vector<2000x64xi1>, vector<2000x64xf32>
      %reduce_max3A = arith.constant dense<0xFF800000> : vector<64xf32>
      %reduce_max3A_544 = vector.multi_reduction <maximumf>, %select_n3A, %reduce_max3A [0] : vector<2000x64xf32> to vector<64xf32>
      %broadcast_in_dim3A_545 = vector.shape_cast %reduce_max3A_544 : vector<64xf32> to vector<1x64xf32>
      %get3A_546 = arith.constant 48 : index
      %get3A_547 = arith.constant 0 : index
      %get3A_548 = vector.load %arg5[%get3A_546, %get3A_547] : memref<64x64xf32, #tpu.memory_space<vmem>>, vector<1x64xf32>
      %max3A = arith.maximumf %get3A_548, %broadcast_in_dim3A_545 : vector<1x64xf32>
      %swap3A = arith.constant 48 : index
      %swap3A_549 = arith.constant 0 : index
      %swap3A_550 = vector.load %arg5[%swap3A, %swap3A_549] : memref<64x64xf32, #tpu.memory_space<vmem>>, vector<1x64xf32>
      tpu.vector_store %arg5[%swap3A, %swap3A_549], %max3A {strides = array<i32>} : memref<64x64xf32, #tpu.memory_space<vmem>>, vector<1x64xf32>,
    } else {
    }
    %le3A_419 = arith.constant 49 : i32
    %le3A_420 = arith.cmpi sle, %get3A_25, %le3A_419 : i32
    %ge3A_421 = arith.constant 49 : i32
    %ge3A_422 = arith.cmpi sge, %get3A_29, %ge3A_421 : i32
    %and3A_423 = arith.andi %le3A_420, %ge3A_422 : i1
    %convert_element_type3A_424 = arith.extui %and3A_423 : i1 to i32
    %cond3A_425 = arith.constant 0 : i32
    %cond3A_426 = arith.cmpi ne, %convert_element_type3A_424, %cond3A_425 : i32
    scf.if %cond3A_426 {
      %eq3A_539 = arith.constant 49 : i32
      %eq3A_540 = vector.broadcast %eq3A_539 : i32 to vector<2000x1xi32>
      %eq3A_541 = arith.cmpi eq, %get3A_21, %eq3A_540 : vector<2000x1xi32>
      %jit3A = arith.constant 0xFF800000 : f32
      %broadcast_in_dim3A = vector.shape_cast %eq3A_541 : vector<2000x1xi1> to vector<2000x1xi1>
      %broadcast_in_dim3A_542 = vector.broadcast %broadcast_in_dim3A : vector<2000x1xi1> to vector<2000x64xi1>
      %broadcast_in_dim3A_543 = vector.broadcast %jit3A : f32 to vector<2000x64xf32>
      %select_n3A = arith.select %broadcast_in_dim3A_542, %add3A_18, %broadcast_in_dim3A_543 : vector<2000x64xi1>, vector<2000x64xf32>
      %reduce_max3A = arith.constant dense<0xFF800000> : vector<64xf32>
      %reduce_max3A_544 = vector.multi_reduction <maximumf>, %select_n3A, %reduce_max3A [0] : vector<2000x64xf32> to vector<64xf32>
      %broadcast_in_dim3A_545 = vector.shape_cast %reduce_max3A_544 : vector<64xf32> to vector<1x64xf32>
      %get3A_546 = arith.constant 49 : index
      %get3A_547 = arith.constant 0 : index
      %get3A_548 = vector.load %arg5[%get3A_546, %get3A_547] : memref<64x64xf32, #tpu.memory_space<vmem>>, vector<1x64xf32>
      %max3A = arith.maximumf %get3A_548, %broadcast_in_dim3A_545 : vector<1x64xf32>
      %swap3A = arith.constant 49 : index
      %swap3A_549 = arith.constant 0 : index
      %swap3A_550 = vector.load %arg5[%swap3A, %swap3A_549] : memref<64x64xf32, #tpu.memory_space<vmem>>, vector<1x64xf32>
      tpu.vector_store %arg5[%swap3A, %swap3A_549], %max3A {strides = array<i32>} : memref<64x64xf32, #tpu.memory_space<vmem>>, vector<1x64xf32>,
    } else {
    }
    %le3A_427 = arith.constant 50 : i32
    %le3A_428 = arith.cmpi sle, %get3A_25, %le3A_427 : i32
    %ge3A_429 = arith.constant 50 : i32
    %ge3A_430 = arith.cmpi sge, %get3A_29, %ge3A_429 : i32
    %and3A_431 = arith.andi %le3A_428, %ge3A_430 : i1
    %convert_element_type3A_432 = arith.extui %and3A_431 : i1 to i32
    %cond3A_433 = arith.constant 0 : i32
    %cond3A_434 = arith.cmpi ne, %convert_element_type3A_432, %cond3A_433 : i32
    scf.if %cond3A_434 {
      %eq3A_539 = arith.constant 50 : i32
      %eq3A_540 = vector.broadcast %eq3A_539 : i32 to vector<2000x1xi32>
      %eq3A_541 = arith.cmpi eq, %get3A_21, %eq3A_540 : vector<2000x1xi32>
      %jit3A = arith.constant 0xFF800000 : f32
      %broadcast_in_dim3A = vector.shape_cast %eq3A_541 : vector<2000x1xi1> to vector<2000x1xi1>
      %broadcast_in_dim3A_542 = vector.broadcast %broadcast_in_dim3A : vector<2000x1xi1> to vector<2000x64xi1>
      %broadcast_in_dim3A_543 = vector.broadcast %jit3A : f32 to vector<2000x64xf32>
      %select_n3A = arith.select %broadcast_in_dim3A_542, %add3A_18, %broadcast_in_dim3A_543 : vector<2000x64xi1>, vector<2000x64xf32>
      %reduce_max3A = arith.constant dense<0xFF800000> : vector<64xf32>
      %reduce_max3A_544 = vector.multi_reduction <maximumf>, %select_n3A, %reduce_max3A [0] : vector<2000x64xf32> to vector<64xf32>
      %broadcast_in_dim3A_545 = vector.shape_cast %reduce_max3A_544 : vector<64xf32> to vector<1x64xf32>
      %get3A_546 = arith.constant 50 : index
      %get3A_547 = arith.constant 0 : index
      %get3A_548 = vector.load %arg5[%get3A_546, %get3A_547] : memref<64x64xf32, #tpu.memory_space<vmem>>, vector<1x64xf32>
      %max3A = arith.maximumf %get3A_548, %broadcast_in_dim3A_545 : vector<1x64xf32>
      %swap3A = arith.constant 50 : index
      %swap3A_549 = arith.constant 0 : index
      %swap3A_550 = vector.load %arg5[%swap3A, %swap3A_549] : memref<64x64xf32, #tpu.memory_space<vmem>>, vector<1x64xf32>
      tpu.vector_store %arg5[%swap3A, %swap3A_549], %max3A {strides = array<i32>} : memref<64x64xf32, #tpu.memory_space<vmem>>, vector<1x64xf32>,
    } else {
    }
    %le3A_435 = arith.constant 51 : i32
    %le3A_436 = arith.cmpi sle, %get3A_25, %le3A_435 : i32
    %ge3A_437 = arith.constant 51 : i32
    %ge3A_438 = arith.cmpi sge, %get3A_29, %ge3A_437 : i32
    %and3A_439 = arith.andi %le3A_436, %ge3A_438 : i1
    %convert_element_type3A_440 = arith.extui %and3A_439 : i1 to i32
    %cond3A_441 = arith.constant 0 : i32
    %cond3A_442 = arith.cmpi ne, %convert_element_type3A_440, %cond3A_441 : i32
    scf.if %cond3A_442 {
      %eq3A_539 = arith.constant 51 : i32
      %eq3A_540 = vector.broadcast %eq3A_539 : i32 to vector<2000x1xi32>
      %eq3A_541 = arith.cmpi eq, %get3A_21, %eq3A_540 : vector<2000x1xi32>
      %jit3A = arith.constant 0xFF800000 : f32
      %broadcast_in_dim3A = vector.shape_cast %eq3A_541 : vector<2000x1xi1> to vector<2000x1xi1>
      %broadcast_in_dim3A_542 = vector.broadcast %broadcast_in_dim3A : vector<2000x1xi1> to vector<2000x64xi1>
      %broadcast_in_dim3A_543 = vector.broadcast %jit3A : f32 to vector<2000x64xf32>
      %select_n3A = arith.select %broadcast_in_dim3A_542, %add3A_18, %broadcast_in_dim3A_543 : vector<2000x64xi1>, vector<2000x64xf32>
      %reduce_max3A = arith.constant dense<0xFF800000> : vector<64xf32>
      %reduce_max3A_544 = vector.multi_reduction <maximumf>, %select_n3A, %reduce_max3A [0] : vector<2000x64xf32> to vector<64xf32>
      %broadcast_in_dim3A_545 = vector.shape_cast %reduce_max3A_544 : vector<64xf32> to vector<1x64xf32>
      %get3A_546 = arith.constant 51 : index
      %get3A_547 = arith.constant 0 : index
      %get3A_548 = vector.load %arg5[%get3A_546, %get3A_547] : memref<64x64xf32, #tpu.memory_space<vmem>>, vector<1x64xf32>
      %max3A = arith.maximumf %get3A_548, %broadcast_in_dim3A_545 : vector<1x64xf32>
      %swap3A = arith.constant 51 : index
      %swap3A_549 = arith.constant 0 : index
      %swap3A_550 = vector.load %arg5[%swap3A, %swap3A_549] : memref<64x64xf32, #tpu.memory_space<vmem>>, vector<1x64xf32>
      tpu.vector_store %arg5[%swap3A, %swap3A_549], %max3A {strides = array<i32>} : memref<64x64xf32, #tpu.memory_space<vmem>>, vector<1x64xf32>,
    } else {
    }
    %le3A_443 = arith.constant 52 : i32
    %le3A_444 = arith.cmpi sle, %get3A_25, %le3A_443 : i32
    %ge3A_445 = arith.constant 52 : i32
    %ge3A_446 = arith.cmpi sge, %get3A_29, %ge3A_445 : i32
    %and3A_447 = arith.andi %le3A_444, %ge3A_446 : i1
    %convert_element_type3A_448 = arith.extui %and3A_447 : i1 to i32
    %cond3A_449 = arith.constant 0 : i32
    %cond3A_450 = arith.cmpi ne, %convert_element_type3A_448, %cond3A_449 : i32
    scf.if %cond3A_450 {
      %eq3A_539 = arith.constant 52 : i32
      %eq3A_540 = vector.broadcast %eq3A_539 : i32 to vector<2000x1xi32>
      %eq3A_541 = arith.cmpi eq, %get3A_21, %eq3A_540 : vector<2000x1xi32>
      %jit3A = arith.constant 0xFF800000 : f32
      %broadcast_in_dim3A = vector.shape_cast %eq3A_541 : vector<2000x1xi1> to vector<2000x1xi1>
      %broadcast_in_dim3A_542 = vector.broadcast %broadcast_in_dim3A : vector<2000x1xi1> to vector<2000x64xi1>
      %broadcast_in_dim3A_543 = vector.broadcast %jit3A : f32 to vector<2000x64xf32>
      %select_n3A = arith.select %broadcast_in_dim3A_542, %add3A_18, %broadcast_in_dim3A_543 : vector<2000x64xi1>, vector<2000x64xf32>
      %reduce_max3A = arith.constant dense<0xFF800000> : vector<64xf32>
      %reduce_max3A_544 = vector.multi_reduction <maximumf>, %select_n3A, %reduce_max3A [0] : vector<2000x64xf32> to vector<64xf32>
      %broadcast_in_dim3A_545 = vector.shape_cast %reduce_max3A_544 : vector<64xf32> to vector<1x64xf32>
      %get3A_546 = arith.constant 52 : index
      %get3A_547 = arith.constant 0 : index
      %get3A_548 = vector.load %arg5[%get3A_546, %get3A_547] : memref<64x64xf32, #tpu.memory_space<vmem>>, vector<1x64xf32>
      %max3A = arith.maximumf %get3A_548, %broadcast_in_dim3A_545 : vector<1x64xf32>
      %swap3A = arith.constant 52 : index
      %swap3A_549 = arith.constant 0 : index
      %swap3A_550 = vector.load %arg5[%swap3A, %swap3A_549] : memref<64x64xf32, #tpu.memory_space<vmem>>, vector<1x64xf32>
      tpu.vector_store %arg5[%swap3A, %swap3A_549], %max3A {strides = array<i32>} : memref<64x64xf32, #tpu.memory_space<vmem>>, vector<1x64xf32>,
    } else {
    }
    %le3A_451 = arith.constant 53 : i32
    %le3A_452 = arith.cmpi sle, %get3A_25, %le3A_451 : i32
    %ge3A_453 = arith.constant 53 : i32
    %ge3A_454 = arith.cmpi sge, %get3A_29, %ge3A_453 : i32
    %and3A_455 = arith.andi %le3A_452, %ge3A_454 : i1
    %convert_element_type3A_456 = arith.extui %and3A_455 : i1 to i32
    %cond3A_457 = arith.constant 0 : i32
    %cond3A_458 = arith.cmpi ne, %convert_element_type3A_456, %cond3A_457 : i32
    scf.if %cond3A_458 {
      %eq3A_539 = arith.constant 53 : i32
      %eq3A_540 = vector.broadcast %eq3A_539 : i32 to vector<2000x1xi32>
      %eq3A_541 = arith.cmpi eq, %get3A_21, %eq3A_540 : vector<2000x1xi32>
      %jit3A = arith.constant 0xFF800000 : f32
      %broadcast_in_dim3A = vector.shape_cast %eq3A_541 : vector<2000x1xi1> to vector<2000x1xi1>
      %broadcast_in_dim3A_542 = vector.broadcast %broadcast_in_dim3A : vector<2000x1xi1> to vector<2000x64xi1>
      %broadcast_in_dim3A_543 = vector.broadcast %jit3A : f32 to vector<2000x64xf32>
      %select_n3A = arith.select %broadcast_in_dim3A_542, %add3A_18, %broadcast_in_dim3A_543 : vector<2000x64xi1>, vector<2000x64xf32>
      %reduce_max3A = arith.constant dense<0xFF800000> : vector<64xf32>
      %reduce_max3A_544 = vector.multi_reduction <maximumf>, %select_n3A, %reduce_max3A [0] : vector<2000x64xf32> to vector<64xf32>
      %broadcast_in_dim3A_545 = vector.shape_cast %reduce_max3A_544 : vector<64xf32> to vector<1x64xf32>
      %get3A_546 = arith.constant 53 : index
      %get3A_547 = arith.constant 0 : index
      %get3A_548 = vector.load %arg5[%get3A_546, %get3A_547] : memref<64x64xf32, #tpu.memory_space<vmem>>, vector<1x64xf32>
      %max3A = arith.maximumf %get3A_548, %broadcast_in_dim3A_545 : vector<1x64xf32>
      %swap3A = arith.constant 53 : index
      %swap3A_549 = arith.constant 0 : index
      %swap3A_550 = vector.load %arg5[%swap3A, %swap3A_549] : memref<64x64xf32, #tpu.memory_space<vmem>>, vector<1x64xf32>
      tpu.vector_store %arg5[%swap3A, %swap3A_549], %max3A {strides = array<i32>} : memref<64x64xf32, #tpu.memory_space<vmem>>, vector<1x64xf32>,
    } else {
    }
    %le3A_459 = arith.constant 54 : i32
    %le3A_460 = arith.cmpi sle, %get3A_25, %le3A_459 : i32
    %ge3A_461 = arith.constant 54 : i32
    %ge3A_462 = arith.cmpi sge, %get3A_29, %ge3A_461 : i32
    %and3A_463 = arith.andi %le3A_460, %ge3A_462 : i1
    %convert_element_type3A_464 = arith.extui %and3A_463 : i1 to i32
    %cond3A_465 = arith.constant 0 : i32
    %cond3A_466 = arith.cmpi ne, %convert_element_type3A_464, %cond3A_465 : i32
    scf.if %cond3A_466 {
      %eq3A_539 = arith.constant 54 : i32
      %eq3A_540 = vector.broadcast %eq3A_539 : i32 to vector<2000x1xi32>
      %eq3A_541 = arith.cmpi eq, %get3A_21, %eq3A_540 : vector<2000x1xi32>
      %jit3A = arith.constant 0xFF800000 : f32
      %broadcast_in_dim3A = vector.shape_cast %eq3A_541 : vector<2000x1xi1> to vector<2000x1xi1>
      %broadcast_in_dim3A_542 = vector.broadcast %broadcast_in_dim3A : vector<2000x1xi1> to vector<2000x64xi1>
      %broadcast_in_dim3A_543 = vector.broadcast %jit3A : f32 to vector<2000x64xf32>
      %select_n3A = arith.select %broadcast_in_dim3A_542, %add3A_18, %broadcast_in_dim3A_543 : vector<2000x64xi1>, vector<2000x64xf32>
      %reduce_max3A = arith.constant dense<0xFF800000> : vector<64xf32>
      %reduce_max3A_544 = vector.multi_reduction <maximumf>, %select_n3A, %reduce_max3A [0] : vector<2000x64xf32> to vector<64xf32>
      %broadcast_in_dim3A_545 = vector.shape_cast %reduce_max3A_544 : vector<64xf32> to vector<1x64xf32>
      %get3A_546 = arith.constant 54 : index
      %get3A_547 = arith.constant 0 : index
      %get3A_548 = vector.load %arg5[%get3A_546, %get3A_547] : memref<64x64xf32, #tpu.memory_space<vmem>>, vector<1x64xf32>
      %max3A = arith.maximumf %get3A_548, %broadcast_in_dim3A_545 : vector<1x64xf32>
      %swap3A = arith.constant 54 : index
      %swap3A_549 = arith.constant 0 : index
      %swap3A_550 = vector.load %arg5[%swap3A, %swap3A_549] : memref<64x64xf32, #tpu.memory_space<vmem>>, vector<1x64xf32>
      tpu.vector_store %arg5[%swap3A, %swap3A_549], %max3A {strides = array<i32>} : memref<64x64xf32, #tpu.memory_space<vmem>>, vector<1x64xf32>,
    } else {
    }
    %le3A_467 = arith.constant 55 : i32
    %le3A_468 = arith.cmpi sle, %get3A_25, %le3A_467 : i32
    %ge3A_469 = arith.constant 55 : i32
    %ge3A_470 = arith.cmpi sge, %get3A_29, %ge3A_469 : i32
    %and3A_471 = arith.andi %le3A_468, %ge3A_470 : i1
    %convert_element_type3A_472 = arith.extui %and3A_471 : i1 to i32
    %cond3A_473 = arith.constant 0 : i32
    %cond3A_474 = arith.cmpi ne, %convert_element_type3A_472, %cond3A_473 : i32
    scf.if %cond3A_474 {
      %eq3A_539 = arith.constant 55 : i32
      %eq3A_540 = vector.broadcast %eq3A_539 : i32 to vector<2000x1xi32>
      %eq3A_541 = arith.cmpi eq, %get3A_21, %eq3A_540 : vector<2000x1xi32>
      %jit3A = arith.constant 0xFF800000 : f32
      %broadcast_in_dim3A = vector.shape_cast %eq3A_541 : vector<2000x1xi1> to vector<2000x1xi1>
      %broadcast_in_dim3A_542 = vector.broadcast %broadcast_in_dim3A : vector<2000x1xi1> to vector<2000x64xi1>
      %broadcast_in_dim3A_543 = vector.broadcast %jit3A : f32 to vector<2000x64xf32>
      %select_n3A = arith.select %broadcast_in_dim3A_542, %add3A_18, %broadcast_in_dim3A_543 : vector<2000x64xi1>, vector<2000x64xf32>
      %reduce_max3A = arith.constant dense<0xFF800000> : vector<64xf32>
      %reduce_max3A_544 = vector.multi_reduction <maximumf>, %select_n3A, %reduce_max3A [0] : vector<2000x64xf32> to vector<64xf32>
      %broadcast_in_dim3A_545 = vector.shape_cast %reduce_max3A_544 : vector<64xf32> to vector<1x64xf32>
      %get3A_546 = arith.constant 55 : index
      %get3A_547 = arith.constant 0 : index
      %get3A_548 = vector.load %arg5[%get3A_546, %get3A_547] : memref<64x64xf32, #tpu.memory_space<vmem>>, vector<1x64xf32>
      %max3A = arith.maximumf %get3A_548, %broadcast_in_dim3A_545 : vector<1x64xf32>
      %swap3A = arith.constant 55 : index
      %swap3A_549 = arith.constant 0 : index
      %swap3A_550 = vector.load %arg5[%swap3A, %swap3A_549] : memref<64x64xf32, #tpu.memory_space<vmem>>, vector<1x64xf32>
      tpu.vector_store %arg5[%swap3A, %swap3A_549], %max3A {strides = array<i32>} : memref<64x64xf32, #tpu.memory_space<vmem>>, vector<1x64xf32>,
    } else {
    }
    %le3A_475 = arith.constant 56 : i32
    %le3A_476 = arith.cmpi sle, %get3A_25, %le3A_475 : i32
    %ge3A_477 = arith.constant 56 : i32
    %ge3A_478 = arith.cmpi sge, %get3A_29, %ge3A_477 : i32
    %and3A_479 = arith.andi %le3A_476, %ge3A_478 : i1
    %convert_element_type3A_480 = arith.extui %and3A_479 : i1 to i32
    %cond3A_481 = arith.constant 0 : i32
    %cond3A_482 = arith.cmpi ne, %convert_element_type3A_480, %cond3A_481 : i32
    scf.if %cond3A_482 {
      %eq3A_539 = arith.constant 56 : i32
      %eq3A_540 = vector.broadcast %eq3A_539 : i32 to vector<2000x1xi32>
      %eq3A_541 = arith.cmpi eq, %get3A_21, %eq3A_540 : vector<2000x1xi32>
      %jit3A = arith.constant 0xFF800000 : f32
      %broadcast_in_dim3A = vector.shape_cast %eq3A_541 : vector<2000x1xi1> to vector<2000x1xi1>
      %broadcast_in_dim3A_542 = vector.broadcast %broadcast_in_dim3A : vector<2000x1xi1> to vector<2000x64xi1>
      %broadcast_in_dim3A_543 = vector.broadcast %jit3A : f32 to vector<2000x64xf32>
      %select_n3A = arith.select %broadcast_in_dim3A_542, %add3A_18, %broadcast_in_dim3A_543 : vector<2000x64xi1>, vector<2000x64xf32>
      %reduce_max3A = arith.constant dense<0xFF800000> : vector<64xf32>
      %reduce_max3A_544 = vector.multi_reduction <maximumf>, %select_n3A, %reduce_max3A [0] : vector<2000x64xf32> to vector<64xf32>
      %broadcast_in_dim3A_545 = vector.shape_cast %reduce_max3A_544 : vector<64xf32> to vector<1x64xf32>
      %get3A_546 = arith.constant 56 : index
      %get3A_547 = arith.constant 0 : index
      %get3A_548 = vector.load %arg5[%get3A_546, %get3A_547] : memref<64x64xf32, #tpu.memory_space<vmem>>, vector<1x64xf32>
      %max3A = arith.maximumf %get3A_548, %broadcast_in_dim3A_545 : vector<1x64xf32>
      %swap3A = arith.constant 56 : index
      %swap3A_549 = arith.constant 0 : index
      %swap3A_550 = vector.load %arg5[%swap3A, %swap3A_549] : memref<64x64xf32, #tpu.memory_space<vmem>>, vector<1x64xf32>
      tpu.vector_store %arg5[%swap3A, %swap3A_549], %max3A {strides = array<i32>} : memref<64x64xf32, #tpu.memory_space<vmem>>, vector<1x64xf32>,
    } else {
    }
    %le3A_483 = arith.constant 57 : i32
    %le3A_484 = arith.cmpi sle, %get3A_25, %le3A_483 : i32
    %ge3A_485 = arith.constant 57 : i32
    %ge3A_486 = arith.cmpi sge, %get3A_29, %ge3A_485 : i32
    %and3A_487 = arith.andi %le3A_484, %ge3A_486 : i1
    %convert_element_type3A_488 = arith.extui %and3A_487 : i1 to i32
    %cond3A_489 = arith.constant 0 : i32
    %cond3A_490 = arith.cmpi ne, %convert_element_type3A_488, %cond3A_489 : i32
    scf.if %cond3A_490 {
      %eq3A_539 = arith.constant 57 : i32
      %eq3A_540 = vector.broadcast %eq3A_539 : i32 to vector<2000x1xi32>
      %eq3A_541 = arith.cmpi eq, %get3A_21, %eq3A_540 : vector<2000x1xi32>
      %jit3A = arith.constant 0xFF800000 : f32
      %broadcast_in_dim3A = vector.shape_cast %eq3A_541 : vector<2000x1xi1> to vector<2000x1xi1>
      %broadcast_in_dim3A_542 = vector.broadcast %broadcast_in_dim3A : vector<2000x1xi1> to vector<2000x64xi1>
      %broadcast_in_dim3A_543 = vector.broadcast %jit3A : f32 to vector<2000x64xf32>
      %select_n3A = arith.select %broadcast_in_dim3A_542, %add3A_18, %broadcast_in_dim3A_543 : vector<2000x64xi1>, vector<2000x64xf32>
      %reduce_max3A = arith.constant dense<0xFF800000> : vector<64xf32>
      %reduce_max3A_544 = vector.multi_reduction <maximumf>, %select_n3A, %reduce_max3A [0] : vector<2000x64xf32> to vector<64xf32>
      %broadcast_in_dim3A_545 = vector.shape_cast %reduce_max3A_544 : vector<64xf32> to vector<1x64xf32>
      %get3A_546 = arith.constant 57 : index
      %get3A_547 = arith.constant 0 : index
      %get3A_548 = vector.load %arg5[%get3A_546, %get3A_547] : memref<64x64xf32, #tpu.memory_space<vmem>>, vector<1x64xf32>
      %max3A = arith.maximumf %get3A_548, %broadcast_in_dim3A_545 : vector<1x64xf32>
      %swap3A = arith.constant 57 : index
      %swap3A_549 = arith.constant 0 : index
      %swap3A_550 = vector.load %arg5[%swap3A, %swap3A_549] : memref<64x64xf32, #tpu.memory_space<vmem>>, vector<1x64xf32>
      tpu.vector_store %arg5[%swap3A, %swap3A_549], %max3A {strides = array<i32>} : memref<64x64xf32, #tpu.memory_space<vmem>>, vector<1x64xf32>,
    } else {
    }
    %le3A_491 = arith.constant 58 : i32
    %le3A_492 = arith.cmpi sle, %get3A_25, %le3A_491 : i32
    %ge3A_493 = arith.constant 58 : i32
    %ge3A_494 = arith.cmpi sge, %get3A_29, %ge3A_493 : i32
    %and3A_495 = arith.andi %le3A_492, %ge3A_494 : i1
    %convert_element_type3A_496 = arith.extui %and3A_495 : i1 to i32
    %cond3A_497 = arith.constant 0 : i32
    %cond3A_498 = arith.cmpi ne, %convert_element_type3A_496, %cond3A_497 : i32
    scf.if %cond3A_498 {
      %eq3A_539 = arith.constant 58 : i32
      %eq3A_540 = vector.broadcast %eq3A_539 : i32 to vector<2000x1xi32>
      %eq3A_541 = arith.cmpi eq, %get3A_21, %eq3A_540 : vector<2000x1xi32>
      %jit3A = arith.constant 0xFF800000 : f32
      %broadcast_in_dim3A = vector.shape_cast %eq3A_541 : vector<2000x1xi1> to vector<2000x1xi1>
      %broadcast_in_dim3A_542 = vector.broadcast %broadcast_in_dim3A : vector<2000x1xi1> to vector<2000x64xi1>
      %broadcast_in_dim3A_543 = vector.broadcast %jit3A : f32 to vector<2000x64xf32>
      %select_n3A = arith.select %broadcast_in_dim3A_542, %add3A_18, %broadcast_in_dim3A_543 : vector<2000x64xi1>, vector<2000x64xf32>
      %reduce_max3A = arith.constant dense<0xFF800000> : vector<64xf32>
      %reduce_max3A_544 = vector.multi_reduction <maximumf>, %select_n3A, %reduce_max3A [0] : vector<2000x64xf32> to vector<64xf32>
      %broadcast_in_dim3A_545 = vector.shape_cast %reduce_max3A_544 : vector<64xf32> to vector<1x64xf32>
      %get3A_546 = arith.constant 58 : index
      %get3A_547 = arith.constant 0 : index
      %get3A_548 = vector.load %arg5[%get3A_546, %get3A_547] : memref<64x64xf32, #tpu.memory_space<vmem>>, vector<1x64xf32>
      %max3A = arith.maximumf %get3A_548, %broadcast_in_dim3A_545 : vector<1x64xf32>
      %swap3A = arith.constant 58 : index
      %swap3A_549 = arith.constant 0 : index
      %swap3A_550 = vector.load %arg5[%swap3A, %swap3A_549] : memref<64x64xf32, #tpu.memory_space<vmem>>, vector<1x64xf32>
      tpu.vector_store %arg5[%swap3A, %swap3A_549], %max3A {strides = array<i32>} : memref<64x64xf32, #tpu.memory_space<vmem>>, vector<1x64xf32>,
    } else {
    }
    %le3A_499 = arith.constant 59 : i32
    %le3A_500 = arith.cmpi sle, %get3A_25, %le3A_499 : i32
    %ge3A_501 = arith.constant 59 : i32
    %ge3A_502 = arith.cmpi sge, %get3A_29, %ge3A_501 : i32
    %and3A_503 = arith.andi %le3A_500, %ge3A_502 : i1
    %convert_element_type3A_504 = arith.extui %and3A_503 : i1 to i32
    %cond3A_505 = arith.constant 0 : i32
    %cond3A_506 = arith.cmpi ne, %convert_element_type3A_504, %cond3A_505 : i32
    scf.if %cond3A_506 {
      %eq3A_539 = arith.constant 59 : i32
      %eq3A_540 = vector.broadcast %eq3A_539 : i32 to vector<2000x1xi32>
      %eq3A_541 = arith.cmpi eq, %get3A_21, %eq3A_540 : vector<2000x1xi32>
      %jit3A = arith.constant 0xFF800000 : f32
      %broadcast_in_dim3A = vector.shape_cast %eq3A_541 : vector<2000x1xi1> to vector<2000x1xi1>
      %broadcast_in_dim3A_542 = vector.broadcast %broadcast_in_dim3A : vector<2000x1xi1> to vector<2000x64xi1>
      %broadcast_in_dim3A_543 = vector.broadcast %jit3A : f32 to vector<2000x64xf32>
      %select_n3A = arith.select %broadcast_in_dim3A_542, %add3A_18, %broadcast_in_dim3A_543 : vector<2000x64xi1>, vector<2000x64xf32>
      %reduce_max3A = arith.constant dense<0xFF800000> : vector<64xf32>
      %reduce_max3A_544 = vector.multi_reduction <maximumf>, %select_n3A, %reduce_max3A [0] : vector<2000x64xf32> to vector<64xf32>
      %broadcast_in_dim3A_545 = vector.shape_cast %reduce_max3A_544 : vector<64xf32> to vector<1x64xf32>
      %get3A_546 = arith.constant 59 : index
      %get3A_547 = arith.constant 0 : index
      %get3A_548 = vector.load %arg5[%get3A_546, %get3A_547] : memref<64x64xf32, #tpu.memory_space<vmem>>, vector<1x64xf32>
      %max3A = arith.maximumf %get3A_548, %broadcast_in_dim3A_545 : vector<1x64xf32>
      %swap3A = arith.constant 59 : index
      %swap3A_549 = arith.constant 0 : index
      %swap3A_550 = vector.load %arg5[%swap3A, %swap3A_549] : memref<64x64xf32, #tpu.memory_space<vmem>>, vector<1x64xf32>
      tpu.vector_store %arg5[%swap3A, %swap3A_549], %max3A {strides = array<i32>} : memref<64x64xf32, #tpu.memory_space<vmem>>, vector<1x64xf32>,
    } else {
    }
    %le3A_507 = arith.constant 60 : i32
    %le3A_508 = arith.cmpi sle, %get3A_25, %le3A_507 : i32
    %ge3A_509 = arith.constant 60 : i32
    %ge3A_510 = arith.cmpi sge, %get3A_29, %ge3A_509 : i32
    %and3A_511 = arith.andi %le3A_508, %ge3A_510 : i1
    %convert_element_type3A_512 = arith.extui %and3A_511 : i1 to i32
    %cond3A_513 = arith.constant 0 : i32
    %cond3A_514 = arith.cmpi ne, %convert_element_type3A_512, %cond3A_513 : i32
    scf.if %cond3A_514 {
      %eq3A_539 = arith.constant 60 : i32
      %eq3A_540 = vector.broadcast %eq3A_539 : i32 to vector<2000x1xi32>
      %eq3A_541 = arith.cmpi eq, %get3A_21, %eq3A_540 : vector<2000x1xi32>
      %jit3A = arith.constant 0xFF800000 : f32
      %broadcast_in_dim3A = vector.shape_cast %eq3A_541 : vector<2000x1xi1> to vector<2000x1xi1>
      %broadcast_in_dim3A_542 = vector.broadcast %broadcast_in_dim3A : vector<2000x1xi1> to vector<2000x64xi1>
      %broadcast_in_dim3A_543 = vector.broadcast %jit3A : f32 to vector<2000x64xf32>
      %select_n3A = arith.select %broadcast_in_dim3A_542, %add3A_18, %broadcast_in_dim3A_543 : vector<2000x64xi1>, vector<2000x64xf32>
      %reduce_max3A = arith.constant dense<0xFF800000> : vector<64xf32>
      %reduce_max3A_544 = vector.multi_reduction <maximumf>, %select_n3A, %reduce_max3A [0] : vector<2000x64xf32> to vector<64xf32>
      %broadcast_in_dim3A_545 = vector.shape_cast %reduce_max3A_544 : vector<64xf32> to vector<1x64xf32>
      %get3A_546 = arith.constant 60 : index
      %get3A_547 = arith.constant 0 : index
      %get3A_548 = vector.load %arg5[%get3A_546, %get3A_547] : memref<64x64xf32, #tpu.memory_space<vmem>>, vector<1x64xf32>
      %max3A = arith.maximumf %get3A_548, %broadcast_in_dim3A_545 : vector<1x64xf32>
      %swap3A = arith.constant 60 : index
      %swap3A_549 = arith.constant 0 : index
      %swap3A_550 = vector.load %arg5[%swap3A, %swap3A_549] : memref<64x64xf32, #tpu.memory_space<vmem>>, vector<1x64xf32>
      tpu.vector_store %arg5[%swap3A, %swap3A_549], %max3A {strides = array<i32>} : memref<64x64xf32, #tpu.memory_space<vmem>>, vector<1x64xf32>,
    } else {
    }
    %le3A_515 = arith.constant 61 : i32
    %le3A_516 = arith.cmpi sle, %get3A_25, %le3A_515 : i32
    %ge3A_517 = arith.constant 61 : i32
    %ge3A_518 = arith.cmpi sge, %get3A_29, %ge3A_517 : i32
    %and3A_519 = arith.andi %le3A_516, %ge3A_518 : i1
    %convert_element_type3A_520 = arith.extui %and3A_519 : i1 to i32
    %cond3A_521 = arith.constant 0 : i32
    %cond3A_522 = arith.cmpi ne, %convert_element_type3A_520, %cond3A_521 : i32
    scf.if %cond3A_522 {
      %eq3A_539 = arith.constant 61 : i32
      %eq3A_540 = vector.broadcast %eq3A_539 : i32 to vector<2000x1xi32>
      %eq3A_541 = arith.cmpi eq, %get3A_21, %eq3A_540 : vector<2000x1xi32>
      %jit3A = arith.constant 0xFF800000 : f32
      %broadcast_in_dim3A = vector.shape_cast %eq3A_541 : vector<2000x1xi1> to vector<2000x1xi1>
      %broadcast_in_dim3A_542 = vector.broadcast %broadcast_in_dim3A : vector<2000x1xi1> to vector<2000x64xi1>
      %broadcast_in_dim3A_543 = vector.broadcast %jit3A : f32 to vector<2000x64xf32>
      %select_n3A = arith.select %broadcast_in_dim3A_542, %add3A_18, %broadcast_in_dim3A_543 : vector<2000x64xi1>, vector<2000x64xf32>
      %reduce_max3A = arith.constant dense<0xFF800000> : vector<64xf32>
      %reduce_max3A_544 = vector.multi_reduction <maximumf>, %select_n3A, %reduce_max3A [0] : vector<2000x64xf32> to vector<64xf32>
      %broadcast_in_dim3A_545 = vector.shape_cast %reduce_max3A_544 : vector<64xf32> to vector<1x64xf32>
      %get3A_546 = arith.constant 61 : index
      %get3A_547 = arith.constant 0 : index
      %get3A_548 = vector.load %arg5[%get3A_546, %get3A_547] : memref<64x64xf32, #tpu.memory_space<vmem>>, vector<1x64xf32>
      %max3A = arith.maximumf %get3A_548, %broadcast_in_dim3A_545 : vector<1x64xf32>
      %swap3A = arith.constant 61 : index
      %swap3A_549 = arith.constant 0 : index
      %swap3A_550 = vector.load %arg5[%swap3A, %swap3A_549] : memref<64x64xf32, #tpu.memory_space<vmem>>, vector<1x64xf32>
      tpu.vector_store %arg5[%swap3A, %swap3A_549], %max3A {strides = array<i32>} : memref<64x64xf32, #tpu.memory_space<vmem>>, vector<1x64xf32>,
    } else {
    }
    %le3A_523 = arith.constant 62 : i32
    %le3A_524 = arith.cmpi sle, %get3A_25, %le3A_523 : i32
    %ge3A_525 = arith.constant 62 : i32
    %ge3A_526 = arith.cmpi sge, %get3A_29, %ge3A_525 : i32
    %and3A_527 = arith.andi %le3A_524, %ge3A_526 : i1
    %convert_element_type3A_528 = arith.extui %and3A_527 : i1 to i32
    %cond3A_529 = arith.constant 0 : i32
    %cond3A_530 = arith.cmpi ne, %convert_element_type3A_528, %cond3A_529 : i32
    scf.if %cond3A_530 {
      %eq3A_539 = arith.constant 62 : i32
      %eq3A_540 = vector.broadcast %eq3A_539 : i32 to vector<2000x1xi32>
      %eq3A_541 = arith.cmpi eq, %get3A_21, %eq3A_540 : vector<2000x1xi32>
      %jit3A = arith.constant 0xFF800000 : f32
      %broadcast_in_dim3A = vector.shape_cast %eq3A_541 : vector<2000x1xi1> to vector<2000x1xi1>
      %broadcast_in_dim3A_542 = vector.broadcast %broadcast_in_dim3A : vector<2000x1xi1> to vector<2000x64xi1>
      %broadcast_in_dim3A_543 = vector.broadcast %jit3A : f32 to vector<2000x64xf32>
      %select_n3A = arith.select %broadcast_in_dim3A_542, %add3A_18, %broadcast_in_dim3A_543 : vector<2000x64xi1>, vector<2000x64xf32>
      %reduce_max3A = arith.constant dense<0xFF800000> : vector<64xf32>
      %reduce_max3A_544 = vector.multi_reduction <maximumf>, %select_n3A, %reduce_max3A [0] : vector<2000x64xf32> to vector<64xf32>
      %broadcast_in_dim3A_545 = vector.shape_cast %reduce_max3A_544 : vector<64xf32> to vector<1x64xf32>
      %get3A_546 = arith.constant 62 : index
      %get3A_547 = arith.constant 0 : index
      %get3A_548 = vector.load %arg5[%get3A_546, %get3A_547] : memref<64x64xf32, #tpu.memory_space<vmem>>, vector<1x64xf32>
      %max3A = arith.maximumf %get3A_548, %broadcast_in_dim3A_545 : vector<1x64xf32>
      %swap3A = arith.constant 62 : index
      %swap3A_549 = arith.constant 0 : index
      %swap3A_550 = vector.load %arg5[%swap3A, %swap3A_549] : memref<64x64xf32, #tpu.memory_space<vmem>>, vector<1x64xf32>
      tpu.vector_store %arg5[%swap3A, %swap3A_549], %max3A {strides = array<i32>} : memref<64x64xf32, #tpu.memory_space<vmem>>, vector<1x64xf32>,
    } else {
    }
    %le3A_531 = arith.constant 63 : i32
    %le3A_532 = arith.cmpi sle, %get3A_25, %le3A_531 : i32
    %ge3A_533 = arith.constant 63 : i32
    %ge3A_534 = arith.cmpi sge, %get3A_29, %ge3A_533 : i32
    %and3A_535 = arith.andi %le3A_532, %ge3A_534 : i1
    %convert_element_type3A_536 = arith.extui %and3A_535 : i1 to i32
    %cond3A_537 = arith.constant 0 : i32
    %cond3A_538 = arith.cmpi ne, %convert_element_type3A_536, %cond3A_537 : i32
    scf.if %cond3A_538 {
      %eq3A_539 = arith.constant 63 : i32
      %eq3A_540 = vector.broadcast %eq3A_539 : i32 to vector<2000x1xi32>
      %eq3A_541 = arith.cmpi eq, %get3A_21, %eq3A_540 : vector<2000x1xi32>
      %jit3A = arith.constant 0xFF800000 : f32
      %broadcast_in_dim3A = vector.shape_cast %eq3A_541 : vector<2000x1xi1> to vector<2000x1xi1>
      %broadcast_in_dim3A_542 = vector.broadcast %broadcast_in_dim3A : vector<2000x1xi1> to vector<2000x64xi1>
      %broadcast_in_dim3A_543 = vector.broadcast %jit3A : f32 to vector<2000x64xf32>
      %select_n3A = arith.select %broadcast_in_dim3A_542, %add3A_18, %broadcast_in_dim3A_543 : vector<2000x64xi1>, vector<2000x64xf32>
      %reduce_max3A = arith.constant dense<0xFF800000> : vector<64xf32>
      %reduce_max3A_544 = vector.multi_reduction <maximumf>, %select_n3A, %reduce_max3A [0] : vector<2000x64xf32> to vector<64xf32>
      %broadcast_in_dim3A_545 = vector.shape_cast %reduce_max3A_544 : vector<64xf32> to vector<1x64xf32>
      %get3A_546 = arith.constant 63 : index
      %get3A_547 = arith.constant 0 : index
      %get3A_548 = vector.load %arg5[%get3A_546, %get3A_547] : memref<64x64xf32, #tpu.memory_space<vmem>>, vector<1x64xf32>
      %max3A = arith.maximumf %get3A_548, %broadcast_in_dim3A_545 : vector<1x64xf32>
      %swap3A = arith.constant 63 : index
      %swap3A_549 = arith.constant 0 : index
      %swap3A_550 = vector.load %arg5[%swap3A, %swap3A_549] : memref<64x64xf32, #tpu.memory_space<vmem>>, vector<1x64xf32>
      tpu.vector_store %arg5[%swap3A, %swap3A_549], %max3A {strides = array<i32>} : memref<64x64xf32, #tpu.memory_space<vmem>>, vector<1x64xf32>,
    } else {
    }
    return
  }
  func.func @transform_0(%arg0: i32) -> (i32, i32, i32) {
    %c0_i32 = arith.constant 0 : i32
    %c0_i32_0 = arith.constant 0 : i32
    %c0_i32_1 = arith.constant 0 : i32
    return %c0_i32, %arg0, %c0_i32_0 : i32, i32, i32
  }
  func.func @transform_1(%arg0: i32) -> (i32, i32) {
    %c0_i32 = arith.constant 0 : i32
    %c0_i32_0 = arith.constant 0 : i32
    return %arg0, %c0_i32 : i32, i32
  }
  func.func @transform_2(%arg0: i32) -> (i32, i32) {
    %c0_i32 = arith.constant 0 : i32
    %c0_i32_0 = arith.constant 0 : i32
    return %arg0, %c0_i32 : i32, i32
  }
  func.func @transform_3(%arg0: i32) -> (i32, i32) {
    %c0_i32 = arith.constant 0 : i32
    %c0_i32_0 = arith.constant 0 : i32
    return %arg0, %c0_i32 : i32, i32
  }
  func.func @transform_4(%arg0: i32) -> (i32, i32) {
    %c0_i32 = arith.constant 0 : i32
    %c0_i32_0 = arith.constant 0 : i32
    %c0_i32_1 = arith.constant 0 : i32
    return %c0_i32, %c0_i32_0 : i32, i32
  }
}

</mosaic_0001>

<sc_bundles>
// kernel: kernel.11.cloned.1.call-start
scs
__scs_entry_jumppad:
0x0: {  	(pc) =	sbr.rel $0x88, $3  }
0x1: {  	(tag) =	ssettag $0x0;
	lr =	simm.s32 $0x1  }
0x2: {  	[smem:$0x3F8D] =	sst lr;
	_ =	strace $0xD0000000  }
0x3: {  	_ = 	snop  }
0x4: {  	_ = 	snop  }
0x5: {  	_ = 	snop  }
0x6: {  	_ = 	snop  }
0x7: {  	_ = 	snop  }
__scs_overlays_trampoline_lowered:
0x8: {  	[smem:$0x3F9C] =	sst s0  }
0x9: {  	[smem:$0x3F9D] =	sst s1  }
0xa: {  	[smem:$0x3F9E] =	sst s2  }
0xb: {  	[smem:$0x3F9F] =	sst s3  }
0xc: {  	[smem:$0x3FA0] =	sst s4  }
0xd: {  	[smem:$0x3FA1] =	sst s5  }
0xe: {  	[smem:$0x3FA2] =	sst s6  }
0xf: {  	[smem:$0x3FA3] =	sst s7  }
0x10: {  	[smem:$0x3FA4] =	sst s8  }
0x11: {  	[smem:$0x3FA5] =	sst s9;
	s0 =	simm.s32 @!p0 $0x0  }
0x12: {  	s1 =	sld [smem:$0x3F8B];
	s0 =	simm.s32 @p0 $0x1  }
0x13: {  	[smem:$0x3FA6] =	sst s0;
	s0 =	simm.s32 @!p1 $0x0  }
0x14: {  	s2 =	sld [smem:$0x3F8A];
	s0 =	simm.s32 @p1 $0x1  }
0x15: {  	[smem:$0x3FA7] =	sst s0;
	s0 =	simm.s32 @!p2 $0x0  }
0x16: {  	s3 =	sld [smem:$0x3FDB];
	s0 =	simm.s32 @p2 $0x1  }
0x17: {  	s4 =	simm.s32 $0x1BF5;
	[smem:$0x3FA9] =	sst s0  }
0x18: {  	s0 =	sld [smem:$0x3F8C];
	_ =	swait.ge [sflag:s4], $0x0  }
0x19: {  	s7 =	sld [smem:$0x3F8D]  }
0x1a: {  	s8 =	sadd.s32 $0xFFFFE003, lr  }
0x1b: {  	s9 =	sadd.s32 $0xFFFFFEF7, lr;
	s5 =	simm.s32 $0xFFFFFFFF;
	p2 =	slt.u32 s8, $0xFFFFF086  }
0x1c: {  	p1 =	slt.u32 s9, $0xF7A;
	s5 =	simm.s32 @!p2 $0x0  }
0x1d: {  	s5 =	simm.s32 @p1 $0x1;
	p0 =	seq.s32 s7, s2  }
0x1e: {  	s7 =	smul.u32 @!p0 $0xF7A, s2;
	p2 =	seq.s32 @!p0 s5, $0x0  }
0x1f: {  	s9 =	smul.u32 $0xF7A, s1;
	s8 =	simm.s32 @!p0 $0x1BF5;
	p2 =	por !p2, p0  }
0x20: {  	[sflag:s8] =	ssyncset.s32 @!p0 $0xFFFFF086;
	s6 =	sadd.s32 @!p0 s3, s7;
	s7 =	simm.s32 @!p0 $0x108  }
0x21: {  	s3 =	sadd.s32 s3, s9;
	s6 =	sadd.s32 @!p0 $0x88, s6;
	s7 =	simm.s32 @p2 $0x1082  }
0x22: {  	[simem:s7], [sflag:s8] =	dma.local @!p0 [hbm:s6], $0xF7A  }
0x23: {  	s9 =	sor.u32 $0xD0000000, s2;
	s6 =	simm.s32 $0x108;
	_ =	swait.ge @!p0 [sflag:s8], $0x0  }
0x24: {  	s3 =	sadd.s32 $0x88, s3;
	s6 =	simm.s32 @!p1 $0x1082;
	[sflag:s4] =	ssyncset.s32 $0xFFFFF086  }
0x25: {  	[simem:s6], [sflag:s4] =	dma.local [hbm:s3], $0xF7A  }
0x26: {  	[smem:$0x3F8D] =	sst s1;
	(tag) =	ssettag s2;
	_ =	strace s9  }
0x27: {  	s1 =	sld [smem:$0x3F9D]  }
0x28: {  	s2 =	sld [smem:$0x3F9E]  }
0x29: {  	s4 =	sld [smem:$0x3FA0]  }
0x2a: {  	p0 =	seq.s32 s5, $0x0;
	s5 =	sld [smem:$0x3FA1]  }
0x2b: {  	s6 =	sld [smem:$0x3FA2]  }
0x2c: {  	s7 =	sld [smem:$0x3FA3]  }
0x2d: {  	s3 =	simm.s32 $0x108;
	s8 =	sld [smem:$0x3FA4]  }
0x2e: {  	s3 =	simm.s32 @!p0 $0x1082;
	s9 =	sld [smem:$0x3FA5]  }
0x2f: {  	lr =	sadd.s32 s0, s3;
	s0 =	sld [smem:$0x3F9C]  }
0x30: {  	s3 =	sld [smem:$0x3F9F]  }
0x31: {  	[smem:$0x3FA8] =	sst s10  }
0x32: {  	s10 =	sld [smem:$0x3FA6];
	_ =	sdelay $0x3  }
0x33: {  	p0 =	seq.s32 s10, $0x1;
	s10 =	sld [smem:$0x3FA8];
	_ =	sdelay $0x3  }
0x34: {  	[smem:$0x3FA8] =	sst s10  }
0x35: {  	s10 =	sld [smem:$0x3FA7];
	_ =	sdelay $0x3  }
0x36: {  	p1 =	seq.s32 s10, $0x1;
	s10 =	sld [smem:$0x3FA8];
	_ =	sdelay $0x3  }
0x37: {  	[smem:$0x3FA8] =	sst s10  }
0x38: {  	s10 =	sld [smem:$0x3FA9]  }
0x39: {  	_ = 	snop;
	(pc) =	sbr.ind lr, $3  }
0x3a: {  	_ = 	snop  }
0x3b: {  	_ = 	snop  }
0x3c: {  	p2 =	seq.s32 s10, $0x1;
	s10 =	sld [smem:$0x3FA8]  }
0x3d: {  	_ =	shalt  }
0x3e: {  	_ =	shalt  }
0x3f: {  	_ =	shalt  }
0x40: {  	_ =	shalt  }
0x41: {  	_ =	shalt  }
0x42: {  	_ =	shalt  }
0x43: {  	_ =	shalt  }
0x44: {  	_ =	shalt  }
0x45: {  	_ =	shalt  }
0x46: {  	_ =	shalt  }
0x47: {  	_ =	shalt  }
0x48: {  	_ =	shalt  }
0x49: {  	_ =	shalt  }
0x4a: {  	_ =	shalt  }
0x4b: {  	_ =	shalt  }
0x4c: {  	_ =	shalt  }
0x4d: {  	_ =	shalt  }
0x4e: {  	_ =	shalt  }
0x4f: {  	_ =	shalt  }
0x50: {  	_ =	shalt  }
0x51: {  	_ =	shalt  }
0x52: {  	_ =	shalt  }
0x53: {  	_ =	shalt  }
0x54: {  	_ =	shalt  }
0x55: {  	_ =	shalt  }
0x56: {  	_ =	shalt  }
0x57: {  	_ =	shalt  }
0x58: {  	_ =	shalt  }
0x59: {  	_ =	shalt  }
0x5a: {  	_ =	shalt  }
0x5b: {  	_ =	shalt  }
0x5c: {  	_ =	shalt  }
0x5d: {  	_ =	shalt  }
0x5e: {  	_ =	shalt  }
0x5f: {  	_ =	shalt  }
0x60: {  	_ =	shalt  }
0x61: {  	_ =	shalt  }
0x62: {  	_ =	shalt  }
0x63: {  	_ =	shalt  }
0x64: {  	_ =	shalt  }
0x65: {  	_ =	shalt  }
0x66: {  	_ =	shalt  }
0x67: {  	_ =	shalt  }
0x68: {  	_ =	shalt  }
0x69: {  	_ =	shalt  }
0x6a: {  	_ =	shalt  }
0x6b: {  	_ =	shalt  }
0x6c: {  	_ =	shalt  }
0x6d: {  	_ =	shalt  }
0x6e: {  	_ =	shalt  }
0x6f: {  	_ =	shalt  }
0x70: {  	_ =	shalt  }
0x71: {  	_ =	shalt  }
0x72: {  	_ =	shalt  }
0x73: {  	_ =	shalt  }
0x74: {  	_ =	shalt  }
0x75: {  	_ =	shalt  }
0x76: {  	_ =	shalt  }
0x77: {  	_ =	shalt  }
0x78: {  	_ =	shalt  }
0x79: {  	_ =	shalt  }
0x7a: {  	_ =	shalt  }
0x7b: {  	_ =	shalt  }
0x7c: {  	_ =	shalt  }
0x7d: {  	_ =	shalt  }
0x7e: {  	_ =	shalt  }
0x7f: {  	_ =	shalt  }
0x80: {  	_ =	shalt  }
0x81: {  	_ =	shalt  }
0x82: {  	_ =	shalt  }
0x83: {  	_ =	shalt  }
0x84: {  	_ =	shalt  }
0x85: {  	_ =	shalt  }
0x86: {  	_ =	shalt  }
0x87: {  	_ =	shalt  }
.Lfunc_end0:
.L_simem_size_0:
called_computation.1_lowered:
.L_overlay_start_0:
0x88: {  	s2 =	sld [smem:$0x3FD9]  }
0x89: {  	s3 =	sld [smem:$0x3FFE];
	_ =	sdelay $0x1  }
0x8a: {  	s1 =	srdreg.scid  }
0x8b: {  	s0 =	sand.u32 $0x1, s1  }
0x8c: {  	s16 =	sshll.u32 s0, $0xA;
	s2 =	sadd.s32 s3, s2  }
0x8d: {  	s2 =	sadd.s32 s2, s16  }
0x8e: {  	[smem:$0x3FB4] =	sst s2  }
0x8f: {  	_ = 	snop  }
0x90: {  	(tm) =	ssettm $0x1  }
0x91: {  	s17 =	sld [smem:$0x3FFB];
	_ =	sdelay $0x3  }
0x92: {  	_ =	strace s17  }
0x93: {  	s2 =	sld [smem:$0x3FFC];
	_ =	sdelay $0x3  }
0x94: {  	_ =	strace s2  }
0x95: {  	s2 =	sld [smem:$0x3FFD];
	_ =	sdelay $0x3  }
0x96: {  	_ =	strace s2  }
0x97: {  	_ =	strace $0x8FFFFFFF  }
0x98: {  	s18 =	sld [smem:$0x3FDB];
	_ =	sdelay $0x1  }
0x99: {  	s19 =	simm.s32 $_scs_section_size  }
0x9a: {  	s4 =	simm.s32 $_size__tile_overlayer_lowered;
	s5 =	simm.s32 $_tile_overlayer_lowered  }
0x9b: {  	s22 =	simm.s32 $0x1BFF;
	s21 =	sshll.u32 s5, $0x1;
	s2 =	sadd.s32 s19, s18  }
0x9c: {  	s6 =	simm.s32 $0x0;
	s20 =	sshll.u32 s4, $0x1;
	s4 =	sadd.s32 s21, s2  }
0x9d: {  	[timem:s6], [sflag:s22] =	dma.local [hbm:s4], s20  }
0x9e: {  	_ =	swait.ge [sflag:s22], s20  }
0x9f: {  	s3 =	ssub.s32 $0x0, s20;
	[sflag:s22] =	ssyncset.done $0x0  }
0xa0: {  	[sflag:s22] =	ssyncadd.s32 s3;
	_ =	sdelay $0x1  }
0xa1: {  	s23 =	simm.s32 $0x1B8B  }
0xa2: {  	_ =	swait.ge [sflag:s23], $0x1  }
0xa3: {  	[sflag:s23] =	ssyncset.done $0x0  }
0xa4: {  	s25 =	simm.s32 $0x1B8E;
	s24 =	sld [smem:$0x3FFE];
	[sflag:s23] =	ssyncadd.s32 $0xFFFFFFFF  }
0xa5: {  	s26 =	simm.s32 $execute0_lowered;
	[smem:$0x3FD2] =	sst s25  }
0xa6: {  	s4 =	sshll.u32 s26, $0x1;
	_ =	strace $0x80000049;
	[dreg:$0x1] =	wrdreg $0xFFFFFFFF  }
0xa7: {  	s28 =	simm.s32 $_size_execute0_lowered;
	s2 =	sadd.s32 s2, s4;
	[dreg:$0x0] =	wrdreg $0x0  }
0xa8: {  	s4 =	sshll.u32 s28, $0x1;
	[dreg:$0x2] =	wrdreg s2  }
0xa9: {  	[dreg:$0x3] =	wrdreg s4  }
0xaa: {  	[dreg:$0x4] =	wrdreg $0xC0  }
0xab: {  	_ =	task [dreg:s6], $0x5FFFF  }
0xac: {  	[dreg:$0x1] =	wrdreg $0xFFFFFFFF  }
0xad: {  	[dreg:$0x0] =	wrdreg $0x60  }
0xae: {  	[dreg:$0x2] =	wrdreg s24  }
0xaf: {  	[dreg:$0x3] =	wrdreg $0x83400  }
0xb0: {  	[dreg:$0x4] =	wrdreg $0x9  }
0xb1: {  	_ =	task.clear_ibuf [dreg:s6], $0x5FFFF;
	_ =	strace $0x90000049  }
0xb2: {  	s29 =	simm.s32 $0x9;
	_ =	strace $0x8000004B  }
0xb3: {  	_ =	swait.ge [sflag:s29], $0x1  }
0xb4: {  	[sflag:s29] =	ssyncadd.s32 $0xFFFFFFFF  }
0xb5: {  	_ =	strace $0x9000004B  }
0xb6: {  	_ =	sfence  }
0xb7: {  	s30 =	sld [smem:$0x0];
	_ =	sdelay $0x2  }
0xb8: {  	s31 =	sshll.u32 s1, $0xD;
	s1 =	sshrl.u32 s1, $0x2  }
0xb9: {  	s3 =	sand.u32 $0x4000, s31;
	s1 =	sadd.s32 s1, s30  }
0xba: {  	s0 =	sor.u32 s3, s0;
	s1 =	sshll.u32 s1, $0x11  }
0xbb: {  	s0 =	sor.u32 s1, s0  }
0xbc: {  	s0 =	sadd.s32 $0x8F2B, s0  }
0xbd: {  	[sflag:s0] =	ssyncadd.remote.s32 $0x1  }
0xbe: {  	_ =	sfence.sel $0xFFFF  }
0xbf: {  	[dreg:$0x0] =	wrdreg $0xFFFFFFFF;
	(pc) =	sbr.abs _section_cstart, $3  }
0xc0: {  	[dreg:$0x1] =	wrdreg $0xFFFFFFFF  }
0xc1: {  	_ =	task.clear_ibuf [dreg:s6], $0x2FFFF;
	_ =	strace $0x9FFFFFFF  }
0xc2: {  	(tm) =	ssettm $0x7FFFFFFF  }
0xc3: {  	_ =	shalt  }
tec
execute0_lowered:
.L_overlay_start_1:
0x0: {  	(tag) =	ssettag $0x1  }
0x1: {  	s0 =	rddreg [dreg:$0x0]  }
0x2: {  	s2 =	rddreg [dreg:$0x1]  }
0x3: {  	s1 =	srdreg.scid;
	s10 =	stileid.u32;
	s3 =	simm.s32 $0x0  }
0x4: {  	s28 =	simm.s32 $0x6F40;
	s29 =	simm.s32 $0x1;
	s30 =	simm.s32 $0x2  }
0x5: {  	s31 =	simm.s32 $0x3;
	s11 =	simm.s32 $0x1EF0;
	s1 =	sand.u32 $0x1, s1  }
0x6: {  	s6 =	smul.u32 $0xA000, s10;
	[smem:$0x7FF] =	sst s3;
	s4 =	sadd.s32 $0x3200, s0  }
0x7: {  	s8 =	smul.u32 $0x28000, s10;
	s18 =	sshll.u32 s10, $0x1;
	s10 =	simm.s32 $0x1EA0  }
0x8: {  	s5 =	smul.u32 $0xA0000, s1;
	_ =	strace $0x8000004A;
	s9 =	ssub.s32 $0x2, s1  }
0x9: {  	s1 =	sor.u32 s1, s18;
	s18 =	simm.s32 $0x6;
	s8 =	sshrl.u32 s8, $0x2  }
0xa: {  	s17 =	sshrl.u32 s9, $0x1;
	s16 =	sadd.s32 s6, s2;
	s8 =	sadd.s32 s8, s2  }
0xb: {  	s14 =	smul.u32 $0x4E20, s1;
	[dreg:$0x3] =	wrdreg s16;
	s19 =	sadd.s32 $0x1400, s8  }
0xc: {  	s1 =	simm.s32 $0x5;
	s20 =	sadd.s32 $0x2800, s8;
	[dreg:$0x4] =	wrdreg s19  }
0xd: {  	s7 =	sadd.s32 s6, s5;
	s21 =	sadd.s32 $0x3C00, s8;
	[dreg:$0x5] =	wrdreg s20  }
0xe: {  	s5 =	sadd.s32 $0x25600, s0;
	s22 =	sadd.s32 $0x5000, s8;
	[dreg:$0x6] =	wrdreg s21  }
0xf: {  	s7 =	sshrl.u32 s7, $0x3;
	s23 =	sadd.s32 $0x6400, s8;
	[dreg:$0x7] =	wrdreg s22  }
0x10: {  	s24 =	sadd.s32 $0x7800, s8;
	s25 =	sadd.s32 $0x8C00, s8;
	[dreg:$0x8] =	wrdreg s23  }
0x11: {  	s8 =	simm.s32 $0x1E00;
	s0 =	sadd.s32 s7, s0;
	[dreg:$0x9] =	wrdreg s24  }
0x12: {  	s7 =	ssub.s32 s9, s17;
	[dreg:$0xa] =	wrdreg s25;
	s17 =	simm.s32 $0x1F40  }
0x13: {  	s19 =	simm.s32 $0xFA0;
	s20 =	simm.s32 $0x50;
	s21 =	simm.s32 $0x3340  }
0x14: {  	s22 =	simm.s32 $0xA0;
	s23 =	simm.s32 $0x4740;
	s24 =	simm.s32 $0xF0  }
0x15: {  	s25 =	simm.s32 $0x5B40;
	s9 =	simm.s32 $0x1E50;
	s0 =	sadd.s32 $0x4C800, s0  }
0x16: {  	s26 =	smax.u32 s7, $0x1;
	s7 =	simm.s32 $0x1DB0;
	[dreg:$0xb] =	wrdreg s0  }
0x17: {  	v0 =	vimm.f32 $0.0e+00;
	[dreg:$0xc] =	wrdreg s26;
	s26 =	simm.s32 $0x140;
	s0 =	simm.s32 $0x4  }
.LBB2_1:
0x18: {  	s13 =	simm.s32 $0x100;
	s12 =	simm.s32 $0x0  }
.LBB2_2:
0x19: {  	p0 =	sne.s32 s13, $0x4F00;
	[tilespmem:s12+$0x1F70] =	vst v0;
	s15 =	smov.u32 s13;
	s13 =	sadd.s32 $0x100, s13  }
.Ltmp0:
0x1a: {  	[tilespmem:s12+$0x1F60] =	vst v0;
	(pc) =	sbr.rel @p0 .LBB2_2-.Ltmp0, $3  }
0x1b: {  	[tilespmem:s12+$0x1F40] =	vst v0  }
0x1c: {  	[tilespmem:s12+$0x1F50] =	vst v0;
	_ =	sdelay $0x1  }
0x1d: {  	s12 =	sshra.s32 s15, $0x2  }
0x1e: {  	[tilespmem:s12+$0x1F70] =	vst v0  }
0x1f: {  	[tilespmem:s12+$0x1F60] =	vst v0  }
0x20: {  	[tilespmem:s12+$0x1F40] =	vst v0  }
0x21: {  	[tilespmem:s12+$0x1F50] =	vst v0  }
0x22: {  	[spmem:s16] =	stream.linear.scatter [tilespmem:s17], [sflag:$0x6], $0x1400, $0x38;
	[tilespmem:$0x12340] =	vst v63  }
0x23: {  	_ =	swait.ge [sflag:s18], $0x1400  }
0x24: {  	[sflag:s18] =	ssyncset.done $0x0  }
0x25: {  	s6 =	rddreg [dreg:$0x4];
	[sflag:s18] =	ssyncadd.s32 $0xFFFFEC00  }
0x26: {  	[spmem:s6] =	stream.linear.scatter [tilespmem:s17], [sflag:$0x6], $0x1400, $0x38;
	[tilespmem:$0x12340] =	vst v63  }
0x27: {  	_ =	swait.ge [sflag:s18], $0x1400  }
0x28: {  	[sflag:s18] =	ssyncset.done $0x0  }
0x29: {  	s15 =	rddreg [dreg:$0x5];
	[sflag:s18] =	ssyncadd.s32 $0xFFFFEC00  }
0x2a: {  	[spmem:s15] =	stream.linear.scatter [tilespmem:s17], [sflag:$0x6], $0x1400, $0x38;
	[tilespmem:$0x12340] =	vst v63  }
0x2b: {  	_ =	swait.ge [sflag:s18], $0x1400  }
0x2c: {  	[sflag:s18] =	ssyncset.done $0x0  }
0x2d: {  	s16 =	rddreg [dreg:$0x6];
	[sflag:s18] =	ssyncadd.s32 $0xFFFFEC00  }
0x2e: {  	[spmem:s16] =	stream.linear.scatter [tilespmem:s17], [sflag:$0x6], $0x1400, $0x38;
	[tilespmem:$0x12340] =	vst v63  }
0x2f: {  	_ =	swait.ge [sflag:s18], $0x1400  }
0x30: {  	[sflag:s18] =	ssyncset.done $0x0  }
0x31: {  	s12 =	rddreg [dreg:$0x7];
	[sflag:s18] =	ssyncadd.s32 $0xFFFFEC00  }
0x32: {  	[spmem:s12] =	stream.linear.scatter [tilespmem:s17], [sflag:$0x6], $0x1400, $0x38;
	[tilespmem:$0x12340] =	vst v63  }
0x33: {  	_ =	swait.ge [sflag:s18], $0x1400  }
0x34: {  	[sflag:s18] =	ssyncset.done $0x0  }
0x35: {  	s13 =	rddreg [dreg:$0x8];
	[sflag:s18] =	ssyncadd.s32 $0xFFFFEC00  }
0x36: {  	[spmem:s13] =	stream.linear.scatter [tilespmem:s17], [sflag:$0x6], $0x1400, $0x38;
	[tilespmem:$0x12340] =	vst v63  }
0x37: {  	_ =	swait.ge [sflag:s18], $0x1400  }
0x38: {  	[sflag:s18] =	ssyncset.done $0x0  }
0x39: {  	s15 =	rddreg [dreg:$0x9];
	[sflag:s18] =	ssyncadd.s32 $0xFFFFEC00  }
0x3a: {  	[spmem:s15] =	stream.linear.scatter [tilespmem:s17], [sflag:$0x6], $0x1400, $0x38;
	[tilespmem:$0x12340] =	vst v63  }
0x3b: {  	_ =	swait.ge [sflag:s18], $0x1400  }
0x3c: {  	[sflag:s18] =	ssyncset.done $0x0  }
0x3d: {  	s16 =	rddreg [dreg:$0xa];
	[sflag:s18] =	ssyncadd.s32 $0xFFFFEC00  }
0x3e: {  	[spmem:s16] =	stream.linear.scatter [tilespmem:s17], [sflag:$0x6], $0x1400, $0x38;
	[tilespmem:$0x12340] =	vst v63  }
0x3f: {  	_ =	swait.ge [sflag:s18], $0x1400  }
0x40: {  	[sflag:s18] =	ssyncset.done $0x0  }
0x41: {  	[sflag:s18] =	ssyncadd.s32 $0xFFFFEC00  }
0x42: {  	s12 =	simm.s32 $0x0;
	s13 =	simm.s32 $0x0;
	[bflag:$0x0] =	sbarrier.arrive $0xFFFF  }
.LBB2_4:
0x43: {  	s15 =	smul.u32 $0xFA0, s13;
	_ =	sdelay $0x1  }
0x44: {  	s15 =	sadd.s32 s14, s15  }
0x45: {  	s15 =	sshrl.u32 s15, $0x3  }
0x46: {  	s15 =	sadd.s32 s5, s15  }
0x47: {  	[tilespmem:s12], [sflag:$0x6] =	stream.linear.gather [hbm4b:s15+s12], $0xFA0, $0x38;
	[tilespmem:$0x12340] =	vst v63  }
0x48: {  	_ =	swait.ge [sflag:s18], $0xFA0  }
0x49: {  	[sflag:s18] =	ssyncset.done $0x0  }
0x4a: {  	s15 =	sadd.s32 $0x13880, s15;
	[sflag:s18] =	ssyncadd.s32 $0xFFFFF060  }
0x4b: {  	[tilespmem:s19], [sflag:$0x6] =	stream.linear.gather [hbm4b:s15+s12], $0xFA0, $0x38;
	[tilespmem:$0x12340] =	vst v63  }
0x4c: {  	_ =	swait.ge [sflag:s18], $0xFA0  }
0x4d: {  	[sflag:s18] =	ssyncset.done $0x0  }
0x4e: {  	[sflag:s18] =	ssyncadd.s32 $0xFFFFF060  }
0x4f: {  	[tilespmem:s17], [sflag:$0x1] =	stream.indirect.gather [hbm4b:s4+s20], $0x40, s12, s20, $0xb8;
	[tilespmem:$0x12340] =	vst v63  }
0x50: {  	_ = 	snop  }
0x51: {  	[tilespmem:s21], [sflag:$0x2] =	stream.indirect.gather [hbm4b:s4+s20], $0x40, s20, s20, $0xb8;
	[tilespmem:$0x12340] =	vst v63  }
0x52: {  	_ = 	snop  }
0x53: {  	[tilespmem:s23], [sflag:$0x3] =	stream.indirect.gather [hbm4b:s4+s20], $0x40, s22, s20, $0xb8;
	[tilespmem:$0x12340] =	vst v63  }
0x54: {  	_ = 	snop  }
0x55: {  	[tilespmem:s25], [sflag:$0x4] =	stream.indirect.gather [hbm4b:s4+s20], $0x40, s24, s20, $0xb8;
	[tilespmem:$0x12340] =	vst v63  }
0x56: {  	_ = 	snop  }
0x57: {  	[tilespmem:s28], [sflag:$0x5] =	stream.indirect.gather [hbm4b:s4+s20], $0x40, s26, s20, $0xb8;
	[tilespmem:$0x12340] =	vst v63  }
0x58: {  	_ =	swait.ge [sflag:s29], $0x1400  }
0x59: {  	[sflag:s29] =	ssyncset.done $0x0  }
0x5a: {  	s16 =	simm.s32 $0xFA0;
	[sflag:s29] =	ssyncadd.s32 $0xFFFFEC00  }
0x5b: {  	[spmem:s2] =	stream.indirect.scatter.add.f32 [tilespmem:s17], [sflag:$0x6], $0x40, s16, s20, $0xb8;
	[tilespmem:$0x12340] =	vst v63  }
0x5c: {  	_ =	swait.ge [sflag:s18], $0x1400  }
0x5d: {  	[sflag:s18] =	ssyncset.done $0x0  }
0x5e: {  	s6 =	simm.s32 $0x190;
	[sflag:s18] =	ssyncadd.s32 $0xFFFFEC00  }
0x5f: {  	[tilespmem:s17], [sflag:$0x1] =	stream.indirect.gather [hbm4b:s4+s20], $0x40, s6, s20, $0xb8;
	[tilespmem:$0x12340] =	vst v63  }
0x60: {  	_ =	swait.ge [sflag:s30], $0x1400  }
0x61: {  	[sflag:s30] =	ssyncset.done $0x0  }
0x62: {  	s16 =	simm.s32 $0xFF0;
	[sflag:s30] =	ssyncadd.s32 $0xFFFFEC00  }
0x63: {  	[spmem:s2] =	stream.indirect.scatter.add.f32 [tilespmem:s21], [sflag:$0x6], $0x40, s16, s20, $0xb8;
	[tilespmem:$0x12340] =	vst v63  }
0x64: {  	_ =	swait.ge [sflag:s18], $0x1400  }
0x65: {  	[sflag:s18] =	ssyncset.done $0x0  }
0x66: {  	s6 =	simm.s32 $0x1E0;
	[sflag:s18] =	ssyncadd.s32 $0xFFFFEC00  }
0x67: {  	[tilespmem:s21], [sflag:$0x2] =	stream.indirect.gather [hbm4b:s4+s20], $0x40, s6, s20, $0xb8;
	[tilespmem:$0x12340] =	vst v63  }
0x68: {  	_ =	swait.ge [sflag:s31], $0x1400  }
0x69: {  	[sflag:s31] =	ssyncset.done $0x0  }
0x6a: {  	s16 =	simm.s32 $0x1040;
	[sflag:s31] =	ssyncadd.s32 $0xFFFFEC00  }
0x6b: {  	[spmem:s2] =	stream.indirect.scatter.add.f32 [tilespmem:s23], [sflag:$0x6], $0x40, s16, s20, $0xb8;
	[tilespmem:$0x12340] =	vst v63  }
0x6c: {  	_ =	swait.ge [sflag:s18], $0x1400  }
0x6d: {  	[sflag:s18] =	ssyncset.done $0x0  }
0x6e: {  	s6 =	simm.s32 $0x230;
	[sflag:s18] =	ssyncadd.s32 $0xFFFFEC00  }
0x6f: {  	[tilespmem:s23], [sflag:$0x3] =	stream.indirect.gather [hbm4b:s4+s20], $0x40, s6, s20, $0xb8;
	[tilespmem:$0x12340] =	vst v63  }
0x70: {  	_ =	swait.ge [sflag:s0], $0x1400  }
0x71: {  	[sflag:s0] =	ssyncset.done $0x0  }
0x72: {  	s16 =	simm.s32 $0x1090;
	[sflag:s0] =	ssyncadd.s32 $0xFFFFEC00  }
0x73: {  	[spmem:s2] =	stream.indirect.scatter.add.f32 [tilespmem:s25], [sflag:$0x6], $0x40, s16, s20, $0xb8;
	[tilespmem:$0x12340] =	vst v63  }
0x74: {  	_ =	swait.ge [sflag:s18], $0x1400  }
0x75: {  	[sflag:s18] =	ssyncset.done $0x0  }
0x76: {  	s6 =	simm.s32 $0x280;
	[sflag:s18] =	ssyncadd.s32 $0xFFFFEC00  }
0x77: {  	[tilespmem:s25], [sflag:$0x4] =	stream.indirect.gather [hbm4b:s4+s20], $0x40, s6, s20, $0xb8;
	[tilespmem:$0x12340] =	vst v63  }
0x78: {  	_ =	swait.ge [sflag:s1], $0x1400  }
0x79: {  	[sflag:s1] =	ssyncset.done $0x0  }
0x7a: {  	s16 =	simm.s32 $0x10E0;
	[sflag:s1] =	ssyncadd.s32 $0xFFFFEC00  }
0x7b: {  	[spmem:s2] =	stream.indirect.scatter.add.f32 [tilespmem:s28], [sflag:$0x6], $0x40, s16, s20, $0xb8;
	[tilespmem:$0x12340] =	vst v63  }
0x7c: {  	_ =	swait.ge [sflag:s18], $0x1400  }
0x7d: {  	[sflag:s18] =	ssyncset.done $0x0  }
0x7e: {  	s15 =	simm.s32 $0x640;
	s16 =	simm.s32 $0x2D0;
	[sflag:s18] =	ssyncadd.s32 $0xFFFFEC00  }
.LBB2_5:
0x7f: {  	[tilespmem:s28], [sflag:$0x5] =	stream.indirect.gather [hbm4b:s4+s20], $0x40, s16, s20, $0xb8;
	[tilespmem:$0x12340] =	vst v63  }
0x80: {  	s16 =	smov.u32 s15  }
0x81: {  	p0 =	sne.s32 s15, $0x3200;
	s15 =	sadd.s32 $0x640, s15;
	_ =	swait.ge [sflag:s29], $0x1400  }
0x82: {  	s16 =	sshra.s32 s16, $0x2;
	[sflag:s29] =	ssyncset.done $0x0  }
0x83: {  	s6 =	sadd.s32 $0xFA0, s16;
	[sflag:s29] =	ssyncadd.s32 $0xFFFFEC00  }
0x84: {  	[spmem:s2] =	stream.indirect.scatter.add.f32 [tilespmem:s17], [sflag:$0x6], $0x40, s6, s20, $0xb8;
	[tilespmem:$0x12340] =	vst v63  }
0x85: {  	_ =	swait.ge [sflag:s18], $0x1400  }
0x86: {  	[sflag:s18] =	ssyncset.done $0x0  }
0x87: {  	s6 =	sadd.s32 $0x190, s16;
	[sflag:s18] =	ssyncadd.s32 $0xFFFFEC00  }
0x88: {  	[tilespmem:s17], [sflag:$0x1] =	stream.indirect.gather [hbm4b:s4+s20], $0x40, s6, s20, $0xb8;
	[tilespmem:$0x12340] =	vst v63  }
0x89: {  	_ =	swait.ge [sflag:s30], $0x1400  }
0x8a: {  	[sflag:s30] =	ssyncset.done $0x0  }
0x8b: {  	s6 =	sadd.s32 $0xFF0, s16;
	[sflag:s30] =	ssyncadd.s32 $0xFFFFEC00  }
0x8c: {  	[spmem:s2] =	stream.indirect.scatter.add.f32 [tilespmem:s21], [sflag:$0x6], $0x40, s6, s20, $0xb8;
	[tilespmem:$0x12340] =	vst v63  }
0x8d: {  	_ =	swait.ge [sflag:s18], $0x1400  }
0x8e: {  	[sflag:s18] =	ssyncset.done $0x0  }
0x8f: {  	s6 =	sadd.s32 $0x1E0, s16;
	[sflag:s18] =	ssyncadd.s32 $0xFFFFEC00  }
0x90: {  	[tilespmem:s21], [sflag:$0x2] =	stream.indirect.gather [hbm4b:s4+s20], $0x40, s6, s20, $0xb8;
	[tilespmem:$0x12340] =	vst v63  }
0x91: {  	_ =	swait.ge [sflag:s31], $0x1400  }
0x92: {  	[sflag:s31] =	ssyncset.done $0x0  }
0x93: {  	s6 =	sadd.s32 $0x1040, s16;
	[sflag:s31] =	ssyncadd.s32 $0xFFFFEC00  }
0x94: {  	[spmem:s2] =	stream.indirect.scatter.add.f32 [tilespmem:s23], [sflag:$0x6], $0x40, s6, s20, $0xb8;
	[tilespmem:$0x12340] =	vst v63  }
0x95: {  	_ =	swait.ge [sflag:s18], $0x1400  }
0x96: {  	[sflag:s18] =	ssyncset.done $0x0  }
0x97: {  	s6 =	sadd.s32 $0x230, s16;
	[sflag:s18] =	ssyncadd.s32 $0xFFFFEC00  }
0x98: {  	[tilespmem:s23], [sflag:$0x3] =	stream.indirect.gather [hbm4b:s4+s20], $0x40, s6, s20, $0xb8;
	[tilespmem:$0x12340] =	vst v63  }
0x99: {  	_ =	swait.ge [sflag:s0], $0x1400  }
0x9a: {  	[sflag:s0] =	ssyncset.done $0x0  }
0x9b: {  	s6 =	sadd.s32 $0x1090, s16;
	[sflag:s0] =	ssyncadd.s32 $0xFFFFEC00  }
0x9c: {  	[spmem:s2] =	stream.indirect.scatter.add.f32 [tilespmem:s25], [sflag:$0x6], $0x40, s6, s20, $0xb8;
	[tilespmem:$0x12340] =	vst v63  }
0x9d: {  	_ =	swait.ge [sflag:s18], $0x1400  }
0x9e: {  	[sflag:s18] =	ssyncset.done $0x0  }
0x9f: {  	s6 =	sadd.s32 $0x280, s16;
	[sflag:s18] =	ssyncadd.s32 $0xFFFFEC00  }
0xa0: {  	[tilespmem:s25], [sflag:$0x4] =	stream.indirect.gather [hbm4b:s4+s20], $0x40, s6, s20, $0xb8;
	[tilespmem:$0x12340] =	vst v63  }
0xa1: {  	_ =	swait.ge [sflag:s1], $0x1400  }
0xa2: {  	[sflag:s1] =	ssyncset.done $0x0  }
.Ltmp1:
0xa3: {  	s6 =	sadd.s32 $0x10E0, s16;
	[sflag:s1] =	ssyncadd.s32 $0xFFFFEC00;
	(pc) =	sbr.rel @p0 .LBB2_5-.Ltmp1, $4  }
0xa4: {  	[spmem:s2] =	stream.indirect.scatter.add.f32 [tilespmem:s28], [sflag:$0x6], $0x40, s6, s20, $0xb8;
	[tilespmem:$0x12340] =	vst v63  }
0xa5: {  	_ =	swait.ge [sflag:s18], $0x1400  }
0xa6: {  	[sflag:s18] =	ssyncset.done $0x0  }
0xa7: {  	s16 =	sadd.s32 $0x2D0, s16;
	[sflag:s18] =	ssyncadd.s32 $0xFFFFEC00  }
0xa8: {  	[tilespmem:s28], [sflag:$0x5] =	stream.indirect.gather [hbm4b:s4+s20], $0x40, s16, s20, $0xb8;
	[tilespmem:$0x12340] =	vst v63  }
0xa9: {  	_ =	swait.ge [sflag:s29], $0x1400  }
0xaa: {  	[sflag:s29] =	ssyncset.done $0x0  }
0xab: {  	[sflag:s29] =	ssyncadd.s32 $0xFFFFEC00  }
0xac: {  	[spmem:s2] =	stream.indirect.scatter.add.f32 [tilespmem:s17], [sflag:$0x6], $0x40, s7, s20, $0xb8;
	[tilespmem:$0x12340] =	vst v63  }
0xad: {  	_ =	swait.ge [sflag:s18], $0x1400  }
0xae: {  	[sflag:s18] =	ssyncset.done $0x0  }
0xaf: {  	[sflag:s18] =	ssyncadd.s32 $0xFFFFEC00  }
0xb0: {  	_ =	swait.ge [sflag:s30], $0x1400  }
0xb1: {  	[sflag:s30] =	ssyncset.done $0x0  }
0xb2: {  	[sflag:s30] =	ssyncadd.s32 $0xFFFFEC00  }
0xb3: {  	[spmem:s2] =	stream.indirect.scatter.add.f32 [tilespmem:s21], [sflag:$0x6], $0x40, s8, s20, $0xb8;
	[tilespmem:$0x12340] =	vst v63  }
0xb4: {  	_ =	swait.ge [sflag:s18], $0x1400  }
0xb5: {  	[sflag:s18] =	ssyncset.done $0x0  }
0xb6: {  	[sflag:s18] =	ssyncadd.s32 $0xFFFFEC00  }
0xb7: {  	_ =	swait.ge [sflag:s31], $0x1400  }
0xb8: {  	[sflag:s31] =	ssyncset.done $0x0  }
0xb9: {  	[sflag:s31] =	ssyncadd.s32 $0xFFFFEC00  }
0xba: {  	[spmem:s2] =	stream.indirect.scatter.add.f32 [tilespmem:s23], [sflag:$0x6], $0x40, s9, s20, $0xb8;
	[tilespmem:$0x12340] =	vst v63  }
0xbb: {  	_ =	swait.ge [sflag:s18], $0x1400  }
0xbc: {  	[sflag:s18] =	ssyncset.done $0x0  }
0xbd: {  	[sflag:s18] =	ssyncadd.s32 $0xFFFFEC00  }
0xbe: {  	_ =	swait.ge [sflag:s0], $0x1400  }
0xbf: {  	[sflag:s0] =	ssyncset.done $0x0  }
0xc0: {  	[sflag:s0] =	ssyncadd.s32 $0xFFFFEC00  }
0xc1: {  	[spmem:s2] =	stream.indirect.scatter.add.f32 [tilespmem:s25], [sflag:$0x6], $0x40, s10, s20, $0xb8;
	[tilespmem:$0x12340] =	vst v63  }
0xc2: {  	_ =	swait.ge [sflag:s18], $0x1400  }
0xc3: {  	[sflag:s18] =	ssyncset.done $0x0  }
0xc4: {  	[sflag:s18] =	ssyncadd.s32 $0xFFFFEC00  }
0xc5: {  	s13 =	sadd.s32 $0x1, s13;
	_ =	swait.ge [sflag:s1], $0x1400  }
0xc6: {  	p0 =	sne.s32 s13, $0x5;
	[sflag:s1] =	ssyncset.done $0x0  }
.Ltmp2:
0xc7: {  	[sflag:s1] =	ssyncadd.s32 $0xFFFFEC00;
	(pc) =	sbr.rel @p0 .LBB2_4-.Ltmp2, $4  }
0xc8: {  	[spmem:s2] =	stream.indirect.scatter.add.f32 [tilespmem:s28], [sflag:$0x6], $0x40, s11, s20, $0xb8;
	[tilespmem:$0x12340] =	vst v63  }
0xc9: {  	_ =	swait.ge [sflag:s18], $0x1400  }
0xca: {  	[sflag:s18] =	ssyncset.done $0x0  }
0xcb: {  	[sflag:s18] =	ssyncadd.s32 $0xFFFFEC00  }
0xcc: {  	s6 =	stileid.u32;
	[bflag:$0x0] =	sbarrier.arrive $0xFFFF  }
0xcd: {  	s6 =	sshll.u32 s6, $0x6;
	s16 =	rddreg [dreg:$0x3]  }
0xce: {  	s13 =	rddreg [dreg:$0xb];
	s6 =	sor.u32 $0x1C06, s6;
	s12 =	sshrl.u32 s16, $0x3  }
0xcf: {  	[hbm:s13], [sflag:s6] =	dma.local [spmem:s12], $0x1400  }
0xd0: {  	_ =	swait.ge [sflag:s18], $0x1400  }
0xd1: {  	s3 =	sadd.s32 $0x1, s3;
	s15 =	rddreg [dreg:$0xc]  }
0xd2: {  	p0 =	sne.s32 s3, s15  }
.Ltmp3:
0xd3: {  	_ = 	snop;
	(pc) =	sbr.rel @p0 .LBB2_1-.Ltmp3, $3  }
0xd4: {  	_ =	sdelay $0x1  }
0xd5: {  	[sflag:s18] =	ssyncset.done $0x0  }
0xd6: {  	[sflag:s18] =	ssyncadd.s32 $0xFFFFEC00  }
0xd7: {  	_ =	sfence.sel $0x180000  }
0xd8: {  	[bflag:$0x0] =	sbarrier.arrive $0xFFFF  }
0xd9: {  	_ =	strace $0x9000004A  }
0xda: {  	s0 =	stileid.u32;
	[bflag:$0x2] =	sbarrier.arrive $0xFFFF  }
0xdb: {  	p0 =	sne.s32 s0, $0x0;
	s0 =	rddreg [dreg:$0x2]  }
0xdc: {  	s0 =	sadd.s32 @!p0 $0x100000, s0  }
0xdd: {  	[sflag:s0] =	ssyncadd.tile.s32 @!p0 $0x1;
	_ =	shalt  }
.Lfunc_end2:
_tile_overlayer_lowered:
.L_overlay_start_2:
0xde: {  	(tag) =	ssettag $0x2  }
0xdf: {  	s0 =	rddreg [dreg:$0x0];
	s2 =	stileid.u32  }
0xe0: {  	s1 =	rddreg [dreg:$0x1];
	p0 =	sne.s32 s2, $0x0  }
0xe1: {  	s3 =	rddreg [dreg:$0x2];
	[bflag:$0x3] =	sbarrier.arrive $0xFFFF;
	s2 =	simm.s32 @!p0 $0x1C06  }
0xe2: {  	[timem:s3], [sflag:s2] =	dma.local @!p0 [hbm:s0], s1  }
0xe3: {  	s0 =	simm.s32 @!p0 $0x6  }
0xe4: {  	_ =	swait.ge @!p0 [sflag:s0], s1  }
0xe5: {  	s1 =	ssub.s32 @!p0 $0x0, s1;
	[sflag:s0] =	ssyncset.done @!p0 $0x0  }
0xe6: {  	[sflag:s0] =	ssyncadd.s32 @!p0 s1  }
0xe7: {  	[bflag:$0x3] =	sbarrier.arrive $0xFFFF  }
0xe8: {  	_ =	shalt  }

// kernel: kernel.8.cloned.1.call-start
scs
__scs_entry_jumppad:
0x0: {  	(pc) =	sbr.rel $0x88, $3  }
0x1: {  	(tag) =	ssettag $0x0;
	lr =	simm.s32 $0x1  }
0x2: {  	[smem:$0x3F8D] =	sst lr;
	_ =	strace $0xD0000000  }
0x3: {  	_ = 	snop  }
0x4: {  	_ = 	snop  }
0x5: {  	_ = 	snop  }
0x6: {  	_ = 	snop  }
0x7: {  	_ = 	snop  }
__scs_overlays_trampoline_lowered:
0x8: {  	[smem:$0x3F9C] =	sst s0  }
0x9: {  	[smem:$0x3F9D] =	sst s1  }
0xa: {  	[smem:$0x3F9E] =	sst s2  }
0xb: {  	[smem:$0x3F9F] =	sst s3  }
0xc: {  	[smem:$0x3FA0] =	sst s4  }
0xd: {  	[smem:$0x3FA1] =	sst s5  }
0xe: {  	[smem:$0x3FA2] =	sst s6  }
0xf: {  	[smem:$0x3FA3] =	sst s7  }
0x10: {  	[smem:$0x3FA4] =	sst s8  }
0x11: {  	[smem:$0x3FA5] =	sst s9;
	s0 =	simm.s32 @!p0 $0x0  }
0x12: {  	s1 =	sld [smem:$0x3F8B];
	s0 =	simm.s32 @p0 $0x1  }
0x13: {  	[smem:$0x3FA6] =	sst s0;
	s0 =	simm.s32 @!p1 $0x0  }
0x14: {  	s2 =	sld [smem:$0x3F8A];
	s0 =	simm.s32 @p1 $0x1  }
0x15: {  	[smem:$0x3FA7] =	sst s0;
	s0 =	simm.s32 @!p2 $0x0  }
0x16: {  	s3 =	sld [smem:$0x3FDB];
	s0 =	simm.s32 @p2 $0x1  }
0x17: {  	s4 =	simm.s32 $0x1BF5;
	[smem:$0x3FA9] =	sst s0  }
0x18: {  	s0 =	sld [smem:$0x3F8C];
	_ =	swait.ge [sflag:s4], $0x0  }
0x19: {  	s7 =	sld [smem:$0x3F8D]  }
0x1a: {  	s8 =	sadd.s32 $0xFFFFE003, lr  }
0x1b: {  	s9 =	sadd.s32 $0xFFFFFEF7, lr;
	s5 =	simm.s32 $0xFFFFFFFF;
	p2 =	slt.u32 s8, $0xFFFFF086  }
0x1c: {  	p1 =	slt.u32 s9, $0xF7A;
	s5 =	simm.s32 @!p2 $0x0  }
0x1d: {  	s5 =	simm.s32 @p1 $0x1;
	p0 =	seq.s32 s7, s2  }
0x1e: {  	s7 =	smul.u32 @!p0 $0xF7A, s2;
	p2 =	seq.s32 @!p0 s5, $0x0  }
0x1f: {  	s9 =	smul.u32 $0xF7A, s1;
	s8 =	simm.s32 @!p0 $0x1BF5;
	p2 =	por !p2, p0  }
0x20: {  	[sflag:s8] =	ssyncset.s32 @!p0 $0xFFFFF086;
	s6 =	sadd.s32 @!p0 s3, s7;
	s7 =	simm.s32 @!p0 $0x108  }
0x21: {  	s3 =	sadd.s32 s3, s9;
	s6 =	sadd.s32 @!p0 $0x88, s6;
	s7 =	simm.s32 @p2 $0x1082  }
0x22: {  	[simem:s7], [sflag:s8] =	dma.local @!p0 [hbm:s6], $0xF7A  }
0x23: {  	s9 =	sor.u32 $0xD0000000, s2;
	s6 =	simm.s32 $0x108;
	_ =	swait.ge @!p0 [sflag:s8], $0x0  }
0x24: {  	s3 =	sadd.s32 $0x88, s3;
	s6 =	simm.s32 @!p1 $0x1082;
	[sflag:s4] =	ssyncset.s32 $0xFFFFF086  }
0x25: {  	[simem:s6], [sflag:s4] =	dma.local [hbm:s3], $0xF7A  }
0x26: {  	[smem:$0x3F8D] =	sst s1;
	(tag) =	ssettag s2;
	_ =	strace s9  }
0x27: {  	s1 =	sld [smem:$0x3F9D]  }
0x28: {  	s2 =	sld [smem:$0x3F9E]  }
0x29: {  	s4 =	sld [smem:$0x3FA0]  }
0x2a: {  	p0 =	seq.s32 s5, $0x0;
	s5 =	sld [smem:$0x3FA1]  }
0x2b: {  	s6 =	sld [smem:$0x3FA2]  }
0x2c: {  	s7 =	sld [smem:$0x3FA3]  }
0x2d: {  	s3 =	simm.s32 $0x108;
	s8 =	sld [smem:$0x3FA4]  }
0x2e: {  	s3 =	simm.s32 @!p0 $0x1082;
	s9 =	sld [smem:$0x3FA5]  }
0x2f: {  	lr =	sadd.s32 s0, s3;
	s0 =	sld [smem:$0x3F9C]  }
0x30: {  	s3 =	sld [smem:$0x3F9F]  }
0x31: {  	[smem:$0x3FA8] =	sst s10  }
0x32: {  	s10 =	sld [smem:$0x3FA6];
	_ =	sdelay $0x3  }
0x33: {  	p0 =	seq.s32 s10, $0x1;
	s10 =	sld [smem:$0x3FA8];
	_ =	sdelay $0x3  }
0x34: {  	[smem:$0x3FA8] =	sst s10  }
0x35: {  	s10 =	sld [smem:$0x3FA7];
	_ =	sdelay $0x3  }
0x36: {  	p1 =	seq.s32 s10, $0x1;
	s10 =	sld [smem:$0x3FA8];
	_ =	sdelay $0x3  }
0x37: {  	[smem:$0x3FA8] =	sst s10  }
0x38: {  	s10 =	sld [smem:$0x3FA9]  }
0x39: {  	_ = 	snop;
	(pc) =	sbr.ind lr, $3  }
0x3a: {  	_ = 	snop  }
0x3b: {  	_ = 	snop  }
0x3c: {  	p2 =	seq.s32 s10, $0x1;
	s10 =	sld [smem:$0x3FA8]  }
0x3d: {  	_ =	shalt  }
0x3e: {  	_ =	shalt  }
0x3f: {  	_ =	shalt  }
0x40: {  	_ =	shalt  }
0x41: {  	_ =	shalt  }
0x42: {  	_ =	shalt  }
0x43: {  	_ =	shalt  }
0x44: {  	_ =	shalt  }
0x45: {  	_ =	shalt  }
0x46: {  	_ =	shalt  }
0x47: {  	_ =	shalt  }
0x48: {  	_ =	shalt  }
0x49: {  	_ =	shalt  }
0x4a: {  	_ =	shalt  }
0x4b: {  	_ =	shalt  }
0x4c: {  	_ =	shalt  }
0x4d: {  	_ =	shalt  }
0x4e: {  	_ =	shalt  }
0x4f: {  	_ =	shalt  }
0x50: {  	_ =	shalt  }
0x51: {  	_ =	shalt  }
0x52: {  	_ =	shalt  }
0x53: {  	_ =	shalt  }
0x54: {  	_ =	shalt  }
0x55: {  	_ =	shalt  }
0x56: {  	_ =	shalt  }
0x57: {  	_ =	shalt  }
0x58: {  	_ =	shalt  }
0x59: {  	_ =	shalt  }
0x5a: {  	_ =	shalt  }
0x5b: {  	_ =	shalt  }
0x5c: {  	_ =	shalt  }
0x5d: {  	_ =	shalt  }
0x5e: {  	_ =	shalt  }
0x5f: {  	_ =	shalt  }
0x60: {  	_ =	shalt  }
0x61: {  	_ =	shalt  }
0x62: {  	_ =	shalt  }
0x63: {  	_ =	shalt  }
0x64: {  	_ =	shalt  }
0x65: {  	_ =	shalt  }
0x66: {  	_ =	shalt  }
0x67: {  	_ =	shalt  }
0x68: {  	_ =	shalt  }
0x69: {  	_ =	shalt  }
0x6a: {  	_ =	shalt  }
0x6b: {  	_ =	shalt  }
0x6c: {  	_ =	shalt  }
0x6d: {  	_ =	shalt  }
0x6e: {  	_ =	shalt  }
0x6f: {  	_ =	shalt  }
0x70: {  	_ =	shalt  }
0x71: {  	_ =	shalt  }
0x72: {  	_ =	shalt  }
0x73: {  	_ =	shalt  }
0x74: {  	_ =	shalt  }
0x75: {  	_ =	shalt  }
0x76: {  	_ =	shalt  }
0x77: {  	_ =	shalt  }
0x78: {  	_ =	shalt  }
0x79: {  	_ =	shalt  }
0x7a: {  	_ =	shalt  }
0x7b: {  	_ =	shalt  }
0x7c: {  	_ =	shalt  }
0x7d: {  	_ =	shalt  }
0x7e: {  	_ =	shalt  }
0x7f: {  	_ =	shalt  }
0x80: {  	_ =	shalt  }
0x81: {  	_ =	shalt  }
0x82: {  	_ =	shalt  }
0x83: {  	_ =	shalt  }
0x84: {  	_ =	shalt  }
0x85: {  	_ =	shalt  }
0x86: {  	_ =	shalt  }
0x87: {  	_ =	shalt  }
.Lfunc_end0:
.L_simem_size_0:
called_computation_lowered:
.L_overlay_start_0:
0x88: {  	s2 =	sld [smem:$0x3FD9]  }
0x89: {  	s3 =	sld [smem:$0x3FFE];
	_ =	sdelay $0x1  }
0x8a: {  	s1 =	srdreg.scid  }
0x8b: {  	s0 =	sand.u32 $0x1, s1  }
0x8c: {  	s16 =	sshll.u32 s0, $0xA;
	s2 =	sadd.s32 s3, s2  }
0x8d: {  	s2 =	sadd.s32 s2, s16  }
0x8e: {  	[smem:$0x3FB4] =	sst s2  }
0x8f: {  	_ = 	snop  }
0x90: {  	(tm) =	ssettm $0x1  }
0x91: {  	s17 =	sld [smem:$0x3FFB];
	_ =	sdelay $0x3  }
0x92: {  	_ =	strace s17  }
0x93: {  	s2 =	sld [smem:$0x3FFC];
	_ =	sdelay $0x3  }
0x94: {  	_ =	strace s2  }
0x95: {  	s2 =	sld [smem:$0x3FFD];
	_ =	sdelay $0x3  }
0x96: {  	_ =	strace s2  }
0x97: {  	_ =	strace $0x8FFFFFFF  }
0x98: {  	s18 =	sld [smem:$0x3FDB];
	_ =	sdelay $0x1  }
0x99: {  	s19 =	simm.s32 $_scs_section_size  }
0x9a: {  	s4 =	simm.s32 $_size__tile_overlayer_lowered;
	s5 =	simm.s32 $_tile_overlayer_lowered  }
0x9b: {  	s22 =	simm.s32 $0x1BFF;
	s21 =	sshll.u32 s5, $0x1;
	s2 =	sadd.s32 s19, s18  }
0x9c: {  	s6 =	simm.s32 $0x0;
	s20 =	sshll.u32 s4, $0x1;
	s4 =	sadd.s32 s21, s2  }
0x9d: {  	[timem:s6], [sflag:s22] =	dma.local [hbm:s4], s20  }
0x9e: {  	_ =	swait.ge [sflag:s22], s20  }
0x9f: {  	s3 =	ssub.s32 $0x0, s20;
	[sflag:s22] =	ssyncset.done $0x0  }
0xa0: {  	[sflag:s22] =	ssyncadd.s32 s3;
	_ =	sdelay $0x1  }
0xa1: {  	s23 =	simm.s32 $0x1B8B  }
0xa2: {  	_ =	swait.ge [sflag:s23], $0x1  }
0xa3: {  	[sflag:s23] =	ssyncset.done $0x0  }
0xa4: {  	s25 =	simm.s32 $0x1B8E;
	s24 =	sld [smem:$0x3FFE];
	[sflag:s23] =	ssyncadd.s32 $0xFFFFFFFF  }
0xa5: {  	s26 =	simm.s32 $execute0_lowered;
	[smem:$0x3FD2] =	sst s25  }
0xa6: {  	s4 =	sshll.u32 s26, $0x1;
	_ =	strace $0x80000046;
	[dreg:$0x1] =	wrdreg $0xFFFFFFFF  }
0xa7: {  	s28 =	simm.s32 $_size_execute0_lowered;
	s2 =	sadd.s32 s2, s4;
	[dreg:$0x0] =	wrdreg $0x0  }
0xa8: {  	s4 =	sshll.u32 s28, $0x1;
	[dreg:$0x2] =	wrdreg s2  }
0xa9: {  	[dreg:$0x3] =	wrdreg s4  }
0xaa: {  	[dreg:$0x4] =	wrdreg $0xC0  }
0xab: {  	_ =	task [dreg:s6], $0x5FFFF  }
0xac: {  	[dreg:$0x1] =	wrdreg $0xFFFFFFFF  }
0xad: {  	[dreg:$0x0] =	wrdreg $0x60  }
0xae: {  	[dreg:$0x2] =	wrdreg s24  }
0xaf: {  	[dreg:$0x3] =	wrdreg $0xCE400  }
0xb0: {  	[dreg:$0x4] =	wrdreg $0x9  }
0xb1: {  	_ =	task.clear_ibuf [dreg:s6], $0x5FFFF;
	_ =	strace $0x90000046  }
0xb2: {  	s29 =	simm.s32 $0x9;
	_ =	strace $0x80000048  }
0xb3: {  	_ =	swait.ge [sflag:s29], $0x1  }
0xb4: {  	[sflag:s29] =	ssyncadd.s32 $0xFFFFFFFF  }
0xb5: {  	_ =	strace $0x90000048  }
0xb6: {  	_ =	sfence  }
0xb7: {  	s30 =	sld [smem:$0x0];
	_ =	sdelay $0x2  }
0xb8: {  	s31 =	sshll.u32 s1, $0xD;
	s1 =	sshrl.u32 s1, $0x2  }
0xb9: {  	s3 =	sand.u32 $0x4000, s31;
	s1 =	sadd.s32 s1, s30  }
0xba: {  	s0 =	sor.u32 s3, s0;
	s1 =	sshll.u32 s1, $0x11  }
0xbb: {  	s0 =	sor.u32 s1, s0  }
0xbc: {  	s0 =	sadd.s32 $0x8F2B, s0  }
0xbd: {  	[sflag:s0] =	ssyncadd.remote.s32 $0x1  }
0xbe: {  	_ =	sfence.sel $0xFFFF  }
0xbf: {  	[dreg:$0x0] =	wrdreg $0xFFFFFFFF;
	(pc) =	sbr.abs _section_cstart, $3  }
0xc0: {  	[dreg:$0x1] =	wrdreg $0xFFFFFFFF  }
0xc1: {  	_ =	task.clear_ibuf [dreg:s6], $0x2FFFF;
	_ =	strace $0x9FFFFFFF  }
0xc2: {  	(tm) =	ssettm $0x7FFFFFFF  }
0xc3: {  	_ =	shalt  }
tec
execute0_lowered:
.L_overlay_start_1:
0x0: {  	(tag) =	ssettag $0x1  }
0x1: {  	s0 =	rddreg [dreg:$0x0]  }
0x2: {  	s2 =	rddreg [dreg:$0x1]  }
0x3: {  	s1 =	srdreg.scid;
	s10 =	stileid.u32;
	s3 =	simm.s32 $0x0  }
0x4: {  	s28 =	simm.s32 $0xAB40;
	s29 =	simm.s32 $0x1;
	s30 =	simm.s32 $0x2  }
0x5: {  	s31 =	simm.s32 $0x3;
	s11 =	simm.s32 $0x1EF0;
	s1 =	sand.u32 $0x1, s1  }
0x6: {  	s6 =	smul.u32 $0x11800, s10;
	[smem:$0x7FF] =	sst s3;
	s4 =	sadd.s32 $0x3200, s0  }
0x7: {  	s8 =	smul.u32 $0x46000, s10;
	s18 =	sshll.u32 s10, $0x1;
	s10 =	simm.s32 $0x1EA0  }
0x8: {  	s5 =	smul.u32 $0x118000, s1;
	_ =	strace $0x80000047;
	s9 =	ssub.s32 $0x2, s1  }
0x9: {  	s1 =	sor.u32 s1, s18;
	s18 =	simm.s32 $0x6;
	s8 =	sshrl.u32 s8, $0x2  }
0xa: {  	s17 =	sshrl.u32 s9, $0x1;
	s15 =	sadd.s32 s6, s2;
	s8 =	sadd.s32 s8, s2  }
0xb: {  	s14 =	smul.u32 $0x4E20, s1;
	[dreg:$0x3] =	wrdreg s15;
	s19 =	sadd.s32 $0x2300, s8  }
0xc: {  	s1 =	simm.s32 $0x5;
	s20 =	sadd.s32 $0x4600, s8;
	[dreg:$0x4] =	wrdreg s19  }
0xd: {  	s7 =	sadd.s32 s6, s5;
	s21 =	sadd.s32 $0x6900, s8;
	[dreg:$0x5] =	wrdreg s20  }
0xe: {  	s5 =	sadd.s32 $0x25600, s0;
	s22 =	sadd.s32 $0x8C00, s8;
	[dreg:$0x6] =	wrdreg s21  }
0xf: {  	s7 =	sshrl.u32 s7, $0x3;
	s23 =	sadd.s32 $0xAF00, s8;
	[dreg:$0x7] =	wrdreg s22  }
0x10: {  	s24 =	sadd.s32 $0xD200, s8;
	s25 =	sadd.s32 $0xF500, s8;
	[dreg:$0x8] =	wrdreg s23  }
0x11: {  	s8 =	simm.s32 $0x1E00;
	s0 =	sadd.s32 s7, s0;
	[dreg:$0x9] =	wrdreg s24  }
0x12: {  	s7 =	ssub.s32 s9, s17;
	[dreg:$0xa] =	wrdreg s25;
	s17 =	simm.s32 $0x1F40  }
0x13: {  	s19 =	simm.s32 $0xFA0;
	s20 =	simm.s32 $0x50;
	s21 =	simm.s32 $0x4240  }
0x14: {  	s22 =	simm.s32 $0xA0;
	s23 =	simm.s32 $0x6540;
	s24 =	simm.s32 $0xF0  }
0x15: {  	s25 =	simm.s32 $0x8840;
	s9 =	simm.s32 $0x1E50;
	s0 =	sadd.s32 $0x4C800, s0  }
0x16: {  	s26 =	smax.u32 s7, $0x1;
	s7 =	simm.s32 $0x1DB0;
	[dreg:$0xb] =	wrdreg s0  }
0x17: {  	v0 =	vimm.f32 $0.0e+00;
	[dreg:$0xc] =	wrdreg s26;
	s26 =	simm.s32 $0x140;
	s0 =	simm.s32 $0x4  }
.LBB2_1:
0x18: {  	s12 =	simm.s32 $0x0;
	s13 =	simm.s32 $0x1C0  }
.LBB2_2:
0x19: {  	p0 =	sne.s32 s13, $0x8A40;
	[tilespmem:s12+$0x1FA0] =	vst v0  }
0x1a: {  	[tilespmem:s12+$0x1F40] =	vst v0  }
.Ltmp0:
0x1b: {  	[tilespmem:s12+$0x1F50] =	vst v0;
	(pc) =	sbr.rel @p0 .LBB2_2-.Ltmp0, $4  }
0x1c: {  	[tilespmem:s12+$0x1F60] =	vst v0  }
0x1d: {  	[tilespmem:s12+$0x1F70] =	vst v0  }
0x1e: {  	[tilespmem:s12+$0x1F80] =	vst v0  }
0x1f: {  	[tilespmem:s12+$0x1F90] =	vst v0;
	s12 =	sshra.s32 s13, $0x2;
	s13 =	sadd.s32 $0x1C0, s13  }
0x20: {  	[tilespmem:s12+$0x1FA0] =	vst v0  }
0x21: {  	[tilespmem:s12+$0x1F40] =	vst v0  }
0x22: {  	[tilespmem:s12+$0x1F50] =	vst v0  }
0x23: {  	[tilespmem:s12+$0x1F60] =	vst v0  }
0x24: {  	[tilespmem:s12+$0x1F70] =	vst v0  }
0x25: {  	[tilespmem:s12+$0x1F80] =	vst v0  }
0x26: {  	[tilespmem:s12+$0x1F90] =	vst v0  }
0x27: {  	[spmem:s15] =	stream.linear.scatter [tilespmem:s17], [sflag:$0x6], $0x2300, $0x38;
	[tilespmem:$0x1E640] =	vst v63  }
0x28: {  	_ =	swait.ge [sflag:s18], $0x2300  }
0x29: {  	[sflag:s18] =	ssyncset.done $0x0  }
0x2a: {  	s6 =	rddreg [dreg:$0x4];
	[sflag:s18] =	ssyncadd.s32 $0xFFFFDD00  }
0x2b: {  	[spmem:s6] =	stream.linear.scatter [tilespmem:s17], [sflag:$0x6], $0x2300, $0x38;
	[tilespmem:$0x1E640] =	vst v63  }
0x2c: {  	_ =	swait.ge [sflag:s18], $0x2300  }
0x2d: {  	[sflag:s18] =	ssyncset.done $0x0  }
0x2e: {  	s15 =	rddreg [dreg:$0x5];
	[sflag:s18] =	ssyncadd.s32 $0xFFFFDD00  }
0x2f: {  	[spmem:s15] =	stream.linear.scatter [tilespmem:s17], [sflag:$0x6], $0x2300, $0x38;
	[tilespmem:$0x1E640] =	vst v63  }
0x30: {  	_ =	swait.ge [sflag:s18], $0x2300  }
0x31: {  	[sflag:s18] =	ssyncset.done $0x0  }
0x32: {  	s16 =	rddreg [dreg:$0x6];
	[sflag:s18] =	ssyncadd.s32 $0xFFFFDD00  }
0x33: {  	[spmem:s16] =	stream.linear.scatter [tilespmem:s17], [sflag:$0x6], $0x2300, $0x38;
	[tilespmem:$0x1E640] =	vst v63  }
0x34: {  	_ =	swait.ge [sflag:s18], $0x2300  }
0x35: {  	[sflag:s18] =	ssyncset.done $0x0  }
0x36: {  	s12 =	rddreg [dreg:$0x7];
	[sflag:s18] =	ssyncadd.s32 $0xFFFFDD00  }
0x37: {  	[spmem:s12] =	stream.linear.scatter [tilespmem:s17], [sflag:$0x6], $0x2300, $0x38;
	[tilespmem:$0x1E640] =	vst v63  }
0x38: {  	_ =	swait.ge [sflag:s18], $0x2300  }
0x39: {  	[sflag:s18] =	ssyncset.done $0x0  }
0x3a: {  	s13 =	rddreg [dreg:$0x8];
	[sflag:s18] =	ssyncadd.s32 $0xFFFFDD00  }
0x3b: {  	[spmem:s13] =	stream.linear.scatter [tilespmem:s17], [sflag:$0x6], $0x2300, $0x38;
	[tilespmem:$0x1E640] =	vst v63  }
0x3c: {  	_ =	swait.ge [sflag:s18], $0x2300  }
0x3d: {  	[sflag:s18] =	ssyncset.done $0x0  }
0x3e: {  	s15 =	rddreg [dreg:$0x9];
	[sflag:s18] =	ssyncadd.s32 $0xFFFFDD00  }
0x3f: {  	[spmem:s15] =	stream.linear.scatter [tilespmem:s17], [sflag:$0x6], $0x2300, $0x38;
	[tilespmem:$0x1E640] =	vst v63  }
0x40: {  	_ =	swait.ge [sflag:s18], $0x2300  }
0x41: {  	[sflag:s18] =	ssyncset.done $0x0  }
0x42: {  	s16 =	rddreg [dreg:$0xa];
	[sflag:s18] =	ssyncadd.s32 $0xFFFFDD00  }
0x43: {  	[spmem:s16] =	stream.linear.scatter [tilespmem:s17], [sflag:$0x6], $0x2300, $0x38;
	[tilespmem:$0x1E640] =	vst v63  }
0x44: {  	_ =	swait.ge [sflag:s18], $0x2300  }
0x45: {  	[sflag:s18] =	ssyncset.done $0x0  }
0x46: {  	[sflag:s18] =	ssyncadd.s32 $0xFFFFDD00  }
0x47: {  	s12 =	simm.s32 $0x0;
	s13 =	simm.s32 $0x0;
	[bflag:$0x0] =	sbarrier.arrive $0xFFFF  }
.LBB2_4:
0x48: {  	s15 =	smul.u32 $0xFA0, s13;
	_ =	sdelay $0x1  }
0x49: {  	s15 =	sadd.s32 s14, s15  }
0x4a: {  	s15 =	sshrl.u32 s15, $0x3  }
0x4b: {  	s15 =	sadd.s32 s5, s15  }
0x4c: {  	[tilespmem:s12], [sflag:$0x6] =	stream.linear.gather [hbm4b:s15+s12], $0xFA0, $0x38;
	[tilespmem:$0x1E640] =	vst v63  }
0x4d: {  	_ =	swait.ge [sflag:s18], $0xFA0  }
0x4e: {  	[sflag:s18] =	ssyncset.done $0x0  }
0x4f: {  	s15 =	sadd.s32 $0x13880, s15;
	[sflag:s18] =	ssyncadd.s32 $0xFFFFF060  }
0x50: {  	[tilespmem:s19], [sflag:$0x6] =	stream.linear.gather [hbm4b:s15+s12], $0xFA0, $0x38;
	[tilespmem:$0x1E640] =	vst v63  }
0x51: {  	_ =	swait.ge [sflag:s18], $0xFA0  }
0x52: {  	[sflag:s18] =	ssyncset.done $0x0  }
0x53: {  	[sflag:s18] =	ssyncadd.s32 $0xFFFFF060  }
0x54: {  	[tilespmem:s17], [sflag:$0x1] =	stream.indirect.gather [hbm4b:s4+s20], $0x70, s12, s20, $0xb8;
	[tilespmem:$0x1E640] =	vst v63  }
0x55: {  	_ = 	snop  }
0x56: {  	[tilespmem:s21], [sflag:$0x2] =	stream.indirect.gather [hbm4b:s4+s20], $0x70, s20, s20, $0xb8;
	[tilespmem:$0x1E640] =	vst v63  }
0x57: {  	_ = 	snop  }
0x58: {  	[tilespmem:s23], [sflag:$0x3] =	stream.indirect.gather [hbm4b:s4+s20], $0x70, s22, s20, $0xb8;
	[tilespmem:$0x1E640] =	vst v63  }
0x59: {  	_ = 	snop  }
0x5a: {  	[tilespmem:s25], [sflag:$0x4] =	stream.indirect.gather [hbm4b:s4+s20], $0x70, s24, s20, $0xb8;
	[tilespmem:$0x1E640] =	vst v63  }
0x5b: {  	_ = 	snop  }
0x5c: {  	[tilespmem:s28], [sflag:$0x5] =	stream.indirect.gather [hbm4b:s4+s20], $0x70, s26, s20, $0xb8;
	[tilespmem:$0x1E640] =	vst v63  }
0x5d: {  	_ =	swait.ge [sflag:s29], $0x2300  }
0x5e: {  	[sflag:s29] =	ssyncset.done $0x0  }
0x5f: {  	s16 =	simm.s32 $0xFA0;
	[sflag:s29] =	ssyncadd.s32 $0xFFFFDD00  }
0x60: {  	[spmem:s2] =	stream.indirect.scatter.add.f32 [tilespmem:s17], [sflag:$0x6], $0x70, s16, s20, $0xb8;
	[tilespmem:$0x1E640] =	vst v63  }
0x61: {  	_ =	swait.ge [sflag:s18], $0x2300  }
0x62: {  	[sflag:s18] =	ssyncset.done $0x0  }
0x63: {  	s6 =	simm.s32 $0x190;
	[sflag:s18] =	ssyncadd.s32 $0xFFFFDD00  }
0x64: {  	[tilespmem:s17], [sflag:$0x1] =	stream.indirect.gather [hbm4b:s4+s20], $0x70, s6, s20, $0xb8;
	[tilespmem:$0x1E640] =	vst v63  }
0x65: {  	_ =	swait.ge [sflag:s30], $0x2300  }
0x66: {  	[sflag:s30] =	ssyncset.done $0x0  }
0x67: {  	s16 =	simm.s32 $0xFF0;
	[sflag:s30] =	ssyncadd.s32 $0xFFFFDD00  }
0x68: {  	[spmem:s2] =	stream.indirect.scatter.add.f32 [tilespmem:s21], [sflag:$0x6], $0x70, s16, s20, $0xb8;
	[tilespmem:$0x1E640] =	vst v63  }
0x69: {  	_ =	swait.ge [sflag:s18], $0x2300  }
0x6a: {  	[sflag:s18] =	ssyncset.done $0x0  }
0x6b: {  	s6 =	simm.s32 $0x1E0;
	[sflag:s18] =	ssyncadd.s32 $0xFFFFDD00  }
0x6c: {  	[tilespmem:s21], [sflag:$0x2] =	stream.indirect.gather [hbm4b:s4+s20], $0x70, s6, s20, $0xb8;
	[tilespmem:$0x1E640] =	vst v63  }
0x6d: {  	_ =	swait.ge [sflag:s31], $0x2300  }
0x6e: {  	[sflag:s31] =	ssyncset.done $0x0  }
0x6f: {  	s16 =	simm.s32 $0x1040;
	[sflag:s31] =	ssyncadd.s32 $0xFFFFDD00  }
0x70: {  	[spmem:s2] =	stream.indirect.scatter.add.f32 [tilespmem:s23], [sflag:$0x6], $0x70, s16, s20, $0xb8;
	[tilespmem:$0x1E640] =	vst v63  }
0x71: {  	_ =	swait.ge [sflag:s18], $0x2300  }
0x72: {  	[sflag:s18] =	ssyncset.done $0x0  }
0x73: {  	s6 =	simm.s32 $0x230;
	[sflag:s18] =	ssyncadd.s32 $0xFFFFDD00  }
0x74: {  	[tilespmem:s23], [sflag:$0x3] =	stream.indirect.gather [hbm4b:s4+s20], $0x70, s6, s20, $0xb8;
	[tilespmem:$0x1E640] =	vst v63  }
0x75: {  	_ =	swait.ge [sflag:s0], $0x2300  }
0x76: {  	[sflag:s0] =	ssyncset.done $0x0  }
0x77: {  	s16 =	simm.s32 $0x1090;
	[sflag:s0] =	ssyncadd.s32 $0xFFFFDD00  }
0x78: {  	[spmem:s2] =	stream.indirect.scatter.add.f32 [tilespmem:s25], [sflag:$0x6], $0x70, s16, s20, $0xb8;
	[tilespmem:$0x1E640] =	vst v63  }
0x79: {  	_ =	swait.ge [sflag:s18], $0x2300  }
0x7a: {  	[sflag:s18] =	ssyncset.done $0x0  }
0x7b: {  	s6 =	simm.s32 $0x280;
	[sflag:s18] =	ssyncadd.s32 $0xFFFFDD00  }
0x7c: {  	[tilespmem:s25], [sflag:$0x4] =	stream.indirect.gather [hbm4b:s4+s20], $0x70, s6, s20, $0xb8;
	[tilespmem:$0x1E640] =	vst v63  }
0x7d: {  	_ =	swait.ge [sflag:s1], $0x2300  }
0x7e: {  	[sflag:s1] =	ssyncset.done $0x0  }
0x7f: {  	s16 =	simm.s32 $0x10E0;
	[sflag:s1] =	ssyncadd.s32 $0xFFFFDD00  }
0x80: {  	[spmem:s2] =	stream.indirect.scatter.add.f32 [tilespmem:s28], [sflag:$0x6], $0x70, s16, s20, $0xb8;
	[tilespmem:$0x1E640] =	vst v63  }
0x81: {  	_ =	swait.ge [sflag:s18], $0x2300  }
0x82: {  	[sflag:s18] =	ssyncset.done $0x0  }
0x83: {  	s15 =	simm.s32 $0x640;
	s16 =	simm.s32 $0x2D0;
	[sflag:s18] =	ssyncadd.s32 $0xFFFFDD00  }
.LBB2_5:
0x84: {  	[tilespmem:s28], [sflag:$0x5] =	stream.indirect.gather [hbm4b:s4+s20], $0x70, s16, s20, $0xb8;
	[tilespmem:$0x1E640] =	vst v63  }
0x85: {  	s16 =	smov.u32 s15  }
0x86: {  	p0 =	sne.s32 s15, $0x3200;
	s15 =	sadd.s32 $0x640, s15;
	_ =	swait.ge [sflag:s29], $0x2300  }
0x87: {  	s16 =	sshra.s32 s16, $0x2;
	[sflag:s29] =	ssyncset.done $0x0  }
0x88: {  	s6 =	sadd.s32 $0xFA0, s16;
	[sflag:s29] =	ssyncadd.s32 $0xFFFFDD00  }
0x89: {  	[spmem:s2] =	stream.indirect.scatter.add.f32 [tilespmem:s17], [sflag:$0x6], $0x70, s6, s20, $0xb8;
	[tilespmem:$0x1E640] =	vst v63  }
0x8a: {  	_ =	swait.ge [sflag:s18], $0x2300  }
0x8b: {  	[sflag:s18] =	ssyncset.done $0x0  }
0x8c: {  	s6 =	sadd.s32 $0x190, s16;
	[sflag:s18] =	ssyncadd.s32 $0xFFFFDD00  }
0x8d: {  	[tilespmem:s17], [sflag:$0x1] =	stream.indirect.gather [hbm4b:s4+s20], $0x70, s6, s20, $0xb8;
	[tilespmem:$0x1E640] =	vst v63  }
0x8e: {  	_ =	swait.ge [sflag:s30], $0x2300  }
0x8f: {  	[sflag:s30] =	ssyncset.done $0x0  }
0x90: {  	s6 =	sadd.s32 $0xFF0, s16;
	[sflag:s30] =	ssyncadd.s32 $0xFFFFDD00  }
0x91: {  	[spmem:s2] =	stream.indirect.scatter.add.f32 [tilespmem:s21], [sflag:$0x6], $0x70, s6, s20, $0xb8;
	[tilespmem:$0x1E640] =	vst v63  }
0x92: {  	_ =	swait.ge [sflag:s18], $0x2300  }
0x93: {  	[sflag:s18] =	ssyncset.done $0x0  }
0x94: {  	s6 =	sadd.s32 $0x1E0, s16;
	[sflag:s18] =	ssyncadd.s32 $0xFFFFDD00  }
0x95: {  	[tilespmem:s21], [sflag:$0x2] =	stream.indirect.gather [hbm4b:s4+s20], $0x70, s6, s20, $0xb8;
	[tilespmem:$0x1E640] =	vst v63  }
0x96: {  	_ =	swait.ge [sflag:s31], $0x2300  }
0x97: {  	[sflag:s31] =	ssyncset.done $0x0  }
0x98: {  	s6 =	sadd.s32 $0x1040, s16;
	[sflag:s31] =	ssyncadd.s32 $0xFFFFDD00  }
0x99: {  	[spmem:s2] =	stream.indirect.scatter.add.f32 [tilespmem:s23], [sflag:$0x6], $0x70, s6, s20, $0xb8;
	[tilespmem:$0x1E640] =	vst v63  }
0x9a: {  	_ =	swait.ge [sflag:s18], $0x2300  }
0x9b: {  	[sflag:s18] =	ssyncset.done $0x0  }
0x9c: {  	s6 =	sadd.s32 $0x230, s16;
	[sflag:s18] =	ssyncadd.s32 $0xFFFFDD00  }
0x9d: {  	[tilespmem:s23], [sflag:$0x3] =	stream.indirect.gather [hbm4b:s4+s20], $0x70, s6, s20, $0xb8;
	[tilespmem:$0x1E640] =	vst v63  }
0x9e: {  	_ =	swait.ge [sflag:s0], $0x2300  }
0x9f: {  	[sflag:s0] =	ssyncset.done $0x0  }
0xa0: {  	s6 =	sadd.s32 $0x1090, s16;
	[sflag:s0] =	ssyncadd.s32 $0xFFFFDD00  }
0xa1: {  	[spmem:s2] =	stream.indirect.scatter.add.f32 [tilespmem:s25], [sflag:$0x6], $0x70, s6, s20, $0xb8;
	[tilespmem:$0x1E640] =	vst v63  }
0xa2: {  	_ =	swait.ge [sflag:s18], $0x2300  }
0xa3: {  	[sflag:s18] =	ssyncset.done $0x0  }
0xa4: {  	s6 =	sadd.s32 $0x280, s16;
	[sflag:s18] =	ssyncadd.s32 $0xFFFFDD00  }
0xa5: {  	[tilespmem:s25], [sflag:$0x4] =	stream.indirect.gather [hbm4b:s4+s20], $0x70, s6, s20, $0xb8;
	[tilespmem:$0x1E640] =	vst v63  }
0xa6: {  	_ =	swait.ge [sflag:s1], $0x2300  }
0xa7: {  	[sflag:s1] =	ssyncset.done $0x0  }
.Ltmp1:
0xa8: {  	s6 =	sadd.s32 $0x10E0, s16;
	[sflag:s1] =	ssyncadd.s32 $0xFFFFDD00;
	(pc) =	sbr.rel @p0 .LBB2_5-.Ltmp1, $4  }
0xa9: {  	[spmem:s2] =	stream.indirect.scatter.add.f32 [tilespmem:s28], [sflag:$0x6], $0x70, s6, s20, $0xb8;
	[tilespmem:$0x1E640] =	vst v63  }
0xaa: {  	_ =	swait.ge [sflag:s18], $0x2300  }
0xab: {  	[sflag:s18] =	ssyncset.done $0x0  }
0xac: {  	s16 =	sadd.s32 $0x2D0, s16;
	[sflag:s18] =	ssyncadd.s32 $0xFFFFDD00  }
0xad: {  	[tilespmem:s28], [sflag:$0x5] =	stream.indirect.gather [hbm4b:s4+s20], $0x70, s16, s20, $0xb8;
	[tilespmem:$0x1E640] =	vst v63  }
0xae: {  	_ =	swait.ge [sflag:s29], $0x2300  }
0xaf: {  	[sflag:s29] =	ssyncset.done $0x0  }
0xb0: {  	[sflag:s29] =	ssyncadd.s32 $0xFFFFDD00  }
0xb1: {  	[spmem:s2] =	stream.indirect.scatter.add.f32 [tilespmem:s17], [sflag:$0x6], $0x70, s7, s20, $0xb8;
	[tilespmem:$0x1E640] =	vst v63  }
0xb2: {  	_ =	swait.ge [sflag:s18], $0x2300  }
0xb3: {  	[sflag:s18] =	ssyncset.done $0x0  }
0xb4: {  	[sflag:s18] =	ssyncadd.s32 $0xFFFFDD00  }
0xb5: {  	_ =	swait.ge [sflag:s30], $0x2300  }
0xb6: {  	[sflag:s30] =	ssyncset.done $0x0  }
0xb7: {  	[sflag:s30] =	ssyncadd.s32 $0xFFFFDD00  }
0xb8: {  	[spmem:s2] =	stream.indirect.scatter.add.f32 [tilespmem:s21], [sflag:$0x6], $0x70, s8, s20, $0xb8;
	[tilespmem:$0x1E640] =	vst v63  }
0xb9: {  	_ =	swait.ge [sflag:s18], $0x2300  }
0xba: {  	[sflag:s18] =	ssyncset.done $0x0  }
0xbb: {  	[sflag:s18] =	ssyncadd.s32 $0xFFFFDD00  }
0xbc: {  	_ =	swait.ge [sflag:s31], $0x2300  }
0xbd: {  	[sflag:s31] =	ssyncset.done $0x0  }
0xbe: {  	[sflag:s31] =	ssyncadd.s32 $0xFFFFDD00  }
0xbf: {  	[spmem:s2] =	stream.indirect.scatter.add.f32 [tilespmem:s23], [sflag:$0x6], $0x70, s9, s20, $0xb8;
	[tilespmem:$0x1E640] =	vst v63  }
0xc0: {  	_ =	swait.ge [sflag:s18], $0x2300  }
0xc1: {  	[sflag:s18] =	ssyncset.done $0x0  }
0xc2: {  	[sflag:s18] =	ssyncadd.s32 $0xFFFFDD00  }
0xc3: {  	_ =	swait.ge [sflag:s0], $0x2300  }
0xc4: {  	[sflag:s0] =	ssyncset.done $0x0  }
0xc5: {  	[sflag:s0] =	ssyncadd.s32 $0xFFFFDD00  }
0xc6: {  	[spmem:s2] =	stream.indirect.scatter.add.f32 [tilespmem:s25], [sflag:$0x6], $0x70, s10, s20, $0xb8;
	[tilespmem:$0x1E640] =	vst v63  }
0xc7: {  	_ =	swait.ge [sflag:s18], $0x2300  }
0xc8: {  	[sflag:s18] =	ssyncset.done $0x0  }
0xc9: {  	[sflag:s18] =	ssyncadd.s32 $0xFFFFDD00  }
0xca: {  	s13 =	sadd.s32 $0x1, s13;
	_ =	swait.ge [sflag:s1], $0x2300  }
0xcb: {  	p0 =	sne.s32 s13, $0x5;
	[sflag:s1] =	ssyncset.done $0x0  }
.Ltmp2:
0xcc: {  	[sflag:s1] =	ssyncadd.s32 $0xFFFFDD00;
	(pc) =	sbr.rel @p0 .LBB2_4-.Ltmp2, $4  }
0xcd: {  	[spmem:s2] =	stream.indirect.scatter.add.f32 [tilespmem:s28], [sflag:$0x6], $0x70, s11, s20, $0xb8;
	[tilespmem:$0x1E640] =	vst v63  }
0xce: {  	_ =	swait.ge [sflag:s18], $0x2300  }
0xcf: {  	[sflag:s18] =	ssyncset.done $0x0  }
0xd0: {  	[sflag:s18] =	ssyncadd.s32 $0xFFFFDD00  }
0xd1: {  	s6 =	stileid.u32;
	[bflag:$0x0] =	sbarrier.arrive $0xFFFF  }
0xd2: {  	s6 =	sshll.u32 s6, $0x6;
	s15 =	rddreg [dreg:$0x3]  }
0xd3: {  	s13 =	rddreg [dreg:$0xb];
	s6 =	sor.u32 $0x1C06, s6;
	s12 =	sshrl.u32 s15, $0x3  }
0xd4: {  	[hbm:s13], [sflag:s6] =	dma.local [spmem:s12], $0x2300  }
0xd5: {  	_ =	swait.ge [sflag:s18], $0x2300  }
0xd6: {  	s3 =	sadd.s32 $0x1, s3;
	s16 =	rddreg [dreg:$0xc]  }
0xd7: {  	p0 =	sne.s32 s3, s16  }
.Ltmp3:
0xd8: {  	_ = 	snop;
	(pc) =	sbr.rel @p0 .LBB2_1-.Ltmp3, $3  }
0xd9: {  	_ =	sdelay $0x1  }
0xda: {  	[sflag:s18] =	ssyncset.done $0x0  }
0xdb: {  	[sflag:s18] =	ssyncadd.s32 $0xFFFFDD00  }
0xdc: {  	_ =	sfence.sel $0x180000  }
0xdd: {  	[bflag:$0x0] =	sbarrier.arrive $0xFFFF  }
0xde: {  	_ =	strace $0x90000047  }
0xdf: {  	s0 =	stileid.u32;
	[bflag:$0x2] =	sbarrier.arrive $0xFFFF  }
0xe0: {  	p0 =	sne.s32 s0, $0x0;
	s0 =	rddreg [dreg:$0x2]  }
0xe1: {  	s0 =	sadd.s32 @!p0 $0x100000, s0  }
0xe2: {  	[sflag:s0] =	ssyncadd.tile.s32 @!p0 $0x1;
	_ =	shalt  }
.Lfunc_end2:
_tile_overlayer_lowered:
.L_overlay_start_2:
0xe3: {  	(tag) =	ssettag $0x2  }
0xe4: {  	s0 =	rddreg [dreg:$0x0];
	s2 =	stileid.u32  }
0xe5: {  	s1 =	rddreg [dreg:$0x1];
	p0 =	sne.s32 s2, $0x0  }
0xe6: {  	s3 =	rddreg [dreg:$0x2];
	[bflag:$0x3] =	sbarrier.arrive $0xFFFF;
	s2 =	simm.s32 @!p0 $0x1C06  }
0xe7: {  	[timem:s3], [sflag:s2] =	dma.local @!p0 [hbm:s0], s1  }
0xe8: {  	s0 =	simm.s32 @!p0 $0x6  }
0xe9: {  	_ =	swait.ge @!p0 [sflag:s0], s1  }
0xea: {  	s1 =	ssub.s32 @!p0 $0x0, s1;
	[sflag:s0] =	ssyncset.done @!p0 $0x0  }
0xeb: {  	[sflag:s0] =	ssyncadd.s32 @!p0 s1  }
0xec: {  	[bflag:$0x3] =	sbarrier.arrive $0xFFFF  }
0xed: {  	_ =	shalt  }

</sc_bundles>
